<compile_context>
chip_gen: v7x
topology: tpu7x:2x2x1
jax: 0.10.2.dev20260603
libtpu: 0.0.44.dev20260713+nightly
codegen_flags: <defaults>
</compile_context>

<pallas_src>
import jax
import jax.numpy as jnp
from jax import lax
from jax.experimental import pallas as pl
from jax.experimental.pallas import tpu as pltpu
from jax.experimental.pallas import tpu_sc as plsc

_VOCAB = 1000000
_EMBED = 32
_SCALE = float(_EMBED) ** 0.5

_NC = 2
_NS = 16
_NW = _NC * _NS

_ROWS = 16384
_SEQ = 50
_EB = _EMBED // 8
_IT = _ROWS // 128
_ITW = _IT // _NW
_PW = 5
_NP = _SEQ // _PW
_NCHUNK = _ITW * _NP
_CROWS = 128 * _PW
_GROUPS = _CROWS // 16


def _rsqrt(x):
    i = plsc.bitcast(x, jnp.int32)
    i = jnp.int32(0x5F3759DF) - lax.shift_right_logical(i, 1)
    y = plsc.bitcast(i, jnp.float32)
    for _ in range(3):
        y = y * (1.5 - 0.5 * x * y * y)
    return y


def _sc_kernel_body(weight_hbm, idx_hbm, out_hbm,
                    idxr0, idxr1, idxt0, idxt1, rows0, rows1, st0, st1,
                    gsem0, gsem1, wsem0, wsem1):
    wid = lax.axis_index("s") * _NC + lax.axis_index("c")
    iota16 = lax.iota(jnp.int32, 16)
    zero16 = jnp.zeros((16,), jnp.int32)
    idxr_b = (idxr0, idxr1)
    idxt_b = (idxt0, idxt1)
    rows_b = (rows0, rows1)
    st_b = (st0, st1)
    gsem_b = (gsem0, gsem1)
    wsem_b = (wsem0, wsem1)

    def split(ci):
        ibl = ci // _NP
        p0 = (ci - ibl * _NP) * _PW
        return ibl, p0

    def fire_gathers(ci, b):
        ibl, p0 = split(ci)
        i0 = pl.multiple_of((wid * _ITW + ibl) * 128, 8)
        pltpu.sync_copy(idx_hbm.at[pl.ds(i0, 128)], idxr_b[b])
        for jj in range(_PW):
            pv = jnp.full((16,), p0 + jj, jnp.int32)
            for t8 in range(8):
                tv = t8 * 16 + iota16
                v = plsc.load_gather(idxr_b[b], [tv, pv])
                idxt_b[b][jj, pl.ds(t8 * 16, 16)] = v
        for j in range(_PW):
            pltpu.async_copy(
                weight_hbm.at[idxt_b[b].at[j]], rows_b[b].at[j], gsem_b[b]
            )

    def drain_gathers(b):
        for j in range(_PW):
            pltpu.make_async_copy(
                weight_hbm.at[idxt_b[b].at[j]], rows_b[b].at[j], gsem_b[b]
            ).wait()

    def wb_copy(ci, b):
        ibl, p0 = split(ci)
        ib = wid * _ITW + ibl
        return pltpu.make_async_copy(
            st_b[b],
            out_hbm.at[pl.ds(p0, _PW), pl.ds(0, _EB), pl.ds(ib, 1)],
            wsem_b[b],
        )

    def compute(b):
        rows_v = rows_b[b]
        st_v = st_b[b]

        def group_body(g, _):
            j = g // 8
            jv = jnp.full((16,), j, jnp.int32)
            tv = (g - j * 8) * 16 + iota16
            cols = []
            acc = jnp.full((16,), 1e-24, jnp.float32)
            diag = [(iota16 + k) & (_EMBED - 1) for k in range(_EMBED)]
            for k in range(_EMBED):
                v = plsc.load_gather(rows_v, [jv, tv, diag[k]])
                cols.append(v)
                acc = acc + v * v
            scale = _rsqrt(acc) * _SCALE
            for k in range(_EMBED):
                e = diag[k]
                plsc.store_scatter(
                    st_v,
                    [jv, lax.shift_right_logical(e, 3), zero16, e & 7, tv],
                    cols[k] * scale,
                )
            return 0

        lax.fori_loop(0, _GROUPS, group_body, 0)

    def half(ci, b):
        b2 = 1 - b

        @pl.when(ci + 1 < _NCHUNK)
        def _():
            fire_gathers(ci + 1, b2)

        drain_gathers(b)

        @pl.when(ci >= 2)
        def _():
            wb_copy(ci - 2, b).wait()

        compute(b)
        wb_copy(ci, b).start()

    fire_gathers(0, 0)

    def pair_body(k, _):
        half(2 * k, 0)
        half(2 * k + 1, 1)
        return 0

    lax.fori_loop(0, _NCHUNK // 2, pair_body, 0)
    wb_copy(_NCHUNK - 2, 0).wait()
    wb_copy(_NCHUNK - 1, 1).wait()


@jax.jit
def _run(weight, idx):
    mesh = plsc.VectorSubcoreMesh(core_axis_name="c", subcore_axis_name="s")
    f = pl.kernel(
        _sc_kernel_body,
        out_type=jax.ShapeDtypeStruct((_SEQ, _EB, _IT, 8, 128), jnp.float32),
        mesh=mesh,
        scratch_types=[
            pltpu.VMEM((128, _SEQ), jnp.int32),
            pltpu.VMEM((128, _SEQ), jnp.int32),
            pltpu.VMEM((_PW, 128), jnp.int32),
            pltpu.VMEM((_PW, 128), jnp.int32),
            pltpu.VMEM((_PW, 128, _EMBED), jnp.float32),
            pltpu.VMEM((_PW, 128, _EMBED), jnp.float32),
            pltpu.VMEM((_PW, _EB, 1, 8, 128), jnp.float32),
            pltpu.VMEM((_PW, _EB, 1, 8, 128), jnp.float32),
            pltpu.SemaphoreType.DMA,
            pltpu.SemaphoreType.DMA,
            pltpu.SemaphoreType.DMA,
            pltpu.SemaphoreType.DMA,
        ],
        compiler_params=pltpu.CompilerParams(
            needs_layout_passes=False, use_tc_tiling_on_sc=False
        ),
    )
    return f(weight, idx)


def kernel(x, weight):
    b = _run(weight, x.astype(jnp.int32))
    return b.transpose(2, 4, 0, 1, 3).reshape(_ROWS, _SEQ, _EMBED)

# --- scband reference (transcript-rebuilt; emitter-appended) ---
"""Pipeline reference for scband-embedding-84499186582025 (READ-ONLY COPY).

The authoritative reference and input builder live on the scoring server;
editing this copy changes nothing except your own understanding.
"""

import jax, jax.numpy as jnp
import numpy as np

VOCAB = 1000000
EMBED = 32
SCALE = EMBED ** 0.5

def setup_inputs(seed: int = 0) -> dict:
    key = jax.random.key(seed)
    k1, k2 = jax.random.split(key)
    x = jax.random.randint(k1, (16384, 50), 0, VOCAB, dtype=jnp.int64 if jax.config.jax_enable_x64 else jnp.int32)
    weight = jax.random.uniform(k2, (VOCAB, EMBED), dtype=jnp.float32, minval=-0.01, maxval=0.01)
    return {"x": x, "weight": weight}

def reference(x, weight):
    # forward with inverse=False: scale * normalize(weight[x], dim=-1)
    g = jnp.take(weight, x, axis=0)  # [B, L, D]
    norm = jnp.sqrt(jnp.sum(g * g, axis=-1, keepdims=True))
    out = SCALE * g / jnp.maximum(norm, 1e-12)
    return out

if __name__ == "__main__":
    import jax
    _d = setup_inputs()
    print(jax.jit(kernel)(*tuple(_d.values())))

</pallas_src>

<mosaic_0001>
#map = affine_map<(d0, d1) -> (0, 0)>
#map1 = affine_map<(d0, d1) -> (0, 0, 0, 0, 0)>
module attributes {stable_mosaic.version = 14 : i64} {
  func.func @_sc_kernel_body(%arg0: i32, %arg1: i32, %arg2: memref<1000000x32xf32, #tpu.memory_space<hbm>>, %arg3: memref<16384x50xi32, #tpu.memory_space<hbm>>, %arg4: memref<50x4x128x8x128xf32, #tpu.memory_space<hbm>>, %arg5: memref<128x50xi32, #tpu.memory_space<vmem>>, %arg6: memref<128x50xi32, #tpu.memory_space<vmem>>, %arg7: memref<5x128xi32, #tpu.memory_space<vmem>>, %arg8: memref<5x128xi32, #tpu.memory_space<vmem>>, %arg9: memref<5x128x32xf32, #tpu.memory_space<vmem>>, %arg10: memref<5x128x32xf32, #tpu.memory_space<vmem>>, %arg11: memref<5x4x1x8x128xf32, #tpu.memory_space<vmem>>, %arg12: memref<5x4x1x8x128xf32, #tpu.memory_space<vmem>>, %arg13: memref<!tpu.dma_semaphore, #tpu.memory_space<semaphore_mem>>, %arg14: memref<!tpu.dma_semaphore, #tpu.memory_space<semaphore_mem>>, %arg15: memref<!tpu.dma_semaphore, #tpu.memory_space<semaphore_mem>>, %arg16: memref<!tpu.dma_semaphore, #tpu.memory_space<semaphore_mem>>) attributes {dimension_semantics = [#tpu.dimension_semantics<core_parallel>, #tpu.dimension_semantics<subcore_parallel>], iteration_bounds = array<i64: 2, 16>, scalar_prefetch = 0 : i64, scratch_operands = 12 : i64, tpu.core_type = #tpu.core_type<sc_vector_subcore>, window_params = [{transform_indices = #map}, {transform_indices = #map}, {transform_indices = #map1}]} {
    %mul3A = arith.constant 2 : i32
    %mul3A_0 = arith.muli %arg1, %mul3A : i32
    %add3A = arith.addi %mul3A_0, %arg0 : i32
    %iota3A = tpu.iota {dimensions = array<i32: 0>} : vector<16xi32>
    %broadcast_in_dim3A = arith.constant 0 : i32
    %broadcast_in_dim3A_1 = vector.broadcast %broadcast_in_dim3A : i32 to vector<16xi32>
    %mul3A_2 = arith.constant 4 : i32
    %mul3A_3 = arith.muli %add3A, %mul3A_2 : i32
    %add3A_4 = arith.constant 0 : i32
    %add3A_5 = arith.addi %mul3A_3, %add3A_4 : i32
    %mul3A_6 = arith.constant 128 : i32
    %mul3A_7 = arith.muli %add3A_5, %mul3A_6 : i32
    %multiple_of3A = tpu.assume_multiple %mul3A_7, 8 : i32
    "tpu.region"() ({
      %run_scoped3A = tpu.sem_alloc : memref<!tpu.dma_semaphore, #tpu.memory_space<semaphore_mem>>
      %dma_start3A_428 = arith.constant 0 : i32
      %dma_start3A_429 = tpu.memref_slice %arg3[%multiple_of3A, %dma_start3A_428] : memref<16384x50xi32, #tpu.memory_space<hbm>> -> memref<128x50xi32, #tpu.memory_space<hbm>>
      %dma_start3A_430 = arith.constant 0 : i32
      %dma_start3A_431 = tpu.memref_slice %arg3[%multiple_of3A, %dma_start3A_430] : memref<16384x50xi32, #tpu.memory_space<hbm>> -> memref<128x50xi32, #tpu.memory_space<hbm>>
      tpu.enqueue_dma source(%dma_start3A_431 : memref<128x50xi32, #tpu.memory_space<hbm>>) target(%arg5 : memref<128x50xi32, #tpu.memory_space<vmem>>) target_semaphore(%run_scoped3A : memref<!tpu.dma_semaphore, #tpu.memory_space<semaphore_mem>>)
      %dma_wait3A_432 = arith.constant 0 : i32
      %dma_wait3A_433 = tpu.memref_slice %arg3[%multiple_of3A, %dma_wait3A_432] : memref<16384x50xi32, #tpu.memory_space<hbm>> -> memref<128x50xi32, #tpu.memory_space<hbm>>
      %dma_wait3A_434 = arith.constant 0 : i32
      %dma_wait3A_435 = tpu.memref_slice %arg3[%multiple_of3A, %dma_wait3A_434] : memref<16384x50xi32, #tpu.memory_space<hbm>> -> memref<128x50xi32, #tpu.memory_space<hbm>>
      tpu.wait_dma2 semaphore(%run_scoped3A : memref<!tpu.dma_semaphore, #tpu.memory_space<semaphore_mem>>) src(%dma_wait3A_435 : memref<128x50xi32, #tpu.memory_space<hbm>>) dst(%arg5 : memref<128x50xi32, #tpu.memory_space<vmem>>)
      tpu.yield
    }) : () -> ()
    %broadcast_in_dim3A_8 = arith.constant 0 : i32
    %broadcast_in_dim3A_9 = vector.broadcast %broadcast_in_dim3A_8 : i32 to vector<16xi32>
    %add3A_10 = arith.constant 0 : i32
    %add3A_11 = vector.broadcast %add3A_10 : i32 to vector<16xi32>
    %add3A_12 = arith.addi %add3A_11, %iota3A : vector<16xi32>
    %gather3A = tpu.vector_load_idx %arg5[%add3A_12, %broadcast_in_dim3A_9] : memref<128x50xi32, #tpu.memory_space<vmem>>[vector<16xi32>, vector<16xi32>], vector<16xi32>,
    %swap3A = arith.constant 0 : i32
    %swap3A_13 = arith.index_cast %swap3A : i32 to index
    %swap3A_14 = arith.constant 0 : index
    %swap3A_15 = tpu.vector_load %arg7[%swap3A_13, %swap3A_14] {strides = array<i32>} : memref<5x128xi32, #tpu.memory_space<vmem>>, vector<16xi32>,
    tpu.vector_store %arg7[%swap3A_13, %swap3A_14], %gather3A {strides = array<i32>} : memref<5x128xi32, #tpu.memory_space<vmem>>, vector<16xi32>,
    %add3A_16 = arith.constant 16 : i32
    %add3A_17 = vector.broadcast %add3A_16 : i32 to vector<16xi32>
    %add3A_18 = arith.addi %add3A_17, %iota3A : vector<16xi32>
    %gather3A_19 = tpu.vector_load_idx %arg5[%add3A_18, %broadcast_in_dim3A_9] : memref<128x50xi32, #tpu.memory_space<vmem>>[vector<16xi32>, vector<16xi32>], vector<16xi32>,
    %swap3A_20 = arith.constant 0 : i32
    %swap3A_21 = arith.index_cast %swap3A_20 : i32 to index
    %swap3A_22 = arith.constant 16 : index
    %swap3A_23 = tpu.vector_load %arg7[%swap3A_21, %swap3A_22] {strides = array<i32>} : memref<5x128xi32, #tpu.memory_space<vmem>>, vector<16xi32>,
    tpu.vector_store %arg7[%swap3A_21, %swap3A_22], %gather3A_19 {strides = array<i32>} : memref<5x128xi32, #tpu.memory_space<vmem>>, vector<16xi32>,
    %add3A_24 = arith.constant 32 : i32
    %add3A_25 = vector.broadcast %add3A_24 : i32 to vector<16xi32>
    %add3A_26 = arith.addi %add3A_25, %iota3A : vector<16xi32>
    %gather3A_27 = tpu.vector_load_idx %arg5[%add3A_26, %broadcast_in_dim3A_9] : memref<128x50xi32, #tpu.memory_space<vmem>>[vector<16xi32>, vector<16xi32>], vector<16xi32>,
    %swap3A_28 = arith.constant 0 : i32
    %swap3A_29 = arith.index_cast %swap3A_28 : i32 to index
    %swap3A_30 = arith.constant 32 : index
    %swap3A_31 = tpu.vector_load %arg7[%swap3A_29, %swap3A_30] {strides = array<i32>} : memref<5x128xi32, #tpu.memory_space<vmem>>, vector<16xi32>,
    tpu.vector_store %arg7[%swap3A_29, %swap3A_30], %gather3A_27 {strides = array<i32>} : memref<5x128xi32, #tpu.memory_space<vmem>>, vector<16xi32>,
    %add3A_32 = arith.constant 48 : i32
    %add3A_33 = vector.broadcast %add3A_32 : i32 to vector<16xi32>
    %add3A_34 = arith.addi %add3A_33, %iota3A : vector<16xi32>
    %gather3A_35 = tpu.vector_load_idx %arg5[%add3A_34, %broadcast_in_dim3A_9] : memref<128x50xi32, #tpu.memory_space<vmem>>[vector<16xi32>, vector<16xi32>], vector<16xi32>,
    %swap3A_36 = arith.constant 0 : i32
    %swap3A_37 = arith.index_cast %swap3A_36 : i32 to index
    %swap3A_38 = arith.constant 48 : index
    %swap3A_39 = tpu.vector_load %arg7[%swap3A_37, %swap3A_38] {strides = array<i32>} : memref<5x128xi32, #tpu.memory_space<vmem>>, vector<16xi32>,
    tpu.vector_store %arg7[%swap3A_37, %swap3A_38], %gather3A_35 {strides = array<i32>} : memref<5x128xi32, #tpu.memory_space<vmem>>, vector<16xi32>,
    %add3A_40 = arith.constant 64 : i32
    %add3A_41 = vector.broadcast %add3A_40 : i32 to vector<16xi32>
    %add3A_42 = arith.addi %add3A_41, %iota3A : vector<16xi32>
    %gather3A_43 = tpu.vector_load_idx %arg5[%add3A_42, %broadcast_in_dim3A_9] : memref<128x50xi32, #tpu.memory_space<vmem>>[vector<16xi32>, vector<16xi32>], vector<16xi32>,
    %swap3A_44 = arith.constant 0 : i32
    %swap3A_45 = arith.index_cast %swap3A_44 : i32 to index
    %swap3A_46 = arith.constant 64 : index
    %swap3A_47 = tpu.vector_load %arg7[%swap3A_45, %swap3A_46] {strides = array<i32>} : memref<5x128xi32, #tpu.memory_space<vmem>>, vector<16xi32>,
    tpu.vector_store %arg7[%swap3A_45, %swap3A_46], %gather3A_43 {strides = array<i32>} : memref<5x128xi32, #tpu.memory_space<vmem>>, vector<16xi32>,
    %add3A_48 = arith.constant 80 : i32
    %add3A_49 = vector.broadcast %add3A_48 : i32 to vector<16xi32>
    %add3A_50 = arith.addi %add3A_49, %iota3A : vector<16xi32>
    %gather3A_51 = tpu.vector_load_idx %arg5[%add3A_50, %broadcast_in_dim3A_9] : memref<128x50xi32, #tpu.memory_space<vmem>>[vector<16xi32>, vector<16xi32>], vector<16xi32>,
    %swap3A_52 = arith.constant 0 : i32
    %swap3A_53 = arith.index_cast %swap3A_52 : i32 to index
    %swap3A_54 = arith.constant 80 : index
    %swap3A_55 = tpu.vector_load %arg7[%swap3A_53, %swap3A_54] {strides = array<i32>} : memref<5x128xi32, #tpu.memory_space<vmem>>, vector<16xi32>,
    tpu.vector_store %arg7[%swap3A_53, %swap3A_54], %gather3A_51 {strides = array<i32>} : memref<5x128xi32, #tpu.memory_space<vmem>>, vector<16xi32>,
    %add3A_56 = arith.constant 96 : i32
    %add3A_57 = vector.broadcast %add3A_56 : i32 to vector<16xi32>
    %add3A_58 = arith.addi %add3A_57, %iota3A : vector<16xi32>
    %gather3A_59 = tpu.vector_load_idx %arg5[%add3A_58, %broadcast_in_dim3A_9] : memref<128x50xi32, #tpu.memory_space<vmem>>[vector<16xi32>, vector<16xi32>], vector<16xi32>,
    %swap3A_60 = arith.constant 0 : i32
    %swap3A_61 = arith.index_cast %swap3A_60 : i32 to index
    %swap3A_62 = arith.constant 96 : index
    %swap3A_63 = tpu.vector_load %arg7[%swap3A_61, %swap3A_62] {strides = array<i32>} : memref<5x128xi32, #tpu.memory_space<vmem>>, vector<16xi32>,
    tpu.vector_store %arg7[%swap3A_61, %swap3A_62], %gather3A_59 {strides = array<i32>} : memref<5x128xi32, #tpu.memory_space<vmem>>, vector<16xi32>,
    %add3A_64 = arith.constant 112 : i32
    %add3A_65 = vector.broadcast %add3A_64 : i32 to vector<16xi32>
    %add3A_66 = arith.addi %add3A_65, %iota3A : vector<16xi32>
    %gather3A_67 = tpu.vector_load_idx %arg5[%add3A_66, %broadcast_in_dim3A_9] : memref<128x50xi32, #tpu.memory_space<vmem>>[vector<16xi32>, vector<16xi32>], vector<16xi32>,
    %swap3A_68 = arith.constant 0 : i32
    %swap3A_69 = arith.index_cast %swap3A_68 : i32 to index
    %swap3A_70 = arith.constant 112 : index
    %swap3A_71 = tpu.vector_load %arg7[%swap3A_69, %swap3A_70] {strides = array<i32>} : memref<5x128xi32, #tpu.memory_space<vmem>>, vector<16xi32>,
    tpu.vector_store %arg7[%swap3A_69, %swap3A_70], %gather3A_67 {strides = array<i32>} : memref<5x128xi32, #tpu.memory_space<vmem>>, vector<16xi32>,
    %broadcast_in_dim3A_72 = arith.constant 1 : i32
    %broadcast_in_dim3A_73 = vector.broadcast %broadcast_in_dim3A_72 : i32 to vector<16xi32>
    %add3A_74 = arith.constant 0 : i32
    %add3A_75 = vector.broadcast %add3A_74 : i32 to vector<16xi32>
    %add3A_76 = arith.addi %add3A_75, %iota3A : vector<16xi32>
    %gather3A_77 = tpu.vector_load_idx %arg5[%add3A_76, %broadcast_in_dim3A_73] : memref<128x50xi32, #tpu.memory_space<vmem>>[vector<16xi32>, vector<16xi32>], vector<16xi32>,
    %swap3A_78 = arith.constant 1 : i32
    %swap3A_79 = arith.index_cast %swap3A_78 : i32 to index
    %swap3A_80 = arith.constant 0 : index
    %swap3A_81 = tpu.vector_load %arg7[%swap3A_79, %swap3A_80] {strides = array<i32>} : memref<5x128xi32, #tpu.memory_space<vmem>>, vector<16xi32>,
    tpu.vector_store %arg7[%swap3A_79, %swap3A_80], %gather3A_77 {strides = array<i32>} : memref<5x128xi32, #tpu.memory_space<vmem>>, vector<16xi32>,
    %add3A_82 = arith.constant 16 : i32
    %add3A_83 = vector.broadcast %add3A_82 : i32 to vector<16xi32>
    %add3A_84 = arith.addi %add3A_83, %iota3A : vector<16xi32>
    %gather3A_85 = tpu.vector_load_idx %arg5[%add3A_84, %broadcast_in_dim3A_73] : memref<128x50xi32, #tpu.memory_space<vmem>>[vector<16xi32>, vector<16xi32>], vector<16xi32>,
    %swap3A_86 = arith.constant 1 : i32
    %swap3A_87 = arith.index_cast %swap3A_86 : i32 to index
    %swap3A_88 = arith.constant 16 : index
    %swap3A_89 = tpu.vector_load %arg7[%swap3A_87, %swap3A_88] {strides = array<i32>} : memref<5x128xi32, #tpu.memory_space<vmem>>, vector<16xi32>,
    tpu.vector_store %arg7[%swap3A_87, %swap3A_88], %gather3A_85 {strides = array<i32>} : memref<5x128xi32, #tpu.memory_space<vmem>>, vector<16xi32>,
    %add3A_90 = arith.constant 32 : i32
    %add3A_91 = vector.broadcast %add3A_90 : i32 to vector<16xi32>
    %add3A_92 = arith.addi %add3A_91, %iota3A : vector<16xi32>
    %gather3A_93 = tpu.vector_load_idx %arg5[%add3A_92, %broadcast_in_dim3A_73] : memref<128x50xi32, #tpu.memory_space<vmem>>[vector<16xi32>, vector<16xi32>], vector<16xi32>,
    %swap3A_94 = arith.constant 1 : i32
    %swap3A_95 = arith.index_cast %swap3A_94 : i32 to index
    %swap3A_96 = arith.constant 32 : index
    %swap3A_97 = tpu.vector_load %arg7[%swap3A_95, %swap3A_96] {strides = array<i32>} : memref<5x128xi32, #tpu.memory_space<vmem>>, vector<16xi32>,
    tpu.vector_store %arg7[%swap3A_95, %swap3A_96], %gather3A_93 {strides = array<i32>} : memref<5x128xi32, #tpu.memory_space<vmem>>, vector<16xi32>,
    %add3A_98 = arith.constant 48 : i32
    %add3A_99 = vector.broadcast %add3A_98 : i32 to vector<16xi32>
    %add3A_100 = arith.addi %add3A_99, %iota3A : vector<16xi32>
    %gather3A_101 = tpu.vector_load_idx %arg5[%add3A_100, %broadcast_in_dim3A_73] : memref<128x50xi32, #tpu.memory_space<vmem>>[vector<16xi32>, vector<16xi32>], vector<16xi32>,
    %swap3A_102 = arith.constant 1 : i32
    %swap3A_103 = arith.index_cast %swap3A_102 : i32 to index
    %swap3A_104 = arith.constant 48 : index
    %swap3A_105 = tpu.vector_load %arg7[%swap3A_103, %swap3A_104] {strides = array<i32>} : memref<5x128xi32, #tpu.memory_space<vmem>>, vector<16xi32>,
    tpu.vector_store %arg7[%swap3A_103, %swap3A_104], %gather3A_101 {strides = array<i32>} : memref<5x128xi32, #tpu.memory_space<vmem>>, vector<16xi32>,
    %add3A_106 = arith.constant 64 : i32
    %add3A_107 = vector.broadcast %add3A_106 : i32 to vector<16xi32>
    %add3A_108 = arith.addi %add3A_107, %iota3A : vector<16xi32>
    %gather3A_109 = tpu.vector_load_idx %arg5[%add3A_108, %broadcast_in_dim3A_73] : memref<128x50xi32, #tpu.memory_space<vmem>>[vector<16xi32>, vector<16xi32>], vector<16xi32>,
    %swap3A_110 = arith.constant 1 : i32
    %swap3A_111 = arith.index_cast %swap3A_110 : i32 to index
    %swap3A_112 = arith.constant 64 : index
    %swap3A_113 = tpu.vector_load %arg7[%swap3A_111, %swap3A_112] {strides = array<i32>} : memref<5x128xi32, #tpu.memory_space<vmem>>, vector<16xi32>,
    tpu.vector_store %arg7[%swap3A_111, %swap3A_112], %gather3A_109 {strides = array<i32>} : memref<5x128xi32, #tpu.memory_space<vmem>>, vector<16xi32>,
    %add3A_114 = arith.constant 80 : i32
    %add3A_115 = vector.broadcast %add3A_114 : i32 to vector<16xi32>
    %add3A_116 = arith.addi %add3A_115, %iota3A : vector<16xi32>
    %gather3A_117 = tpu.vector_load_idx %arg5[%add3A_116, %broadcast_in_dim3A_73] : memref<128x50xi32, #tpu.memory_space<vmem>>[vector<16xi32>, vector<16xi32>], vector<16xi32>,
    %swap3A_118 = arith.constant 1 : i32
    %swap3A_119 = arith.index_cast %swap3A_118 : i32 to index
    %swap3A_120 = arith.constant 80 : index
    %swap3A_121 = tpu.vector_load %arg7[%swap3A_119, %swap3A_120] {strides = array<i32>} : memref<5x128xi32, #tpu.memory_space<vmem>>, vector<16xi32>,
    tpu.vector_store %arg7[%swap3A_119, %swap3A_120], %gather3A_117 {strides = array<i32>} : memref<5x128xi32, #tpu.memory_space<vmem>>, vector<16xi32>,
    %add3A_122 = arith.constant 96 : i32
    %add3A_123 = vector.broadcast %add3A_122 : i32 to vector<16xi32>
    %add3A_124 = arith.addi %add3A_123, %iota3A : vector<16xi32>
    %gather3A_125 = tpu.vector_load_idx %arg5[%add3A_124, %broadcast_in_dim3A_73] : memref<128x50xi32, #tpu.memory_space<vmem>>[vector<16xi32>, vector<16xi32>], vector<16xi32>,
    %swap3A_126 = arith.constant 1 : i32
    %swap3A_127 = arith.index_cast %swap3A_126 : i32 to index
    %swap3A_128 = arith.constant 96 : index
    %swap3A_129 = tpu.vector_load %arg7[%swap3A_127, %swap3A_128] {strides = array<i32>} : memref<5x128xi32, #tpu.memory_space<vmem>>, vector<16xi32>,
    tpu.vector_store %arg7[%swap3A_127, %swap3A_128], %gather3A_125 {strides = array<i32>} : memref<5x128xi32, #tpu.memory_space<vmem>>, vector<16xi32>,
    %add3A_130 = arith.constant 112 : i32
    %add3A_131 = vector.broadcast %add3A_130 : i32 to vector<16xi32>
    %add3A_132 = arith.addi %add3A_131, %iota3A : vector<16xi32>
    %gather3A_133 = tpu.vector_load_idx %arg5[%add3A_132, %broadcast_in_dim3A_73] : memref<128x50xi32, #tpu.memory_space<vmem>>[vector<16xi32>, vector<16xi32>], vector<16xi32>,
    %swap3A_134 = arith.constant 1 : i32
    %swap3A_135 = arith.index_cast %swap3A_134 : i32 to index
    %swap3A_136 = arith.constant 112 : index
    %swap3A_137 = tpu.vector_load %arg7[%swap3A_135, %swap3A_136] {strides = array<i32>} : memref<5x128xi32, #tpu.memory_space<vmem>>, vector<16xi32>,
    tpu.vector_store %arg7[%swap3A_135, %swap3A_136], %gather3A_133 {strides = array<i32>} : memref<5x128xi32, #tpu.memory_space<vmem>>, vector<16xi32>,
    %broadcast_in_dim3A_138 = arith.constant 2 : i32
    %broadcast_in_dim3A_139 = vector.broadcast %broadcast_in_dim3A_138 : i32 to vector<16xi32>
    %add3A_140 = arith.constant 0 : i32
    %add3A_141 = vector.broadcast %add3A_140 : i32 to vector<16xi32>
    %add3A_142 = arith.addi %add3A_141, %iota3A : vector<16xi32>
    %gather3A_143 = tpu.vector_load_idx %arg5[%add3A_142, %broadcast_in_dim3A_139] : memref<128x50xi32, #tpu.memory_space<vmem>>[vector<16xi32>, vector<16xi32>], vector<16xi32>,
    %swap3A_144 = arith.constant 2 : i32
    %swap3A_145 = arith.index_cast %swap3A_144 : i32 to index
    %swap3A_146 = arith.constant 0 : index
    %swap3A_147 = tpu.vector_load %arg7[%swap3A_145, %swap3A_146] {strides = array<i32>} : memref<5x128xi32, #tpu.memory_space<vmem>>, vector<16xi32>,
    tpu.vector_store %arg7[%swap3A_145, %swap3A_146], %gather3A_143 {strides = array<i32>} : memref<5x128xi32, #tpu.memory_space<vmem>>, vector<16xi32>,
    %add3A_148 = arith.constant 16 : i32
    %add3A_149 = vector.broadcast %add3A_148 : i32 to vector<16xi32>
    %add3A_150 = arith.addi %add3A_149, %iota3A : vector<16xi32>
    %gather3A_151 = tpu.vector_load_idx %arg5[%add3A_150, %broadcast_in_dim3A_139] : memref<128x50xi32, #tpu.memory_space<vmem>>[vector<16xi32>, vector<16xi32>], vector<16xi32>,
    %swap3A_152 = arith.constant 2 : i32
    %swap3A_153 = arith.index_cast %swap3A_152 : i32 to index
    %swap3A_154 = arith.constant 16 : index
    %swap3A_155 = tpu.vector_load %arg7[%swap3A_153, %swap3A_154] {strides = array<i32>} : memref<5x128xi32, #tpu.memory_space<vmem>>, vector<16xi32>,
    tpu.vector_store %arg7[%swap3A_153, %swap3A_154], %gather3A_151 {strides = array<i32>} : memref<5x128xi32, #tpu.memory_space<vmem>>, vector<16xi32>,
    %add3A_156 = arith.constant 32 : i32
    %add3A_157 = vector.broadcast %add3A_156 : i32 to vector<16xi32>
    %add3A_158 = arith.addi %add3A_157, %iota3A : vector<16xi32>
    %gather3A_159 = tpu.vector_load_idx %arg5[%add3A_158, %broadcast_in_dim3A_139] : memref<128x50xi32, #tpu.memory_space<vmem>>[vector<16xi32>, vector<16xi32>], vector<16xi32>,
    %swap3A_160 = arith.constant 2 : i32
    %swap3A_161 = arith.index_cast %swap3A_160 : i32 to index
    %swap3A_162 = arith.constant 32 : index
    %swap3A_163 = tpu.vector_load %arg7[%swap3A_161, %swap3A_162] {strides = array<i32>} : memref<5x128xi32, #tpu.memory_space<vmem>>, vector<16xi32>,
    tpu.vector_store %arg7[%swap3A_161, %swap3A_162], %gather3A_159 {strides = array<i32>} : memref<5x128xi32, #tpu.memory_space<vmem>>, vector<16xi32>,
    %add3A_164 = arith.constant 48 : i32
    %add3A_165 = vector.broadcast %add3A_164 : i32 to vector<16xi32>
    %add3A_166 = arith.addi %add3A_165, %iota3A : vector<16xi32>
    %gather3A_167 = tpu.vector_load_idx %arg5[%add3A_166, %broadcast_in_dim3A_139] : memref<128x50xi32, #tpu.memory_space<vmem>>[vector<16xi32>, vector<16xi32>], vector<16xi32>,
    %swap3A_168 = arith.constant 2 : i32
    %swap3A_169 = arith.index_cast %swap3A_168 : i32 to index
    %swap3A_170 = arith.constant 48 : index
    %swap3A_171 = tpu.vector_load %arg7[%swap3A_169, %swap3A_170] {strides = array<i32>} : memref<5x128xi32, #tpu.memory_space<vmem>>, vector<16xi32>,
    tpu.vector_store %arg7[%swap3A_169, %swap3A_170], %gather3A_167 {strides = array<i32>} : memref<5x128xi32, #tpu.memory_space<vmem>>, vector<16xi32>,
    %add3A_172 = arith.constant 64 : i32
    %add3A_173 = vector.broadcast %add3A_172 : i32 to vector<16xi32>
    %add3A_174 = arith.addi %add3A_173, %iota3A : vector<16xi32>
    %gather3A_175 = tpu.vector_load_idx %arg5[%add3A_174, %broadcast_in_dim3A_139] : memref<128x50xi32, #tpu.memory_space<vmem>>[vector<16xi32>, vector<16xi32>], vector<16xi32>,
    %swap3A_176 = arith.constant 2 : i32
    %swap3A_177 = arith.index_cast %swap3A_176 : i32 to index
    %swap3A_178 = arith.constant 64 : index
    %swap3A_179 = tpu.vector_load %arg7[%swap3A_177, %swap3A_178] {strides = array<i32>} : memref<5x128xi32, #tpu.memory_space<vmem>>, vector<16xi32>,
    tpu.vector_store %arg7[%swap3A_177, %swap3A_178], %gather3A_175 {strides = array<i32>} : memref<5x128xi32, #tpu.memory_space<vmem>>, vector<16xi32>,
    %add3A_180 = arith.constant 80 : i32
    %add3A_181 = vector.broadcast %add3A_180 : i32 to vector<16xi32>
    %add3A_182 = arith.addi %add3A_181, %iota3A : vector<16xi32>
    %gather3A_183 = tpu.vector_load_idx %arg5[%add3A_182, %broadcast_in_dim3A_139] : memref<128x50xi32, #tpu.memory_space<vmem>>[vector<16xi32>, vector<16xi32>], vector<16xi32>,
    %swap3A_184 = arith.constant 2 : i32
    %swap3A_185 = arith.index_cast %swap3A_184 : i32 to index
    %swap3A_186 = arith.constant 80 : index
    %swap3A_187 = tpu.vector_load %arg7[%swap3A_185, %swap3A_186] {strides = array<i32>} : memref<5x128xi32, #tpu.memory_space<vmem>>, vector<16xi32>,
    tpu.vector_store %arg7[%swap3A_185, %swap3A_186], %gather3A_183 {strides = array<i32>} : memref<5x128xi32, #tpu.memory_space<vmem>>, vector<16xi32>,
    %add3A_188 = arith.constant 96 : i32
    %add3A_189 = vector.broadcast %add3A_188 : i32 to vector<16xi32>
    %add3A_190 = arith.addi %add3A_189, %iota3A : vector<16xi32>
    %gather3A_191 = tpu.vector_load_idx %arg5[%add3A_190, %broadcast_in_dim3A_139] : memref<128x50xi32, #tpu.memory_space<vmem>>[vector<16xi32>, vector<16xi32>], vector<16xi32>,
    %swap3A_192 = arith.constant 2 : i32
    %swap3A_193 = arith.index_cast %swap3A_192 : i32 to index
    %swap3A_194 = arith.constant 96 : index
    %swap3A_195 = tpu.vector_load %arg7[%swap3A_193, %swap3A_194] {strides = array<i32>} : memref<5x128xi32, #tpu.memory_space<vmem>>, vector<16xi32>,
    tpu.vector_store %arg7[%swap3A_193, %swap3A_194], %gather3A_191 {strides = array<i32>} : memref<5x128xi32, #tpu.memory_space<vmem>>, vector<16xi32>,
    %add3A_196 = arith.constant 112 : i32
    %add3A_197 = vector.broadcast %add3A_196 : i32 to vector<16xi32>
    %add3A_198 = arith.addi %add3A_197, %iota3A : vector<16xi32>
    %gather3A_199 = tpu.vector_load_idx %arg5[%add3A_198, %broadcast_in_dim3A_139] : memref<128x50xi32, #tpu.memory_space<vmem>>[vector<16xi32>, vector<16xi32>], vector<16xi32>,
    %swap3A_200 = arith.constant 2 : i32
    %swap3A_201 = arith.index_cast %swap3A_200 : i32 to index
    %swap3A_202 = arith.constant 112 : index
    %swap3A_203 = tpu.vector_load %arg7[%swap3A_201, %swap3A_202] {strides = array<i32>} : memref<5x128xi32, #tpu.memory_space<vmem>>, vector<16xi32>,
    tpu.vector_store %arg7[%swap3A_201, %swap3A_202], %gather3A_199 {strides = array<i32>} : memref<5x128xi32, #tpu.memory_space<vmem>>, vector<16xi32>,
    %broadcast_in_dim3A_204 = arith.constant 3 : i32
    %broadcast_in_dim3A_205 = vector.broadcast %broadcast_in_dim3A_204 : i32 to vector<16xi32>
    %add3A_206 = arith.constant 0 : i32
    %add3A_207 = vector.broadcast %add3A_206 : i32 to vector<16xi32>
    %add3A_208 = arith.addi %add3A_207, %iota3A : vector<16xi32>
    %gather3A_209 = tpu.vector_load_idx %arg5[%add3A_208, %broadcast_in_dim3A_205] : memref<128x50xi32, #tpu.memory_space<vmem>>[vector<16xi32>, vector<16xi32>], vector<16xi32>,
    %swap3A_210 = arith.constant 3 : i32
    %swap3A_211 = arith.index_cast %swap3A_210 : i32 to index
    %swap3A_212 = arith.constant 0 : index
    %swap3A_213 = tpu.vector_load %arg7[%swap3A_211, %swap3A_212] {strides = array<i32>} : memref<5x128xi32, #tpu.memory_space<vmem>>, vector<16xi32>,
    tpu.vector_store %arg7[%swap3A_211, %swap3A_212], %gather3A_209 {strides = array<i32>} : memref<5x128xi32, #tpu.memory_space<vmem>>, vector<16xi32>,
    %add3A_214 = arith.constant 16 : i32
    %add3A_215 = vector.broadcast %add3A_214 : i32 to vector<16xi32>
    %add3A_216 = arith.addi %add3A_215, %iota3A : vector<16xi32>
    %gather3A_217 = tpu.vector_load_idx %arg5[%add3A_216, %broadcast_in_dim3A_205] : memref<128x50xi32, #tpu.memory_space<vmem>>[vector<16xi32>, vector<16xi32>], vector<16xi32>,
    %swap3A_218 = arith.constant 3 : i32
    %swap3A_219 = arith.index_cast %swap3A_218 : i32 to index
    %swap3A_220 = arith.constant 16 : index
    %swap3A_221 = tpu.vector_load %arg7[%swap3A_219, %swap3A_220] {strides = array<i32>} : memref<5x128xi32, #tpu.memory_space<vmem>>, vector<16xi32>,
    tpu.vector_store %arg7[%swap3A_219, %swap3A_220], %gather3A_217 {strides = array<i32>} : memref<5x128xi32, #tpu.memory_space<vmem>>, vector<16xi32>,
    %add3A_222 = arith.constant 32 : i32
    %add3A_223 = vector.broadcast %add3A_222 : i32 to vector<16xi32>
    %add3A_224 = arith.addi %add3A_223, %iota3A : vector<16xi32>
    %gather3A_225 = tpu.vector_load_idx %arg5[%add3A_224, %broadcast_in_dim3A_205] : memref<128x50xi32, #tpu.memory_space<vmem>>[vector<16xi32>, vector<16xi32>], vector<16xi32>,
    %swap3A_226 = arith.constant 3 : i32
    %swap3A_227 = arith.index_cast %swap3A_226 : i32 to index
    %swap3A_228 = arith.constant 32 : index
    %swap3A_229 = tpu.vector_load %arg7[%swap3A_227, %swap3A_228] {strides = array<i32>} : memref<5x128xi32, #tpu.memory_space<vmem>>, vector<16xi32>,
    tpu.vector_store %arg7[%swap3A_227, %swap3A_228], %gather3A_225 {strides = array<i32>} : memref<5x128xi32, #tpu.memory_space<vmem>>, vector<16xi32>,
    %add3A_230 = arith.constant 48 : i32
    %add3A_231 = vector.broadcast %add3A_230 : i32 to vector<16xi32>
    %add3A_232 = arith.addi %add3A_231, %iota3A : vector<16xi32>
    %gather3A_233 = tpu.vector_load_idx %arg5[%add3A_232, %broadcast_in_dim3A_205] : memref<128x50xi32, #tpu.memory_space<vmem>>[vector<16xi32>, vector<16xi32>], vector<16xi32>,
    %swap3A_234 = arith.constant 3 : i32
    %swap3A_235 = arith.index_cast %swap3A_234 : i32 to index
    %swap3A_236 = arith.constant 48 : index
    %swap3A_237 = tpu.vector_load %arg7[%swap3A_235, %swap3A_236] {strides = array<i32>} : memref<5x128xi32, #tpu.memory_space<vmem>>, vector<16xi32>,
    tpu.vector_store %arg7[%swap3A_235, %swap3A_236], %gather3A_233 {strides = array<i32>} : memref<5x128xi32, #tpu.memory_space<vmem>>, vector<16xi32>,
    %add3A_238 = arith.constant 64 : i32
    %add3A_239 = vector.broadcast %add3A_238 : i32 to vector<16xi32>
    %add3A_240 = arith.addi %add3A_239, %iota3A : vector<16xi32>
    %gather3A_241 = tpu.vector_load_idx %arg5[%add3A_240, %broadcast_in_dim3A_205] : memref<128x50xi32, #tpu.memory_space<vmem>>[vector<16xi32>, vector<16xi32>], vector<16xi32>,
    %swap3A_242 = arith.constant 3 : i32
    %swap3A_243 = arith.index_cast %swap3A_242 : i32 to index
    %swap3A_244 = arith.constant 64 : index
    %swap3A_245 = tpu.vector_load %arg7[%swap3A_243, %swap3A_244] {strides = array<i32>} : memref<5x128xi32, #tpu.memory_space<vmem>>, vector<16xi32>,
    tpu.vector_store %arg7[%swap3A_243, %swap3A_244], %gather3A_241 {strides = array<i32>} : memref<5x128xi32, #tpu.memory_space<vmem>>, vector<16xi32>,
    %add3A_246 = arith.constant 80 : i32
    %add3A_247 = vector.broadcast %add3A_246 : i32 to vector<16xi32>
    %add3A_248 = arith.addi %add3A_247, %iota3A : vector<16xi32>
    %gather3A_249 = tpu.vector_load_idx %arg5[%add3A_248, %broadcast_in_dim3A_205] : memref<128x50xi32, #tpu.memory_space<vmem>>[vector<16xi32>, vector<16xi32>], vector<16xi32>,
    %swap3A_250 = arith.constant 3 : i32
    %swap3A_251 = arith.index_cast %swap3A_250 : i32 to index
    %swap3A_252 = arith.constant 80 : index
    %swap3A_253 = tpu.vector_load %arg7[%swap3A_251, %swap3A_252] {strides = array<i32>} : memref<5x128xi32, #tpu.memory_space<vmem>>, vector<16xi32>,
    tpu.vector_store %arg7[%swap3A_251, %swap3A_252], %gather3A_249 {strides = array<i32>} : memref<5x128xi32, #tpu.memory_space<vmem>>, vector<16xi32>,
    %add3A_254 = arith.constant 96 : i32
    %add3A_255 = vector.broadcast %add3A_254 : i32 to vector<16xi32>
    %add3A_256 = arith.addi %add3A_255, %iota3A : vector<16xi32>
    %gather3A_257 = tpu.vector_load_idx %arg5[%add3A_256, %broadcast_in_dim3A_205] : memref<128x50xi32, #tpu.memory_space<vmem>>[vector<16xi32>, vector<16xi32>], vector<16xi32>,
    %swap3A_258 = arith.constant 3 : i32
    %swap3A_259 = arith.index_cast %swap3A_258 : i32 to index
    %swap3A_260 = arith.constant 96 : index
    %swap3A_261 = tpu.vector_load %arg7[%swap3A_259, %swap3A_260] {strides = array<i32>} : memref<5x128xi32, #tpu.memory_space<vmem>>, vector<16xi32>,
    tpu.vector_store %arg7[%swap3A_259, %swap3A_260], %gather3A_257 {strides = array<i32>} : memref<5x128xi32, #tpu.memory_space<vmem>>, vector<16xi32>,
    %add3A_262 = arith.constant 112 : i32
    %add3A_263 = vector.broadcast %add3A_262 : i32 to vector<16xi32>
    %add3A_264 = arith.addi %add3A_263, %iota3A : vector<16xi32>
    %gather3A_265 = tpu.vector_load_idx %arg5[%add3A_264, %broadcast_in_dim3A_205] : memref<128x50xi32, #tpu.memory_space<vmem>>[vector<16xi32>, vector<16xi32>], vector<16xi32>,
    %swap3A_266 = arith.constant 3 : i32
    %swap3A_267 = arith.index_cast %swap3A_266 : i32 to index
    %swap3A_268 = arith.constant 112 : index
    %swap3A_269 = tpu.vector_load %arg7[%swap3A_267, %swap3A_268] {strides = array<i32>} : memref<5x128xi32, #tpu.memory_space<vmem>>, vector<16xi32>,
    tpu.vector_store %arg7[%swap3A_267, %swap3A_268], %gather3A_265 {strides = array<i32>} : memref<5x128xi32, #tpu.memory_space<vmem>>, vector<16xi32>,
    %broadcast_in_dim3A_270 = arith.constant 4 : i32
    %broadcast_in_dim3A_271 = vector.broadcast %broadcast_in_dim3A_270 : i32 to vector<16xi32>
    %add3A_272 = arith.constant 0 : i32
    %add3A_273 = vector.broadcast %add3A_272 : i32 to vector<16xi32>
    %add3A_274 = arith.addi %add3A_273, %iota3A : vector<16xi32>
    %gather3A_275 = tpu.vector_load_idx %arg5[%add3A_274, %broadcast_in_dim3A_271] : memref<128x50xi32, #tpu.memory_space<vmem>>[vector<16xi32>, vector<16xi32>], vector<16xi32>,
    %swap3A_276 = arith.constant 4 : i32
    %swap3A_277 = arith.index_cast %swap3A_276 : i32 to index
    %swap3A_278 = arith.constant 0 : index
    %swap3A_279 = tpu.vector_load %arg7[%swap3A_277, %swap3A_278] {strides = array<i32>} : memref<5x128xi32, #tpu.memory_space<vmem>>, vector<16xi32>,
    tpu.vector_store %arg7[%swap3A_277, %swap3A_278], %gather3A_275 {strides = array<i32>} : memref<5x128xi32, #tpu.memory_space<vmem>>, vector<16xi32>,
    %add3A_280 = arith.constant 16 : i32
    %add3A_281 = vector.broadcast %add3A_280 : i32 to vector<16xi32>
    %add3A_282 = arith.addi %add3A_281, %iota3A : vector<16xi32>
    %gather3A_283 = tpu.vector_load_idx %arg5[%add3A_282, %broadcast_in_dim3A_271] : memref<128x50xi32, #tpu.memory_space<vmem>>[vector<16xi32>, vector<16xi32>], vector<16xi32>,
    %swap3A_284 = arith.constant 4 : i32
    %swap3A_285 = arith.index_cast %swap3A_284 : i32 to index
    %swap3A_286 = arith.constant 16 : index
    %swap3A_287 = tpu.vector_load %arg7[%swap3A_285, %swap3A_286] {strides = array<i32>} : memref<5x128xi32, #tpu.memory_space<vmem>>, vector<16xi32>,
    tpu.vector_store %arg7[%swap3A_285, %swap3A_286], %gather3A_283 {strides = array<i32>} : memref<5x128xi32, #tpu.memory_space<vmem>>, vector<16xi32>,
    %add3A_288 = arith.constant 32 : i32
    %add3A_289 = vector.broadcast %add3A_288 : i32 to vector<16xi32>
    %add3A_290 = arith.addi %add3A_289, %iota3A : vector<16xi32>
    %gather3A_291 = tpu.vector_load_idx %arg5[%add3A_290, %broadcast_in_dim3A_271] : memref<128x50xi32, #tpu.memory_space<vmem>>[vector<16xi32>, vector<16xi32>], vector<16xi32>,
    %swap3A_292 = arith.constant 4 : i32
    %swap3A_293 = arith.index_cast %swap3A_292 : i32 to index
    %swap3A_294 = arith.constant 32 : index
    %swap3A_295 = tpu.vector_load %arg7[%swap3A_293, %swap3A_294] {strides = array<i32>} : memref<5x128xi32, #tpu.memory_space<vmem>>, vector<16xi32>,
    tpu.vector_store %arg7[%swap3A_293, %swap3A_294], %gather3A_291 {strides = array<i32>} : memref<5x128xi32, #tpu.memory_space<vmem>>, vector<16xi32>,
    %add3A_296 = arith.constant 48 : i32
    %add3A_297 = vector.broadcast %add3A_296 : i32 to vector<16xi32>
    %add3A_298 = arith.addi %add3A_297, %iota3A : vector<16xi32>
    %gather3A_299 = tpu.vector_load_idx %arg5[%add3A_298, %broadcast_in_dim3A_271] : memref<128x50xi32, #tpu.memory_space<vmem>>[vector<16xi32>, vector<16xi32>], vector<16xi32>,
    %swap3A_300 = arith.constant 4 : i32
    %swap3A_301 = arith.index_cast %swap3A_300 : i32 to index
    %swap3A_302 = arith.constant 48 : index
    %swap3A_303 = tpu.vector_load %arg7[%swap3A_301, %swap3A_302] {strides = array<i32>} : memref<5x128xi32, #tpu.memory_space<vmem>>, vector<16xi32>,
    tpu.vector_store %arg7[%swap3A_301, %swap3A_302], %gather3A_299 {strides = array<i32>} : memref<5x128xi32, #tpu.memory_space<vmem>>, vector<16xi32>,
    %add3A_304 = arith.constant 64 : i32
    %add3A_305 = vector.broadcast %add3A_304 : i32 to vector<16xi32>
    %add3A_306 = arith.addi %add3A_305, %iota3A : vector<16xi32>
    %gather3A_307 = tpu.vector_load_idx %arg5[%add3A_306, %broadcast_in_dim3A_271] : memref<128x50xi32, #tpu.memory_space<vmem>>[vector<16xi32>, vector<16xi32>], vector<16xi32>,
    %swap3A_308 = arith.constant 4 : i32
    %swap3A_309 = arith.index_cast %swap3A_308 : i32 to index
    %swap3A_310 = arith.constant 64 : index
    %swap3A_311 = tpu.vector_load %arg7[%swap3A_309, %swap3A_310] {strides = array<i32>} : memref<5x128xi32, #tpu.memory_space<vmem>>, vector<16xi32>,
    tpu.vector_store %arg7[%swap3A_309, %swap3A_310], %gather3A_307 {strides = array<i32>} : memref<5x128xi32, #tpu.memory_space<vmem>>, vector<16xi32>,
    %add3A_312 = arith.constant 80 : i32
    %add3A_313 = vector.broadcast %add3A_312 : i32 to vector<16xi32>
    %add3A_314 = arith.addi %add3A_313, %iota3A : vector<16xi32>
    %gather3A_315 = tpu.vector_load_idx %arg5[%add3A_314, %broadcast_in_dim3A_271] : memref<128x50xi32, #tpu.memory_space<vmem>>[vector<16xi32>, vector<16xi32>], vector<16xi32>,
    %swap3A_316 = arith.constant 4 : i32
    %swap3A_317 = arith.index_cast %swap3A_316 : i32 to index
    %swap3A_318 = arith.constant 80 : index
    %swap3A_319 = tpu.vector_load %arg7[%swap3A_317, %swap3A_318] {strides = array<i32>} : memref<5x128xi32, #tpu.memory_space<vmem>>, vector<16xi32>,
    tpu.vector_store %arg7[%swap3A_317, %swap3A_318], %gather3A_315 {strides = array<i32>} : memref<5x128xi32, #tpu.memory_space<vmem>>, vector<16xi32>,
    %add3A_320 = arith.constant 96 : i32
    %add3A_321 = vector.broadcast %add3A_320 : i32 to vector<16xi32>
    %add3A_322 = arith.addi %add3A_321, %iota3A : vector<16xi32>
    %gather3A_323 = tpu.vector_load_idx %arg5[%add3A_322, %broadcast_in_dim3A_271] : memref<128x50xi32, #tpu.memory_space<vmem>>[vector<16xi32>, vector<16xi32>], vector<16xi32>,
    %swap3A_324 = arith.constant 4 : i32
    %swap3A_325 = arith.index_cast %swap3A_324 : i32 to index
    %swap3A_326 = arith.constant 96 : index
    %swap3A_327 = tpu.vector_load %arg7[%swap3A_325, %swap3A_326] {strides = array<i32>} : memref<5x128xi32, #tpu.memory_space<vmem>>, vector<16xi32>,
    tpu.vector_store %arg7[%swap3A_325, %swap3A_326], %gather3A_323 {strides = array<i32>} : memref<5x128xi32, #tpu.memory_space<vmem>>, vector<16xi32>,
    %add3A_328 = arith.constant 112 : i32
    %add3A_329 = vector.broadcast %add3A_328 : i32 to vector<16xi32>
    %add3A_330 = arith.addi %add3A_329, %iota3A : vector<16xi32>
    %gather3A_331 = tpu.vector_load_idx %arg5[%add3A_330, %broadcast_in_dim3A_271] : memref<128x50xi32, #tpu.memory_space<vmem>>[vector<16xi32>, vector<16xi32>], vector<16xi32>,
    %swap3A_332 = arith.constant 4 : i32
    %swap3A_333 = arith.index_cast %swap3A_332 : i32 to index
    %swap3A_334 = arith.constant 112 : index
    %swap3A_335 = tpu.vector_load %arg7[%swap3A_333, %swap3A_334] {strides = array<i32>} : memref<5x128xi32, #tpu.memory_space<vmem>>, vector<16xi32>,
    tpu.vector_store %arg7[%swap3A_333, %swap3A_334], %gather3A_331 {strides = array<i32>} : memref<5x128xi32, #tpu.memory_space<vmem>>, vector<16xi32>,
    %dma_start3A = arith.constant 0 : i32
    %dma_start3A_336 = arith.constant 0 : i32
    %dma_start3A_337 = arith.constant 0 : i32
    %dma_start3A_338 = arith.constant 0 : i32
    %dma_start3A_339 = tpu.memref_slice %arg9[%dma_start3A_336, %dma_start3A_337, %dma_start3A_338] : memref<5x128x32xf32, #tpu.memory_space<vmem>> -> memref<1x128x32xf32, #tpu.memory_space<vmem>>
    %dma_start3A_340 = tpu.memref_squeeze %dma_start3A_339 : memref<1x128x32xf32, #tpu.memory_space<vmem>> -> memref<128x32xf32, #tpu.memory_space<vmem>>
    %dma_start3A_341 = arith.constant 0 : i32
    %dma_start3A_342 = tpu.memref_slice %arg7[%dma_start3A, %dma_start3A_341] : memref<5x128xi32, #tpu.memory_space<vmem>> -> memref<1x128xi32, #tpu.memory_space<vmem>>
    %dma_start3A_343 = tpu.memref_squeeze %dma_start3A_342 : memref<1x128xi32, #tpu.memory_space<vmem>> -> memref<128xi32, #tpu.memory_space<vmem>>
    %dma_start3A_344 = arith.constant 0 : i32
    %dma_start3A_345 = arith.constant 0 : i32
    %dma_start3A_346 = tpu.memref_slice %arg2[%dma_start3A_344, %dma_start3A_345] : memref<1000000x32xf32, #tpu.memory_space<hbm>> -> memref<1000000x32xf32, #tpu.memory_space<hbm>>
    tpu.enqueue_indirect_dma source(%dma_start3A_346 : memref<1000000x32xf32, #tpu.memory_space<hbm>>) target(%dma_start3A_340 : memref<128x32xf32, #tpu.memory_space<vmem>>) offsets(%dma_start3A_343 : memref<128xi32, #tpu.memory_space<vmem>>) semaphore(%arg13 : memref<!tpu.dma_semaphore, #tpu.memory_space<semaphore_mem>>)
    %dma_start3A_347 = arith.constant 1 : i32
    %dma_start3A_348 = arith.constant 1 : i32
    %dma_start3A_349 = arith.constant 0 : i32
    %dma_start3A_350 = arith.constant 0 : i32
    %dma_start3A_351 = tpu.memref_slice %arg9[%dma_start3A_348, %dma_start3A_349, %dma_start3A_350] : memref<5x128x32xf32, #tpu.memory_space<vmem>> -> memref<1x128x32xf32, #tpu.memory_space<vmem>>
    %dma_start3A_352 = tpu.memref_squeeze %dma_start3A_351 : memref<1x128x32xf32, #tpu.memory_space<vmem>> -> memref<128x32xf32, #tpu.memory_space<vmem>>
    %dma_start3A_353 = arith.constant 0 : i32
    %dma_start3A_354 = tpu.memref_slice %arg7[%dma_start3A_347, %dma_start3A_353] : memref<5x128xi32, #tpu.memory_space<vmem>> -> memref<1x128xi32, #tpu.memory_space<vmem>>
    %dma_start3A_355 = tpu.memref_squeeze %dma_start3A_354 : memref<1x128xi32, #tpu.memory_space<vmem>> -> memref<128xi32, #tpu.memory_space<vmem>>
    %dma_start3A_356 = arith.constant 0 : i32
    %dma_start3A_357 = arith.constant 0 : i32
    %dma_start3A_358 = tpu.memref_slice %arg2[%dma_start3A_356, %dma_start3A_357] : memref<1000000x32xf32, #tpu.memory_space<hbm>> -> memref<1000000x32xf32, #tpu.memory_space<hbm>>
    tpu.enqueue_indirect_dma source(%dma_start3A_358 : memref<1000000x32xf32, #tpu.memory_space<hbm>>) target(%dma_start3A_352 : memref<128x32xf32, #tpu.memory_space<vmem>>) offsets(%dma_start3A_355 : memref<128xi32, #tpu.memory_space<vmem>>) semaphore(%arg13 : memref<!tpu.dma_semaphore, #tpu.memory_space<semaphore_mem>>)
    %dma_start3A_359 = arith.constant 2 : i32
    %dma_start3A_360 = arith.constant 2 : i32
    %dma_start3A_361 = arith.constant 0 : i32
    %dma_start3A_362 = arith.constant 0 : i32
    %dma_start3A_363 = tpu.memref_slice %arg9[%dma_start3A_360, %dma_start3A_361, %dma_start3A_362] : memref<5x128x32xf32, #tpu.memory_space<vmem>> -> memref<1x128x32xf32, #tpu.memory_space<vmem>>
    %dma_start3A_364 = tpu.memref_squeeze %dma_start3A_363 : memref<1x128x32xf32, #tpu.memory_space<vmem>> -> memref<128x32xf32, #tpu.memory_space<vmem>>
    %dma_start3A_365 = arith.constant 0 : i32
    %dma_start3A_366 = tpu.memref_slice %arg7[%dma_start3A_359, %dma_start3A_365] : memref<5x128xi32, #tpu.memory_space<vmem>> -> memref<1x128xi32, #tpu.memory_space<vmem>>
    %dma_start3A_367 = tpu.memref_squeeze %dma_start3A_366 : memref<1x128xi32, #tpu.memory_space<vmem>> -> memref<128xi32, #tpu.memory_space<vmem>>
    %dma_start3A_368 = arith.constant 0 : i32
    %dma_start3A_369 = arith.constant 0 : i32
    %dma_start3A_370 = tpu.memref_slice %arg2[%dma_start3A_368, %dma_start3A_369] : memref<1000000x32xf32, #tpu.memory_space<hbm>> -> memref<1000000x32xf32, #tpu.memory_space<hbm>>
    tpu.enqueue_indirect_dma source(%dma_start3A_370 : memref<1000000x32xf32, #tpu.memory_space<hbm>>) target(%dma_start3A_364 : memref<128x32xf32, #tpu.memory_space<vmem>>) offsets(%dma_start3A_367 : memref<128xi32, #tpu.memory_space<vmem>>) semaphore(%arg13 : memref<!tpu.dma_semaphore, #tpu.memory_space<semaphore_mem>>)
    %dma_start3A_371 = arith.constant 3 : i32
    %dma_start3A_372 = arith.constant 3 : i32
    %dma_start3A_373 = arith.constant 0 : i32
    %dma_start3A_374 = arith.constant 0 : i32
    %dma_start3A_375 = tpu.memref_slice %arg9[%dma_start3A_372, %dma_start3A_373, %dma_start3A_374] : memref<5x128x32xf32, #tpu.memory_space<vmem>> -> memref<1x128x32xf32, #tpu.memory_space<vmem>>
    %dma_start3A_376 = tpu.memref_squeeze %dma_start3A_375 : memref<1x128x32xf32, #tpu.memory_space<vmem>> -> memref<128x32xf32, #tpu.memory_space<vmem>>
    %dma_start3A_377 = arith.constant 0 : i32
    %dma_start3A_378 = tpu.memref_slice %arg7[%dma_start3A_371, %dma_start3A_377] : memref<5x128xi32, #tpu.memory_space<vmem>> -> memref<1x128xi32, #tpu.memory_space<vmem>>
    %dma_start3A_379 = tpu.memref_squeeze %dma_start3A_378 : memref<1x128xi32, #tpu.memory_space<vmem>> -> memref<128xi32, #tpu.memory_space<vmem>>
    %dma_start3A_380 = arith.constant 0 : i32
    %dma_start3A_381 = arith.constant 0 : i32
    %dma_start3A_382 = tpu.memref_slice %arg2[%dma_start3A_380, %dma_start3A_381] : memref<1000000x32xf32, #tpu.memory_space<hbm>> -> memref<1000000x32xf32, #tpu.memory_space<hbm>>
    tpu.enqueue_indirect_dma source(%dma_start3A_382 : memref<1000000x32xf32, #tpu.memory_space<hbm>>) target(%dma_start3A_376 : memref<128x32xf32, #tpu.memory_space<vmem>>) offsets(%dma_start3A_379 : memref<128xi32, #tpu.memory_space<vmem>>) semaphore(%arg13 : memref<!tpu.dma_semaphore, #tpu.memory_space<semaphore_mem>>)
    %dma_start3A_383 = arith.constant 4 : i32
    %dma_start3A_384 = arith.constant 4 : i32
    %dma_start3A_385 = arith.constant 0 : i32
    %dma_start3A_386 = arith.constant 0 : i32
    %dma_start3A_387 = tpu.memref_slice %arg9[%dma_start3A_384, %dma_start3A_385, %dma_start3A_386] : memref<5x128x32xf32, #tpu.memory_space<vmem>> -> memref<1x128x32xf32, #tpu.memory_space<vmem>>
    %dma_start3A_388 = tpu.memref_squeeze %dma_start3A_387 : memref<1x128x32xf32, #tpu.memory_space<vmem>> -> memref<128x32xf32, #tpu.memory_space<vmem>>
    %dma_start3A_389 = arith.constant 0 : i32
    %dma_start3A_390 = tpu.memref_slice %arg7[%dma_start3A_383, %dma_start3A_389] : memref<5x128xi32, #tpu.memory_space<vmem>> -> memref<1x128xi32, #tpu.memory_space<vmem>>
    %dma_start3A_391 = tpu.memref_squeeze %dma_start3A_390 : memref<1x128xi32, #tpu.memory_space<vmem>> -> memref<128xi32, #tpu.memory_space<vmem>>
    %dma_start3A_392 = arith.constant 0 : i32
    %dma_start3A_393 = arith.constant 0 : i32
    %dma_start3A_394 = tpu.memref_slice %arg2[%dma_start3A_392, %dma_start3A_393] : memref<1000000x32xf32, #tpu.memory_space<hbm>> -> memref<1000000x32xf32, #tpu.memory_space<hbm>>
    tpu.enqueue_indirect_dma source(%dma_start3A_394 : memref<1000000x32xf32, #tpu.memory_space<hbm>>) target(%dma_start3A_388 : memref<128x32xf32, #tpu.memory_space<vmem>>) offsets(%dma_start3A_391 : memref<128xi32, #tpu.memory_space<vmem>>) semaphore(%arg13 : memref<!tpu.dma_semaphore, #tpu.memory_space<semaphore_mem>>)
    %scan3A = arith.constant 0 : i32
    %scan3A_395 = arith.constant 0 : i32
    %scan3A_396 = arith.constant 20 : i32
    %scan3A_397 = arith.addi %scan3A_395, %scan3A_396 : i32
    %scan3A_398 = arith.constant 1 : i32
    %scan3A_399 = scf.for %scan3A_428 = %scan3A_395 to %scan3A_397 step %scan3A_398 iter_args(%scan3A_429 = %scan3A) -> (i32)  : i32 {
      %mul3A_430 = arith.constant 2 : i32
      %mul3A_431 = arith.muli %mul3A_430, %scan3A_428 : i32
      %add3A_432 = arith.constant 1 : i32
      %add3A_433 = arith.addi %mul3A_431, %add3A_432 : i32
      %lt3A = arith.constant 40 : i32
      %lt3A_434 = arith.cmpi slt, %add3A_433, %lt3A : i32
      %convert_element_type3A = arith.extui %lt3A_434 : i1 to i32
      %cond3A = arith.constant 0 : i32
      %cond3A_435 = arith.cmpi ne, %convert_element_type3A, %cond3A : i32
      scf.if %cond3A_435 {
        %add3A_663 = arith.constant 1 : i32
        %add3A_664 = arith.addi %mul3A_431, %add3A_663 : i32
        %jit3A_665 = arith.constant 10 : i32
        %div3A_666 = arith.divsi %add3A_664, %jit3A_665 : i32
        %sign3A_667 = arith.constant 0 : i32
        %sign3A_668 = arith.cmpi sgt, %add3A_664, %sign3A_667 : i32
        %sign3A_669 = arith.extui %sign3A_668 : i1 to i32
        %sign3A_670 = arith.constant 0 : i32
        %sign3A_671 = arith.cmpi slt, %add3A_664, %sign3A_670 : i32
        %sign3A_672 = arith.extui %sign3A_671 : i1 to i32
        %sign3A_673 = arith.subi %sign3A_669, %sign3A_672 : i32
        %sign3A_674 = arith.constant 0 : i32
        %sign3A_675 = arith.cmpi sgt, %jit3A_665, %sign3A_674 : i32
        %sign3A_676 = arith.extui %sign3A_675 : i1 to i32
        %sign3A_677 = arith.constant 0 : i32
        %sign3A_678 = arith.cmpi slt, %jit3A_665, %sign3A_677 : i32
        %sign3A_679 = arith.extui %sign3A_678 : i1 to i32
        %sign3A_680 = arith.subi %sign3A_676, %sign3A_679 : i32
        %ne3A_681 = arith.cmpi ne, %sign3A_673, %sign3A_680 : i32
        %rem3A_682 = arith.remsi %add3A_664, %jit3A_665 : i32
        %ne3A_683 = arith.constant 0 : i32
        %ne3A_684 = arith.cmpi ne, %rem3A_682, %ne3A_683 : i32
        %and3A_685 = arith.andi %ne3A_681, %ne3A_684 : i1
        %sub3A_686 = arith.constant 1 : i32
        %sub3A_687 = arith.subi %div3A_666, %sub3A_686 : i32
        %select_n3A_688 = arith.select %and3A_685, %sub3A_687, %div3A_666 : i32
        %mul3A_689 = arith.constant 10 : i32
        %mul3A_690 = arith.muli %select_n3A_688, %mul3A_689 : i32
        %sub3A_691 = arith.subi %add3A_664, %mul3A_690 : i32
        %mul3A_692 = arith.constant 5 : i32
        %mul3A_693 = arith.muli %sub3A_691, %mul3A_692 : i32
        %mul3A_694 = arith.constant 4 : i32
        %mul3A_695 = arith.muli %add3A, %mul3A_694 : i32
        %add3A_696 = arith.addi %mul3A_695, %select_n3A_688 : i32
        %mul3A_697 = arith.constant 128 : i32
        %mul3A_698 = arith.muli %add3A_696, %mul3A_697 : i32
        %multiple_of3A_699 = tpu.assume_multiple %mul3A_698, 8 : i32
        "tpu.region"() ({
          %run_scoped3A = tpu.sem_alloc : memref<!tpu.dma_semaphore, #tpu.memory_space<semaphore_mem>>
          %dma_start3A_1095 = arith.constant 0 : i32
          %dma_start3A_1096 = tpu.memref_slice %arg3[%multiple_of3A_699, %dma_start3A_1095] : memref<16384x50xi32, #tpu.memory_space<hbm>> -> memref<128x50xi32, #tpu.memory_space<hbm>>
          %dma_start3A_1097 = arith.constant 0 : i32
          %dma_start3A_1098 = tpu.memref_slice %arg3[%multiple_of3A_699, %dma_start3A_1097] : memref<16384x50xi32, #tpu.memory_space<hbm>> -> memref<128x50xi32, #tpu.memory_space<hbm>>
          tpu.enqueue_dma source(%dma_start3A_1098 : memref<128x50xi32, #tpu.memory_space<hbm>>) target(%arg6 : memref<128x50xi32, #tpu.memory_space<vmem>>) target_semaphore(%run_scoped3A : memref<!tpu.dma_semaphore, #tpu.memory_space<semaphore_mem>>)
          %dma_wait3A_1099 = arith.constant 0 : i32
          %dma_wait3A_1100 = tpu.memref_slice %arg3[%multiple_of3A_699, %dma_wait3A_1099] : memref<16384x50xi32, #tpu.memory_space<hbm>> -> memref<128x50xi32, #tpu.memory_space<hbm>>
          %dma_wait3A_1101 = arith.constant 0 : i32
          %dma_wait3A_1102 = tpu.memref_slice %arg3[%multiple_of3A_699, %dma_wait3A_1101] : memref<16384x50xi32, #tpu.memory_space<hbm>> -> memref<128x50xi32, #tpu.memory_space<hbm>>
          tpu.wait_dma2 semaphore(%run_scoped3A : memref<!tpu.dma_semaphore, #tpu.memory_space<semaphore_mem>>) src(%dma_wait3A_1102 : memref<128x50xi32, #tpu.memory_space<hbm>>) dst(%arg6 : memref<128x50xi32, #tpu.memory_space<vmem>>)
          tpu.yield
        }) : () -> ()
        %add3A_700 = arith.constant 0 : i32
        %add3A_701 = arith.addi %mul3A_693, %add3A_700 : i32
        %broadcast_in_dim3A_702 = vector.broadcast %add3A_701 : i32 to vector<16xi32>
        %add3A_703 = arith.constant 0 : i32
        %add3A_704 = vector.broadcast %add3A_703 : i32 to vector<16xi32>
        %add3A_705 = arith.addi %add3A_704, %iota3A : vector<16xi32>
        %gather3A_706 = tpu.vector_load_idx %arg6[%add3A_705, %broadcast_in_dim3A_702] : memref<128x50xi32, #tpu.memory_space<vmem>>[vector<16xi32>, vector<16xi32>], vector<16xi32>,
        %swap3A_707 = arith.constant 0 : i32
        %swap3A_708 = arith.index_cast %swap3A_707 : i32 to index
        %swap3A_709 = arith.constant 0 : index
        %swap3A_710 = tpu.vector_load %arg8[%swap3A_708, %swap3A_709] {strides = array<i32>} : memref<5x128xi32, #tpu.memory_space<vmem>>, vector<16xi32>,
        tpu.vector_store %arg8[%swap3A_708, %swap3A_709], %gather3A_706 {strides = array<i32>} : memref<5x128xi32, #tpu.memory_space<vmem>>, vector<16xi32>,
        %add3A_711 = arith.constant 16 : i32
        %add3A_712 = vector.broadcast %add3A_711 : i32 to vector<16xi32>
        %add3A_713 = arith.addi %add3A_712, %iota3A : vector<16xi32>
        %gather3A_714 = tpu.vector_load_idx %arg6[%add3A_713, %broadcast_in_dim3A_702] : memref<128x50xi32, #tpu.memory_space<vmem>>[vector<16xi32>, vector<16xi32>], vector<16xi32>,
        %swap3A_715 = arith.constant 0 : i32
        %swap3A_716 = arith.index_cast %swap3A_715 : i32 to index
        %swap3A_717 = arith.constant 16 : index
        %swap3A_718 = tpu.vector_load %arg8[%swap3A_716, %swap3A_717] {strides = array<i32>} : memref<5x128xi32, #tpu.memory_space<vmem>>, vector<16xi32>,
        tpu.vector_store %arg8[%swap3A_716, %swap3A_717], %gather3A_714 {strides = array<i32>} : memref<5x128xi32, #tpu.memory_space<vmem>>, vector<16xi32>,
        %add3A_719 = arith.constant 32 : i32
        %add3A_720 = vector.broadcast %add3A_719 : i32 to vector<16xi32>
        %add3A_721 = arith.addi %add3A_720, %iota3A : vector<16xi32>
        %gather3A_722 = tpu.vector_load_idx %arg6[%add3A_721, %broadcast_in_dim3A_702] : memref<128x50xi32, #tpu.memory_space<vmem>>[vector<16xi32>, vector<16xi32>], vector<16xi32>,
        %swap3A_723 = arith.constant 0 : i32
        %swap3A_724 = arith.index_cast %swap3A_723 : i32 to index
        %swap3A_725 = arith.constant 32 : index
        %swap3A_726 = tpu.vector_load %arg8[%swap3A_724, %swap3A_725] {strides = array<i32>} : memref<5x128xi32, #tpu.memory_space<vmem>>, vector<16xi32>,
        tpu.vector_store %arg8[%swap3A_724, %swap3A_725], %gather3A_722 {strides = array<i32>} : memref<5x128xi32, #tpu.memory_space<vmem>>, vector<16xi32>,
        %add3A_727 = arith.constant 48 : i32
        %add3A_728 = vector.broadcast %add3A_727 : i32 to vector<16xi32>
        %add3A_729 = arith.addi %add3A_728, %iota3A : vector<16xi32>
        %gather3A_730 = tpu.vector_load_idx %arg6[%add3A_729, %broadcast_in_dim3A_702] : memref<128x50xi32, #tpu.memory_space<vmem>>[vector<16xi32>, vector<16xi32>], vector<16xi32>,
        %swap3A_731 = arith.constant 0 : i32
        %swap3A_732 = arith.index_cast %swap3A_731 : i32 to index
        %swap3A_733 = arith.constant 48 : index
        %swap3A_734 = tpu.vector_load %arg8[%swap3A_732, %swap3A_733] {strides = array<i32>} : memref<5x128xi32, #tpu.memory_space<vmem>>, vector<16xi32>,
        tpu.vector_store %arg8[%swap3A_732, %swap3A_733], %gather3A_730 {strides = array<i32>} : memref<5x128xi32, #tpu.memory_space<vmem>>, vector<16xi32>,
        %add3A_735 = arith.constant 64 : i32
        %add3A_736 = vector.broadcast %add3A_735 : i32 to vector<16xi32>
        %add3A_737 = arith.addi %add3A_736, %iota3A : vector<16xi32>
        %gather3A_738 = tpu.vector_load_idx %arg6[%add3A_737, %broadcast_in_dim3A_702] : memref<128x50xi32, #tpu.memory_space<vmem>>[vector<16xi32>, vector<16xi32>], vector<16xi32>,
        %swap3A_739 = arith.constant 0 : i32
        %swap3A_740 = arith.index_cast %swap3A_739 : i32 to index
        %swap3A_741 = arith.constant 64 : index
        %swap3A_742 = tpu.vector_load %arg8[%swap3A_740, %swap3A_741] {strides = array<i32>} : memref<5x128xi32, #tpu.memory_space<vmem>>, vector<16xi32>,
        tpu.vector_store %arg8[%swap3A_740, %swap3A_741], %gather3A_738 {strides = array<i32>} : memref<5x128xi32, #tpu.memory_space<vmem>>, vector<16xi32>,
        %add3A_743 = arith.constant 80 : i32
        %add3A_744 = vector.broadcast %add3A_743 : i32 to vector<16xi32>
        %add3A_745 = arith.addi %add3A_744, %iota3A : vector<16xi32>
        %gather3A_746 = tpu.vector_load_idx %arg6[%add3A_745, %broadcast_in_dim3A_702] : memref<128x50xi32, #tpu.memory_space<vmem>>[vector<16xi32>, vector<16xi32>], vector<16xi32>,
        %swap3A_747 = arith.constant 0 : i32
        %swap3A_748 = arith.index_cast %swap3A_747 : i32 to index
        %swap3A_749 = arith.constant 80 : index
        %swap3A_750 = tpu.vector_load %arg8[%swap3A_748, %swap3A_749] {strides = array<i32>} : memref<5x128xi32, #tpu.memory_space<vmem>>, vector<16xi32>,
        tpu.vector_store %arg8[%swap3A_748, %swap3A_749], %gather3A_746 {strides = array<i32>} : memref<5x128xi32, #tpu.memory_space<vmem>>, vector<16xi32>,
        %add3A_751 = arith.constant 96 : i32
        %add3A_752 = vector.broadcast %add3A_751 : i32 to vector<16xi32>
        %add3A_753 = arith.addi %add3A_752, %iota3A : vector<16xi32>
        %gather3A_754 = tpu.vector_load_idx %arg6[%add3A_753, %broadcast_in_dim3A_702] : memref<128x50xi32, #tpu.memory_space<vmem>>[vector<16xi32>, vector<16xi32>], vector<16xi32>,
        %swap3A_755 = arith.constant 0 : i32
        %swap3A_756 = arith.index_cast %swap3A_755 : i32 to index
        %swap3A_757 = arith.constant 96 : index
        %swap3A_758 = tpu.vector_load %arg8[%swap3A_756, %swap3A_757] {strides = array<i32>} : memref<5x128xi32, #tpu.memory_space<vmem>>, vector<16xi32>,
        tpu.vector_store %arg8[%swap3A_756, %swap3A_757], %gather3A_754 {strides = array<i32>} : memref<5x128xi32, #tpu.memory_space<vmem>>, vector<16xi32>,
        %add3A_759 = arith.constant 112 : i32
        %add3A_760 = vector.broadcast %add3A_759 : i32 to vector<16xi32>
        %add3A_761 = arith.addi %add3A_760, %iota3A : vector<16xi32>
        %gather3A_762 = tpu.vector_load_idx %arg6[%add3A_761, %broadcast_in_dim3A_702] : memref<128x50xi32, #tpu.memory_space<vmem>>[vector<16xi32>, vector<16xi32>], vector<16xi32>,
        %swap3A_763 = arith.constant 0 : i32
        %swap3A_764 = arith.index_cast %swap3A_763 : i32 to index
        %swap3A_765 = arith.constant 112 : index
        %swap3A_766 = tpu.vector_load %arg8[%swap3A_764, %swap3A_765] {strides = array<i32>} : memref<5x128xi32, #tpu.memory_space<vmem>>, vector<16xi32>,
        tpu.vector_store %arg8[%swap3A_764, %swap3A_765], %gather3A_762 {strides = array<i32>} : memref<5x128xi32, #tpu.memory_space<vmem>>, vector<16xi32>,
        %add3A_767 = arith.constant 1 : i32
        %add3A_768 = arith.addi %mul3A_693, %add3A_767 : i32
        %broadcast_in_dim3A_769 = vector.broadcast %add3A_768 : i32 to vector<16xi32>
        %add3A_770 = arith.constant 0 : i32
        %add3A_771 = vector.broadcast %add3A_770 : i32 to vector<16xi32>
        %add3A_772 = arith.addi %add3A_771, %iota3A : vector<16xi32>
        %gather3A_773 = tpu.vector_load_idx %arg6[%add3A_772, %broadcast_in_dim3A_769] : memref<128x50xi32, #tpu.memory_space<vmem>>[vector<16xi32>, vector<16xi32>], vector<16xi32>,
        %swap3A_774 = arith.constant 1 : i32
        %swap3A_775 = arith.index_cast %swap3A_774 : i32 to index
        %swap3A_776 = arith.constant 0 : index
        %swap3A_777 = tpu.vector_load %arg8[%swap3A_775, %swap3A_776] {strides = array<i32>} : memref<5x128xi32, #tpu.memory_space<vmem>>, vector<16xi32>,
        tpu.vector_store %arg8[%swap3A_775, %swap3A_776], %gather3A_773 {strides = array<i32>} : memref<5x128xi32, #tpu.memory_space<vmem>>, vector<16xi32>,
        %add3A_778 = arith.constant 16 : i32
        %add3A_779 = vector.broadcast %add3A_778 : i32 to vector<16xi32>
        %add3A_780 = arith.addi %add3A_779, %iota3A : vector<16xi32>
        %gather3A_781 = tpu.vector_load_idx %arg6[%add3A_780, %broadcast_in_dim3A_769] : memref<128x50xi32, #tpu.memory_space<vmem>>[vector<16xi32>, vector<16xi32>], vector<16xi32>,
        %swap3A_782 = arith.constant 1 : i32
        %swap3A_783 = arith.index_cast %swap3A_782 : i32 to index
        %swap3A_784 = arith.constant 16 : index
        %swap3A_785 = tpu.vector_load %arg8[%swap3A_783, %swap3A_784] {strides = array<i32>} : memref<5x128xi32, #tpu.memory_space<vmem>>, vector<16xi32>,
        tpu.vector_store %arg8[%swap3A_783, %swap3A_784], %gather3A_781 {strides = array<i32>} : memref<5x128xi32, #tpu.memory_space<vmem>>, vector<16xi32>,
        %add3A_786 = arith.constant 32 : i32
        %add3A_787 = vector.broadcast %add3A_786 : i32 to vector<16xi32>
        %add3A_788 = arith.addi %add3A_787, %iota3A : vector<16xi32>
        %gather3A_789 = tpu.vector_load_idx %arg6[%add3A_788, %broadcast_in_dim3A_769] : memref<128x50xi32, #tpu.memory_space<vmem>>[vector<16xi32>, vector<16xi32>], vector<16xi32>,
        %swap3A_790 = arith.constant 1 : i32
        %swap3A_791 = arith.index_cast %swap3A_790 : i32 to index
        %swap3A_792 = arith.constant 32 : index
        %swap3A_793 = tpu.vector_load %arg8[%swap3A_791, %swap3A_792] {strides = array<i32>} : memref<5x128xi32, #tpu.memory_space<vmem>>, vector<16xi32>,
        tpu.vector_store %arg8[%swap3A_791, %swap3A_792], %gather3A_789 {strides = array<i32>} : memref<5x128xi32, #tpu.memory_space<vmem>>, vector<16xi32>,
        %add3A_794 = arith.constant 48 : i32
        %add3A_795 = vector.broadcast %add3A_794 : i32 to vector<16xi32>
        %add3A_796 = arith.addi %add3A_795, %iota3A : vector<16xi32>
        %gather3A_797 = tpu.vector_load_idx %arg6[%add3A_796, %broadcast_in_dim3A_769] : memref<128x50xi32, #tpu.memory_space<vmem>>[vector<16xi32>, vector<16xi32>], vector<16xi32>,
        %swap3A_798 = arith.constant 1 : i32
        %swap3A_799 = arith.index_cast %swap3A_798 : i32 to index
        %swap3A_800 = arith.constant 48 : index
        %swap3A_801 = tpu.vector_load %arg8[%swap3A_799, %swap3A_800] {strides = array<i32>} : memref<5x128xi32, #tpu.memory_space<vmem>>, vector<16xi32>,
        tpu.vector_store %arg8[%swap3A_799, %swap3A_800], %gather3A_797 {strides = array<i32>} : memref<5x128xi32, #tpu.memory_space<vmem>>, vector<16xi32>,
        %add3A_802 = arith.constant 64 : i32
        %add3A_803 = vector.broadcast %add3A_802 : i32 to vector<16xi32>
        %add3A_804 = arith.addi %add3A_803, %iota3A : vector<16xi32>
        %gather3A_805 = tpu.vector_load_idx %arg6[%add3A_804, %broadcast_in_dim3A_769] : memref<128x50xi32, #tpu.memory_space<vmem>>[vector<16xi32>, vector<16xi32>], vector<16xi32>,
        %swap3A_806 = arith.constant 1 : i32
        %swap3A_807 = arith.index_cast %swap3A_806 : i32 to index
        %swap3A_808 = arith.constant 64 : index
        %swap3A_809 = tpu.vector_load %arg8[%swap3A_807, %swap3A_808] {strides = array<i32>} : memref<5x128xi32, #tpu.memory_space<vmem>>, vector<16xi32>,
        tpu.vector_store %arg8[%swap3A_807, %swap3A_808], %gather3A_805 {strides = array<i32>} : memref<5x128xi32, #tpu.memory_space<vmem>>, vector<16xi32>,
        %add3A_810 = arith.constant 80 : i32
        %add3A_811 = vector.broadcast %add3A_810 : i32 to vector<16xi32>
        %add3A_812 = arith.addi %add3A_811, %iota3A : vector<16xi32>
        %gather3A_813 = tpu.vector_load_idx %arg6[%add3A_812, %broadcast_in_dim3A_769] : memref<128x50xi32, #tpu.memory_space<vmem>>[vector<16xi32>, vector<16xi32>], vector<16xi32>,
        %swap3A_814 = arith.constant 1 : i32
        %swap3A_815 = arith.index_cast %swap3A_814 : i32 to index
        %swap3A_816 = arith.constant 80 : index
        %swap3A_817 = tpu.vector_load %arg8[%swap3A_815, %swap3A_816] {strides = array<i32>} : memref<5x128xi32, #tpu.memory_space<vmem>>, vector<16xi32>,
        tpu.vector_store %arg8[%swap3A_815, %swap3A_816], %gather3A_813 {strides = array<i32>} : memref<5x128xi32, #tpu.memory_space<vmem>>, vector<16xi32>,
        %add3A_818 = arith.constant 96 : i32
        %add3A_819 = vector.broadcast %add3A_818 : i32 to vector<16xi32>
        %add3A_820 = arith.addi %add3A_819, %iota3A : vector<16xi32>
        %gather3A_821 = tpu.vector_load_idx %arg6[%add3A_820, %broadcast_in_dim3A_769] : memref<128x50xi32, #tpu.memory_space<vmem>>[vector<16xi32>, vector<16xi32>], vector<16xi32>,
        %swap3A_822 = arith.constant 1 : i32
        %swap3A_823 = arith.index_cast %swap3A_822 : i32 to index
        %swap3A_824 = arith.constant 96 : index
        %swap3A_825 = tpu.vector_load %arg8[%swap3A_823, %swap3A_824] {strides = array<i32>} : memref<5x128xi32, #tpu.memory_space<vmem>>, vector<16xi32>,
        tpu.vector_store %arg8[%swap3A_823, %swap3A_824], %gather3A_821 {strides = array<i32>} : memref<5x128xi32, #tpu.memory_space<vmem>>, vector<16xi32>,
        %add3A_826 = arith.constant 112 : i32
        %add3A_827 = vector.broadcast %add3A_826 : i32 to vector<16xi32>
        %add3A_828 = arith.addi %add3A_827, %iota3A : vector<16xi32>
        %gather3A_829 = tpu.vector_load_idx %arg6[%add3A_828, %broadcast_in_dim3A_769] : memref<128x50xi32, #tpu.memory_space<vmem>>[vector<16xi32>, vector<16xi32>], vector<16xi32>,
        %swap3A_830 = arith.constant 1 : i32
        %swap3A_831 = arith.index_cast %swap3A_830 : i32 to index
        %swap3A_832 = arith.constant 112 : index
        %swap3A_833 = tpu.vector_load %arg8[%swap3A_831, %swap3A_832] {strides = array<i32>} : memref<5x128xi32, #tpu.memory_space<vmem>>, vector<16xi32>,
        tpu.vector_store %arg8[%swap3A_831, %swap3A_832], %gather3A_829 {strides = array<i32>} : memref<5x128xi32, #tpu.memory_space<vmem>>, vector<16xi32>,
        %add3A_834 = arith.constant 2 : i32
        %add3A_835 = arith.addi %mul3A_693, %add3A_834 : i32
        %broadcast_in_dim3A_836 = vector.broadcast %add3A_835 : i32 to vector<16xi32>
        %add3A_837 = arith.constant 0 : i32
        %add3A_838 = vector.broadcast %add3A_837 : i32 to vector<16xi32>
        %add3A_839 = arith.addi %add3A_838, %iota3A : vector<16xi32>
        %gather3A_840 = tpu.vector_load_idx %arg6[%add3A_839, %broadcast_in_dim3A_836] : memref<128x50xi32, #tpu.memory_space<vmem>>[vector<16xi32>, vector<16xi32>], vector<16xi32>,
        %swap3A_841 = arith.constant 2 : i32
        %swap3A_842 = arith.index_cast %swap3A_841 : i32 to index
        %swap3A_843 = arith.constant 0 : index
        %swap3A_844 = tpu.vector_load %arg8[%swap3A_842, %swap3A_843] {strides = array<i32>} : memref<5x128xi32, #tpu.memory_space<vmem>>, vector<16xi32>,
        tpu.vector_store %arg8[%swap3A_842, %swap3A_843], %gather3A_840 {strides = array<i32>} : memref<5x128xi32, #tpu.memory_space<vmem>>, vector<16xi32>,
        %add3A_845 = arith.constant 16 : i32
        %add3A_846 = vector.broadcast %add3A_845 : i32 to vector<16xi32>
        %add3A_847 = arith.addi %add3A_846, %iota3A : vector<16xi32>
        %gather3A_848 = tpu.vector_load_idx %arg6[%add3A_847, %broadcast_in_dim3A_836] : memref<128x50xi32, #tpu.memory_space<vmem>>[vector<16xi32>, vector<16xi32>], vector<16xi32>,
        %swap3A_849 = arith.constant 2 : i32
        %swap3A_850 = arith.index_cast %swap3A_849 : i32 to index
        %swap3A_851 = arith.constant 16 : index
        %swap3A_852 = tpu.vector_load %arg8[%swap3A_850, %swap3A_851] {strides = array<i32>} : memref<5x128xi32, #tpu.memory_space<vmem>>, vector<16xi32>,
        tpu.vector_store %arg8[%swap3A_850, %swap3A_851], %gather3A_848 {strides = array<i32>} : memref<5x128xi32, #tpu.memory_space<vmem>>, vector<16xi32>,
        %add3A_853 = arith.constant 32 : i32
        %add3A_854 = vector.broadcast %add3A_853 : i32 to vector<16xi32>
        %add3A_855 = arith.addi %add3A_854, %iota3A : vector<16xi32>
        %gather3A_856 = tpu.vector_load_idx %arg6[%add3A_855, %broadcast_in_dim3A_836] : memref<128x50xi32, #tpu.memory_space<vmem>>[vector<16xi32>, vector<16xi32>], vector<16xi32>,
        %swap3A_857 = arith.constant 2 : i32
        %swap3A_858 = arith.index_cast %swap3A_857 : i32 to index
        %swap3A_859 = arith.constant 32 : index
        %swap3A_860 = tpu.vector_load %arg8[%swap3A_858, %swap3A_859] {strides = array<i32>} : memref<5x128xi32, #tpu.memory_space<vmem>>, vector<16xi32>,
        tpu.vector_store %arg8[%swap3A_858, %swap3A_859], %gather3A_856 {strides = array<i32>} : memref<5x128xi32, #tpu.memory_space<vmem>>, vector<16xi32>,
        %add3A_861 = arith.constant 48 : i32
        %add3A_862 = vector.broadcast %add3A_861 : i32 to vector<16xi32>
        %add3A_863 = arith.addi %add3A_862, %iota3A : vector<16xi32>
        %gather3A_864 = tpu.vector_load_idx %arg6[%add3A_863, %broadcast_in_dim3A_836] : memref<128x50xi32, #tpu.memory_space<vmem>>[vector<16xi32>, vector<16xi32>], vector<16xi32>,
        %swap3A_865 = arith.constant 2 : i32
        %swap3A_866 = arith.index_cast %swap3A_865 : i32 to index
        %swap3A_867 = arith.constant 48 : index
        %swap3A_868 = tpu.vector_load %arg8[%swap3A_866, %swap3A_867] {strides = array<i32>} : memref<5x128xi32, #tpu.memory_space<vmem>>, vector<16xi32>,
        tpu.vector_store %arg8[%swap3A_866, %swap3A_867], %gather3A_864 {strides = array<i32>} : memref<5x128xi32, #tpu.memory_space<vmem>>, vector<16xi32>,
        %add3A_869 = arith.constant 64 : i32
        %add3A_870 = vector.broadcast %add3A_869 : i32 to vector<16xi32>
        %add3A_871 = arith.addi %add3A_870, %iota3A : vector<16xi32>
        %gather3A_872 = tpu.vector_load_idx %arg6[%add3A_871, %broadcast_in_dim3A_836] : memref<128x50xi32, #tpu.memory_space<vmem>>[vector<16xi32>, vector<16xi32>], vector<16xi32>,
        %swap3A_873 = arith.constant 2 : i32
        %swap3A_874 = arith.index_cast %swap3A_873 : i32 to index
        %swap3A_875 = arith.constant 64 : index
        %swap3A_876 = tpu.vector_load %arg8[%swap3A_874, %swap3A_875] {strides = array<i32>} : memref<5x128xi32, #tpu.memory_space<vmem>>, vector<16xi32>,
        tpu.vector_store %arg8[%swap3A_874, %swap3A_875], %gather3A_872 {strides = array<i32>} : memref<5x128xi32, #tpu.memory_space<vmem>>, vector<16xi32>,
        %add3A_877 = arith.constant 80 : i32
        %add3A_878 = vector.broadcast %add3A_877 : i32 to vector<16xi32>
        %add3A_879 = arith.addi %add3A_878, %iota3A : vector<16xi32>
        %gather3A_880 = tpu.vector_load_idx %arg6[%add3A_879, %broadcast_in_dim3A_836] : memref<128x50xi32, #tpu.memory_space<vmem>>[vector<16xi32>, vector<16xi32>], vector<16xi32>,
        %swap3A_881 = arith.constant 2 : i32
        %swap3A_882 = arith.index_cast %swap3A_881 : i32 to index
        %swap3A_883 = arith.constant 80 : index
        %swap3A_884 = tpu.vector_load %arg8[%swap3A_882, %swap3A_883] {strides = array<i32>} : memref<5x128xi32, #tpu.memory_space<vmem>>, vector<16xi32>,
        tpu.vector_store %arg8[%swap3A_882, %swap3A_883], %gather3A_880 {strides = array<i32>} : memref<5x128xi32, #tpu.memory_space<vmem>>, vector<16xi32>,
        %add3A_885 = arith.constant 96 : i32
        %add3A_886 = vector.broadcast %add3A_885 : i32 to vector<16xi32>
        %add3A_887 = arith.addi %add3A_886, %iota3A : vector<16xi32>
        %gather3A_888 = tpu.vector_load_idx %arg6[%add3A_887, %broadcast_in_dim3A_836] : memref<128x50xi32, #tpu.memory_space<vmem>>[vector<16xi32>, vector<16xi32>], vector<16xi32>,
        %swap3A_889 = arith.constant 2 : i32
        %swap3A_890 = arith.index_cast %swap3A_889 : i32 to index
        %swap3A_891 = arith.constant 96 : index
        %swap3A_892 = tpu.vector_load %arg8[%swap3A_890, %swap3A_891] {strides = array<i32>} : memref<5x128xi32, #tpu.memory_space<vmem>>, vector<16xi32>,
        tpu.vector_store %arg8[%swap3A_890, %swap3A_891], %gather3A_888 {strides = array<i32>} : memref<5x128xi32, #tpu.memory_space<vmem>>, vector<16xi32>,
        %add3A_893 = arith.constant 112 : i32
        %add3A_894 = vector.broadcast %add3A_893 : i32 to vector<16xi32>
        %add3A_895 = arith.addi %add3A_894, %iota3A : vector<16xi32>
        %gather3A_896 = tpu.vector_load_idx %arg6[%add3A_895, %broadcast_in_dim3A_836] : memref<128x50xi32, #tpu.memory_space<vmem>>[vector<16xi32>, vector<16xi32>], vector<16xi32>,
        %swap3A_897 = arith.constant 2 : i32
        %swap3A_898 = arith.index_cast %swap3A_897 : i32 to index
        %swap3A_899 = arith.constant 112 : index
        %swap3A_900 = tpu.vector_load %arg8[%swap3A_898, %swap3A_899] {strides = array<i32>} : memref<5x128xi32, #tpu.memory_space<vmem>>, vector<16xi32>,
        tpu.vector_store %arg8[%swap3A_898, %swap3A_899], %gather3A_896 {strides = array<i32>} : memref<5x128xi32, #tpu.memory_space<vmem>>, vector<16xi32>,
        %add3A_901 = arith.constant 3 : i32
        %add3A_902 = arith.addi %mul3A_693, %add3A_901 : i32
        %broadcast_in_dim3A_903 = vector.broadcast %add3A_902 : i32 to vector<16xi32>
        %add3A_904 = arith.constant 0 : i32
        %add3A_905 = vector.broadcast %add3A_904 : i32 to vector<16xi32>
        %add3A_906 = arith.addi %add3A_905, %iota3A : vector<16xi32>
        %gather3A_907 = tpu.vector_load_idx %arg6[%add3A_906, %broadcast_in_dim3A_903] : memref<128x50xi32, #tpu.memory_space<vmem>>[vector<16xi32>, vector<16xi32>], vector<16xi32>,
        %swap3A_908 = arith.constant 3 : i32
        %swap3A_909 = arith.index_cast %swap3A_908 : i32 to index
        %swap3A_910 = arith.constant 0 : index
        %swap3A_911 = tpu.vector_load %arg8[%swap3A_909, %swap3A_910] {strides = array<i32>} : memref<5x128xi32, #tpu.memory_space<vmem>>, vector<16xi32>,
        tpu.vector_store %arg8[%swap3A_909, %swap3A_910], %gather3A_907 {strides = array<i32>} : memref<5x128xi32, #tpu.memory_space<vmem>>, vector<16xi32>,
        %add3A_912 = arith.constant 16 : i32
        %add3A_913 = vector.broadcast %add3A_912 : i32 to vector<16xi32>
        %add3A_914 = arith.addi %add3A_913, %iota3A : vector<16xi32>
        %gather3A_915 = tpu.vector_load_idx %arg6[%add3A_914, %broadcast_in_dim3A_903] : memref<128x50xi32, #tpu.memory_space<vmem>>[vector<16xi32>, vector<16xi32>], vector<16xi32>,
        %swap3A_916 = arith.constant 3 : i32
        %swap3A_917 = arith.index_cast %swap3A_916 : i32 to index
        %swap3A_918 = arith.constant 16 : index
        %swap3A_919 = tpu.vector_load %arg8[%swap3A_917, %swap3A_918] {strides = array<i32>} : memref<5x128xi32, #tpu.memory_space<vmem>>, vector<16xi32>,
        tpu.vector_store %arg8[%swap3A_917, %swap3A_918], %gather3A_915 {strides = array<i32>} : memref<5x128xi32, #tpu.memory_space<vmem>>, vector<16xi32>,
        %add3A_920 = arith.constant 32 : i32
        %add3A_921 = vector.broadcast %add3A_920 : i32 to vector<16xi32>
        %add3A_922 = arith.addi %add3A_921, %iota3A : vector<16xi32>
        %gather3A_923 = tpu.vector_load_idx %arg6[%add3A_922, %broadcast_in_dim3A_903] : memref<128x50xi32, #tpu.memory_space<vmem>>[vector<16xi32>, vector<16xi32>], vector<16xi32>,
        %swap3A_924 = arith.constant 3 : i32
        %swap3A_925 = arith.index_cast %swap3A_924 : i32 to index
        %swap3A_926 = arith.constant 32 : index
        %swap3A_927 = tpu.vector_load %arg8[%swap3A_925, %swap3A_926] {strides = array<i32>} : memref<5x128xi32, #tpu.memory_space<vmem>>, vector<16xi32>,
        tpu.vector_store %arg8[%swap3A_925, %swap3A_926], %gather3A_923 {strides = array<i32>} : memref<5x128xi32, #tpu.memory_space<vmem>>, vector<16xi32>,
        %add3A_928 = arith.constant 48 : i32
        %add3A_929 = vector.broadcast %add3A_928 : i32 to vector<16xi32>
        %add3A_930 = arith.addi %add3A_929, %iota3A : vector<16xi32>
        %gather3A_931 = tpu.vector_load_idx %arg6[%add3A_930, %broadcast_in_dim3A_903] : memref<128x50xi32, #tpu.memory_space<vmem>>[vector<16xi32>, vector<16xi32>], vector<16xi32>,
        %swap3A_932 = arith.constant 3 : i32
        %swap3A_933 = arith.index_cast %swap3A_932 : i32 to index
        %swap3A_934 = arith.constant 48 : index
        %swap3A_935 = tpu.vector_load %arg8[%swap3A_933, %swap3A_934] {strides = array<i32>} : memref<5x128xi32, #tpu.memory_space<vmem>>, vector<16xi32>,
        tpu.vector_store %arg8[%swap3A_933, %swap3A_934], %gather3A_931 {strides = array<i32>} : memref<5x128xi32, #tpu.memory_space<vmem>>, vector<16xi32>,
        %add3A_936 = arith.constant 64 : i32
        %add3A_937 = vector.broadcast %add3A_936 : i32 to vector<16xi32>
        %add3A_938 = arith.addi %add3A_937, %iota3A : vector<16xi32>
        %gather3A_939 = tpu.vector_load_idx %arg6[%add3A_938, %broadcast_in_dim3A_903] : memref<128x50xi32, #tpu.memory_space<vmem>>[vector<16xi32>, vector<16xi32>], vector<16xi32>,
        %swap3A_940 = arith.constant 3 : i32
        %swap3A_941 = arith.index_cast %swap3A_940 : i32 to index
        %swap3A_942 = arith.constant 64 : index
        %swap3A_943 = tpu.vector_load %arg8[%swap3A_941, %swap3A_942] {strides = array<i32>} : memref<5x128xi32, #tpu.memory_space<vmem>>, vector<16xi32>,
        tpu.vector_store %arg8[%swap3A_941, %swap3A_942], %gather3A_939 {strides = array<i32>} : memref<5x128xi32, #tpu.memory_space<vmem>>, vector<16xi32>,
        %add3A_944 = arith.constant 80 : i32
        %add3A_945 = vector.broadcast %add3A_944 : i32 to vector<16xi32>
        %add3A_946 = arith.addi %add3A_945, %iota3A : vector<16xi32>
        %gather3A_947 = tpu.vector_load_idx %arg6[%add3A_946, %broadcast_in_dim3A_903] : memref<128x50xi32, #tpu.memory_space<vmem>>[vector<16xi32>, vector<16xi32>], vector<16xi32>,
        %swap3A_948 = arith.constant 3 : i32
        %swap3A_949 = arith.index_cast %swap3A_948 : i32 to index
        %swap3A_950 = arith.constant 80 : index
        %swap3A_951 = tpu.vector_load %arg8[%swap3A_949, %swap3A_950] {strides = array<i32>} : memref<5x128xi32, #tpu.memory_space<vmem>>, vector<16xi32>,
        tpu.vector_store %arg8[%swap3A_949, %swap3A_950], %gather3A_947 {strides = array<i32>} : memref<5x128xi32, #tpu.memory_space<vmem>>, vector<16xi32>,
        %add3A_952 = arith.constant 96 : i32
        %add3A_953 = vector.broadcast %add3A_952 : i32 to vector<16xi32>
        %add3A_954 = arith.addi %add3A_953, %iota3A : vector<16xi32>
        %gather3A_955 = tpu.vector_load_idx %arg6[%add3A_954, %broadcast_in_dim3A_903] : memref<128x50xi32, #tpu.memory_space<vmem>>[vector<16xi32>, vector<16xi32>], vector<16xi32>,
        %swap3A_956 = arith.constant 3 : i32
        %swap3A_957 = arith.index_cast %swap3A_956 : i32 to index
        %swap3A_958 = arith.constant 96 : index
        %swap3A_959 = tpu.vector_load %arg8[%swap3A_957, %swap3A_958] {strides = array<i32>} : memref<5x128xi32, #tpu.memory_space<vmem>>, vector<16xi32>,
        tpu.vector_store %arg8[%swap3A_957, %swap3A_958], %gather3A_955 {strides = array<i32>} : memref<5x128xi32, #tpu.memory_space<vmem>>, vector<16xi32>,
        %add3A_960 = arith.constant 112 : i32
        %add3A_961 = vector.broadcast %add3A_960 : i32 to vector<16xi32>
        %add3A_962 = arith.addi %add3A_961, %iota3A : vector<16xi32>
        %gather3A_963 = tpu.vector_load_idx %arg6[%add3A_962, %broadcast_in_dim3A_903] : memref<128x50xi32, #tpu.memory_space<vmem>>[vector<16xi32>, vector<16xi32>], vector<16xi32>,
        %swap3A_964 = arith.constant 3 : i32
        %swap3A_965 = arith.index_cast %swap3A_964 : i32 to index
        %swap3A_966 = arith.constant 112 : index
        %swap3A_967 = tpu.vector_load %arg8[%swap3A_965, %swap3A_966] {strides = array<i32>} : memref<5x128xi32, #tpu.memory_space<vmem>>, vector<16xi32>,
        tpu.vector_store %arg8[%swap3A_965, %swap3A_966], %gather3A_963 {strides = array<i32>} : memref<5x128xi32, #tpu.memory_space<vmem>>, vector<16xi32>,
        %add3A_968 = arith.constant 4 : i32
        %add3A_969 = arith.addi %mul3A_693, %add3A_968 : i32
        %broadcast_in_dim3A_970 = vector.broadcast %add3A_969 : i32 to vector<16xi32>
        %add3A_971 = arith.constant 0 : i32
        %add3A_972 = vector.broadcast %add3A_971 : i32 to vector<16xi32>
        %add3A_973 = arith.addi %add3A_972, %iota3A : vector<16xi32>
        %gather3A_974 = tpu.vector_load_idx %arg6[%add3A_973, %broadcast_in_dim3A_970] : memref<128x50xi32, #tpu.memory_space<vmem>>[vector<16xi32>, vector<16xi32>], vector<16xi32>,
        %swap3A_975 = arith.constant 4 : i32
        %swap3A_976 = arith.index_cast %swap3A_975 : i32 to index
        %swap3A_977 = arith.constant 0 : index
        %swap3A_978 = tpu.vector_load %arg8[%swap3A_976, %swap3A_977] {strides = array<i32>} : memref<5x128xi32, #tpu.memory_space<vmem>>, vector<16xi32>,
        tpu.vector_store %arg8[%swap3A_976, %swap3A_977], %gather3A_974 {strides = array<i32>} : memref<5x128xi32, #tpu.memory_space<vmem>>, vector<16xi32>,
        %add3A_979 = arith.constant 16 : i32
        %add3A_980 = vector.broadcast %add3A_979 : i32 to vector<16xi32>
        %add3A_981 = arith.addi %add3A_980, %iota3A : vector<16xi32>
        %gather3A_982 = tpu.vector_load_idx %arg6[%add3A_981, %broadcast_in_dim3A_970] : memref<128x50xi32, #tpu.memory_space<vmem>>[vector<16xi32>, vector<16xi32>], vector<16xi32>,
        %swap3A_983 = arith.constant 4 : i32
        %swap3A_984 = arith.index_cast %swap3A_983 : i32 to index
        %swap3A_985 = arith.constant 16 : index
        %swap3A_986 = tpu.vector_load %arg8[%swap3A_984, %swap3A_985] {strides = array<i32>} : memref<5x128xi32, #tpu.memory_space<vmem>>, vector<16xi32>,
        tpu.vector_store %arg8[%swap3A_984, %swap3A_985], %gather3A_982 {strides = array<i32>} : memref<5x128xi32, #tpu.memory_space<vmem>>, vector<16xi32>,
        %add3A_987 = arith.constant 32 : i32
        %add3A_988 = vector.broadcast %add3A_987 : i32 to vector<16xi32>
        %add3A_989 = arith.addi %add3A_988, %iota3A : vector<16xi32>
        %gather3A_990 = tpu.vector_load_idx %arg6[%add3A_989, %broadcast_in_dim3A_970] : memref<128x50xi32, #tpu.memory_space<vmem>>[vector<16xi32>, vector<16xi32>], vector<16xi32>,
        %swap3A_991 = arith.constant 4 : i32
        %swap3A_992 = arith.index_cast %swap3A_991 : i32 to index
        %swap3A_993 = arith.constant 32 : index
        %swap3A_994 = tpu.vector_load %arg8[%swap3A_992, %swap3A_993] {strides = array<i32>} : memref<5x128xi32, #tpu.memory_space<vmem>>, vector<16xi32>,
        tpu.vector_store %arg8[%swap3A_992, %swap3A_993], %gather3A_990 {strides = array<i32>} : memref<5x128xi32, #tpu.memory_space<vmem>>, vector<16xi32>,
        %add3A_995 = arith.constant 48 : i32
        %add3A_996 = vector.broadcast %add3A_995 : i32 to vector<16xi32>
        %add3A_997 = arith.addi %add3A_996, %iota3A : vector<16xi32>
        %gather3A_998 = tpu.vector_load_idx %arg6[%add3A_997, %broadcast_in_dim3A_970] : memref<128x50xi32, #tpu.memory_space<vmem>>[vector<16xi32>, vector<16xi32>], vector<16xi32>,
        %swap3A_999 = arith.constant 4 : i32
        %swap3A_1000 = arith.index_cast %swap3A_999 : i32 to index
        %swap3A_1001 = arith.constant 48 : index
        %swap3A_1002 = tpu.vector_load %arg8[%swap3A_1000, %swap3A_1001] {strides = array<i32>} : memref<5x128xi32, #tpu.memory_space<vmem>>, vector<16xi32>,
        tpu.vector_store %arg8[%swap3A_1000, %swap3A_1001], %gather3A_998 {strides = array<i32>} : memref<5x128xi32, #tpu.memory_space<vmem>>, vector<16xi32>,
        %add3A_1003 = arith.constant 64 : i32
        %add3A_1004 = vector.broadcast %add3A_1003 : i32 to vector<16xi32>
        %add3A_1005 = arith.addi %add3A_1004, %iota3A : vector<16xi32>
        %gather3A_1006 = tpu.vector_load_idx %arg6[%add3A_1005, %broadcast_in_dim3A_970] : memref<128x50xi32, #tpu.memory_space<vmem>>[vector<16xi32>, vector<16xi32>], vector<16xi32>,
        %swap3A_1007 = arith.constant 4 : i32
        %swap3A_1008 = arith.index_cast %swap3A_1007 : i32 to index
        %swap3A_1009 = arith.constant 64 : index
        %swap3A_1010 = tpu.vector_load %arg8[%swap3A_1008, %swap3A_1009] {strides = array<i32>} : memref<5x128xi32, #tpu.memory_space<vmem>>, vector<16xi32>,
        tpu.vector_store %arg8[%swap3A_1008, %swap3A_1009], %gather3A_1006 {strides = array<i32>} : memref<5x128xi32, #tpu.memory_space<vmem>>, vector<16xi32>,
        %add3A_1011 = arith.constant 80 : i32
        %add3A_1012 = vector.broadcast %add3A_1011 : i32 to vector<16xi32>
        %add3A_1013 = arith.addi %add3A_1012, %iota3A : vector<16xi32>
        %gather3A_1014 = tpu.vector_load_idx %arg6[%add3A_1013, %broadcast_in_dim3A_970] : memref<128x50xi32, #tpu.memory_space<vmem>>[vector<16xi32>, vector<16xi32>], vector<16xi32>,
        %swap3A_1015 = arith.constant 4 : i32
        %swap3A_1016 = arith.index_cast %swap3A_1015 : i32 to index
        %swap3A_1017 = arith.constant 80 : index
        %swap3A_1018 = tpu.vector_load %arg8[%swap3A_1016, %swap3A_1017] {strides = array<i32>} : memref<5x128xi32, #tpu.memory_space<vmem>>, vector<16xi32>,
        tpu.vector_store %arg8[%swap3A_1016, %swap3A_1017], %gather3A_1014 {strides = array<i32>} : memref<5x128xi32, #tpu.memory_space<vmem>>, vector<16xi32>,
        %add3A_1019 = arith.constant 96 : i32
        %add3A_1020 = vector.broadcast %add3A_1019 : i32 to vector<16xi32>
        %add3A_1021 = arith.addi %add3A_1020, %iota3A : vector<16xi32>
        %gather3A_1022 = tpu.vector_load_idx %arg6[%add3A_1021, %broadcast_in_dim3A_970] : memref<128x50xi32, #tpu.memory_space<vmem>>[vector<16xi32>, vector<16xi32>], vector<16xi32>,
        %swap3A_1023 = arith.constant 4 : i32
        %swap3A_1024 = arith.index_cast %swap3A_1023 : i32 to index
        %swap3A_1025 = arith.constant 96 : index
        %swap3A_1026 = tpu.vector_load %arg8[%swap3A_1024, %swap3A_1025] {strides = array<i32>} : memref<5x128xi32, #tpu.memory_space<vmem>>, vector<16xi32>,
        tpu.vector_store %arg8[%swap3A_1024, %swap3A_1025], %gather3A_1022 {strides = array<i32>} : memref<5x128xi32, #tpu.memory_space<vmem>>, vector<16xi32>,
        %add3A_1027 = arith.constant 112 : i32
        %add3A_1028 = vector.broadcast %add3A_1027 : i32 to vector<16xi32>
        %add3A_1029 = arith.addi %add3A_1028, %iota3A : vector<16xi32>
        %gather3A_1030 = tpu.vector_load_idx %arg6[%add3A_1029, %broadcast_in_dim3A_970] : memref<128x50xi32, #tpu.memory_space<vmem>>[vector<16xi32>, vector<16xi32>], vector<16xi32>,
        %swap3A_1031 = arith.constant 4 : i32
        %swap3A_1032 = arith.index_cast %swap3A_1031 : i32 to index
        %swap3A_1033 = arith.constant 112 : index
        %swap3A_1034 = tpu.vector_load %arg8[%swap3A_1032, %swap3A_1033] {strides = array<i32>} : memref<5x128xi32, #tpu.memory_space<vmem>>, vector<16xi32>,
        tpu.vector_store %arg8[%swap3A_1032, %swap3A_1033], %gather3A_1030 {strides = array<i32>} : memref<5x128xi32, #tpu.memory_space<vmem>>, vector<16xi32>,
        %dma_start3A_1035 = arith.constant 0 : i32
        %dma_start3A_1036 = arith.constant 0 : i32
        %dma_start3A_1037 = arith.constant 0 : i32
        %dma_start3A_1038 = arith.constant 0 : i32
        %dma_start3A_1039 = tpu.memref_slice %arg10[%dma_start3A_1036, %dma_start3A_1037, %dma_start3A_1038] : memref<5x128x32xf32, #tpu.memory_space<vmem>> -> memref<1x128x32xf32, #tpu.memory_space<vmem>>
        %dma_start3A_1040 = tpu.memref_squeeze %dma_start3A_1039 : memref<1x128x32xf32, #tpu.memory_space<vmem>> -> memref<128x32xf32, #tpu.memory_space<vmem>>
        %dma_start3A_1041 = arith.constant 0 : i32
        %dma_start3A_1042 = tpu.memref_slice %arg8[%dma_start3A_1035, %dma_start3A_1041] : memref<5x128xi32, #tpu.memory_space<vmem>> -> memref<1x128xi32, #tpu.memory_space<vmem>>
        %dma_start3A_1043 = tpu.memref_squeeze %dma_start3A_1042 : memref<1x128xi32, #tpu.memory_space<vmem>> -> memref<128xi32, #tpu.memory_space<vmem>>
        %dma_start3A_1044 = arith.constant 0 : i32
        %dma_start3A_1045 = arith.constant 0 : i32
        %dma_start3A_1046 = tpu.memref_slice %arg2[%dma_start3A_1044, %dma_start3A_1045] : memref<1000000x32xf32, #tpu.memory_space<hbm>> -> memref<1000000x32xf32, #tpu.memory_space<hbm>>
        tpu.enqueue_indirect_dma source(%dma_start3A_1046 : memref<1000000x32xf32, #tpu.memory_space<hbm>>) target(%dma_start3A_1040 : memref<128x32xf32, #tpu.memory_space<vmem>>) offsets(%dma_start3A_1043 : memref<128xi32, #tpu.memory_space<vmem>>) semaphore(%arg14 : memref<!tpu.dma_semaphore, #tpu.memory_space<semaphore_mem>>)
        %dma_start3A_1047 = arith.constant 1 : i32
        %dma_start3A_1048 = arith.constant 1 : i32
        %dma_start3A_1049 = arith.constant 0 : i32
        %dma_start3A_1050 = arith.constant 0 : i32
        %dma_start3A_1051 = tpu.memref_slice %arg10[%dma_start3A_1048, %dma_start3A_1049, %dma_start3A_1050] : memref<5x128x32xf32, #tpu.memory_space<vmem>> -> memref<1x128x32xf32, #tpu.memory_space<vmem>>
        %dma_start3A_1052 = tpu.memref_squeeze %dma_start3A_1051 : memref<1x128x32xf32, #tpu.memory_space<vmem>> -> memref<128x32xf32, #tpu.memory_space<vmem>>
        %dma_start3A_1053 = arith.constant 0 : i32
        %dma_start3A_1054 = tpu.memref_slice %arg8[%dma_start3A_1047, %dma_start3A_1053] : memref<5x128xi32, #tpu.memory_space<vmem>> -> memref<1x128xi32, #tpu.memory_space<vmem>>
        %dma_start3A_1055 = tpu.memref_squeeze %dma_start3A_1054 : memref<1x128xi32, #tpu.memory_space<vmem>> -> memref<128xi32, #tpu.memory_space<vmem>>
        %dma_start3A_1056 = arith.constant 0 : i32
        %dma_start3A_1057 = arith.constant 0 : i32
        %dma_start3A_1058 = tpu.memref_slice %arg2[%dma_start3A_1056, %dma_start3A_1057] : memref<1000000x32xf32, #tpu.memory_space<hbm>> -> memref<1000000x32xf32, #tpu.memory_space<hbm>>
        tpu.enqueue_indirect_dma source(%dma_start3A_1058 : memref<1000000x32xf32, #tpu.memory_space<hbm>>) target(%dma_start3A_1052 : memref<128x32xf32, #tpu.memory_space<vmem>>) offsets(%dma_start3A_1055 : memref<128xi32, #tpu.memory_space<vmem>>) semaphore(%arg14 : memref<!tpu.dma_semaphore, #tpu.memory_space<semaphore_mem>>)
        %dma_start3A_1059 = arith.constant 2 : i32
        %dma_start3A_1060 = arith.constant 2 : i32
        %dma_start3A_1061 = arith.constant 0 : i32
        %dma_start3A_1062 = arith.constant 0 : i32
        %dma_start3A_1063 = tpu.memref_slice %arg10[%dma_start3A_1060, %dma_start3A_1061, %dma_start3A_1062] : memref<5x128x32xf32, #tpu.memory_space<vmem>> -> memref<1x128x32xf32, #tpu.memory_space<vmem>>
        %dma_start3A_1064 = tpu.memref_squeeze %dma_start3A_1063 : memref<1x128x32xf32, #tpu.memory_space<vmem>> -> memref<128x32xf32, #tpu.memory_space<vmem>>
        %dma_start3A_1065 = arith.constant 0 : i32
        %dma_start3A_1066 = tpu.memref_slice %arg8[%dma_start3A_1059, %dma_start3A_1065] : memref<5x128xi32, #tpu.memory_space<vmem>> -> memref<1x128xi32, #tpu.memory_space<vmem>>
        %dma_start3A_1067 = tpu.memref_squeeze %dma_start3A_1066 : memref<1x128xi32, #tpu.memory_space<vmem>> -> memref<128xi32, #tpu.memory_space<vmem>>
        %dma_start3A_1068 = arith.constant 0 : i32
        %dma_start3A_1069 = arith.constant 0 : i32
        %dma_start3A_1070 = tpu.memref_slice %arg2[%dma_start3A_1068, %dma_start3A_1069] : memref<1000000x32xf32, #tpu.memory_space<hbm>> -> memref<1000000x32xf32, #tpu.memory_space<hbm>>
        tpu.enqueue_indirect_dma source(%dma_start3A_1070 : memref<1000000x32xf32, #tpu.memory_space<hbm>>) target(%dma_start3A_1064 : memref<128x32xf32, #tpu.memory_space<vmem>>) offsets(%dma_start3A_1067 : memref<128xi32, #tpu.memory_space<vmem>>) semaphore(%arg14 : memref<!tpu.dma_semaphore, #tpu.memory_space<semaphore_mem>>)
        %dma_start3A_1071 = arith.constant 3 : i32
        %dma_start3A_1072 = arith.constant 3 : i32
        %dma_start3A_1073 = arith.constant 0 : i32
        %dma_start3A_1074 = arith.constant 0 : i32
        %dma_start3A_1075 = tpu.memref_slice %arg10[%dma_start3A_1072, %dma_start3A_1073, %dma_start3A_1074] : memref<5x128x32xf32, #tpu.memory_space<vmem>> -> memref<1x128x32xf32, #tpu.memory_space<vmem>>
        %dma_start3A_1076 = tpu.memref_squeeze %dma_start3A_1075 : memref<1x128x32xf32, #tpu.memory_space<vmem>> -> memref<128x32xf32, #tpu.memory_space<vmem>>
        %dma_start3A_1077 = arith.constant 0 : i32
        %dma_start3A_1078 = tpu.memref_slice %arg8[%dma_start3A_1071, %dma_start3A_1077] : memref<5x128xi32, #tpu.memory_space<vmem>> -> memref<1x128xi32, #tpu.memory_space<vmem>>
        %dma_start3A_1079 = tpu.memref_squeeze %dma_start3A_1078 : memref<1x128xi32, #tpu.memory_space<vmem>> -> memref<128xi32, #tpu.memory_space<vmem>>
        %dma_start3A_1080 = arith.constant 0 : i32
        %dma_start3A_1081 = arith.constant 0 : i32
        %dma_start3A_1082 = tpu.memref_slice %arg2[%dma_start3A_1080, %dma_start3A_1081] : memref<1000000x32xf32, #tpu.memory_space<hbm>> -> memref<1000000x32xf32, #tpu.memory_space<hbm>>
        tpu.enqueue_indirect_dma source(%dma_start3A_1082 : memref<1000000x32xf32, #tpu.memory_space<hbm>>) target(%dma_start3A_1076 : memref<128x32xf32, #tpu.memory_space<vmem>>) offsets(%dma_start3A_1079 : memref<128xi32, #tpu.memory_space<vmem>>) semaphore(%arg14 : memref<!tpu.dma_semaphore, #tpu.memory_space<semaphore_mem>>)
        %dma_start3A_1083 = arith.constant 4 : i32
        %dma_start3A_1084 = arith.constant 4 : i32
        %dma_start3A_1085 = arith.constant 0 : i32
        %dma_start3A_1086 = arith.constant 0 : i32
        %dma_start3A_1087 = tpu.memref_slice %arg10[%dma_start3A_1084, %dma_start3A_1085, %dma_start3A_1086] : memref<5x128x32xf32, #tpu.memory_space<vmem>> -> memref<1x128x32xf32, #tpu.memory_space<vmem>>
        %dma_start3A_1088 = tpu.memref_squeeze %dma_start3A_1087 : memref<1x128x32xf32, #tpu.memory_space<vmem>> -> memref<128x32xf32, #tpu.memory_space<vmem>>
        %dma_start3A_1089 = arith.constant 0 : i32
        %dma_start3A_1090 = tpu.memref_slice %arg8[%dma_start3A_1083, %dma_start3A_1089] : memref<5x128xi32, #tpu.memory_space<vmem>> -> memref<1x128xi32, #tpu.memory_space<vmem>>
        %dma_start3A_1091 = tpu.memref_squeeze %dma_start3A_1090 : memref<1x128xi32, #tpu.memory_space<vmem>> -> memref<128xi32, #tpu.memory_space<vmem>>
        %dma_start3A_1092 = arith.constant 0 : i32
        %dma_start3A_1093 = arith.constant 0 : i32
        %dma_start3A_1094 = tpu.memref_slice %arg2[%dma_start3A_1092, %dma_start3A_1093] : memref<1000000x32xf32, #tpu.memory_space<hbm>> -> memref<1000000x32xf32, #tpu.memory_space<hbm>>
        tpu.enqueue_indirect_dma source(%dma_start3A_1094 : memref<1000000x32xf32, #tpu.memory_space<hbm>>) target(%dma_start3A_1088 : memref<128x32xf32, #tpu.memory_space<vmem>>) offsets(%dma_start3A_1091 : memref<128xi32, #tpu.memory_space<vmem>>) semaphore(%arg14 : memref<!tpu.dma_semaphore, #tpu.memory_space<semaphore_mem>>)
      } else {
      }
      %dma_wait3A_436 = arith.constant 0 : i32
      %dma_wait3A_437 = arith.constant 0 : i32
      %dma_wait3A_438 = arith.constant 0 : i32
      %dma_wait3A_439 = arith.constant 0 : i32
      %dma_wait3A_440 = tpu.memref_slice %arg9[%dma_wait3A_437, %dma_wait3A_438, %dma_wait3A_439] : memref<5x128x32xf32, #tpu.memory_space<vmem>> -> memref<1x128x32xf32, #tpu.memory_space<vmem>>
      %dma_wait3A_441 = tpu.memref_squeeze %dma_wait3A_440 : memref<1x128x32xf32, #tpu.memory_space<vmem>> -> memref<128x32xf32, #tpu.memory_space<vmem>>
      %dma_wait3A_442 = arith.constant 0 : i32
      %dma_wait3A_443 = tpu.memref_slice %arg7[%dma_wait3A_436, %dma_wait3A_442] : memref<5x128xi32, #tpu.memory_space<vmem>> -> memref<1x128xi32, #tpu.memory_space<vmem>>
      %dma_wait3A_444 = tpu.memref_squeeze %dma_wait3A_443 : memref<1x128xi32, #tpu.memory_space<vmem>> -> memref<128xi32, #tpu.memory_space<vmem>>
      %dma_wait3A_445 = arith.constant 0 : i32
      %dma_wait3A_446 = arith.constant 0 : i32
      %dma_wait3A_447 = tpu.memref_slice %arg2[%dma_wait3A_445, %dma_wait3A_446] : memref<1000000x32xf32, #tpu.memory_space<hbm>> -> memref<1000000x32xf32, #tpu.memory_space<hbm>>
      tpu.wait_indirect_dma semaphore(%arg13 : memref<!tpu.dma_semaphore, #tpu.memory_space<semaphore_mem>>) src(%dma_wait3A_447 : memref<1000000x32xf32, #tpu.memory_space<hbm>>) dst(%dma_wait3A_441 : memref<128x32xf32, #tpu.memory_space<vmem>>)
      %dma_wait3A_448 = arith.constant 1 : i32
      %dma_wait3A_449 = arith.constant 1 : i32
      %dma_wait3A_450 = arith.constant 0 : i32
      %dma_wait3A_451 = arith.constant 0 : i32
      %dma_wait3A_452 = tpu.memref_slice %arg9[%dma_wait3A_449, %dma_wait3A_450, %dma_wait3A_451] : memref<5x128x32xf32, #tpu.memory_space<vmem>> -> memref<1x128x32xf32, #tpu.memory_space<vmem>>
      %dma_wait3A_453 = tpu.memref_squeeze %dma_wait3A_452 : memref<1x128x32xf32, #tpu.memory_space<vmem>> -> memref<128x32xf32, #tpu.memory_space<vmem>>
      %dma_wait3A_454 = arith.constant 0 : i32
      %dma_wait3A_455 = tpu.memref_slice %arg7[%dma_wait3A_448, %dma_wait3A_454] : memref<5x128xi32, #tpu.memory_space<vmem>> -> memref<1x128xi32, #tpu.memory_space<vmem>>
      %dma_wait3A_456 = tpu.memref_squeeze %dma_wait3A_455 : memref<1x128xi32, #tpu.memory_space<vmem>> -> memref<128xi32, #tpu.memory_space<vmem>>
      %dma_wait3A_457 = arith.constant 0 : i32
      %dma_wait3A_458 = arith.constant 0 : i32
      %dma_wait3A_459 = tpu.memref_slice %arg2[%dma_wait3A_457, %dma_wait3A_458] : memref<1000000x32xf32, #tpu.memory_space<hbm>> -> memref<1000000x32xf32, #tpu.memory_space<hbm>>
      tpu.wait_indirect_dma semaphore(%arg13 : memref<!tpu.dma_semaphore, #tpu.memory_space<semaphore_mem>>) src(%dma_wait3A_459 : memref<1000000x32xf32, #tpu.memory_space<hbm>>) dst(%dma_wait3A_453 : memref<128x32xf32, #tpu.memory_space<vmem>>)
      %dma_wait3A_460 = arith.constant 2 : i32
      %dma_wait3A_461 = arith.constant 2 : i32
      %dma_wait3A_462 = arith.constant 0 : i32
      %dma_wait3A_463 = arith.constant 0 : i32
      %dma_wait3A_464 = tpu.memref_slice %arg9[%dma_wait3A_461, %dma_wait3A_462, %dma_wait3A_463] : memref<5x128x32xf32, #tpu.memory_space<vmem>> -> memref<1x128x32xf32, #tpu.memory_space<vmem>>
      %dma_wait3A_465 = tpu.memref_squeeze %dma_wait3A_464 : memref<1x128x32xf32, #tpu.memory_space<vmem>> -> memref<128x32xf32, #tpu.memory_space<vmem>>
      %dma_wait3A_466 = arith.constant 0 : i32
      %dma_wait3A_467 = tpu.memref_slice %arg7[%dma_wait3A_460, %dma_wait3A_466] : memref<5x128xi32, #tpu.memory_space<vmem>> -> memref<1x128xi32, #tpu.memory_space<vmem>>
      %dma_wait3A_468 = tpu.memref_squeeze %dma_wait3A_467 : memref<1x128xi32, #tpu.memory_space<vmem>> -> memref<128xi32, #tpu.memory_space<vmem>>
      %dma_wait3A_469 = arith.constant 0 : i32
      %dma_wait3A_470 = arith.constant 0 : i32
      %dma_wait3A_471 = tpu.memref_slice %arg2[%dma_wait3A_469, %dma_wait3A_470] : memref<1000000x32xf32, #tpu.memory_space<hbm>> -> memref<1000000x32xf32, #tpu.memory_space<hbm>>
      tpu.wait_indirect_dma semaphore(%arg13 : memref<!tpu.dma_semaphore, #tpu.memory_space<semaphore_mem>>) src(%dma_wait3A_471 : memref<1000000x32xf32, #tpu.memory_space<hbm>>) dst(%dma_wait3A_465 : memref<128x32xf32, #tpu.memory_space<vmem>>)
      %dma_wait3A_472 = arith.constant 3 : i32
      %dma_wait3A_473 = arith.constant 3 : i32
      %dma_wait3A_474 = arith.constant 0 : i32
      %dma_wait3A_475 = arith.constant 0 : i32
      %dma_wait3A_476 = tpu.memref_slice %arg9[%dma_wait3A_473, %dma_wait3A_474, %dma_wait3A_475] : memref<5x128x32xf32, #tpu.memory_space<vmem>> -> memref<1x128x32xf32, #tpu.memory_space<vmem>>
      %dma_wait3A_477 = tpu.memref_squeeze %dma_wait3A_476 : memref<1x128x32xf32, #tpu.memory_space<vmem>> -> memref<128x32xf32, #tpu.memory_space<vmem>>
      %dma_wait3A_478 = arith.constant 0 : i32
      %dma_wait3A_479 = tpu.memref_slice %arg7[%dma_wait3A_472, %dma_wait3A_478] : memref<5x128xi32, #tpu.memory_space<vmem>> -> memref<1x128xi32, #tpu.memory_space<vmem>>
      %dma_wait3A_480 = tpu.memref_squeeze %dma_wait3A_479 : memref<1x128xi32, #tpu.memory_space<vmem>> -> memref<128xi32, #tpu.memory_space<vmem>>
      %dma_wait3A_481 = arith.constant 0 : i32
      %dma_wait3A_482 = arith.constant 0 : i32
      %dma_wait3A_483 = tpu.memref_slice %arg2[%dma_wait3A_481, %dma_wait3A_482] : memref<1000000x32xf32, #tpu.memory_space<hbm>> -> memref<1000000x32xf32, #tpu.memory_space<hbm>>
      tpu.wait_indirect_dma semaphore(%arg13 : memref<!tpu.dma_semaphore, #tpu.memory_space<semaphore_mem>>) src(%dma_wait3A_483 : memref<1000000x32xf32, #tpu.memory_space<hbm>>) dst(%dma_wait3A_477 : memref<128x32xf32, #tpu.memory_space<vmem>>)
      %dma_wait3A_484 = arith.constant 4 : i32
      %dma_wait3A_485 = arith.constant 4 : i32
      %dma_wait3A_486 = arith.constant 0 : i32
      %dma_wait3A_487 = arith.constant 0 : i32
      %dma_wait3A_488 = tpu.memref_slice %arg9[%dma_wait3A_485, %dma_wait3A_486, %dma_wait3A_487] : memref<5x128x32xf32, #tpu.memory_space<vmem>> -> memref<1x128x32xf32, #tpu.memory_space<vmem>>
      %dma_wait3A_489 = tpu.memref_squeeze %dma_wait3A_488 : memref<1x128x32xf32, #tpu.memory_space<vmem>> -> memref<128x32xf32, #tpu.memory_space<vmem>>
      %dma_wait3A_490 = arith.constant 0 : i32
      %dma_wait3A_491 = tpu.memref_slice %arg7[%dma_wait3A_484, %dma_wait3A_490] : memref<5x128xi32, #tpu.memory_space<vmem>> -> memref<1x128xi32, #tpu.memory_space<vmem>>
      %dma_wait3A_492 = tpu.memref_squeeze %dma_wait3A_491 : memref<1x128xi32, #tpu.memory_space<vmem>> -> memref<128xi32, #tpu.memory_space<vmem>>
      %dma_wait3A_493 = arith.constant 0 : i32
      %dma_wait3A_494 = arith.constant 0 : i32
      %dma_wait3A_495 = tpu.memref_slice %arg2[%dma_wait3A_493, %dma_wait3A_494] : memref<1000000x32xf32, #tpu.memory_space<hbm>> -> memref<1000000x32xf32, #tpu.memory_space<hbm>>
      tpu.wait_indirect_dma semaphore(%arg13 : memref<!tpu.dma_semaphore, #tpu.memory_space<semaphore_mem>>) src(%dma_wait3A_495 : memref<1000000x32xf32, #tpu.memory_space<hbm>>) dst(%dma_wait3A_489 : memref<128x32xf32, #tpu.memory_space<vmem>>)
      %ge3A = arith.constant 2 : i32
      %ge3A_496 = arith.cmpi sge, %mul3A_431, %ge3A : i32
      %convert_element_type3A_497 = arith.extui %ge3A_496 : i1 to i32
      %cond3A_498 = arith.constant 0 : i32
      %cond3A_499 = arith.cmpi ne, %convert_element_type3A_497, %cond3A_498 : i32
      scf.if %cond3A_499 {
        %sub3A_663 = arith.constant 2 : i32
        %sub3A_664 = arith.subi %mul3A_431, %sub3A_663 : i32
        %jit3A_665 = arith.constant 10 : i32
        %div3A_666 = arith.divsi %sub3A_664, %jit3A_665 : i32
        %sign3A_667 = arith.constant 0 : i32
        %sign3A_668 = arith.cmpi sgt, %sub3A_664, %sign3A_667 : i32
        %sign3A_669 = arith.extui %sign3A_668 : i1 to i32
        %sign3A_670 = arith.constant 0 : i32
        %sign3A_671 = arith.cmpi slt, %sub3A_664, %sign3A_670 : i32
        %sign3A_672 = arith.extui %sign3A_671 : i1 to i32
        %sign3A_673 = arith.subi %sign3A_669, %sign3A_672 : i32
        %sign3A_674 = arith.constant 0 : i32
        %sign3A_675 = arith.cmpi sgt, %jit3A_665, %sign3A_674 : i32
        %sign3A_676 = arith.extui %sign3A_675 : i1 to i32
        %sign3A_677 = arith.constant 0 : i32
        %sign3A_678 = arith.cmpi slt, %jit3A_665, %sign3A_677 : i32
        %sign3A_679 = arith.extui %sign3A_678 : i1 to i32
        %sign3A_680 = arith.subi %sign3A_676, %sign3A_679 : i32
        %ne3A_681 = arith.cmpi ne, %sign3A_673, %sign3A_680 : i32
        %rem3A_682 = arith.remsi %sub3A_664, %jit3A_665 : i32
        %ne3A_683 = arith.constant 0 : i32
        %ne3A_684 = arith.cmpi ne, %rem3A_682, %ne3A_683 : i32
        %and3A_685 = arith.andi %ne3A_681, %ne3A_684 : i1
        %sub3A_686 = arith.constant 1 : i32
        %sub3A_687 = arith.subi %div3A_666, %sub3A_686 : i32
        %select_n3A_688 = arith.select %and3A_685, %sub3A_687, %div3A_666 : i32
        %mul3A_689 = arith.constant 10 : i32
        %mul3A_690 = arith.muli %select_n3A_688, %mul3A_689 : i32
        %sub3A_691 = arith.subi %sub3A_664, %mul3A_690 : i32
        %mul3A_692 = arith.constant 5 : i32
        %mul3A_693 = arith.muli %sub3A_691, %mul3A_692 : i32
        %mul3A_694 = arith.constant 4 : i32
        %mul3A_695 = arith.muli %add3A, %mul3A_694 : i32
        %add3A_696 = arith.addi %mul3A_695, %select_n3A_688 : i32
        %dma_wait3A_697 = arith.constant 0 : i32
        %dma_wait3A_698 = arith.constant 0 : i32
        %dma_wait3A_699 = arith.constant 0 : i32
        %dma_wait3A_700 = tpu.memref_slice %arg4[%mul3A_693, %dma_wait3A_697, %add3A_696, %dma_wait3A_698, %dma_wait3A_699] : memref<50x4x128x8x128xf32, #tpu.memory_space<hbm>> -> memref<5x4x1x8x128xf32, #tpu.memory_space<hbm>>
        %dma_wait3A_701 = arith.constant 0 : i32
        %dma_wait3A_702 = arith.constant 0 : i32
        %dma_wait3A_703 = arith.constant 0 : i32
        %dma_wait3A_704 = tpu.memref_slice %arg4[%mul3A_693, %dma_wait3A_701, %add3A_696, %dma_wait3A_702, %dma_wait3A_703] : memref<50x4x128x8x128xf32, #tpu.memory_space<hbm>> -> memref<5x4x1x8x128xf32, #tpu.memory_space<hbm>>
        tpu.wait_dma2 semaphore(%arg15 : memref<!tpu.dma_semaphore, #tpu.memory_space<semaphore_mem>>) src(%arg11 : memref<5x4x1x8x128xf32, #tpu.memory_space<vmem>>) dst(%dma_wait3A_704 : memref<5x4x1x8x128xf32, #tpu.memory_space<hbm>>)
      } else {
      }
      %scan3A_500 = arith.constant 0 : i32
      %scan3A_501 = arith.constant 0 : i32
      %scan3A_502 = arith.constant 40 : i32
      %scan3A_503 = arith.addi %scan3A_501, %scan3A_502 : i32
      %scan3A_504 = arith.constant 1 : i32
      %scan3A_505 = scf.for %scan3A_663 = %scan3A_501 to %scan3A_503 step %scan3A_504 iter_args(%scan3A_664 = %scan3A_500) -> (i32)  : i32 {
        %jit3A_665 = arith.constant 8 : i32
        %div3A_666 = arith.divsi %scan3A_663, %jit3A_665 : i32
        %sign3A_667 = arith.constant 0 : i32
        %sign3A_668 = arith.cmpi sgt, %scan3A_663, %sign3A_667 : i32
        %sign3A_669 = arith.extui %sign3A_668 : i1 to i32
        %sign3A_670 = arith.constant 0 : i32
        %sign3A_671 = arith.cmpi slt, %scan3A_663, %sign3A_670 : i32
        %sign3A_672 = arith.extui %sign3A_671 : i1 to i32
        %sign3A_673 = arith.subi %sign3A_669, %sign3A_672 : i32
        %sign3A_674 = arith.constant 0 : i32
        %sign3A_675 = arith.cmpi sgt, %jit3A_665, %sign3A_674 : i32
        %sign3A_676 = arith.extui %sign3A_675 : i1 to i32
        %sign3A_677 = arith.constant 0 : i32
        %sign3A_678 = arith.cmpi slt, %jit3A_665, %sign3A_677 : i32
        %sign3A_679 = arith.extui %sign3A_678 : i1 to i32
        %sign3A_680 = arith.subi %sign3A_676, %sign3A_679 : i32
        %ne3A_681 = arith.cmpi ne, %sign3A_673, %sign3A_680 : i32
        %rem3A_682 = arith.remsi %scan3A_663, %jit3A_665 : i32
        %ne3A_683 = arith.constant 0 : i32
        %ne3A_684 = arith.cmpi ne, %rem3A_682, %ne3A_683 : i32
        %and3A_685 = arith.andi %ne3A_681, %ne3A_684 : i1
        %sub3A_686 = arith.constant 1 : i32
        %sub3A_687 = arith.subi %div3A_666, %sub3A_686 : i32
        %select_n3A_688 = arith.select %and3A_685, %sub3A_687, %div3A_666 : i32
        %broadcast_in_dim3A_689 = vector.broadcast %select_n3A_688 : i32 to vector<16xi32>
        %mul3A_690 = arith.constant 8 : i32
        %mul3A_691 = arith.muli %select_n3A_688, %mul3A_690 : i32
        %sub3A_692 = arith.subi %scan3A_663, %mul3A_691 : i32
        %mul3A_693 = arith.constant 16 : i32
        %mul3A_694 = arith.muli %sub3A_692, %mul3A_693 : i32
        %add3A_695 = vector.broadcast %mul3A_694 : i32 to vector<16xi32>
        %add3A_696 = arith.addi %add3A_695, %iota3A : vector<16xi32>
        %broadcast_in_dim3A_697 = arith.constant 1.000000e-24 : f32
        %broadcast_in_dim3A_698 = vector.broadcast %broadcast_in_dim3A_697 : f32 to vector<16xf32>
        %add3A_699 = arith.constant 0 : i32
        %add3A_700 = vector.broadcast %add3A_699 : i32 to vector<16xi32>
        %add3A_701 = arith.addi %iota3A, %add3A_700 : vector<16xi32>
        %and3A_702 = arith.constant 31 : i32
        %and3A_703 = vector.broadcast %and3A_702 : i32 to vector<16xi32>
        %and3A_704 = arith.andi %add3A_701, %and3A_703 : vector<16xi32>
        %add3A_705 = arith.constant 1 : i32
        %add3A_706 = vector.broadcast %add3A_705 : i32 to vector<16xi32>
        %add3A_707 = arith.addi %iota3A, %add3A_706 : vector<16xi32>
        %and3A_708 = arith.constant 31 : i32
        %and3A_709 = vector.broadcast %and3A_708 : i32 to vector<16xi32>
        %and3A_710 = arith.andi %add3A_707, %and3A_709 : vector<16xi32>
        %add3A_711 = arith.constant 2 : i32
        %add3A_712 = vector.broadcast %add3A_711 : i32 to vector<16xi32>
        %add3A_713 = arith.addi %iota3A, %add3A_712 : vector<16xi32>
        %and3A_714 = arith.constant 31 : i32
        %and3A_715 = vector.broadcast %and3A_714 : i32 to vector<16xi32>
        %and3A_716 = arith.andi %add3A_713, %and3A_715 : vector<16xi32>
        %add3A_717 = arith.constant 3 : i32
        %add3A_718 = vector.broadcast %add3A_717 : i32 to vector<16xi32>
        %add3A_719 = arith.addi %iota3A, %add3A_718 : vector<16xi32>
        %and3A_720 = arith.constant 31 : i32
        %and3A_721 = vector.broadcast %and3A_720 : i32 to vector<16xi32>
        %and3A_722 = arith.andi %add3A_719, %and3A_721 : vector<16xi32>
        %add3A_723 = arith.constant 4 : i32
        %add3A_724 = vector.broadcast %add3A_723 : i32 to vector<16xi32>
        %add3A_725 = arith.addi %iota3A, %add3A_724 : vector<16xi32>
        %and3A_726 = arith.constant 31 : i32
        %and3A_727 = vector.broadcast %and3A_726 : i32 to vector<16xi32>
        %and3A_728 = arith.andi %add3A_725, %and3A_727 : vector<16xi32>
        %add3A_729 = arith.constant 5 : i32
        %add3A_730 = vector.broadcast %add3A_729 : i32 to vector<16xi32>
        %add3A_731 = arith.addi %iota3A, %add3A_730 : vector<16xi32>
        %and3A_732 = arith.constant 31 : i32
        %and3A_733 = vector.broadcast %and3A_732 : i32 to vector<16xi32>
        %and3A_734 = arith.andi %add3A_731, %and3A_733 : vector<16xi32>
        %add3A_735 = arith.constant 6 : i32
        %add3A_736 = vector.broadcast %add3A_735 : i32 to vector<16xi32>
        %add3A_737 = arith.addi %iota3A, %add3A_736 : vector<16xi32>
        %and3A_738 = arith.constant 31 : i32
        %and3A_739 = vector.broadcast %and3A_738 : i32 to vector<16xi32>
        %and3A_740 = arith.andi %add3A_737, %and3A_739 : vector<16xi32>
        %add3A_741 = arith.constant 7 : i32
        %add3A_742 = vector.broadcast %add3A_741 : i32 to vector<16xi32>
        %add3A_743 = arith.addi %iota3A, %add3A_742 : vector<16xi32>
        %and3A_744 = arith.constant 31 : i32
        %and3A_745 = vector.broadcast %and3A_744 : i32 to vector<16xi32>
        %and3A_746 = arith.andi %add3A_743, %and3A_745 : vector<16xi32>
        %add3A_747 = arith.constant 8 : i32
        %add3A_748 = vector.broadcast %add3A_747 : i32 to vector<16xi32>
        %add3A_749 = arith.addi %iota3A, %add3A_748 : vector<16xi32>
        %and3A_750 = arith.constant 31 : i32
        %and3A_751 = vector.broadcast %and3A_750 : i32 to vector<16xi32>
        %and3A_752 = arith.andi %add3A_749, %and3A_751 : vector<16xi32>
        %add3A_753 = arith.constant 9 : i32
        %add3A_754 = vector.broadcast %add3A_753 : i32 to vector<16xi32>
        %add3A_755 = arith.addi %iota3A, %add3A_754 : vector<16xi32>
        %and3A_756 = arith.constant 31 : i32
        %and3A_757 = vector.broadcast %and3A_756 : i32 to vector<16xi32>
        %and3A_758 = arith.andi %add3A_755, %and3A_757 : vector<16xi32>
        %add3A_759 = arith.constant 10 : i32
        %add3A_760 = vector.broadcast %add3A_759 : i32 to vector<16xi32>
        %add3A_761 = arith.addi %iota3A, %add3A_760 : vector<16xi32>
        %and3A_762 = arith.constant 31 : i32
        %and3A_763 = vector.broadcast %and3A_762 : i32 to vector<16xi32>
        %and3A_764 = arith.andi %add3A_761, %and3A_763 : vector<16xi32>
        %add3A_765 = arith.constant 11 : i32
        %add3A_766 = vector.broadcast %add3A_765 : i32 to vector<16xi32>
        %add3A_767 = arith.addi %iota3A, %add3A_766 : vector<16xi32>
        %and3A_768 = arith.constant 31 : i32
        %and3A_769 = vector.broadcast %and3A_768 : i32 to vector<16xi32>
        %and3A_770 = arith.andi %add3A_767, %and3A_769 : vector<16xi32>
        %add3A_771 = arith.constant 12 : i32
        %add3A_772 = vector.broadcast %add3A_771 : i32 to vector<16xi32>
        %add3A_773 = arith.addi %iota3A, %add3A_772 : vector<16xi32>
        %and3A_774 = arith.constant 31 : i32
        %and3A_775 = vector.broadcast %and3A_774 : i32 to vector<16xi32>
        %and3A_776 = arith.andi %add3A_773, %and3A_775 : vector<16xi32>
        %add3A_777 = arith.constant 13 : i32
        %add3A_778 = vector.broadcast %add3A_777 : i32 to vector<16xi32>
        %add3A_779 = arith.addi %iota3A, %add3A_778 : vector<16xi32>
        %and3A_780 = arith.constant 31 : i32
        %and3A_781 = vector.broadcast %and3A_780 : i32 to vector<16xi32>
        %and3A_782 = arith.andi %add3A_779, %and3A_781 : vector<16xi32>
        %add3A_783 = arith.constant 14 : i32
        %add3A_784 = vector.broadcast %add3A_783 : i32 to vector<16xi32>
        %add3A_785 = arith.addi %iota3A, %add3A_784 : vector<16xi32>
        %and3A_786 = arith.constant 31 : i32
        %and3A_787 = vector.broadcast %and3A_786 : i32 to vector<16xi32>
        %and3A_788 = arith.andi %add3A_785, %and3A_787 : vector<16xi32>
        %add3A_789 = arith.constant 15 : i32
        %add3A_790 = vector.broadcast %add3A_789 : i32 to vector<16xi32>
        %add3A_791 = arith.addi %iota3A, %add3A_790 : vector<16xi32>
        %and3A_792 = arith.constant 31 : i32
        %and3A_793 = vector.broadcast %and3A_792 : i32 to vector<16xi32>
        %and3A_794 = arith.andi %add3A_791, %and3A_793 : vector<16xi32>
        %add3A_795 = arith.constant 16 : i32
        %add3A_796 = vector.broadcast %add3A_795 : i32 to vector<16xi32>
        %add3A_797 = arith.addi %iota3A, %add3A_796 : vector<16xi32>
        %and3A_798 = arith.constant 31 : i32
        %and3A_799 = vector.broadcast %and3A_798 : i32 to vector<16xi32>
        %and3A_800 = arith.andi %add3A_797, %and3A_799 : vector<16xi32>
        %add3A_801 = arith.constant 17 : i32
        %add3A_802 = vector.broadcast %add3A_801 : i32 to vector<16xi32>
        %add3A_803 = arith.addi %iota3A, %add3A_802 : vector<16xi32>
        %and3A_804 = arith.constant 31 : i32
        %and3A_805 = vector.broadcast %and3A_804 : i32 to vector<16xi32>
        %and3A_806 = arith.andi %add3A_803, %and3A_805 : vector<16xi32>
        %add3A_807 = arith.constant 18 : i32
        %add3A_808 = vector.broadcast %add3A_807 : i32 to vector<16xi32>
        %add3A_809 = arith.addi %iota3A, %add3A_808 : vector<16xi32>
        %and3A_810 = arith.constant 31 : i32
        %and3A_811 = vector.broadcast %and3A_810 : i32 to vector<16xi32>
        %and3A_812 = arith.andi %add3A_809, %and3A_811 : vector<16xi32>
        %add3A_813 = arith.constant 19 : i32
        %add3A_814 = vector.broadcast %add3A_813 : i32 to vector<16xi32>
        %add3A_815 = arith.addi %iota3A, %add3A_814 : vector<16xi32>
        %and3A_816 = arith.constant 31 : i32
        %and3A_817 = vector.broadcast %and3A_816 : i32 to vector<16xi32>
        %and3A_818 = arith.andi %add3A_815, %and3A_817 : vector<16xi32>
        %add3A_819 = arith.constant 20 : i32
        %add3A_820 = vector.broadcast %add3A_819 : i32 to vector<16xi32>
        %add3A_821 = arith.addi %iota3A, %add3A_820 : vector<16xi32>
        %and3A_822 = arith.constant 31 : i32
        %and3A_823 = vector.broadcast %and3A_822 : i32 to vector<16xi32>
        %and3A_824 = arith.andi %add3A_821, %and3A_823 : vector<16xi32>
        %add3A_825 = arith.constant 21 : i32
        %add3A_826 = vector.broadcast %add3A_825 : i32 to vector<16xi32>
        %add3A_827 = arith.addi %iota3A, %add3A_826 : vector<16xi32>
        %and3A_828 = arith.constant 31 : i32
        %and3A_829 = vector.broadcast %and3A_828 : i32 to vector<16xi32>
        %and3A_830 = arith.andi %add3A_827, %and3A_829 : vector<16xi32>
        %add3A_831 = arith.constant 22 : i32
        %add3A_832 = vector.broadcast %add3A_831 : i32 to vector<16xi32>
        %add3A_833 = arith.addi %iota3A, %add3A_832 : vector<16xi32>
        %and3A_834 = arith.constant 31 : i32
        %and3A_835 = vector.broadcast %and3A_834 : i32 to vector<16xi32>
        %and3A_836 = arith.andi %add3A_833, %and3A_835 : vector<16xi32>
        %add3A_837 = arith.constant 23 : i32
        %add3A_838 = vector.broadcast %add3A_837 : i32 to vector<16xi32>
        %add3A_839 = arith.addi %iota3A, %add3A_838 : vector<16xi32>
        %and3A_840 = arith.constant 31 : i32
        %and3A_841 = vector.broadcast %and3A_840 : i32 to vector<16xi32>
        %and3A_842 = arith.andi %add3A_839, %and3A_841 : vector<16xi32>
        %add3A_843 = arith.constant 24 : i32
        %add3A_844 = vector.broadcast %add3A_843 : i32 to vector<16xi32>
        %add3A_845 = arith.addi %iota3A, %add3A_844 : vector<16xi32>
        %and3A_846 = arith.constant 31 : i32
        %and3A_847 = vector.broadcast %and3A_846 : i32 to vector<16xi32>
        %and3A_848 = arith.andi %add3A_845, %and3A_847 : vector<16xi32>
        %add3A_849 = arith.constant 25 : i32
        %add3A_850 = vector.broadcast %add3A_849 : i32 to vector<16xi32>
        %add3A_851 = arith.addi %iota3A, %add3A_850 : vector<16xi32>
        %and3A_852 = arith.constant 31 : i32
        %and3A_853 = vector.broadcast %and3A_852 : i32 to vector<16xi32>
        %and3A_854 = arith.andi %add3A_851, %and3A_853 : vector<16xi32>
        %add3A_855 = arith.constant 26 : i32
        %add3A_856 = vector.broadcast %add3A_855 : i32 to vector<16xi32>
        %add3A_857 = arith.addi %iota3A, %add3A_856 : vector<16xi32>
        %and3A_858 = arith.constant 31 : i32
        %and3A_859 = vector.broadcast %and3A_858 : i32 to vector<16xi32>
        %and3A_860 = arith.andi %add3A_857, %and3A_859 : vector<16xi32>
        %add3A_861 = arith.constant 27 : i32
        %add3A_862 = vector.broadcast %add3A_861 : i32 to vector<16xi32>
        %add3A_863 = arith.addi %iota3A, %add3A_862 : vector<16xi32>
        %and3A_864 = arith.constant 31 : i32
        %and3A_865 = vector.broadcast %and3A_864 : i32 to vector<16xi32>
        %and3A_866 = arith.andi %add3A_863, %and3A_865 : vector<16xi32>
        %add3A_867 = arith.constant 28 : i32
        %add3A_868 = vector.broadcast %add3A_867 : i32 to vector<16xi32>
        %add3A_869 = arith.addi %iota3A, %add3A_868 : vector<16xi32>
        %and3A_870 = arith.constant 31 : i32
        %and3A_871 = vector.broadcast %and3A_870 : i32 to vector<16xi32>
        %and3A_872 = arith.andi %add3A_869, %and3A_871 : vector<16xi32>
        %add3A_873 = arith.constant 29 : i32
        %add3A_874 = vector.broadcast %add3A_873 : i32 to vector<16xi32>
        %add3A_875 = arith.addi %iota3A, %add3A_874 : vector<16xi32>
        %and3A_876 = arith.constant 31 : i32
        %and3A_877 = vector.broadcast %and3A_876 : i32 to vector<16xi32>
        %and3A_878 = arith.andi %add3A_875, %and3A_877 : vector<16xi32>
        %add3A_879 = arith.constant 30 : i32
        %add3A_880 = vector.broadcast %add3A_879 : i32 to vector<16xi32>
        %add3A_881 = arith.addi %iota3A, %add3A_880 : vector<16xi32>
        %and3A_882 = arith.constant 31 : i32
        %and3A_883 = vector.broadcast %and3A_882 : i32 to vector<16xi32>
        %and3A_884 = arith.andi %add3A_881, %and3A_883 : vector<16xi32>
        %add3A_885 = arith.constant 31 : i32
        %add3A_886 = vector.broadcast %add3A_885 : i32 to vector<16xi32>
        %add3A_887 = arith.addi %iota3A, %add3A_886 : vector<16xi32>
        %and3A_888 = arith.constant 31 : i32
        %and3A_889 = vector.broadcast %and3A_888 : i32 to vector<16xi32>
        %and3A_890 = arith.andi %add3A_887, %and3A_889 : vector<16xi32>
        %gather3A_891 = tpu.vector_load_idx %arg9[%broadcast_in_dim3A_689, %add3A_696, %and3A_704] : memref<5x128x32xf32, #tpu.memory_space<vmem>>[vector<16xi32>, vector<16xi32>, vector<16xi32>], vector<16xf32>,
        %mul3A_892 = arith.mulf %gather3A_891, %gather3A_891 : vector<16xf32>
        %add3A_893 = arith.addf %broadcast_in_dim3A_698, %mul3A_892 : vector<16xf32>
        %gather3A_894 = tpu.vector_load_idx %arg9[%broadcast_in_dim3A_689, %add3A_696, %and3A_710] : memref<5x128x32xf32, #tpu.memory_space<vmem>>[vector<16xi32>, vector<16xi32>, vector<16xi32>], vector<16xf32>,
        %mul3A_895 = arith.mulf %gather3A_894, %gather3A_894 : vector<16xf32>
        %add3A_896 = arith.addf %add3A_893, %mul3A_895 : vector<16xf32>
        %gather3A_897 = tpu.vector_load_idx %arg9[%broadcast_in_dim3A_689, %add3A_696, %and3A_716] : memref<5x128x32xf32, #tpu.memory_space<vmem>>[vector<16xi32>, vector<16xi32>, vector<16xi32>], vector<16xf32>,
        %mul3A_898 = arith.mulf %gather3A_897, %gather3A_897 : vector<16xf32>
        %add3A_899 = arith.addf %add3A_896, %mul3A_898 : vector<16xf32>
        %gather3A_900 = tpu.vector_load_idx %arg9[%broadcast_in_dim3A_689, %add3A_696, %and3A_722] : memref<5x128x32xf32, #tpu.memory_space<vmem>>[vector<16xi32>, vector<16xi32>, vector<16xi32>], vector<16xf32>,
        %mul3A_901 = arith.mulf %gather3A_900, %gather3A_900 : vector<16xf32>
        %add3A_902 = arith.addf %add3A_899, %mul3A_901 : vector<16xf32>
        %gather3A_903 = tpu.vector_load_idx %arg9[%broadcast_in_dim3A_689, %add3A_696, %and3A_728] : memref<5x128x32xf32, #tpu.memory_space<vmem>>[vector<16xi32>, vector<16xi32>, vector<16xi32>], vector<16xf32>,
        %mul3A_904 = arith.mulf %gather3A_903, %gather3A_903 : vector<16xf32>
        %add3A_905 = arith.addf %add3A_902, %mul3A_904 : vector<16xf32>
        %gather3A_906 = tpu.vector_load_idx %arg9[%broadcast_in_dim3A_689, %add3A_696, %and3A_734] : memref<5x128x32xf32, #tpu.memory_space<vmem>>[vector<16xi32>, vector<16xi32>, vector<16xi32>], vector<16xf32>,
        %mul3A_907 = arith.mulf %gather3A_906, %gather3A_906 : vector<16xf32>
        %add3A_908 = arith.addf %add3A_905, %mul3A_907 : vector<16xf32>
        %gather3A_909 = tpu.vector_load_idx %arg9[%broadcast_in_dim3A_689, %add3A_696, %and3A_740] : memref<5x128x32xf32, #tpu.memory_space<vmem>>[vector<16xi32>, vector<16xi32>, vector<16xi32>], vector<16xf32>,
        %mul3A_910 = arith.mulf %gather3A_909, %gather3A_909 : vector<16xf32>
        %add3A_911 = arith.addf %add3A_908, %mul3A_910 : vector<16xf32>
        %gather3A_912 = tpu.vector_load_idx %arg9[%broadcast_in_dim3A_689, %add3A_696, %and3A_746] : memref<5x128x32xf32, #tpu.memory_space<vmem>>[vector<16xi32>, vector<16xi32>, vector<16xi32>], vector<16xf32>,
        %mul3A_913 = arith.mulf %gather3A_912, %gather3A_912 : vector<16xf32>
        %add3A_914 = arith.addf %add3A_911, %mul3A_913 : vector<16xf32>
        %gather3A_915 = tpu.vector_load_idx %arg9[%broadcast_in_dim3A_689, %add3A_696, %and3A_752] : memref<5x128x32xf32, #tpu.memory_space<vmem>>[vector<16xi32>, vector<16xi32>, vector<16xi32>], vector<16xf32>,
        %mul3A_916 = arith.mulf %gather3A_915, %gather3A_915 : vector<16xf32>
        %add3A_917 = arith.addf %add3A_914, %mul3A_916 : vector<16xf32>
        %gather3A_918 = tpu.vector_load_idx %arg9[%broadcast_in_dim3A_689, %add3A_696, %and3A_758] : memref<5x128x32xf32, #tpu.memory_space<vmem>>[vector<16xi32>, vector<16xi32>, vector<16xi32>], vector<16xf32>,
        %mul3A_919 = arith.mulf %gather3A_918, %gather3A_918 : vector<16xf32>
        %add3A_920 = arith.addf %add3A_917, %mul3A_919 : vector<16xf32>
        %gather3A_921 = tpu.vector_load_idx %arg9[%broadcast_in_dim3A_689, %add3A_696, %and3A_764] : memref<5x128x32xf32, #tpu.memory_space<vmem>>[vector<16xi32>, vector<16xi32>, vector<16xi32>], vector<16xf32>,
        %mul3A_922 = arith.mulf %gather3A_921, %gather3A_921 : vector<16xf32>
        %add3A_923 = arith.addf %add3A_920, %mul3A_922 : vector<16xf32>
        %gather3A_924 = tpu.vector_load_idx %arg9[%broadcast_in_dim3A_689, %add3A_696, %and3A_770] : memref<5x128x32xf32, #tpu.memory_space<vmem>>[vector<16xi32>, vector<16xi32>, vector<16xi32>], vector<16xf32>,
        %mul3A_925 = arith.mulf %gather3A_924, %gather3A_924 : vector<16xf32>
        %add3A_926 = arith.addf %add3A_923, %mul3A_925 : vector<16xf32>
        %gather3A_927 = tpu.vector_load_idx %arg9[%broadcast_in_dim3A_689, %add3A_696, %and3A_776] : memref<5x128x32xf32, #tpu.memory_space<vmem>>[vector<16xi32>, vector<16xi32>, vector<16xi32>], vector<16xf32>,
        %mul3A_928 = arith.mulf %gather3A_927, %gather3A_927 : vector<16xf32>
        %add3A_929 = arith.addf %add3A_926, %mul3A_928 : vector<16xf32>
        %gather3A_930 = tpu.vector_load_idx %arg9[%broadcast_in_dim3A_689, %add3A_696, %and3A_782] : memref<5x128x32xf32, #tpu.memory_space<vmem>>[vector<16xi32>, vector<16xi32>, vector<16xi32>], vector<16xf32>,
        %mul3A_931 = arith.mulf %gather3A_930, %gather3A_930 : vector<16xf32>
        %add3A_932 = arith.addf %add3A_929, %mul3A_931 : vector<16xf32>
        %gather3A_933 = tpu.vector_load_idx %arg9[%broadcast_in_dim3A_689, %add3A_696, %and3A_788] : memref<5x128x32xf32, #tpu.memory_space<vmem>>[vector<16xi32>, vector<16xi32>, vector<16xi32>], vector<16xf32>,
        %mul3A_934 = arith.mulf %gather3A_933, %gather3A_933 : vector<16xf32>
        %add3A_935 = arith.addf %add3A_932, %mul3A_934 : vector<16xf32>
        %gather3A_936 = tpu.vector_load_idx %arg9[%broadcast_in_dim3A_689, %add3A_696, %and3A_794] : memref<5x128x32xf32, #tpu.memory_space<vmem>>[vector<16xi32>, vector<16xi32>, vector<16xi32>], vector<16xf32>,
        %mul3A_937 = arith.mulf %gather3A_936, %gather3A_936 : vector<16xf32>
        %add3A_938 = arith.addf %add3A_935, %mul3A_937 : vector<16xf32>
        %gather3A_939 = tpu.vector_load_idx %arg9[%broadcast_in_dim3A_689, %add3A_696, %and3A_800] : memref<5x128x32xf32, #tpu.memory_space<vmem>>[vector<16xi32>, vector<16xi32>, vector<16xi32>], vector<16xf32>,
        %mul3A_940 = arith.mulf %gather3A_939, %gather3A_939 : vector<16xf32>
        %add3A_941 = arith.addf %add3A_938, %mul3A_940 : vector<16xf32>
        %gather3A_942 = tpu.vector_load_idx %arg9[%broadcast_in_dim3A_689, %add3A_696, %and3A_806] : memref<5x128x32xf32, #tpu.memory_space<vmem>>[vector<16xi32>, vector<16xi32>, vector<16xi32>], vector<16xf32>,
        %mul3A_943 = arith.mulf %gather3A_942, %gather3A_942 : vector<16xf32>
        %add3A_944 = arith.addf %add3A_941, %mul3A_943 : vector<16xf32>
        %gather3A_945 = tpu.vector_load_idx %arg9[%broadcast_in_dim3A_689, %add3A_696, %and3A_812] : memref<5x128x32xf32, #tpu.memory_space<vmem>>[vector<16xi32>, vector<16xi32>, vector<16xi32>], vector<16xf32>,
        %mul3A_946 = arith.mulf %gather3A_945, %gather3A_945 : vector<16xf32>
        %add3A_947 = arith.addf %add3A_944, %mul3A_946 : vector<16xf32>
        %gather3A_948 = tpu.vector_load_idx %arg9[%broadcast_in_dim3A_689, %add3A_696, %and3A_818] : memref<5x128x32xf32, #tpu.memory_space<vmem>>[vector<16xi32>, vector<16xi32>, vector<16xi32>], vector<16xf32>,
        %mul3A_949 = arith.mulf %gather3A_948, %gather3A_948 : vector<16xf32>
        %add3A_950 = arith.addf %add3A_947, %mul3A_949 : vector<16xf32>
        %gather3A_951 = tpu.vector_load_idx %arg9[%broadcast_in_dim3A_689, %add3A_696, %and3A_824] : memref<5x128x32xf32, #tpu.memory_space<vmem>>[vector<16xi32>, vector<16xi32>, vector<16xi32>], vector<16xf32>,
        %mul3A_952 = arith.mulf %gather3A_951, %gather3A_951 : vector<16xf32>
        %add3A_953 = arith.addf %add3A_950, %mul3A_952 : vector<16xf32>
        %gather3A_954 = tpu.vector_load_idx %arg9[%broadcast_in_dim3A_689, %add3A_696, %and3A_830] : memref<5x128x32xf32, #tpu.memory_space<vmem>>[vector<16xi32>, vector<16xi32>, vector<16xi32>], vector<16xf32>,
        %mul3A_955 = arith.mulf %gather3A_954, %gather3A_954 : vector<16xf32>
        %add3A_956 = arith.addf %add3A_953, %mul3A_955 : vector<16xf32>
        %gather3A_957 = tpu.vector_load_idx %arg9[%broadcast_in_dim3A_689, %add3A_696, %and3A_836] : memref<5x128x32xf32, #tpu.memory_space<vmem>>[vector<16xi32>, vector<16xi32>, vector<16xi32>], vector<16xf32>,
        %mul3A_958 = arith.mulf %gather3A_957, %gather3A_957 : vector<16xf32>
        %add3A_959 = arith.addf %add3A_956, %mul3A_958 : vector<16xf32>
        %gather3A_960 = tpu.vector_load_idx %arg9[%broadcast_in_dim3A_689, %add3A_696, %and3A_842] : memref<5x128x32xf32, #tpu.memory_space<vmem>>[vector<16xi32>, vector<16xi32>, vector<16xi32>], vector<16xf32>,
        %mul3A_961 = arith.mulf %gather3A_960, %gather3A_960 : vector<16xf32>
        %add3A_962 = arith.addf %add3A_959, %mul3A_961 : vector<16xf32>
        %gather3A_963 = tpu.vector_load_idx %arg9[%broadcast_in_dim3A_689, %add3A_696, %and3A_848] : memref<5x128x32xf32, #tpu.memory_space<vmem>>[vector<16xi32>, vector<16xi32>, vector<16xi32>], vector<16xf32>,
        %mul3A_964 = arith.mulf %gather3A_963, %gather3A_963 : vector<16xf32>
        %add3A_965 = arith.addf %add3A_962, %mul3A_964 : vector<16xf32>
        %gather3A_966 = tpu.vector_load_idx %arg9[%broadcast_in_dim3A_689, %add3A_696, %and3A_854] : memref<5x128x32xf32, #tpu.memory_space<vmem>>[vector<16xi32>, vector<16xi32>, vector<16xi32>], vector<16xf32>,
        %mul3A_967 = arith.mulf %gather3A_966, %gather3A_966 : vector<16xf32>
        %add3A_968 = arith.addf %add3A_965, %mul3A_967 : vector<16xf32>
        %gather3A_969 = tpu.vector_load_idx %arg9[%broadcast_in_dim3A_689, %add3A_696, %and3A_860] : memref<5x128x32xf32, #tpu.memory_space<vmem>>[vector<16xi32>, vector<16xi32>, vector<16xi32>], vector<16xf32>,
        %mul3A_970 = arith.mulf %gather3A_969, %gather3A_969 : vector<16xf32>
        %add3A_971 = arith.addf %add3A_968, %mul3A_970 : vector<16xf32>
        %gather3A_972 = tpu.vector_load_idx %arg9[%broadcast_in_dim3A_689, %add3A_696, %and3A_866] : memref<5x128x32xf32, #tpu.memory_space<vmem>>[vector<16xi32>, vector<16xi32>, vector<16xi32>], vector<16xf32>,
        %mul3A_973 = arith.mulf %gather3A_972, %gather3A_972 : vector<16xf32>
        %add3A_974 = arith.addf %add3A_971, %mul3A_973 : vector<16xf32>
        %gather3A_975 = tpu.vector_load_idx %arg9[%broadcast_in_dim3A_689, %add3A_696, %and3A_872] : memref<5x128x32xf32, #tpu.memory_space<vmem>>[vector<16xi32>, vector<16xi32>, vector<16xi32>], vector<16xf32>,
        %mul3A_976 = arith.mulf %gather3A_975, %gather3A_975 : vector<16xf32>
        %add3A_977 = arith.addf %add3A_974, %mul3A_976 : vector<16xf32>
        %gather3A_978 = tpu.vector_load_idx %arg9[%broadcast_in_dim3A_689, %add3A_696, %and3A_878] : memref<5x128x32xf32, #tpu.memory_space<vmem>>[vector<16xi32>, vector<16xi32>, vector<16xi32>], vector<16xf32>,
        %mul3A_979 = arith.mulf %gather3A_978, %gather3A_978 : vector<16xf32>
        %add3A_980 = arith.addf %add3A_977, %mul3A_979 : vector<16xf32>
        %gather3A_981 = tpu.vector_load_idx %arg9[%broadcast_in_dim3A_689, %add3A_696, %and3A_884] : memref<5x128x32xf32, #tpu.memory_space<vmem>>[vector<16xi32>, vector<16xi32>, vector<16xi32>], vector<16xf32>,
        %mul3A_982 = arith.mulf %gather3A_981, %gather3A_981 : vector<16xf32>
        %add3A_983 = arith.addf %add3A_980, %mul3A_982 : vector<16xf32>
        %gather3A_984 = tpu.vector_load_idx %arg9[%broadcast_in_dim3A_689, %add3A_696, %and3A_890] : memref<5x128x32xf32, #tpu.memory_space<vmem>>[vector<16xi32>, vector<16xi32>, vector<16xi32>], vector<16xf32>,
        %mul3A_985 = arith.mulf %gather3A_984, %gather3A_984 : vector<16xf32>
        %add3A_986 = arith.addf %add3A_983, %mul3A_985 : vector<16xf32>
        %bitcast3A = vector.bitcast %add3A_986 : vector<16xf32> to vector<16xi32>
        %shift_right_logical3A = arith.constant 1 : i32
        %shift_right_logical3A_987 = vector.broadcast %shift_right_logical3A : i32 to vector<16xi32>
        %shift_right_logical3A_988 = arith.shrui %bitcast3A, %shift_right_logical3A_987 : vector<16xi32>
        %sub3A_989 = arith.constant 1597463007 : i32
        %sub3A_990 = vector.broadcast %sub3A_989 : i32 to vector<16xi32>
        %sub3A_991 = arith.subi %sub3A_990, %shift_right_logical3A_988 : vector<16xi32>
        %bitcast3A_992 = vector.bitcast %sub3A_991 : vector<16xi32> to vector<16xf32>
        %mul3A_993 = arith.constant 5.000000e-01 : f32
        %mul3A_994 = vector.broadcast %mul3A_993 : f32 to vector<16xf32>
        %mul3A_995 = arith.mulf %mul3A_994, %add3A_986 : vector<16xf32>
        %mul3A_996 = arith.mulf %mul3A_995, %bitcast3A_992 : vector<16xf32>
        %mul3A_997 = arith.mulf %mul3A_996, %bitcast3A_992 : vector<16xf32>
        %sub3A_998 = arith.constant 1.500000e+00 : f32
        %sub3A_999 = vector.broadcast %sub3A_998 : f32 to vector<16xf32>
        %sub3A_1000 = arith.subf %sub3A_999, %mul3A_997 : vector<16xf32>
        %mul3A_1001 = arith.mulf %bitcast3A_992, %sub3A_1000 : vector<16xf32>
        %mul3A_1002 = arith.constant 5.000000e-01 : f32
        %mul3A_1003 = vector.broadcast %mul3A_1002 : f32 to vector<16xf32>
        %mul3A_1004 = arith.mulf %mul3A_1003, %add3A_986 : vector<16xf32>
        %mul3A_1005 = arith.mulf %mul3A_1004, %mul3A_1001 : vector<16xf32>
        %mul3A_1006 = arith.mulf %mul3A_1005, %mul3A_1001 : vector<16xf32>
        %sub3A_1007 = arith.constant 1.500000e+00 : f32
        %sub3A_1008 = vector.broadcast %sub3A_1007 : f32 to vector<16xf32>
        %sub3A_1009 = arith.subf %sub3A_1008, %mul3A_1006 : vector<16xf32>
        %mul3A_1010 = arith.mulf %mul3A_1001, %sub3A_1009 : vector<16xf32>
        %mul3A_1011 = arith.constant 5.000000e-01 : f32
        %mul3A_1012 = vector.broadcast %mul3A_1011 : f32 to vector<16xf32>
        %mul3A_1013 = arith.mulf %mul3A_1012, %add3A_986 : vector<16xf32>
        %mul3A_1014 = arith.mulf %mul3A_1013, %mul3A_1010 : vector<16xf32>
        %mul3A_1015 = arith.mulf %mul3A_1014, %mul3A_1010 : vector<16xf32>
        %sub3A_1016 = arith.constant 1.500000e+00 : f32
        %sub3A_1017 = vector.broadcast %sub3A_1016 : f32 to vector<16xf32>
        %sub3A_1018 = arith.subf %sub3A_1017, %mul3A_1015 : vector<16xf32>
        %mul3A_1019 = arith.mulf %mul3A_1010, %sub3A_1018 : vector<16xf32>
        %mul3A_1020 = arith.constant 5.65685415 : f32
        %mul3A_1021 = vector.broadcast %mul3A_1020 : f32 to vector<16xf32>
        %mul3A_1022 = arith.mulf %mul3A_1019, %mul3A_1021 : vector<16xf32>
        %shift_right_logical3A_1023 = arith.constant 3 : i32
        %shift_right_logical3A_1024 = vector.broadcast %shift_right_logical3A_1023 : i32 to vector<16xi32>
        %shift_right_logical3A_1025 = arith.shrui %and3A_704, %shift_right_logical3A_1024 : vector<16xi32>
        %and3A_1026 = arith.constant 7 : i32
        %and3A_1027 = vector.broadcast %and3A_1026 : i32 to vector<16xi32>
        %and3A_1028 = arith.andi %and3A_704, %and3A_1027 : vector<16xi32>
        %mul3A_1029 = arith.mulf %gather3A_891, %mul3A_1022 : vector<16xf32>
        tpu.vector_store_idx %arg11[%broadcast_in_dim3A_689, %shift_right_logical3A_1025, %broadcast_in_dim3A_1, %and3A_1028, %add3A_696], %mul3A_1029 : memref<5x4x1x8x128xf32, #tpu.memory_space<vmem>>[vector<16xi32>, vector<16xi32>, vector<16xi32>, vector<16xi32>, vector<16xi32>], vector<16xf32>,
        %shift_right_logical3A_1030 = arith.constant 3 : i32
        %shift_right_logical3A_1031 = vector.broadcast %shift_right_logical3A_1030 : i32 to vector<16xi32>
        %shift_right_logical3A_1032 = arith.shrui %and3A_710, %shift_right_logical3A_1031 : vector<16xi32>
        %and3A_1033 = arith.constant 7 : i32
        %and3A_1034 = vector.broadcast %and3A_1033 : i32 to vector<16xi32>
        %and3A_1035 = arith.andi %and3A_710, %and3A_1034 : vector<16xi32>
        %mul3A_1036 = arith.mulf %gather3A_894, %mul3A_1022 : vector<16xf32>
        tpu.vector_store_idx %arg11[%broadcast_in_dim3A_689, %shift_right_logical3A_1032, %broadcast_in_dim3A_1, %and3A_1035, %add3A_696], %mul3A_1036 : memref<5x4x1x8x128xf32, #tpu.memory_space<vmem>>[vector<16xi32>, vector<16xi32>, vector<16xi32>, vector<16xi32>, vector<16xi32>], vector<16xf32>,
        %shift_right_logical3A_1037 = arith.constant 3 : i32
        %shift_right_logical3A_1038 = vector.broadcast %shift_right_logical3A_1037 : i32 to vector<16xi32>
        %shift_right_logical3A_1039 = arith.shrui %and3A_716, %shift_right_logical3A_1038 : vector<16xi32>
        %and3A_1040 = arith.constant 7 : i32
        %and3A_1041 = vector.broadcast %and3A_1040 : i32 to vector<16xi32>
        %and3A_1042 = arith.andi %and3A_716, %and3A_1041 : vector<16xi32>
        %mul3A_1043 = arith.mulf %gather3A_897, %mul3A_1022 : vector<16xf32>
        tpu.vector_store_idx %arg11[%broadcast_in_dim3A_689, %shift_right_logical3A_1039, %broadcast_in_dim3A_1, %and3A_1042, %add3A_696], %mul3A_1043 : memref<5x4x1x8x128xf32, #tpu.memory_space<vmem>>[vector<16xi32>, vector<16xi32>, vector<16xi32>, vector<16xi32>, vector<16xi32>], vector<16xf32>,
        %shift_right_logical3A_1044 = arith.constant 3 : i32
        %shift_right_logical3A_1045 = vector.broadcast %shift_right_logical3A_1044 : i32 to vector<16xi32>
        %shift_right_logical3A_1046 = arith.shrui %and3A_722, %shift_right_logical3A_1045 : vector<16xi32>
        %and3A_1047 = arith.constant 7 : i32
        %and3A_1048 = vector.broadcast %and3A_1047 : i32 to vector<16xi32>
        %and3A_1049 = arith.andi %and3A_722, %and3A_1048 : vector<16xi32>
        %mul3A_1050 = arith.mulf %gather3A_900, %mul3A_1022 : vector<16xf32>
        tpu.vector_store_idx %arg11[%broadcast_in_dim3A_689, %shift_right_logical3A_1046, %broadcast_in_dim3A_1, %and3A_1049, %add3A_696], %mul3A_1050 : memref<5x4x1x8x128xf32, #tpu.memory_space<vmem>>[vector<16xi32>, vector<16xi32>, vector<16xi32>, vector<16xi32>, vector<16xi32>], vector<16xf32>,
        %shift_right_logical3A_1051 = arith.constant 3 : i32
        %shift_right_logical3A_1052 = vector.broadcast %shift_right_logical3A_1051 : i32 to vector<16xi32>
        %shift_right_logical3A_1053 = arith.shrui %and3A_728, %shift_right_logical3A_1052 : vector<16xi32>
        %and3A_1054 = arith.constant 7 : i32
        %and3A_1055 = vector.broadcast %and3A_1054 : i32 to vector<16xi32>
        %and3A_1056 = arith.andi %and3A_728, %and3A_1055 : vector<16xi32>
        %mul3A_1057 = arith.mulf %gather3A_903, %mul3A_1022 : vector<16xf32>
        tpu.vector_store_idx %arg11[%broadcast_in_dim3A_689, %shift_right_logical3A_1053, %broadcast_in_dim3A_1, %and3A_1056, %add3A_696], %mul3A_1057 : memref<5x4x1x8x128xf32, #tpu.memory_space<vmem>>[vector<16xi32>, vector<16xi32>, vector<16xi32>, vector<16xi32>, vector<16xi32>], vector<16xf32>,
        %shift_right_logical3A_1058 = arith.constant 3 : i32
        %shift_right_logical3A_1059 = vector.broadcast %shift_right_logical3A_1058 : i32 to vector<16xi32>
        %shift_right_logical3A_1060 = arith.shrui %and3A_734, %shift_right_logical3A_1059 : vector<16xi32>
        %and3A_1061 = arith.constant 7 : i32
        %and3A_1062 = vector.broadcast %and3A_1061 : i32 to vector<16xi32>
        %and3A_1063 = arith.andi %and3A_734, %and3A_1062 : vector<16xi32>
        %mul3A_1064 = arith.mulf %gather3A_906, %mul3A_1022 : vector<16xf32>
        tpu.vector_store_idx %arg11[%broadcast_in_dim3A_689, %shift_right_logical3A_1060, %broadcast_in_dim3A_1, %and3A_1063, %add3A_696], %mul3A_1064 : memref<5x4x1x8x128xf32, #tpu.memory_space<vmem>>[vector<16xi32>, vector<16xi32>, vector<16xi32>, vector<16xi32>, vector<16xi32>], vector<16xf32>,
        %shift_right_logical3A_1065 = arith.constant 3 : i32
        %shift_right_logical3A_1066 = vector.broadcast %shift_right_logical3A_1065 : i32 to vector<16xi32>
        %shift_right_logical3A_1067 = arith.shrui %and3A_740, %shift_right_logical3A_1066 : vector<16xi32>
        %and3A_1068 = arith.constant 7 : i32
        %and3A_1069 = vector.broadcast %and3A_1068 : i32 to vector<16xi32>
        %and3A_1070 = arith.andi %and3A_740, %and3A_1069 : vector<16xi32>
        %mul3A_1071 = arith.mulf %gather3A_909, %mul3A_1022 : vector<16xf32>
        tpu.vector_store_idx %arg11[%broadcast_in_dim3A_689, %shift_right_logical3A_1067, %broadcast_in_dim3A_1, %and3A_1070, %add3A_696], %mul3A_1071 : memref<5x4x1x8x128xf32, #tpu.memory_space<vmem>>[vector<16xi32>, vector<16xi32>, vector<16xi32>, vector<16xi32>, vector<16xi32>], vector<16xf32>,
        %shift_right_logical3A_1072 = arith.constant 3 : i32
        %shift_right_logical3A_1073 = vector.broadcast %shift_right_logical3A_1072 : i32 to vector<16xi32>
        %shift_right_logical3A_1074 = arith.shrui %and3A_746, %shift_right_logical3A_1073 : vector<16xi32>
        %and3A_1075 = arith.constant 7 : i32
        %and3A_1076 = vector.broadcast %and3A_1075 : i32 to vector<16xi32>
        %and3A_1077 = arith.andi %and3A_746, %and3A_1076 : vector<16xi32>
        %mul3A_1078 = arith.mulf %gather3A_912, %mul3A_1022 : vector<16xf32>
        tpu.vector_store_idx %arg11[%broadcast_in_dim3A_689, %shift_right_logical3A_1074, %broadcast_in_dim3A_1, %and3A_1077, %add3A_696], %mul3A_1078 : memref<5x4x1x8x128xf32, #tpu.memory_space<vmem>>[vector<16xi32>, vector<16xi32>, vector<16xi32>, vector<16xi32>, vector<16xi32>], vector<16xf32>,
        %shift_right_logical3A_1079 = arith.constant 3 : i32
        %shift_right_logical3A_1080 = vector.broadcast %shift_right_logical3A_1079 : i32 to vector<16xi32>
        %shift_right_logical3A_1081 = arith.shrui %and3A_752, %shift_right_logical3A_1080 : vector<16xi32>
        %and3A_1082 = arith.constant 7 : i32
        %and3A_1083 = vector.broadcast %and3A_1082 : i32 to vector<16xi32>
        %and3A_1084 = arith.andi %and3A_752, %and3A_1083 : vector<16xi32>
        %mul3A_1085 = arith.mulf %gather3A_915, %mul3A_1022 : vector<16xf32>
        tpu.vector_store_idx %arg11[%broadcast_in_dim3A_689, %shift_right_logical3A_1081, %broadcast_in_dim3A_1, %and3A_1084, %add3A_696], %mul3A_1085 : memref<5x4x1x8x128xf32, #tpu.memory_space<vmem>>[vector<16xi32>, vector<16xi32>, vector<16xi32>, vector<16xi32>, vector<16xi32>], vector<16xf32>,
        %shift_right_logical3A_1086 = arith.constant 3 : i32
        %shift_right_logical3A_1087 = vector.broadcast %shift_right_logical3A_1086 : i32 to vector<16xi32>
        %shift_right_logical3A_1088 = arith.shrui %and3A_758, %shift_right_logical3A_1087 : vector<16xi32>
        %and3A_1089 = arith.constant 7 : i32
        %and3A_1090 = vector.broadcast %and3A_1089 : i32 to vector<16xi32>
        %and3A_1091 = arith.andi %and3A_758, %and3A_1090 : vector<16xi32>
        %mul3A_1092 = arith.mulf %gather3A_918, %mul3A_1022 : vector<16xf32>
        tpu.vector_store_idx %arg11[%broadcast_in_dim3A_689, %shift_right_logical3A_1088, %broadcast_in_dim3A_1, %and3A_1091, %add3A_696], %mul3A_1092 : memref<5x4x1x8x128xf32, #tpu.memory_space<vmem>>[vector<16xi32>, vector<16xi32>, vector<16xi32>, vector<16xi32>, vector<16xi32>], vector<16xf32>,
        %shift_right_logical3A_1093 = arith.constant 3 : i32
        %shift_right_logical3A_1094 = vector.broadcast %shift_right_logical3A_1093 : i32 to vector<16xi32>
        %shift_right_logical3A_1095 = arith.shrui %and3A_764, %shift_right_logical3A_1094 : vector<16xi32>
        %and3A_1096 = arith.constant 7 : i32
        %and3A_1097 = vector.broadcast %and3A_1096 : i32 to vector<16xi32>
        %and3A_1098 = arith.andi %and3A_764, %and3A_1097 : vector<16xi32>
        %mul3A_1099 = arith.mulf %gather3A_921, %mul3A_1022 : vector<16xf32>
        tpu.vector_store_idx %arg11[%broadcast_in_dim3A_689, %shift_right_logical3A_1095, %broadcast_in_dim3A_1, %and3A_1098, %add3A_696], %mul3A_1099 : memref<5x4x1x8x128xf32, #tpu.memory_space<vmem>>[vector<16xi32>, vector<16xi32>, vector<16xi32>, vector<16xi32>, vector<16xi32>], vector<16xf32>,
        %shift_right_logical3A_1100 = arith.constant 3 : i32
        %shift_right_logical3A_1101 = vector.broadcast %shift_right_logical3A_1100 : i32 to vector<16xi32>
        %shift_right_logical3A_1102 = arith.shrui %and3A_770, %shift_right_logical3A_1101 : vector<16xi32>
        %and3A_1103 = arith.constant 7 : i32
        %and3A_1104 = vector.broadcast %and3A_1103 : i32 to vector<16xi32>
        %and3A_1105 = arith.andi %and3A_770, %and3A_1104 : vector<16xi32>
        %mul3A_1106 = arith.mulf %gather3A_924, %mul3A_1022 : vector<16xf32>
        tpu.vector_store_idx %arg11[%broadcast_in_dim3A_689, %shift_right_logical3A_1102, %broadcast_in_dim3A_1, %and3A_1105, %add3A_696], %mul3A_1106 : memref<5x4x1x8x128xf32, #tpu.memory_space<vmem>>[vector<16xi32>, vector<16xi32>, vector<16xi32>, vector<16xi32>, vector<16xi32>], vector<16xf32>,
        %shift_right_logical3A_1107 = arith.constant 3 : i32
        %shift_right_logical3A_1108 = vector.broadcast %shift_right_logical3A_1107 : i32 to vector<16xi32>
        %shift_right_logical3A_1109 = arith.shrui %and3A_776, %shift_right_logical3A_1108 : vector<16xi32>
        %and3A_1110 = arith.constant 7 : i32
        %and3A_1111 = vector.broadcast %and3A_1110 : i32 to vector<16xi32>
        %and3A_1112 = arith.andi %and3A_776, %and3A_1111 : vector<16xi32>
        %mul3A_1113 = arith.mulf %gather3A_927, %mul3A_1022 : vector<16xf32>
        tpu.vector_store_idx %arg11[%broadcast_in_dim3A_689, %shift_right_logical3A_1109, %broadcast_in_dim3A_1, %and3A_1112, %add3A_696], %mul3A_1113 : memref<5x4x1x8x128xf32, #tpu.memory_space<vmem>>[vector<16xi32>, vector<16xi32>, vector<16xi32>, vector<16xi32>, vector<16xi32>], vector<16xf32>,
        %shift_right_logical3A_1114 = arith.constant 3 : i32
        %shift_right_logical3A_1115 = vector.broadcast %shift_right_logical3A_1114 : i32 to vector<16xi32>
        %shift_right_logical3A_1116 = arith.shrui %and3A_782, %shift_right_logical3A_1115 : vector<16xi32>
        %and3A_1117 = arith.constant 7 : i32
        %and3A_1118 = vector.broadcast %and3A_1117 : i32 to vector<16xi32>
        %and3A_1119 = arith.andi %and3A_782, %and3A_1118 : vector<16xi32>
        %mul3A_1120 = arith.mulf %gather3A_930, %mul3A_1022 : vector<16xf32>
        tpu.vector_store_idx %arg11[%broadcast_in_dim3A_689, %shift_right_logical3A_1116, %broadcast_in_dim3A_1, %and3A_1119, %add3A_696], %mul3A_1120 : memref<5x4x1x8x128xf32, #tpu.memory_space<vmem>>[vector<16xi32>, vector<16xi32>, vector<16xi32>, vector<16xi32>, vector<16xi32>], vector<16xf32>,
        %shift_right_logical3A_1121 = arith.constant 3 : i32
        %shift_right_logical3A_1122 = vector.broadcast %shift_right_logical3A_1121 : i32 to vector<16xi32>
        %shift_right_logical3A_1123 = arith.shrui %and3A_788, %shift_right_logical3A_1122 : vector<16xi32>
        %and3A_1124 = arith.constant 7 : i32
        %and3A_1125 = vector.broadcast %and3A_1124 : i32 to vector<16xi32>
        %and3A_1126 = arith.andi %and3A_788, %and3A_1125 : vector<16xi32>
        %mul3A_1127 = arith.mulf %gather3A_933, %mul3A_1022 : vector<16xf32>
        tpu.vector_store_idx %arg11[%broadcast_in_dim3A_689, %shift_right_logical3A_1123, %broadcast_in_dim3A_1, %and3A_1126, %add3A_696], %mul3A_1127 : memref<5x4x1x8x128xf32, #tpu.memory_space<vmem>>[vector<16xi32>, vector<16xi32>, vector<16xi32>, vector<16xi32>, vector<16xi32>], vector<16xf32>,
        %shift_right_logical3A_1128 = arith.constant 3 : i32
        %shift_right_logical3A_1129 = vector.broadcast %shift_right_logical3A_1128 : i32 to vector<16xi32>
        %shift_right_logical3A_1130 = arith.shrui %and3A_794, %shift_right_logical3A_1129 : vector<16xi32>
        %and3A_1131 = arith.constant 7 : i32
        %and3A_1132 = vector.broadcast %and3A_1131 : i32 to vector<16xi32>
        %and3A_1133 = arith.andi %and3A_794, %and3A_1132 : vector<16xi32>
        %mul3A_1134 = arith.mulf %gather3A_936, %mul3A_1022 : vector<16xf32>
        tpu.vector_store_idx %arg11[%broadcast_in_dim3A_689, %shift_right_logical3A_1130, %broadcast_in_dim3A_1, %and3A_1133, %add3A_696], %mul3A_1134 : memref<5x4x1x8x128xf32, #tpu.memory_space<vmem>>[vector<16xi32>, vector<16xi32>, vector<16xi32>, vector<16xi32>, vector<16xi32>], vector<16xf32>,
        %shift_right_logical3A_1135 = arith.constant 3 : i32
        %shift_right_logical3A_1136 = vector.broadcast %shift_right_logical3A_1135 : i32 to vector<16xi32>
        %shift_right_logical3A_1137 = arith.shrui %and3A_800, %shift_right_logical3A_1136 : vector<16xi32>
        %and3A_1138 = arith.constant 7 : i32
        %and3A_1139 = vector.broadcast %and3A_1138 : i32 to vector<16xi32>
        %and3A_1140 = arith.andi %and3A_800, %and3A_1139 : vector<16xi32>
        %mul3A_1141 = arith.mulf %gather3A_939, %mul3A_1022 : vector<16xf32>
        tpu.vector_store_idx %arg11[%broadcast_in_dim3A_689, %shift_right_logical3A_1137, %broadcast_in_dim3A_1, %and3A_1140, %add3A_696], %mul3A_1141 : memref<5x4x1x8x128xf32, #tpu.memory_space<vmem>>[vector<16xi32>, vector<16xi32>, vector<16xi32>, vector<16xi32>, vector<16xi32>], vector<16xf32>,
        %shift_right_logical3A_1142 = arith.constant 3 : i32
        %shift_right_logical3A_1143 = vector.broadcast %shift_right_logical3A_1142 : i32 to vector<16xi32>
        %shift_right_logical3A_1144 = arith.shrui %and3A_806, %shift_right_logical3A_1143 : vector<16xi32>
        %and3A_1145 = arith.constant 7 : i32
        %and3A_1146 = vector.broadcast %and3A_1145 : i32 to vector<16xi32>
        %and3A_1147 = arith.andi %and3A_806, %and3A_1146 : vector<16xi32>
        %mul3A_1148 = arith.mulf %gather3A_942, %mul3A_1022 : vector<16xf32>
        tpu.vector_store_idx %arg11[%broadcast_in_dim3A_689, %shift_right_logical3A_1144, %broadcast_in_dim3A_1, %and3A_1147, %add3A_696], %mul3A_1148 : memref<5x4x1x8x128xf32, #tpu.memory_space<vmem>>[vector<16xi32>, vector<16xi32>, vector<16xi32>, vector<16xi32>, vector<16xi32>], vector<16xf32>,
        %shift_right_logical3A_1149 = arith.constant 3 : i32
        %shift_right_logical3A_1150 = vector.broadcast %shift_right_logical3A_1149 : i32 to vector<16xi32>
        %shift_right_logical3A_1151 = arith.shrui %and3A_812, %shift_right_logical3A_1150 : vector<16xi32>
        %and3A_1152 = arith.constant 7 : i32
        %and3A_1153 = vector.broadcast %and3A_1152 : i32 to vector<16xi32>
        %and3A_1154 = arith.andi %and3A_812, %and3A_1153 : vector<16xi32>
        %mul3A_1155 = arith.mulf %gather3A_945, %mul3A_1022 : vector<16xf32>
        tpu.vector_store_idx %arg11[%broadcast_in_dim3A_689, %shift_right_logical3A_1151, %broadcast_in_dim3A_1, %and3A_1154, %add3A_696], %mul3A_1155 : memref<5x4x1x8x128xf32, #tpu.memory_space<vmem>>[vector<16xi32>, vector<16xi32>, vector<16xi32>, vector<16xi32>, vector<16xi32>], vector<16xf32>,
        %shift_right_logical3A_1156 = arith.constant 3 : i32
        %shift_right_logical3A_1157 = vector.broadcast %shift_right_logical3A_1156 : i32 to vector<16xi32>
        %shift_right_logical3A_1158 = arith.shrui %and3A_818, %shift_right_logical3A_1157 : vector<16xi32>
        %and3A_1159 = arith.constant 7 : i32
        %and3A_1160 = vector.broadcast %and3A_1159 : i32 to vector<16xi32>
        %and3A_1161 = arith.andi %and3A_818, %and3A_1160 : vector<16xi32>
        %mul3A_1162 = arith.mulf %gather3A_948, %mul3A_1022 : vector<16xf32>
        tpu.vector_store_idx %arg11[%broadcast_in_dim3A_689, %shift_right_logical3A_1158, %broadcast_in_dim3A_1, %and3A_1161, %add3A_696], %mul3A_1162 : memref<5x4x1x8x128xf32, #tpu.memory_space<vmem>>[vector<16xi32>, vector<16xi32>, vector<16xi32>, vector<16xi32>, vector<16xi32>], vector<16xf32>,
        %shift_right_logical3A_1163 = arith.constant 3 : i32
        %shift_right_logical3A_1164 = vector.broadcast %shift_right_logical3A_1163 : i32 to vector<16xi32>
        %shift_right_logical3A_1165 = arith.shrui %and3A_824, %shift_right_logical3A_1164 : vector<16xi32>
        %and3A_1166 = arith.constant 7 : i32
        %and3A_1167 = vector.broadcast %and3A_1166 : i32 to vector<16xi32>
        %and3A_1168 = arith.andi %and3A_824, %and3A_1167 : vector<16xi32>
        %mul3A_1169 = arith.mulf %gather3A_951, %mul3A_1022 : vector<16xf32>
        tpu.vector_store_idx %arg11[%broadcast_in_dim3A_689, %shift_right_logical3A_1165, %broadcast_in_dim3A_1, %and3A_1168, %add3A_696], %mul3A_1169 : memref<5x4x1x8x128xf32, #tpu.memory_space<vmem>>[vector<16xi32>, vector<16xi32>, vector<16xi32>, vector<16xi32>, vector<16xi32>], vector<16xf32>,
        %shift_right_logical3A_1170 = arith.constant 3 : i32
        %shift_right_logical3A_1171 = vector.broadcast %shift_right_logical3A_1170 : i32 to vector<16xi32>
        %shift_right_logical3A_1172 = arith.shrui %and3A_830, %shift_right_logical3A_1171 : vector<16xi32>
        %and3A_1173 = arith.constant 7 : i32
        %and3A_1174 = vector.broadcast %and3A_1173 : i32 to vector<16xi32>
        %and3A_1175 = arith.andi %and3A_830, %and3A_1174 : vector<16xi32>
        %mul3A_1176 = arith.mulf %gather3A_954, %mul3A_1022 : vector<16xf32>
        tpu.vector_store_idx %arg11[%broadcast_in_dim3A_689, %shift_right_logical3A_1172, %broadcast_in_dim3A_1, %and3A_1175, %add3A_696], %mul3A_1176 : memref<5x4x1x8x128xf32, #tpu.memory_space<vmem>>[vector<16xi32>, vector<16xi32>, vector<16xi32>, vector<16xi32>, vector<16xi32>], vector<16xf32>,
        %shift_right_logical3A_1177 = arith.constant 3 : i32
        %shift_right_logical3A_1178 = vector.broadcast %shift_right_logical3A_1177 : i32 to vector<16xi32>
        %shift_right_logical3A_1179 = arith.shrui %and3A_836, %shift_right_logical3A_1178 : vector<16xi32>
        %and3A_1180 = arith.constant 7 : i32
        %and3A_1181 = vector.broadcast %and3A_1180 : i32 to vector<16xi32>
        %and3A_1182 = arith.andi %and3A_836, %and3A_1181 : vector<16xi32>
        %mul3A_1183 = arith.mulf %gather3A_957, %mul3A_1022 : vector<16xf32>
        tpu.vector_store_idx %arg11[%broadcast_in_dim3A_689, %shift_right_logical3A_1179, %broadcast_in_dim3A_1, %and3A_1182, %add3A_696], %mul3A_1183 : memref<5x4x1x8x128xf32, #tpu.memory_space<vmem>>[vector<16xi32>, vector<16xi32>, vector<16xi32>, vector<16xi32>, vector<16xi32>], vector<16xf32>,
        %shift_right_logical3A_1184 = arith.constant 3 : i32
        %shift_right_logical3A_1185 = vector.broadcast %shift_right_logical3A_1184 : i32 to vector<16xi32>
        %shift_right_logical3A_1186 = arith.shrui %and3A_842, %shift_right_logical3A_1185 : vector<16xi32>
        %and3A_1187 = arith.constant 7 : i32
        %and3A_1188 = vector.broadcast %and3A_1187 : i32 to vector<16xi32>
        %and3A_1189 = arith.andi %and3A_842, %and3A_1188 : vector<16xi32>
        %mul3A_1190 = arith.mulf %gather3A_960, %mul3A_1022 : vector<16xf32>
        tpu.vector_store_idx %arg11[%broadcast_in_dim3A_689, %shift_right_logical3A_1186, %broadcast_in_dim3A_1, %and3A_1189, %add3A_696], %mul3A_1190 : memref<5x4x1x8x128xf32, #tpu.memory_space<vmem>>[vector<16xi32>, vector<16xi32>, vector<16xi32>, vector<16xi32>, vector<16xi32>], vector<16xf32>,
        %shift_right_logical3A_1191 = arith.constant 3 : i32
        %shift_right_logical3A_1192 = vector.broadcast %shift_right_logical3A_1191 : i32 to vector<16xi32>
        %shift_right_logical3A_1193 = arith.shrui %and3A_848, %shift_right_logical3A_1192 : vector<16xi32>
        %and3A_1194 = arith.constant 7 : i32
        %and3A_1195 = vector.broadcast %and3A_1194 : i32 to vector<16xi32>
        %and3A_1196 = arith.andi %and3A_848, %and3A_1195 : vector<16xi32>
        %mul3A_1197 = arith.mulf %gather3A_963, %mul3A_1022 : vector<16xf32>
        tpu.vector_store_idx %arg11[%broadcast_in_dim3A_689, %shift_right_logical3A_1193, %broadcast_in_dim3A_1, %and3A_1196, %add3A_696], %mul3A_1197 : memref<5x4x1x8x128xf32, #tpu.memory_space<vmem>>[vector<16xi32>, vector<16xi32>, vector<16xi32>, vector<16xi32>, vector<16xi32>], vector<16xf32>,
        %shift_right_logical3A_1198 = arith.constant 3 : i32
        %shift_right_logical3A_1199 = vector.broadcast %shift_right_logical3A_1198 : i32 to vector<16xi32>
        %shift_right_logical3A_1200 = arith.shrui %and3A_854, %shift_right_logical3A_1199 : vector<16xi32>
        %and3A_1201 = arith.constant 7 : i32
        %and3A_1202 = vector.broadcast %and3A_1201 : i32 to vector<16xi32>
        %and3A_1203 = arith.andi %and3A_854, %and3A_1202 : vector<16xi32>
        %mul3A_1204 = arith.mulf %gather3A_966, %mul3A_1022 : vector<16xf32>
        tpu.vector_store_idx %arg11[%broadcast_in_dim3A_689, %shift_right_logical3A_1200, %broadcast_in_dim3A_1, %and3A_1203, %add3A_696], %mul3A_1204 : memref<5x4x1x8x128xf32, #tpu.memory_space<vmem>>[vector<16xi32>, vector<16xi32>, vector<16xi32>, vector<16xi32>, vector<16xi32>], vector<16xf32>,
        %shift_right_logical3A_1205 = arith.constant 3 : i32
        %shift_right_logical3A_1206 = vector.broadcast %shift_right_logical3A_1205 : i32 to vector<16xi32>
        %shift_right_logical3A_1207 = arith.shrui %and3A_860, %shift_right_logical3A_1206 : vector<16xi32>
        %and3A_1208 = arith.constant 7 : i32
        %and3A_1209 = vector.broadcast %and3A_1208 : i32 to vector<16xi32>
        %and3A_1210 = arith.andi %and3A_860, %and3A_1209 : vector<16xi32>
        %mul3A_1211 = arith.mulf %gather3A_969, %mul3A_1022 : vector<16xf32>
        tpu.vector_store_idx %arg11[%broadcast_in_dim3A_689, %shift_right_logical3A_1207, %broadcast_in_dim3A_1, %and3A_1210, %add3A_696], %mul3A_1211 : memref<5x4x1x8x128xf32, #tpu.memory_space<vmem>>[vector<16xi32>, vector<16xi32>, vector<16xi32>, vector<16xi32>, vector<16xi32>], vector<16xf32>,
        %shift_right_logical3A_1212 = arith.constant 3 : i32
        %shift_right_logical3A_1213 = vector.broadcast %shift_right_logical3A_1212 : i32 to vector<16xi32>
        %shift_right_logical3A_1214 = arith.shrui %and3A_866, %shift_right_logical3A_1213 : vector<16xi32>
        %and3A_1215 = arith.constant 7 : i32
        %and3A_1216 = vector.broadcast %and3A_1215 : i32 to vector<16xi32>
        %and3A_1217 = arith.andi %and3A_866, %and3A_1216 : vector<16xi32>
        %mul3A_1218 = arith.mulf %gather3A_972, %mul3A_1022 : vector<16xf32>
        tpu.vector_store_idx %arg11[%broadcast_in_dim3A_689, %shift_right_logical3A_1214, %broadcast_in_dim3A_1, %and3A_1217, %add3A_696], %mul3A_1218 : memref<5x4x1x8x128xf32, #tpu.memory_space<vmem>>[vector<16xi32>, vector<16xi32>, vector<16xi32>, vector<16xi32>, vector<16xi32>], vector<16xf32>,
        %shift_right_logical3A_1219 = arith.constant 3 : i32
        %shift_right_logical3A_1220 = vector.broadcast %shift_right_logical3A_1219 : i32 to vector<16xi32>
        %shift_right_logical3A_1221 = arith.shrui %and3A_872, %shift_right_logical3A_1220 : vector<16xi32>
        %and3A_1222 = arith.constant 7 : i32
        %and3A_1223 = vector.broadcast %and3A_1222 : i32 to vector<16xi32>
        %and3A_1224 = arith.andi %and3A_872, %and3A_1223 : vector<16xi32>
        %mul3A_1225 = arith.mulf %gather3A_975, %mul3A_1022 : vector<16xf32>
        tpu.vector_store_idx %arg11[%broadcast_in_dim3A_689, %shift_right_logical3A_1221, %broadcast_in_dim3A_1, %and3A_1224, %add3A_696], %mul3A_1225 : memref<5x4x1x8x128xf32, #tpu.memory_space<vmem>>[vector<16xi32>, vector<16xi32>, vector<16xi32>, vector<16xi32>, vector<16xi32>], vector<16xf32>,
        %shift_right_logical3A_1226 = arith.constant 3 : i32
        %shift_right_logical3A_1227 = vector.broadcast %shift_right_logical3A_1226 : i32 to vector<16xi32>
        %shift_right_logical3A_1228 = arith.shrui %and3A_878, %shift_right_logical3A_1227 : vector<16xi32>
        %and3A_1229 = arith.constant 7 : i32
        %and3A_1230 = vector.broadcast %and3A_1229 : i32 to vector<16xi32>
        %and3A_1231 = arith.andi %and3A_878, %and3A_1230 : vector<16xi32>
        %mul3A_1232 = arith.mulf %gather3A_978, %mul3A_1022 : vector<16xf32>
        tpu.vector_store_idx %arg11[%broadcast_in_dim3A_689, %shift_right_logical3A_1228, %broadcast_in_dim3A_1, %and3A_1231, %add3A_696], %mul3A_1232 : memref<5x4x1x8x128xf32, #tpu.memory_space<vmem>>[vector<16xi32>, vector<16xi32>, vector<16xi32>, vector<16xi32>, vector<16xi32>], vector<16xf32>,
        %shift_right_logical3A_1233 = arith.constant 3 : i32
        %shift_right_logical3A_1234 = vector.broadcast %shift_right_logical3A_1233 : i32 to vector<16xi32>
        %shift_right_logical3A_1235 = arith.shrui %and3A_884, %shift_right_logical3A_1234 : vector<16xi32>
        %and3A_1236 = arith.constant 7 : i32
        %and3A_1237 = vector.broadcast %and3A_1236 : i32 to vector<16xi32>
        %and3A_1238 = arith.andi %and3A_884, %and3A_1237 : vector<16xi32>
        %mul3A_1239 = arith.mulf %gather3A_981, %mul3A_1022 : vector<16xf32>
        tpu.vector_store_idx %arg11[%broadcast_in_dim3A_689, %shift_right_logical3A_1235, %broadcast_in_dim3A_1, %and3A_1238, %add3A_696], %mul3A_1239 : memref<5x4x1x8x128xf32, #tpu.memory_space<vmem>>[vector<16xi32>, vector<16xi32>, vector<16xi32>, vector<16xi32>, vector<16xi32>], vector<16xf32>,
        %shift_right_logical3A_1240 = arith.constant 3 : i32
        %shift_right_logical3A_1241 = vector.broadcast %shift_right_logical3A_1240 : i32 to vector<16xi32>
        %shift_right_logical3A_1242 = arith.shrui %and3A_890, %shift_right_logical3A_1241 : vector<16xi32>
        %and3A_1243 = arith.constant 7 : i32
        %and3A_1244 = vector.broadcast %and3A_1243 : i32 to vector<16xi32>
        %and3A_1245 = arith.andi %and3A_890, %and3A_1244 : vector<16xi32>
        %mul3A_1246 = arith.mulf %gather3A_984, %mul3A_1022 : vector<16xf32>
        tpu.vector_store_idx %arg11[%broadcast_in_dim3A_689, %shift_right_logical3A_1242, %broadcast_in_dim3A_1, %and3A_1245, %add3A_696], %mul3A_1246 : memref<5x4x1x8x128xf32, #tpu.memory_space<vmem>>[vector<16xi32>, vector<16xi32>, vector<16xi32>, vector<16xi32>, vector<16xi32>], vector<16xf32>,
        %scan3A_1247 = arith.constant 0 : i32
        scf.yield %scan3A_1247 : i32
      }
      %scan3A_506 = arith.constant 40 : i32
      %jit3A = arith.constant 10 : i32
      %div3A = arith.divsi %mul3A_431, %jit3A : i32
      %sign3A = arith.constant 0 : i32
      %sign3A_507 = arith.cmpi sgt, %mul3A_431, %sign3A : i32
      %sign3A_508 = arith.extui %sign3A_507 : i1 to i32
      %sign3A_509 = arith.constant 0 : i32
      %sign3A_510 = arith.cmpi slt, %mul3A_431, %sign3A_509 : i32
      %sign3A_511 = arith.extui %sign3A_510 : i1 to i32
      %sign3A_512 = arith.subi %sign3A_508, %sign3A_511 : i32
      %sign3A_513 = arith.constant 0 : i32
      %sign3A_514 = arith.cmpi sgt, %jit3A, %sign3A_513 : i32
      %sign3A_515 = arith.extui %sign3A_514 : i1 to i32
      %sign3A_516 = arith.constant 0 : i32
      %sign3A_517 = arith.cmpi slt, %jit3A, %sign3A_516 : i32
      %sign3A_518 = arith.extui %sign3A_517 : i1 to i32
      %sign3A_519 = arith.subi %sign3A_515, %sign3A_518 : i32
      %ne3A = arith.cmpi ne, %sign3A_512, %sign3A_519 : i32
      %rem3A = arith.remsi %mul3A_431, %jit3A : i32
      %ne3A_520 = arith.constant 0 : i32
      %ne3A_521 = arith.cmpi ne, %rem3A, %ne3A_520 : i32
      %and3A = arith.andi %ne3A, %ne3A_521 : i1
      %sub3A = arith.constant 1 : i32
      %sub3A_522 = arith.subi %div3A, %sub3A : i32
      %select_n3A = arith.select %and3A, %sub3A_522, %div3A : i32
      %mul3A_523 = arith.constant 10 : i32
      %mul3A_524 = arith.muli %select_n3A, %mul3A_523 : i32
      %sub3A_525 = arith.subi %mul3A_431, %mul3A_524 : i32
      %mul3A_526 = arith.constant 5 : i32
      %mul3A_527 = arith.muli %sub3A_525, %mul3A_526 : i32
      %mul3A_528 = arith.constant 4 : i32
      %mul3A_529 = arith.muli %add3A, %mul3A_528 : i32
      %add3A_530 = arith.addi %mul3A_529, %select_n3A : i32
      %dma_start3A_531 = arith.constant 0 : i32
      %dma_start3A_532 = arith.constant 0 : i32
      %dma_start3A_533 = arith.constant 0 : i32
      %dma_start3A_534 = tpu.memref_slice %arg4[%mul3A_527, %dma_start3A_531, %add3A_530, %dma_start3A_532, %dma_start3A_533] : memref<50x4x128x8x128xf32, #tpu.memory_space<hbm>> -> memref<5x4x1x8x128xf32, #tpu.memory_space<hbm>>
      %dma_start3A_535 = arith.constant 0 : i32
      %dma_start3A_536 = arith.constant 0 : i32
      %dma_start3A_537 = arith.constant 0 : i32
      %dma_start3A_538 = tpu.memref_slice %arg4[%mul3A_527, %dma_start3A_535, %add3A_530, %dma_start3A_536, %dma_start3A_537] : memref<50x4x128x8x128xf32, #tpu.memory_space<hbm>> -> memref<5x4x1x8x128xf32, #tpu.memory_space<hbm>>
      tpu.enqueue_dma source(%arg11 : memref<5x4x1x8x128xf32, #tpu.memory_space<vmem>>) target(%dma_start3A_538 : memref<5x4x1x8x128xf32, #tpu.memory_space<hbm>>) target_semaphore(%arg15 : memref<!tpu.dma_semaphore, #tpu.memory_space<semaphore_mem>>)
      %mul3A_539 = arith.constant 2 : i32
      %mul3A_540 = arith.muli %mul3A_539, %scan3A_428 : i32
      %add3A_541 = arith.constant 1 : i32
      %add3A_542 = arith.addi %mul3A_540, %add3A_541 : i32
      %add3A_543 = arith.constant 1 : i32
      %add3A_544 = arith.addi %add3A_542, %add3A_543 : i32
      %lt3A_545 = arith.constant 40 : i32
      %lt3A_546 = arith.cmpi slt, %add3A_544, %lt3A_545 : i32
      %convert_element_type3A_547 = arith.extui %lt3A_546 : i1 to i32
      %cond3A_548 = arith.constant 0 : i32
      %cond3A_549 = arith.cmpi ne, %convert_element_type3A_547, %cond3A_548 : i32
      scf.if %cond3A_549 {
        %add3A_663 = arith.constant 1 : i32
        %add3A_664 = arith.addi %add3A_542, %add3A_663 : i32
        %jit3A_665 = arith.constant 10 : i32
        %div3A_666 = arith.divsi %add3A_664, %jit3A_665 : i32
        %sign3A_667 = arith.constant 0 : i32
        %sign3A_668 = arith.cmpi sgt, %add3A_664, %sign3A_667 : i32
        %sign3A_669 = arith.extui %sign3A_668 : i1 to i32
        %sign3A_670 = arith.constant 0 : i32
        %sign3A_671 = arith.cmpi slt, %add3A_664, %sign3A_670 : i32
        %sign3A_672 = arith.extui %sign3A_671 : i1 to i32
        %sign3A_673 = arith.subi %sign3A_669, %sign3A_672 : i32
        %sign3A_674 = arith.constant 0 : i32
        %sign3A_675 = arith.cmpi sgt, %jit3A_665, %sign3A_674 : i32
        %sign3A_676 = arith.extui %sign3A_675 : i1 to i32
        %sign3A_677 = arith.constant 0 : i32
        %sign3A_678 = arith.cmpi slt, %jit3A_665, %sign3A_677 : i32
        %sign3A_679 = arith.extui %sign3A_678 : i1 to i32
        %sign3A_680 = arith.subi %sign3A_676, %sign3A_679 : i32
        %ne3A_681 = arith.cmpi ne, %sign3A_673, %sign3A_680 : i32
        %rem3A_682 = arith.remsi %add3A_664, %jit3A_665 : i32
        %ne3A_683 = arith.constant 0 : i32
        %ne3A_684 = arith.cmpi ne, %rem3A_682, %ne3A_683 : i32
        %and3A_685 = arith.andi %ne3A_681, %ne3A_684 : i1
        %sub3A_686 = arith.constant 1 : i32
        %sub3A_687 = arith.subi %div3A_666, %sub3A_686 : i32
        %select_n3A_688 = arith.select %and3A_685, %sub3A_687, %div3A_666 : i32
        %mul3A_689 = arith.constant 10 : i32
        %mul3A_690 = arith.muli %select_n3A_688, %mul3A_689 : i32
        %sub3A_691 = arith.subi %add3A_664, %mul3A_690 : i32
        %mul3A_692 = arith.constant 5 : i32
        %mul3A_693 = arith.muli %sub3A_691, %mul3A_692 : i32
        %mul3A_694 = arith.constant 4 : i32
        %mul3A_695 = arith.muli %add3A, %mul3A_694 : i32
        %add3A_696 = arith.addi %mul3A_695, %select_n3A_688 : i32
        %mul3A_697 = arith.constant 128 : i32
        %mul3A_698 = arith.muli %add3A_696, %mul3A_697 : i32
        %multiple_of3A_699 = tpu.assume_multiple %mul3A_698, 8 : i32
        "tpu.region"() ({
          %run_scoped3A = tpu.sem_alloc : memref<!tpu.dma_semaphore, #tpu.memory_space<semaphore_mem>>
          %dma_start3A_1095 = arith.constant 0 : i32
          %dma_start3A_1096 = tpu.memref_slice %arg3[%multiple_of3A_699, %dma_start3A_1095] : memref<16384x50xi32, #tpu.memory_space<hbm>> -> memref<128x50xi32, #tpu.memory_space<hbm>>
          %dma_start3A_1097 = arith.constant 0 : i32
          %dma_start3A_1098 = tpu.memref_slice %arg3[%multiple_of3A_699, %dma_start3A_1097] : memref<16384x50xi32, #tpu.memory_space<hbm>> -> memref<128x50xi32, #tpu.memory_space<hbm>>
          tpu.enqueue_dma source(%dma_start3A_1098 : memref<128x50xi32, #tpu.memory_space<hbm>>) target(%arg5 : memref<128x50xi32, #tpu.memory_space<vmem>>) target_semaphore(%run_scoped3A : memref<!tpu.dma_semaphore, #tpu.memory_space<semaphore_mem>>)
          %dma_wait3A_1099 = arith.constant 0 : i32
          %dma_wait3A_1100 = tpu.memref_slice %arg3[%multiple_of3A_699, %dma_wait3A_1099] : memref<16384x50xi32, #tpu.memory_space<hbm>> -> memref<128x50xi32, #tpu.memory_space<hbm>>
          %dma_wait3A_1101 = arith.constant 0 : i32
          %dma_wait3A_1102 = tpu.memref_slice %arg3[%multiple_of3A_699, %dma_wait3A_1101] : memref<16384x50xi32, #tpu.memory_space<hbm>> -> memref<128x50xi32, #tpu.memory_space<hbm>>
          tpu.wait_dma2 semaphore(%run_scoped3A : memref<!tpu.dma_semaphore, #tpu.memory_space<semaphore_mem>>) src(%dma_wait3A_1102 : memref<128x50xi32, #tpu.memory_space<hbm>>) dst(%arg5 : memref<128x50xi32, #tpu.memory_space<vmem>>)
          tpu.yield
        }) : () -> ()
        %add3A_700 = arith.constant 0 : i32
        %add3A_701 = arith.addi %mul3A_693, %add3A_700 : i32
        %broadcast_in_dim3A_702 = vector.broadcast %add3A_701 : i32 to vector<16xi32>
        %add3A_703 = arith.constant 0 : i32
        %add3A_704 = vector.broadcast %add3A_703 : i32 to vector<16xi32>
        %add3A_705 = arith.addi %add3A_704, %iota3A : vector<16xi32>
        %gather3A_706 = tpu.vector_load_idx %arg5[%add3A_705, %broadcast_in_dim3A_702] : memref<128x50xi32, #tpu.memory_space<vmem>>[vector<16xi32>, vector<16xi32>], vector<16xi32>,
        %swap3A_707 = arith.constant 0 : i32
        %swap3A_708 = arith.index_cast %swap3A_707 : i32 to index
        %swap3A_709 = arith.constant 0 : index
        %swap3A_710 = tpu.vector_load %arg7[%swap3A_708, %swap3A_709] {strides = array<i32>} : memref<5x128xi32, #tpu.memory_space<vmem>>, vector<16xi32>,
        tpu.vector_store %arg7[%swap3A_708, %swap3A_709], %gather3A_706 {strides = array<i32>} : memref<5x128xi32, #tpu.memory_space<vmem>>, vector<16xi32>,
        %add3A_711 = arith.constant 16 : i32
        %add3A_712 = vector.broadcast %add3A_711 : i32 to vector<16xi32>
        %add3A_713 = arith.addi %add3A_712, %iota3A : vector<16xi32>
        %gather3A_714 = tpu.vector_load_idx %arg5[%add3A_713, %broadcast_in_dim3A_702] : memref<128x50xi32, #tpu.memory_space<vmem>>[vector<16xi32>, vector<16xi32>], vector<16xi32>,
        %swap3A_715 = arith.constant 0 : i32
        %swap3A_716 = arith.index_cast %swap3A_715 : i32 to index
        %swap3A_717 = arith.constant 16 : index
        %swap3A_718 = tpu.vector_load %arg7[%swap3A_716, %swap3A_717] {strides = array<i32>} : memref<5x128xi32, #tpu.memory_space<vmem>>, vector<16xi32>,
        tpu.vector_store %arg7[%swap3A_716, %swap3A_717], %gather3A_714 {strides = array<i32>} : memref<5x128xi32, #tpu.memory_space<vmem>>, vector<16xi32>,
        %add3A_719 = arith.constant 32 : i32
        %add3A_720 = vector.broadcast %add3A_719 : i32 to vector<16xi32>
        %add3A_721 = arith.addi %add3A_720, %iota3A : vector<16xi32>
        %gather3A_722 = tpu.vector_load_idx %arg5[%add3A_721, %broadcast_in_dim3A_702] : memref<128x50xi32, #tpu.memory_space<vmem>>[vector<16xi32>, vector<16xi32>], vector<16xi32>,
        %swap3A_723 = arith.constant 0 : i32
        %swap3A_724 = arith.index_cast %swap3A_723 : i32 to index
        %swap3A_725 = arith.constant 32 : index
        %swap3A_726 = tpu.vector_load %arg7[%swap3A_724, %swap3A_725] {strides = array<i32>} : memref<5x128xi32, #tpu.memory_space<vmem>>, vector<16xi32>,
        tpu.vector_store %arg7[%swap3A_724, %swap3A_725], %gather3A_722 {strides = array<i32>} : memref<5x128xi32, #tpu.memory_space<vmem>>, vector<16xi32>,
        %add3A_727 = arith.constant 48 : i32
        %add3A_728 = vector.broadcast %add3A_727 : i32 to vector<16xi32>
        %add3A_729 = arith.addi %add3A_728, %iota3A : vector<16xi32>
        %gather3A_730 = tpu.vector_load_idx %arg5[%add3A_729, %broadcast_in_dim3A_702] : memref<128x50xi32, #tpu.memory_space<vmem>>[vector<16xi32>, vector<16xi32>], vector<16xi32>,
        %swap3A_731 = arith.constant 0 : i32
        %swap3A_732 = arith.index_cast %swap3A_731 : i32 to index
        %swap3A_733 = arith.constant 48 : index
        %swap3A_734 = tpu.vector_load %arg7[%swap3A_732, %swap3A_733] {strides = array<i32>} : memref<5x128xi32, #tpu.memory_space<vmem>>, vector<16xi32>,
        tpu.vector_store %arg7[%swap3A_732, %swap3A_733], %gather3A_730 {strides = array<i32>} : memref<5x128xi32, #tpu.memory_space<vmem>>, vector<16xi32>,
        %add3A_735 = arith.constant 64 : i32
        %add3A_736 = vector.broadcast %add3A_735 : i32 to vector<16xi32>
        %add3A_737 = arith.addi %add3A_736, %iota3A : vector<16xi32>
        %gather3A_738 = tpu.vector_load_idx %arg5[%add3A_737, %broadcast_in_dim3A_702] : memref<128x50xi32, #tpu.memory_space<vmem>>[vector<16xi32>, vector<16xi32>], vector<16xi32>,
        %swap3A_739 = arith.constant 0 : i32
        %swap3A_740 = arith.index_cast %swap3A_739 : i32 to index
        %swap3A_741 = arith.constant 64 : index
        %swap3A_742 = tpu.vector_load %arg7[%swap3A_740, %swap3A_741] {strides = array<i32>} : memref<5x128xi32, #tpu.memory_space<vmem>>, vector<16xi32>,
        tpu.vector_store %arg7[%swap3A_740, %swap3A_741], %gather3A_738 {strides = array<i32>} : memref<5x128xi32, #tpu.memory_space<vmem>>, vector<16xi32>,
        %add3A_743 = arith.constant 80 : i32
        %add3A_744 = vector.broadcast %add3A_743 : i32 to vector<16xi32>
        %add3A_745 = arith.addi %add3A_744, %iota3A : vector<16xi32>
        %gather3A_746 = tpu.vector_load_idx %arg5[%add3A_745, %broadcast_in_dim3A_702] : memref<128x50xi32, #tpu.memory_space<vmem>>[vector<16xi32>, vector<16xi32>], vector<16xi32>,
        %swap3A_747 = arith.constant 0 : i32
        %swap3A_748 = arith.index_cast %swap3A_747 : i32 to index
        %swap3A_749 = arith.constant 80 : index
        %swap3A_750 = tpu.vector_load %arg7[%swap3A_748, %swap3A_749] {strides = array<i32>} : memref<5x128xi32, #tpu.memory_space<vmem>>, vector<16xi32>,
        tpu.vector_store %arg7[%swap3A_748, %swap3A_749], %gather3A_746 {strides = array<i32>} : memref<5x128xi32, #tpu.memory_space<vmem>>, vector<16xi32>,
        %add3A_751 = arith.constant 96 : i32
        %add3A_752 = vector.broadcast %add3A_751 : i32 to vector<16xi32>
        %add3A_753 = arith.addi %add3A_752, %iota3A : vector<16xi32>
        %gather3A_754 = tpu.vector_load_idx %arg5[%add3A_753, %broadcast_in_dim3A_702] : memref<128x50xi32, #tpu.memory_space<vmem>>[vector<16xi32>, vector<16xi32>], vector<16xi32>,
        %swap3A_755 = arith.constant 0 : i32
        %swap3A_756 = arith.index_cast %swap3A_755 : i32 to index
        %swap3A_757 = arith.constant 96 : index
        %swap3A_758 = tpu.vector_load %arg7[%swap3A_756, %swap3A_757] {strides = array<i32>} : memref<5x128xi32, #tpu.memory_space<vmem>>, vector<16xi32>,
        tpu.vector_store %arg7[%swap3A_756, %swap3A_757], %gather3A_754 {strides = array<i32>} : memref<5x128xi32, #tpu.memory_space<vmem>>, vector<16xi32>,
        %add3A_759 = arith.constant 112 : i32
        %add3A_760 = vector.broadcast %add3A_759 : i32 to vector<16xi32>
        %add3A_761 = arith.addi %add3A_760, %iota3A : vector<16xi32>
        %gather3A_762 = tpu.vector_load_idx %arg5[%add3A_761, %broadcast_in_dim3A_702] : memref<128x50xi32, #tpu.memory_space<vmem>>[vector<16xi32>, vector<16xi32>], vector<16xi32>,
        %swap3A_763 = arith.constant 0 : i32
        %swap3A_764 = arith.index_cast %swap3A_763 : i32 to index
        %swap3A_765 = arith.constant 112 : index
        %swap3A_766 = tpu.vector_load %arg7[%swap3A_764, %swap3A_765] {strides = array<i32>} : memref<5x128xi32, #tpu.memory_space<vmem>>, vector<16xi32>,
        tpu.vector_store %arg7[%swap3A_764, %swap3A_765], %gather3A_762 {strides = array<i32>} : memref<5x128xi32, #tpu.memory_space<vmem>>, vector<16xi32>,
        %add3A_767 = arith.constant 1 : i32
        %add3A_768 = arith.addi %mul3A_693, %add3A_767 : i32
        %broadcast_in_dim3A_769 = vector.broadcast %add3A_768 : i32 to vector<16xi32>
        %add3A_770 = arith.constant 0 : i32
        %add3A_771 = vector.broadcast %add3A_770 : i32 to vector<16xi32>
        %add3A_772 = arith.addi %add3A_771, %iota3A : vector<16xi32>
        %gather3A_773 = tpu.vector_load_idx %arg5[%add3A_772, %broadcast_in_dim3A_769] : memref<128x50xi32, #tpu.memory_space<vmem>>[vector<16xi32>, vector<16xi32>], vector<16xi32>,
        %swap3A_774 = arith.constant 1 : i32
        %swap3A_775 = arith.index_cast %swap3A_774 : i32 to index
        %swap3A_776 = arith.constant 0 : index
        %swap3A_777 = tpu.vector_load %arg7[%swap3A_775, %swap3A_776] {strides = array<i32>} : memref<5x128xi32, #tpu.memory_space<vmem>>, vector<16xi32>,
        tpu.vector_store %arg7[%swap3A_775, %swap3A_776], %gather3A_773 {strides = array<i32>} : memref<5x128xi32, #tpu.memory_space<vmem>>, vector<16xi32>,
        %add3A_778 = arith.constant 16 : i32
        %add3A_779 = vector.broadcast %add3A_778 : i32 to vector<16xi32>
        %add3A_780 = arith.addi %add3A_779, %iota3A : vector<16xi32>
        %gather3A_781 = tpu.vector_load_idx %arg5[%add3A_780, %broadcast_in_dim3A_769] : memref<128x50xi32, #tpu.memory_space<vmem>>[vector<16xi32>, vector<16xi32>], vector<16xi32>,
        %swap3A_782 = arith.constant 1 : i32
        %swap3A_783 = arith.index_cast %swap3A_782 : i32 to index
        %swap3A_784 = arith.constant 16 : index
        %swap3A_785 = tpu.vector_load %arg7[%swap3A_783, %swap3A_784] {strides = array<i32>} : memref<5x128xi32, #tpu.memory_space<vmem>>, vector<16xi32>,
        tpu.vector_store %arg7[%swap3A_783, %swap3A_784], %gather3A_781 {strides = array<i32>} : memref<5x128xi32, #tpu.memory_space<vmem>>, vector<16xi32>,
        %add3A_786 = arith.constant 32 : i32
        %add3A_787 = vector.broadcast %add3A_786 : i32 to vector<16xi32>
        %add3A_788 = arith.addi %add3A_787, %iota3A : vector<16xi32>
        %gather3A_789 = tpu.vector_load_idx %arg5[%add3A_788, %broadcast_in_dim3A_769] : memref<128x50xi32, #tpu.memory_space<vmem>>[vector<16xi32>, vector<16xi32>], vector<16xi32>,
        %swap3A_790 = arith.constant 1 : i32
        %swap3A_791 = arith.index_cast %swap3A_790 : i32 to index
        %swap3A_792 = arith.constant 32 : index
        %swap3A_793 = tpu.vector_load %arg7[%swap3A_791, %swap3A_792] {strides = array<i32>} : memref<5x128xi32, #tpu.memory_space<vmem>>, vector<16xi32>,
        tpu.vector_store %arg7[%swap3A_791, %swap3A_792], %gather3A_789 {strides = array<i32>} : memref<5x128xi32, #tpu.memory_space<vmem>>, vector<16xi32>,
        %add3A_794 = arith.constant 48 : i32
        %add3A_795 = vector.broadcast %add3A_794 : i32 to vector<16xi32>
        %add3A_796 = arith.addi %add3A_795, %iota3A : vector<16xi32>
        %gather3A_797 = tpu.vector_load_idx %arg5[%add3A_796, %broadcast_in_dim3A_769] : memref<128x50xi32, #tpu.memory_space<vmem>>[vector<16xi32>, vector<16xi32>], vector<16xi32>,
        %swap3A_798 = arith.constant 1 : i32
        %swap3A_799 = arith.index_cast %swap3A_798 : i32 to index
        %swap3A_800 = arith.constant 48 : index
        %swap3A_801 = tpu.vector_load %arg7[%swap3A_799, %swap3A_800] {strides = array<i32>} : memref<5x128xi32, #tpu.memory_space<vmem>>, vector<16xi32>,
        tpu.vector_store %arg7[%swap3A_799, %swap3A_800], %gather3A_797 {strides = array<i32>} : memref<5x128xi32, #tpu.memory_space<vmem>>, vector<16xi32>,
        %add3A_802 = arith.constant 64 : i32
        %add3A_803 = vector.broadcast %add3A_802 : i32 to vector<16xi32>
        %add3A_804 = arith.addi %add3A_803, %iota3A : vector<16xi32>
        %gather3A_805 = tpu.vector_load_idx %arg5[%add3A_804, %broadcast_in_dim3A_769] : memref<128x50xi32, #tpu.memory_space<vmem>>[vector<16xi32>, vector<16xi32>], vector<16xi32>,
        %swap3A_806 = arith.constant 1 : i32
        %swap3A_807 = arith.index_cast %swap3A_806 : i32 to index
        %swap3A_808 = arith.constant 64 : index
        %swap3A_809 = tpu.vector_load %arg7[%swap3A_807, %swap3A_808] {strides = array<i32>} : memref<5x128xi32, #tpu.memory_space<vmem>>, vector<16xi32>,
        tpu.vector_store %arg7[%swap3A_807, %swap3A_808], %gather3A_805 {strides = array<i32>} : memref<5x128xi32, #tpu.memory_space<vmem>>, vector<16xi32>,
        %add3A_810 = arith.constant 80 : i32
        %add3A_811 = vector.broadcast %add3A_810 : i32 to vector<16xi32>
        %add3A_812 = arith.addi %add3A_811, %iota3A : vector<16xi32>
        %gather3A_813 = tpu.vector_load_idx %arg5[%add3A_812, %broadcast_in_dim3A_769] : memref<128x50xi32, #tpu.memory_space<vmem>>[vector<16xi32>, vector<16xi32>], vector<16xi32>,
        %swap3A_814 = arith.constant 1 : i32
        %swap3A_815 = arith.index_cast %swap3A_814 : i32 to index
        %swap3A_816 = arith.constant 80 : index
        %swap3A_817 = tpu.vector_load %arg7[%swap3A_815, %swap3A_816] {strides = array<i32>} : memref<5x128xi32, #tpu.memory_space<vmem>>, vector<16xi32>,
        tpu.vector_store %arg7[%swap3A_815, %swap3A_816], %gather3A_813 {strides = array<i32>} : memref<5x128xi32, #tpu.memory_space<vmem>>, vector<16xi32>,
        %add3A_818 = arith.constant 96 : i32
        %add3A_819 = vector.broadcast %add3A_818 : i32 to vector<16xi32>
        %add3A_820 = arith.addi %add3A_819, %iota3A : vector<16xi32>
        %gather3A_821 = tpu.vector_load_idx %arg5[%add3A_820, %broadcast_in_dim3A_769] : memref<128x50xi32, #tpu.memory_space<vmem>>[vector<16xi32>, vector<16xi32>], vector<16xi32>,
        %swap3A_822 = arith.constant 1 : i32
        %swap3A_823 = arith.index_cast %swap3A_822 : i32 to index
        %swap3A_824 = arith.constant 96 : index
        %swap3A_825 = tpu.vector_load %arg7[%swap3A_823, %swap3A_824] {strides = array<i32>} : memref<5x128xi32, #tpu.memory_space<vmem>>, vector<16xi32>,
        tpu.vector_store %arg7[%swap3A_823, %swap3A_824], %gather3A_821 {strides = array<i32>} : memref<5x128xi32, #tpu.memory_space<vmem>>, vector<16xi32>,
        %add3A_826 = arith.constant 112 : i32
        %add3A_827 = vector.broadcast %add3A_826 : i32 to vector<16xi32>
        %add3A_828 = arith.addi %add3A_827, %iota3A : vector<16xi32>
        %gather3A_829 = tpu.vector_load_idx %arg5[%add3A_828, %broadcast_in_dim3A_769] : memref<128x50xi32, #tpu.memory_space<vmem>>[vector<16xi32>, vector<16xi32>], vector<16xi32>,
        %swap3A_830 = arith.constant 1 : i32
        %swap3A_831 = arith.index_cast %swap3A_830 : i32 to index
        %swap3A_832 = arith.constant 112 : index
        %swap3A_833 = tpu.vector_load %arg7[%swap3A_831, %swap3A_832] {strides = array<i32>} : memref<5x128xi32, #tpu.memory_space<vmem>>, vector<16xi32>,
        tpu.vector_store %arg7[%swap3A_831, %swap3A_832], %gather3A_829 {strides = array<i32>} : memref<5x128xi32, #tpu.memory_space<vmem>>, vector<16xi32>,
        %add3A_834 = arith.constant 2 : i32
        %add3A_835 = arith.addi %mul3A_693, %add3A_834 : i32
        %broadcast_in_dim3A_836 = vector.broadcast %add3A_835 : i32 to vector<16xi32>
        %add3A_837 = arith.constant 0 : i32
        %add3A_838 = vector.broadcast %add3A_837 : i32 to vector<16xi32>
        %add3A_839 = arith.addi %add3A_838, %iota3A : vector<16xi32>
        %gather3A_840 = tpu.vector_load_idx %arg5[%add3A_839, %broadcast_in_dim3A_836] : memref<128x50xi32, #tpu.memory_space<vmem>>[vector<16xi32>, vector<16xi32>], vector<16xi32>,
        %swap3A_841 = arith.constant 2 : i32
        %swap3A_842 = arith.index_cast %swap3A_841 : i32 to index
        %swap3A_843 = arith.constant 0 : index
        %swap3A_844 = tpu.vector_load %arg7[%swap3A_842, %swap3A_843] {strides = array<i32>} : memref<5x128xi32, #tpu.memory_space<vmem>>, vector<16xi32>,
        tpu.vector_store %arg7[%swap3A_842, %swap3A_843], %gather3A_840 {strides = array<i32>} : memref<5x128xi32, #tpu.memory_space<vmem>>, vector<16xi32>,
        %add3A_845 = arith.constant 16 : i32
        %add3A_846 = vector.broadcast %add3A_845 : i32 to vector<16xi32>
        %add3A_847 = arith.addi %add3A_846, %iota3A : vector<16xi32>
        %gather3A_848 = tpu.vector_load_idx %arg5[%add3A_847, %broadcast_in_dim3A_836] : memref<128x50xi32, #tpu.memory_space<vmem>>[vector<16xi32>, vector<16xi32>], vector<16xi32>,
        %swap3A_849 = arith.constant 2 : i32
        %swap3A_850 = arith.index_cast %swap3A_849 : i32 to index
        %swap3A_851 = arith.constant 16 : index
        %swap3A_852 = tpu.vector_load %arg7[%swap3A_850, %swap3A_851] {strides = array<i32>} : memref<5x128xi32, #tpu.memory_space<vmem>>, vector<16xi32>,
        tpu.vector_store %arg7[%swap3A_850, %swap3A_851], %gather3A_848 {strides = array<i32>} : memref<5x128xi32, #tpu.memory_space<vmem>>, vector<16xi32>,
        %add3A_853 = arith.constant 32 : i32
        %add3A_854 = vector.broadcast %add3A_853 : i32 to vector<16xi32>
        %add3A_855 = arith.addi %add3A_854, %iota3A : vector<16xi32>
        %gather3A_856 = tpu.vector_load_idx %arg5[%add3A_855, %broadcast_in_dim3A_836] : memref<128x50xi32, #tpu.memory_space<vmem>>[vector<16xi32>, vector<16xi32>], vector<16xi32>,
        %swap3A_857 = arith.constant 2 : i32
        %swap3A_858 = arith.index_cast %swap3A_857 : i32 to index
        %swap3A_859 = arith.constant 32 : index
        %swap3A_860 = tpu.vector_load %arg7[%swap3A_858, %swap3A_859] {strides = array<i32>} : memref<5x128xi32, #tpu.memory_space<vmem>>, vector<16xi32>,
        tpu.vector_store %arg7[%swap3A_858, %swap3A_859], %gather3A_856 {strides = array<i32>} : memref<5x128xi32, #tpu.memory_space<vmem>>, vector<16xi32>,
        %add3A_861 = arith.constant 48 : i32
        %add3A_862 = vector.broadcast %add3A_861 : i32 to vector<16xi32>
        %add3A_863 = arith.addi %add3A_862, %iota3A : vector<16xi32>
        %gather3A_864 = tpu.vector_load_idx %arg5[%add3A_863, %broadcast_in_dim3A_836] : memref<128x50xi32, #tpu.memory_space<vmem>>[vector<16xi32>, vector<16xi32>], vector<16xi32>,
        %swap3A_865 = arith.constant 2 : i32
        %swap3A_866 = arith.index_cast %swap3A_865 : i32 to index
        %swap3A_867 = arith.constant 48 : index
        %swap3A_868 = tpu.vector_load %arg7[%swap3A_866, %swap3A_867] {strides = array<i32>} : memref<5x128xi32, #tpu.memory_space<vmem>>, vector<16xi32>,
        tpu.vector_store %arg7[%swap3A_866, %swap3A_867], %gather3A_864 {strides = array<i32>} : memref<5x128xi32, #tpu.memory_space<vmem>>, vector<16xi32>,
        %add3A_869 = arith.constant 64 : i32
        %add3A_870 = vector.broadcast %add3A_869 : i32 to vector<16xi32>
        %add3A_871 = arith.addi %add3A_870, %iota3A : vector<16xi32>
        %gather3A_872 = tpu.vector_load_idx %arg5[%add3A_871, %broadcast_in_dim3A_836] : memref<128x50xi32, #tpu.memory_space<vmem>>[vector<16xi32>, vector<16xi32>], vector<16xi32>,
        %swap3A_873 = arith.constant 2 : i32
        %swap3A_874 = arith.index_cast %swap3A_873 : i32 to index
        %swap3A_875 = arith.constant 64 : index
        %swap3A_876 = tpu.vector_load %arg7[%swap3A_874, %swap3A_875] {strides = array<i32>} : memref<5x128xi32, #tpu.memory_space<vmem>>, vector<16xi32>,
        tpu.vector_store %arg7[%swap3A_874, %swap3A_875], %gather3A_872 {strides = array<i32>} : memref<5x128xi32, #tpu.memory_space<vmem>>, vector<16xi32>,
        %add3A_877 = arith.constant 80 : i32
        %add3A_878 = vector.broadcast %add3A_877 : i32 to vector<16xi32>
        %add3A_879 = arith.addi %add3A_878, %iota3A : vector<16xi32>
        %gather3A_880 = tpu.vector_load_idx %arg5[%add3A_879, %broadcast_in_dim3A_836] : memref<128x50xi32, #tpu.memory_space<vmem>>[vector<16xi32>, vector<16xi32>], vector<16xi32>,
        %swap3A_881 = arith.constant 2 : i32
        %swap3A_882 = arith.index_cast %swap3A_881 : i32 to index
        %swap3A_883 = arith.constant 80 : index
        %swap3A_884 = tpu.vector_load %arg7[%swap3A_882, %swap3A_883] {strides = array<i32>} : memref<5x128xi32, #tpu.memory_space<vmem>>, vector<16xi32>,
        tpu.vector_store %arg7[%swap3A_882, %swap3A_883], %gather3A_880 {strides = array<i32>} : memref<5x128xi32, #tpu.memory_space<vmem>>, vector<16xi32>,
        %add3A_885 = arith.constant 96 : i32
        %add3A_886 = vector.broadcast %add3A_885 : i32 to vector<16xi32>
        %add3A_887 = arith.addi %add3A_886, %iota3A : vector<16xi32>
        %gather3A_888 = tpu.vector_load_idx %arg5[%add3A_887, %broadcast_in_dim3A_836] : memref<128x50xi32, #tpu.memory_space<vmem>>[vector<16xi32>, vector<16xi32>], vector<16xi32>,
        %swap3A_889 = arith.constant 2 : i32
        %swap3A_890 = arith.index_cast %swap3A_889 : i32 to index
        %swap3A_891 = arith.constant 96 : index
        %swap3A_892 = tpu.vector_load %arg7[%swap3A_890, %swap3A_891] {strides = array<i32>} : memref<5x128xi32, #tpu.memory_space<vmem>>, vector<16xi32>,
        tpu.vector_store %arg7[%swap3A_890, %swap3A_891], %gather3A_888 {strides = array<i32>} : memref<5x128xi32, #tpu.memory_space<vmem>>, vector<16xi32>,
        %add3A_893 = arith.constant 112 : i32
        %add3A_894 = vector.broadcast %add3A_893 : i32 to vector<16xi32>
        %add3A_895 = arith.addi %add3A_894, %iota3A : vector<16xi32>
        %gather3A_896 = tpu.vector_load_idx %arg5[%add3A_895, %broadcast_in_dim3A_836] : memref<128x50xi32, #tpu.memory_space<vmem>>[vector<16xi32>, vector<16xi32>], vector<16xi32>,
        %swap3A_897 = arith.constant 2 : i32
        %swap3A_898 = arith.index_cast %swap3A_897 : i32 to index
        %swap3A_899 = arith.constant 112 : index
        %swap3A_900 = tpu.vector_load %arg7[%swap3A_898, %swap3A_899] {strides = array<i32>} : memref<5x128xi32, #tpu.memory_space<vmem>>, vector<16xi32>,
        tpu.vector_store %arg7[%swap3A_898, %swap3A_899], %gather3A_896 {strides = array<i32>} : memref<5x128xi32, #tpu.memory_space<vmem>>, vector<16xi32>,
        %add3A_901 = arith.constant 3 : i32
        %add3A_902 = arith.addi %mul3A_693, %add3A_901 : i32
        %broadcast_in_dim3A_903 = vector.broadcast %add3A_902 : i32 to vector<16xi32>
        %add3A_904 = arith.constant 0 : i32
        %add3A_905 = vector.broadcast %add3A_904 : i32 to vector<16xi32>
        %add3A_906 = arith.addi %add3A_905, %iota3A : vector<16xi32>
        %gather3A_907 = tpu.vector_load_idx %arg5[%add3A_906, %broadcast_in_dim3A_903] : memref<128x50xi32, #tpu.memory_space<vmem>>[vector<16xi32>, vector<16xi32>], vector<16xi32>,
        %swap3A_908 = arith.constant 3 : i32
        %swap3A_909 = arith.index_cast %swap3A_908 : i32 to index
        %swap3A_910 = arith.constant 0 : index
        %swap3A_911 = tpu.vector_load %arg7[%swap3A_909, %swap3A_910] {strides = array<i32>} : memref<5x128xi32, #tpu.memory_space<vmem>>, vector<16xi32>,
        tpu.vector_store %arg7[%swap3A_909, %swap3A_910], %gather3A_907 {strides = array<i32>} : memref<5x128xi32, #tpu.memory_space<vmem>>, vector<16xi32>,
        %add3A_912 = arith.constant 16 : i32
        %add3A_913 = vector.broadcast %add3A_912 : i32 to vector<16xi32>
        %add3A_914 = arith.addi %add3A_913, %iota3A : vector<16xi32>
        %gather3A_915 = tpu.vector_load_idx %arg5[%add3A_914, %broadcast_in_dim3A_903] : memref<128x50xi32, #tpu.memory_space<vmem>>[vector<16xi32>, vector<16xi32>], vector<16xi32>,
        %swap3A_916 = arith.constant 3 : i32
        %swap3A_917 = arith.index_cast %swap3A_916 : i32 to index
        %swap3A_918 = arith.constant 16 : index
        %swap3A_919 = tpu.vector_load %arg7[%swap3A_917, %swap3A_918] {strides = array<i32>} : memref<5x128xi32, #tpu.memory_space<vmem>>, vector<16xi32>,
        tpu.vector_store %arg7[%swap3A_917, %swap3A_918], %gather3A_915 {strides = array<i32>} : memref<5x128xi32, #tpu.memory_space<vmem>>, vector<16xi32>,
        %add3A_920 = arith.constant 32 : i32
        %add3A_921 = vector.broadcast %add3A_920 : i32 to vector<16xi32>
        %add3A_922 = arith.addi %add3A_921, %iota3A : vector<16xi32>
        %gather3A_923 = tpu.vector_load_idx %arg5[%add3A_922, %broadcast_in_dim3A_903] : memref<128x50xi32, #tpu.memory_space<vmem>>[vector<16xi32>, vector<16xi32>], vector<16xi32>,
        %swap3A_924 = arith.constant 3 : i32
        %swap3A_925 = arith.index_cast %swap3A_924 : i32 to index
        %swap3A_926 = arith.constant 32 : index
        %swap3A_927 = tpu.vector_load %arg7[%swap3A_925, %swap3A_926] {strides = array<i32>} : memref<5x128xi32, #tpu.memory_space<vmem>>, vector<16xi32>,
        tpu.vector_store %arg7[%swap3A_925, %swap3A_926], %gather3A_923 {strides = array<i32>} : memref<5x128xi32, #tpu.memory_space<vmem>>, vector<16xi32>,
        %add3A_928 = arith.constant 48 : i32
        %add3A_929 = vector.broadcast %add3A_928 : i32 to vector<16xi32>
        %add3A_930 = arith.addi %add3A_929, %iota3A : vector<16xi32>
        %gather3A_931 = tpu.vector_load_idx %arg5[%add3A_930, %broadcast_in_dim3A_903] : memref<128x50xi32, #tpu.memory_space<vmem>>[vector<16xi32>, vector<16xi32>], vector<16xi32>,
        %swap3A_932 = arith.constant 3 : i32
        %swap3A_933 = arith.index_cast %swap3A_932 : i32 to index
        %swap3A_934 = arith.constant 48 : index
        %swap3A_935 = tpu.vector_load %arg7[%swap3A_933, %swap3A_934] {strides = array<i32>} : memref<5x128xi32, #tpu.memory_space<vmem>>, vector<16xi32>,
        tpu.vector_store %arg7[%swap3A_933, %swap3A_934], %gather3A_931 {strides = array<i32>} : memref<5x128xi32, #tpu.memory_space<vmem>>, vector<16xi32>,
        %add3A_936 = arith.constant 64 : i32
        %add3A_937 = vector.broadcast %add3A_936 : i32 to vector<16xi32>
        %add3A_938 = arith.addi %add3A_937, %iota3A : vector<16xi32>
        %gather3A_939 = tpu.vector_load_idx %arg5[%add3A_938, %broadcast_in_dim3A_903] : memref<128x50xi32, #tpu.memory_space<vmem>>[vector<16xi32>, vector<16xi32>], vector<16xi32>,
        %swap3A_940 = arith.constant 3 : i32
        %swap3A_941 = arith.index_cast %swap3A_940 : i32 to index
        %swap3A_942 = arith.constant 64 : index
        %swap3A_943 = tpu.vector_load %arg7[%swap3A_941, %swap3A_942] {strides = array<i32>} : memref<5x128xi32, #tpu.memory_space<vmem>>, vector<16xi32>,
        tpu.vector_store %arg7[%swap3A_941, %swap3A_942], %gather3A_939 {strides = array<i32>} : memref<5x128xi32, #tpu.memory_space<vmem>>, vector<16xi32>,
        %add3A_944 = arith.constant 80 : i32
        %add3A_945 = vector.broadcast %add3A_944 : i32 to vector<16xi32>
        %add3A_946 = arith.addi %add3A_945, %iota3A : vector<16xi32>
        %gather3A_947 = tpu.vector_load_idx %arg5[%add3A_946, %broadcast_in_dim3A_903] : memref<128x50xi32, #tpu.memory_space<vmem>>[vector<16xi32>, vector<16xi32>], vector<16xi32>,
        %swap3A_948 = arith.constant 3 : i32
        %swap3A_949 = arith.index_cast %swap3A_948 : i32 to index
        %swap3A_950 = arith.constant 80 : index
        %swap3A_951 = tpu.vector_load %arg7[%swap3A_949, %swap3A_950] {strides = array<i32>} : memref<5x128xi32, #tpu.memory_space<vmem>>, vector<16xi32>,
        tpu.vector_store %arg7[%swap3A_949, %swap3A_950], %gather3A_947 {strides = array<i32>} : memref<5x128xi32, #tpu.memory_space<vmem>>, vector<16xi32>,
        %add3A_952 = arith.constant 96 : i32
        %add3A_953 = vector.broadcast %add3A_952 : i32 to vector<16xi32>
        %add3A_954 = arith.addi %add3A_953, %iota3A : vector<16xi32>
        %gather3A_955 = tpu.vector_load_idx %arg5[%add3A_954, %broadcast_in_dim3A_903] : memref<128x50xi32, #tpu.memory_space<vmem>>[vector<16xi32>, vector<16xi32>], vector<16xi32>,
        %swap3A_956 = arith.constant 3 : i32
        %swap3A_957 = arith.index_cast %swap3A_956 : i32 to index
        %swap3A_958 = arith.constant 96 : index
        %swap3A_959 = tpu.vector_load %arg7[%swap3A_957, %swap3A_958] {strides = array<i32>} : memref<5x128xi32, #tpu.memory_space<vmem>>, vector<16xi32>,
        tpu.vector_store %arg7[%swap3A_957, %swap3A_958], %gather3A_955 {strides = array<i32>} : memref<5x128xi32, #tpu.memory_space<vmem>>, vector<16xi32>,
        %add3A_960 = arith.constant 112 : i32
        %add3A_961 = vector.broadcast %add3A_960 : i32 to vector<16xi32>
        %add3A_962 = arith.addi %add3A_961, %iota3A : vector<16xi32>
        %gather3A_963 = tpu.vector_load_idx %arg5[%add3A_962, %broadcast_in_dim3A_903] : memref<128x50xi32, #tpu.memory_space<vmem>>[vector<16xi32>, vector<16xi32>], vector<16xi32>,
        %swap3A_964 = arith.constant 3 : i32
        %swap3A_965 = arith.index_cast %swap3A_964 : i32 to index
        %swap3A_966 = arith.constant 112 : index
        %swap3A_967 = tpu.vector_load %arg7[%swap3A_965, %swap3A_966] {strides = array<i32>} : memref<5x128xi32, #tpu.memory_space<vmem>>, vector<16xi32>,
        tpu.vector_store %arg7[%swap3A_965, %swap3A_966], %gather3A_963 {strides = array<i32>} : memref<5x128xi32, #tpu.memory_space<vmem>>, vector<16xi32>,
        %add3A_968 = arith.constant 4 : i32
        %add3A_969 = arith.addi %mul3A_693, %add3A_968 : i32
        %broadcast_in_dim3A_970 = vector.broadcast %add3A_969 : i32 to vector<16xi32>
        %add3A_971 = arith.constant 0 : i32
        %add3A_972 = vector.broadcast %add3A_971 : i32 to vector<16xi32>
        %add3A_973 = arith.addi %add3A_972, %iota3A : vector<16xi32>
        %gather3A_974 = tpu.vector_load_idx %arg5[%add3A_973, %broadcast_in_dim3A_970] : memref<128x50xi32, #tpu.memory_space<vmem>>[vector<16xi32>, vector<16xi32>], vector<16xi32>,
        %swap3A_975 = arith.constant 4 : i32
        %swap3A_976 = arith.index_cast %swap3A_975 : i32 to index
        %swap3A_977 = arith.constant 0 : index
        %swap3A_978 = tpu.vector_load %arg7[%swap3A_976, %swap3A_977] {strides = array<i32>} : memref<5x128xi32, #tpu.memory_space<vmem>>, vector<16xi32>,
        tpu.vector_store %arg7[%swap3A_976, %swap3A_977], %gather3A_974 {strides = array<i32>} : memref<5x128xi32, #tpu.memory_space<vmem>>, vector<16xi32>,
        %add3A_979 = arith.constant 16 : i32
        %add3A_980 = vector.broadcast %add3A_979 : i32 to vector<16xi32>
        %add3A_981 = arith.addi %add3A_980, %iota3A : vector<16xi32>
        %gather3A_982 = tpu.vector_load_idx %arg5[%add3A_981, %broadcast_in_dim3A_970] : memref<128x50xi32, #tpu.memory_space<vmem>>[vector<16xi32>, vector<16xi32>], vector<16xi32>,
        %swap3A_983 = arith.constant 4 : i32
        %swap3A_984 = arith.index_cast %swap3A_983 : i32 to index
        %swap3A_985 = arith.constant 16 : index
        %swap3A_986 = tpu.vector_load %arg7[%swap3A_984, %swap3A_985] {strides = array<i32>} : memref<5x128xi32, #tpu.memory_space<vmem>>, vector<16xi32>,
        tpu.vector_store %arg7[%swap3A_984, %swap3A_985], %gather3A_982 {strides = array<i32>} : memref<5x128xi32, #tpu.memory_space<vmem>>, vector<16xi32>,
        %add3A_987 = arith.constant 32 : i32
        %add3A_988 = vector.broadcast %add3A_987 : i32 to vector<16xi32>
        %add3A_989 = arith.addi %add3A_988, %iota3A : vector<16xi32>
        %gather3A_990 = tpu.vector_load_idx %arg5[%add3A_989, %broadcast_in_dim3A_970] : memref<128x50xi32, #tpu.memory_space<vmem>>[vector<16xi32>, vector<16xi32>], vector<16xi32>,
        %swap3A_991 = arith.constant 4 : i32
        %swap3A_992 = arith.index_cast %swap3A_991 : i32 to index
        %swap3A_993 = arith.constant 32 : index
        %swap3A_994 = tpu.vector_load %arg7[%swap3A_992, %swap3A_993] {strides = array<i32>} : memref<5x128xi32, #tpu.memory_space<vmem>>, vector<16xi32>,
        tpu.vector_store %arg7[%swap3A_992, %swap3A_993], %gather3A_990 {strides = array<i32>} : memref<5x128xi32, #tpu.memory_space<vmem>>, vector<16xi32>,
        %add3A_995 = arith.constant 48 : i32
        %add3A_996 = vector.broadcast %add3A_995 : i32 to vector<16xi32>
        %add3A_997 = arith.addi %add3A_996, %iota3A : vector<16xi32>
        %gather3A_998 = tpu.vector_load_idx %arg5[%add3A_997, %broadcast_in_dim3A_970] : memref<128x50xi32, #tpu.memory_space<vmem>>[vector<16xi32>, vector<16xi32>], vector<16xi32>,
        %swap3A_999 = arith.constant 4 : i32
        %swap3A_1000 = arith.index_cast %swap3A_999 : i32 to index
        %swap3A_1001 = arith.constant 48 : index
        %swap3A_1002 = tpu.vector_load %arg7[%swap3A_1000, %swap3A_1001] {strides = array<i32>} : memref<5x128xi32, #tpu.memory_space<vmem>>, vector<16xi32>,
        tpu.vector_store %arg7[%swap3A_1000, %swap3A_1001], %gather3A_998 {strides = array<i32>} : memref<5x128xi32, #tpu.memory_space<vmem>>, vector<16xi32>,
        %add3A_1003 = arith.constant 64 : i32
        %add3A_1004 = vector.broadcast %add3A_1003 : i32 to vector<16xi32>
        %add3A_1005 = arith.addi %add3A_1004, %iota3A : vector<16xi32>
        %gather3A_1006 = tpu.vector_load_idx %arg5[%add3A_1005, %broadcast_in_dim3A_970] : memref<128x50xi32, #tpu.memory_space<vmem>>[vector<16xi32>, vector<16xi32>], vector<16xi32>,
        %swap3A_1007 = arith.constant 4 : i32
        %swap3A_1008 = arith.index_cast %swap3A_1007 : i32 to index
        %swap3A_1009 = arith.constant 64 : index
        %swap3A_1010 = tpu.vector_load %arg7[%swap3A_1008, %swap3A_1009] {strides = array<i32>} : memref<5x128xi32, #tpu.memory_space<vmem>>, vector<16xi32>,
        tpu.vector_store %arg7[%swap3A_1008, %swap3A_1009], %gather3A_1006 {strides = array<i32>} : memref<5x128xi32, #tpu.memory_space<vmem>>, vector<16xi32>,
        %add3A_1011 = arith.constant 80 : i32
        %add3A_1012 = vector.broadcast %add3A_1011 : i32 to vector<16xi32>
        %add3A_1013 = arith.addi %add3A_1012, %iota3A : vector<16xi32>
        %gather3A_1014 = tpu.vector_load_idx %arg5[%add3A_1013, %broadcast_in_dim3A_970] : memref<128x50xi32, #tpu.memory_space<vmem>>[vector<16xi32>, vector<16xi32>], vector<16xi32>,
        %swap3A_1015 = arith.constant 4 : i32
        %swap3A_1016 = arith.index_cast %swap3A_1015 : i32 to index
        %swap3A_1017 = arith.constant 80 : index
        %swap3A_1018 = tpu.vector_load %arg7[%swap3A_1016, %swap3A_1017] {strides = array<i32>} : memref<5x128xi32, #tpu.memory_space<vmem>>, vector<16xi32>,
        tpu.vector_store %arg7[%swap3A_1016, %swap3A_1017], %gather3A_1014 {strides = array<i32>} : memref<5x128xi32, #tpu.memory_space<vmem>>, vector<16xi32>,
        %add3A_1019 = arith.constant 96 : i32
        %add3A_1020 = vector.broadcast %add3A_1019 : i32 to vector<16xi32>
        %add3A_1021 = arith.addi %add3A_1020, %iota3A : vector<16xi32>
        %gather3A_1022 = tpu.vector_load_idx %arg5[%add3A_1021, %broadcast_in_dim3A_970] : memref<128x50xi32, #tpu.memory_space<vmem>>[vector<16xi32>, vector<16xi32>], vector<16xi32>,
        %swap3A_1023 = arith.constant 4 : i32
        %swap3A_1024 = arith.index_cast %swap3A_1023 : i32 to index
        %swap3A_1025 = arith.constant 96 : index
        %swap3A_1026 = tpu.vector_load %arg7[%swap3A_1024, %swap3A_1025] {strides = array<i32>} : memref<5x128xi32, #tpu.memory_space<vmem>>, vector<16xi32>,
        tpu.vector_store %arg7[%swap3A_1024, %swap3A_1025], %gather3A_1022 {strides = array<i32>} : memref<5x128xi32, #tpu.memory_space<vmem>>, vector<16xi32>,
        %add3A_1027 = arith.constant 112 : i32
        %add3A_1028 = vector.broadcast %add3A_1027 : i32 to vector<16xi32>
        %add3A_1029 = arith.addi %add3A_1028, %iota3A : vector<16xi32>
        %gather3A_1030 = tpu.vector_load_idx %arg5[%add3A_1029, %broadcast_in_dim3A_970] : memref<128x50xi32, #tpu.memory_space<vmem>>[vector<16xi32>, vector<16xi32>], vector<16xi32>,
        %swap3A_1031 = arith.constant 4 : i32
        %swap3A_1032 = arith.index_cast %swap3A_1031 : i32 to index
        %swap3A_1033 = arith.constant 112 : index
        %swap3A_1034 = tpu.vector_load %arg7[%swap3A_1032, %swap3A_1033] {strides = array<i32>} : memref<5x128xi32, #tpu.memory_space<vmem>>, vector<16xi32>,
        tpu.vector_store %arg7[%swap3A_1032, %swap3A_1033], %gather3A_1030 {strides = array<i32>} : memref<5x128xi32, #tpu.memory_space<vmem>>, vector<16xi32>,
        %dma_start3A_1035 = arith.constant 0 : i32
        %dma_start3A_1036 = arith.constant 0 : i32
        %dma_start3A_1037 = arith.constant 0 : i32
        %dma_start3A_1038 = arith.constant 0 : i32
        %dma_start3A_1039 = tpu.memref_slice %arg9[%dma_start3A_1036, %dma_start3A_1037, %dma_start3A_1038] : memref<5x128x32xf32, #tpu.memory_space<vmem>> -> memref<1x128x32xf32, #tpu.memory_space<vmem>>
        %dma_start3A_1040 = tpu.memref_squeeze %dma_start3A_1039 : memref<1x128x32xf32, #tpu.memory_space<vmem>> -> memref<128x32xf32, #tpu.memory_space<vmem>>
        %dma_start3A_1041 = arith.constant 0 : i32
        %dma_start3A_1042 = tpu.memref_slice %arg7[%dma_start3A_1035, %dma_start3A_1041] : memref<5x128xi32, #tpu.memory_space<vmem>> -> memref<1x128xi32, #tpu.memory_space<vmem>>
        %dma_start3A_1043 = tpu.memref_squeeze %dma_start3A_1042 : memref<1x128xi32, #tpu.memory_space<vmem>> -> memref<128xi32, #tpu.memory_space<vmem>>
        %dma_start3A_1044 = arith.constant 0 : i32
        %dma_start3A_1045 = arith.constant 0 : i32
        %dma_start3A_1046 = tpu.memref_slice %arg2[%dma_start3A_1044, %dma_start3A_1045] : memref<1000000x32xf32, #tpu.memory_space<hbm>> -> memref<1000000x32xf32, #tpu.memory_space<hbm>>
        tpu.enqueue_indirect_dma source(%dma_start3A_1046 : memref<1000000x32xf32, #tpu.memory_space<hbm>>) target(%dma_start3A_1040 : memref<128x32xf32, #tpu.memory_space<vmem>>) offsets(%dma_start3A_1043 : memref<128xi32, #tpu.memory_space<vmem>>) semaphore(%arg13 : memref<!tpu.dma_semaphore, #tpu.memory_space<semaphore_mem>>)
        %dma_start3A_1047 = arith.constant 1 : i32
        %dma_start3A_1048 = arith.constant 1 : i32
        %dma_start3A_1049 = arith.constant 0 : i32
        %dma_start3A_1050 = arith.constant 0 : i32
        %dma_start3A_1051 = tpu.memref_slice %arg9[%dma_start3A_1048, %dma_start3A_1049, %dma_start3A_1050] : memref<5x128x32xf32, #tpu.memory_space<vmem>> -> memref<1x128x32xf32, #tpu.memory_space<vmem>>
        %dma_start3A_1052 = tpu.memref_squeeze %dma_start3A_1051 : memref<1x128x32xf32, #tpu.memory_space<vmem>> -> memref<128x32xf32, #tpu.memory_space<vmem>>
        %dma_start3A_1053 = arith.constant 0 : i32
        %dma_start3A_1054 = tpu.memref_slice %arg7[%dma_start3A_1047, %dma_start3A_1053] : memref<5x128xi32, #tpu.memory_space<vmem>> -> memref<1x128xi32, #tpu.memory_space<vmem>>
        %dma_start3A_1055 = tpu.memref_squeeze %dma_start3A_1054 : memref<1x128xi32, #tpu.memory_space<vmem>> -> memref<128xi32, #tpu.memory_space<vmem>>
        %dma_start3A_1056 = arith.constant 0 : i32
        %dma_start3A_1057 = arith.constant 0 : i32
        %dma_start3A_1058 = tpu.memref_slice %arg2[%dma_start3A_1056, %dma_start3A_1057] : memref<1000000x32xf32, #tpu.memory_space<hbm>> -> memref<1000000x32xf32, #tpu.memory_space<hbm>>
        tpu.enqueue_indirect_dma source(%dma_start3A_1058 : memref<1000000x32xf32, #tpu.memory_space<hbm>>) target(%dma_start3A_1052 : memref<128x32xf32, #tpu.memory_space<vmem>>) offsets(%dma_start3A_1055 : memref<128xi32, #tpu.memory_space<vmem>>) semaphore(%arg13 : memref<!tpu.dma_semaphore, #tpu.memory_space<semaphore_mem>>)
        %dma_start3A_1059 = arith.constant 2 : i32
        %dma_start3A_1060 = arith.constant 2 : i32
        %dma_start3A_1061 = arith.constant 0 : i32
        %dma_start3A_1062 = arith.constant 0 : i32
        %dma_start3A_1063 = tpu.memref_slice %arg9[%dma_start3A_1060, %dma_start3A_1061, %dma_start3A_1062] : memref<5x128x32xf32, #tpu.memory_space<vmem>> -> memref<1x128x32xf32, #tpu.memory_space<vmem>>
        %dma_start3A_1064 = tpu.memref_squeeze %dma_start3A_1063 : memref<1x128x32xf32, #tpu.memory_space<vmem>> -> memref<128x32xf32, #tpu.memory_space<vmem>>
        %dma_start3A_1065 = arith.constant 0 : i32
        %dma_start3A_1066 = tpu.memref_slice %arg7[%dma_start3A_1059, %dma_start3A_1065] : memref<5x128xi32, #tpu.memory_space<vmem>> -> memref<1x128xi32, #tpu.memory_space<vmem>>
        %dma_start3A_1067 = tpu.memref_squeeze %dma_start3A_1066 : memref<1x128xi32, #tpu.memory_space<vmem>> -> memref<128xi32, #tpu.memory_space<vmem>>
        %dma_start3A_1068 = arith.constant 0 : i32
        %dma_start3A_1069 = arith.constant 0 : i32
        %dma_start3A_1070 = tpu.memref_slice %arg2[%dma_start3A_1068, %dma_start3A_1069] : memref<1000000x32xf32, #tpu.memory_space<hbm>> -> memref<1000000x32xf32, #tpu.memory_space<hbm>>
        tpu.enqueue_indirect_dma source(%dma_start3A_1070 : memref<1000000x32xf32, #tpu.memory_space<hbm>>) target(%dma_start3A_1064 : memref<128x32xf32, #tpu.memory_space<vmem>>) offsets(%dma_start3A_1067 : memref<128xi32, #tpu.memory_space<vmem>>) semaphore(%arg13 : memref<!tpu.dma_semaphore, #tpu.memory_space<semaphore_mem>>)
        %dma_start3A_1071 = arith.constant 3 : i32
        %dma_start3A_1072 = arith.constant 3 : i32
        %dma_start3A_1073 = arith.constant 0 : i32
        %dma_start3A_1074 = arith.constant 0 : i32
        %dma_start3A_1075 = tpu.memref_slice %arg9[%dma_start3A_1072, %dma_start3A_1073, %dma_start3A_1074] : memref<5x128x32xf32, #tpu.memory_space<vmem>> -> memref<1x128x32xf32, #tpu.memory_space<vmem>>
        %dma_start3A_1076 = tpu.memref_squeeze %dma_start3A_1075 : memref<1x128x32xf32, #tpu.memory_space<vmem>> -> memref<128x32xf32, #tpu.memory_space<vmem>>
        %dma_start3A_1077 = arith.constant 0 : i32
        %dma_start3A_1078 = tpu.memref_slice %arg7[%dma_start3A_1071, %dma_start3A_1077] : memref<5x128xi32, #tpu.memory_space<vmem>> -> memref<1x128xi32, #tpu.memory_space<vmem>>
        %dma_start3A_1079 = tpu.memref_squeeze %dma_start3A_1078 : memref<1x128xi32, #tpu.memory_space<vmem>> -> memref<128xi32, #tpu.memory_space<vmem>>
        %dma_start3A_1080 = arith.constant 0 : i32
        %dma_start3A_1081 = arith.constant 0 : i32
        %dma_start3A_1082 = tpu.memref_slice %arg2[%dma_start3A_1080, %dma_start3A_1081] : memref<1000000x32xf32, #tpu.memory_space<hbm>> -> memref<1000000x32xf32, #tpu.memory_space<hbm>>
        tpu.enqueue_indirect_dma source(%dma_start3A_1082 : memref<1000000x32xf32, #tpu.memory_space<hbm>>) target(%dma_start3A_1076 : memref<128x32xf32, #tpu.memory_space<vmem>>) offsets(%dma_start3A_1079 : memref<128xi32, #tpu.memory_space<vmem>>) semaphore(%arg13 : memref<!tpu.dma_semaphore, #tpu.memory_space<semaphore_mem>>)
        %dma_start3A_1083 = arith.constant 4 : i32
        %dma_start3A_1084 = arith.constant 4 : i32
        %dma_start3A_1085 = arith.constant 0 : i32
        %dma_start3A_1086 = arith.constant 0 : i32
        %dma_start3A_1087 = tpu.memref_slice %arg9[%dma_start3A_1084, %dma_start3A_1085, %dma_start3A_1086] : memref<5x128x32xf32, #tpu.memory_space<vmem>> -> memref<1x128x32xf32, #tpu.memory_space<vmem>>
        %dma_start3A_1088 = tpu.memref_squeeze %dma_start3A_1087 : memref<1x128x32xf32, #tpu.memory_space<vmem>> -> memref<128x32xf32, #tpu.memory_space<vmem>>
        %dma_start3A_1089 = arith.constant 0 : i32
        %dma_start3A_1090 = tpu.memref_slice %arg7[%dma_start3A_1083, %dma_start3A_1089] : memref<5x128xi32, #tpu.memory_space<vmem>> -> memref<1x128xi32, #tpu.memory_space<vmem>>
        %dma_start3A_1091 = tpu.memref_squeeze %dma_start3A_1090 : memref<1x128xi32, #tpu.memory_space<vmem>> -> memref<128xi32, #tpu.memory_space<vmem>>
        %dma_start3A_1092 = arith.constant 0 : i32
        %dma_start3A_1093 = arith.constant 0 : i32
        %dma_start3A_1094 = tpu.memref_slice %arg2[%dma_start3A_1092, %dma_start3A_1093] : memref<1000000x32xf32, #tpu.memory_space<hbm>> -> memref<1000000x32xf32, #tpu.memory_space<hbm>>
        tpu.enqueue_indirect_dma source(%dma_start3A_1094 : memref<1000000x32xf32, #tpu.memory_space<hbm>>) target(%dma_start3A_1088 : memref<128x32xf32, #tpu.memory_space<vmem>>) offsets(%dma_start3A_1091 : memref<128xi32, #tpu.memory_space<vmem>>) semaphore(%arg13 : memref<!tpu.dma_semaphore, #tpu.memory_space<semaphore_mem>>)
      } else {
      }
      %dma_wait3A_550 = arith.constant 0 : i32
      %dma_wait3A_551 = arith.constant 0 : i32
      %dma_wait3A_552 = arith.constant 0 : i32
      %dma_wait3A_553 = arith.constant 0 : i32
      %dma_wait3A_554 = tpu.memref_slice %arg10[%dma_wait3A_551, %dma_wait3A_552, %dma_wait3A_553] : memref<5x128x32xf32, #tpu.memory_space<vmem>> -> memref<1x128x32xf32, #tpu.memory_space<vmem>>
      %dma_wait3A_555 = tpu.memref_squeeze %dma_wait3A_554 : memref<1x128x32xf32, #tpu.memory_space<vmem>> -> memref<128x32xf32, #tpu.memory_space<vmem>>
      %dma_wait3A_556 = arith.constant 0 : i32
      %dma_wait3A_557 = tpu.memref_slice %arg8[%dma_wait3A_550, %dma_wait3A_556] : memref<5x128xi32, #tpu.memory_space<vmem>> -> memref<1x128xi32, #tpu.memory_space<vmem>>
      %dma_wait3A_558 = tpu.memref_squeeze %dma_wait3A_557 : memref<1x128xi32, #tpu.memory_space<vmem>> -> memref<128xi32, #tpu.memory_space<vmem>>
      %dma_wait3A_559 = arith.constant 0 : i32
      %dma_wait3A_560 = arith.constant 0 : i32
      %dma_wait3A_561 = tpu.memref_slice %arg2[%dma_wait3A_559, %dma_wait3A_560] : memref<1000000x32xf32, #tpu.memory_space<hbm>> -> memref<1000000x32xf32, #tpu.memory_space<hbm>>
      tpu.wait_indirect_dma semaphore(%arg14 : memref<!tpu.dma_semaphore, #tpu.memory_space<semaphore_mem>>) src(%dma_wait3A_561 : memref<1000000x32xf32, #tpu.memory_space<hbm>>) dst(%dma_wait3A_555 : memref<128x32xf32, #tpu.memory_space<vmem>>)
      %dma_wait3A_562 = arith.constant 1 : i32
      %dma_wait3A_563 = arith.constant 1 : i32
      %dma_wait3A_564 = arith.constant 0 : i32
      %dma_wait3A_565 = arith.constant 0 : i32
      %dma_wait3A_566 = tpu.memref_slice %arg10[%dma_wait3A_563, %dma_wait3A_564, %dma_wait3A_565] : memref<5x128x32xf32, #tpu.memory_space<vmem>> -> memref<1x128x32xf32, #tpu.memory_space<vmem>>
      %dma_wait3A_567 = tpu.memref_squeeze %dma_wait3A_566 : memref<1x128x32xf32, #tpu.memory_space<vmem>> -> memref<128x32xf32, #tpu.memory_space<vmem>>
      %dma_wait3A_568 = arith.constant 0 : i32
      %dma_wait3A_569 = tpu.memref_slice %arg8[%dma_wait3A_562, %dma_wait3A_568] : memref<5x128xi32, #tpu.memory_space<vmem>> -> memref<1x128xi32, #tpu.memory_space<vmem>>
      %dma_wait3A_570 = tpu.memref_squeeze %dma_wait3A_569 : memref<1x128xi32, #tpu.memory_space<vmem>> -> memref<128xi32, #tpu.memory_space<vmem>>
      %dma_wait3A_571 = arith.constant 0 : i32
      %dma_wait3A_572 = arith.constant 0 : i32
      %dma_wait3A_573 = tpu.memref_slice %arg2[%dma_wait3A_571, %dma_wait3A_572] : memref<1000000x32xf32, #tpu.memory_space<hbm>> -> memref<1000000x32xf32, #tpu.memory_space<hbm>>
      tpu.wait_indirect_dma semaphore(%arg14 : memref<!tpu.dma_semaphore, #tpu.memory_space<semaphore_mem>>) src(%dma_wait3A_573 : memref<1000000x32xf32, #tpu.memory_space<hbm>>) dst(%dma_wait3A_567 : memref<128x32xf32, #tpu.memory_space<vmem>>)
      %dma_wait3A_574 = arith.constant 2 : i32
      %dma_wait3A_575 = arith.constant 2 : i32
      %dma_wait3A_576 = arith.constant 0 : i32
      %dma_wait3A_577 = arith.constant 0 : i32
      %dma_wait3A_578 = tpu.memref_slice %arg10[%dma_wait3A_575, %dma_wait3A_576, %dma_wait3A_577] : memref<5x128x32xf32, #tpu.memory_space<vmem>> -> memref<1x128x32xf32, #tpu.memory_space<vmem>>
      %dma_wait3A_579 = tpu.memref_squeeze %dma_wait3A_578 : memref<1x128x32xf32, #tpu.memory_space<vmem>> -> memref<128x32xf32, #tpu.memory_space<vmem>>
      %dma_wait3A_580 = arith.constant 0 : i32
      %dma_wait3A_581 = tpu.memref_slice %arg8[%dma_wait3A_574, %dma_wait3A_580] : memref<5x128xi32, #tpu.memory_space<vmem>> -> memref<1x128xi32, #tpu.memory_space<vmem>>
      %dma_wait3A_582 = tpu.memref_squeeze %dma_wait3A_581 : memref<1x128xi32, #tpu.memory_space<vmem>> -> memref<128xi32, #tpu.memory_space<vmem>>
      %dma_wait3A_583 = arith.constant 0 : i32
      %dma_wait3A_584 = arith.constant 0 : i32
      %dma_wait3A_585 = tpu.memref_slice %arg2[%dma_wait3A_583, %dma_wait3A_584] : memref<1000000x32xf32, #tpu.memory_space<hbm>> -> memref<1000000x32xf32, #tpu.memory_space<hbm>>
      tpu.wait_indirect_dma semaphore(%arg14 : memref<!tpu.dma_semaphore, #tpu.memory_space<semaphore_mem>>) src(%dma_wait3A_585 : memref<1000000x32xf32, #tpu.memory_space<hbm>>) dst(%dma_wait3A_579 : memref<128x32xf32, #tpu.memory_space<vmem>>)
      %dma_wait3A_586 = arith.constant 3 : i32
      %dma_wait3A_587 = arith.constant 3 : i32
      %dma_wait3A_588 = arith.constant 0 : i32
      %dma_wait3A_589 = arith.constant 0 : i32
      %dma_wait3A_590 = tpu.memref_slice %arg10[%dma_wait3A_587, %dma_wait3A_588, %dma_wait3A_589] : memref<5x128x32xf32, #tpu.memory_space<vmem>> -> memref<1x128x32xf32, #tpu.memory_space<vmem>>
      %dma_wait3A_591 = tpu.memref_squeeze %dma_wait3A_590 : memref<1x128x32xf32, #tpu.memory_space<vmem>> -> memref<128x32xf32, #tpu.memory_space<vmem>>
      %dma_wait3A_592 = arith.constant 0 : i32
      %dma_wait3A_593 = tpu.memref_slice %arg8[%dma_wait3A_586, %dma_wait3A_592] : memref<5x128xi32, #tpu.memory_space<vmem>> -> memref<1x128xi32, #tpu.memory_space<vmem>>
      %dma_wait3A_594 = tpu.memref_squeeze %dma_wait3A_593 : memref<1x128xi32, #tpu.memory_space<vmem>> -> memref<128xi32, #tpu.memory_space<vmem>>
      %dma_wait3A_595 = arith.constant 0 : i32
      %dma_wait3A_596 = arith.constant 0 : i32
      %dma_wait3A_597 = tpu.memref_slice %arg2[%dma_wait3A_595, %dma_wait3A_596] : memref<1000000x32xf32, #tpu.memory_space<hbm>> -> memref<1000000x32xf32, #tpu.memory_space<hbm>>
      tpu.wait_indirect_dma semaphore(%arg14 : memref<!tpu.dma_semaphore, #tpu.memory_space<semaphore_mem>>) src(%dma_wait3A_597 : memref<1000000x32xf32, #tpu.memory_space<hbm>>) dst(%dma_wait3A_591 : memref<128x32xf32, #tpu.memory_space<vmem>>)
      %dma_wait3A_598 = arith.constant 4 : i32
      %dma_wait3A_599 = arith.constant 4 : i32
      %dma_wait3A_600 = arith.constant 0 : i32
      %dma_wait3A_601 = arith.constant 0 : i32
      %dma_wait3A_602 = tpu.memref_slice %arg10[%dma_wait3A_599, %dma_wait3A_600, %dma_wait3A_601] : memref<5x128x32xf32, #tpu.memory_space<vmem>> -> memref<1x128x32xf32, #tpu.memory_space<vmem>>
      %dma_wait3A_603 = tpu.memref_squeeze %dma_wait3A_602 : memref<1x128x32xf32, #tpu.memory_space<vmem>> -> memref<128x32xf32, #tpu.memory_space<vmem>>
      %dma_wait3A_604 = arith.constant 0 : i32
      %dma_wait3A_605 = tpu.memref_slice %arg8[%dma_wait3A_598, %dma_wait3A_604] : memref<5x128xi32, #tpu.memory_space<vmem>> -> memref<1x128xi32, #tpu.memory_space<vmem>>
      %dma_wait3A_606 = tpu.memref_squeeze %dma_wait3A_605 : memref<1x128xi32, #tpu.memory_space<vmem>> -> memref<128xi32, #tpu.memory_space<vmem>>
      %dma_wait3A_607 = arith.constant 0 : i32
      %dma_wait3A_608 = arith.constant 0 : i32
      %dma_wait3A_609 = tpu.memref_slice %arg2[%dma_wait3A_607, %dma_wait3A_608] : memref<1000000x32xf32, #tpu.memory_space<hbm>> -> memref<1000000x32xf32, #tpu.memory_space<hbm>>
      tpu.wait_indirect_dma semaphore(%arg14 : memref<!tpu.dma_semaphore, #tpu.memory_space<semaphore_mem>>) src(%dma_wait3A_609 : memref<1000000x32xf32, #tpu.memory_space<hbm>>) dst(%dma_wait3A_603 : memref<128x32xf32, #tpu.memory_space<vmem>>)
      %ge3A_610 = arith.constant 2 : i32
      %ge3A_611 = arith.cmpi sge, %add3A_542, %ge3A_610 : i32
      %convert_element_type3A_612 = arith.extui %ge3A_611 : i1 to i32
      %cond3A_613 = arith.constant 0 : i32
      %cond3A_614 = arith.cmpi ne, %convert_element_type3A_612, %cond3A_613 : i32
      scf.if %cond3A_614 {
        %sub3A_663 = arith.constant 2 : i32
        %sub3A_664 = arith.subi %add3A_542, %sub3A_663 : i32
        %jit3A_665 = arith.constant 10 : i32
        %div3A_666 = arith.divsi %sub3A_664, %jit3A_665 : i32
        %sign3A_667 = arith.constant 0 : i32
        %sign3A_668 = arith.cmpi sgt, %sub3A_664, %sign3A_667 : i32
        %sign3A_669 = arith.extui %sign3A_668 : i1 to i32
        %sign3A_670 = arith.constant 0 : i32
        %sign3A_671 = arith.cmpi slt, %sub3A_664, %sign3A_670 : i32
        %sign3A_672 = arith.extui %sign3A_671 : i1 to i32
        %sign3A_673 = arith.subi %sign3A_669, %sign3A_672 : i32
        %sign3A_674 = arith.constant 0 : i32
        %sign3A_675 = arith.cmpi sgt, %jit3A_665, %sign3A_674 : i32
        %sign3A_676 = arith.extui %sign3A_675 : i1 to i32
        %sign3A_677 = arith.constant 0 : i32
        %sign3A_678 = arith.cmpi slt, %jit3A_665, %sign3A_677 : i32
        %sign3A_679 = arith.extui %sign3A_678 : i1 to i32
        %sign3A_680 = arith.subi %sign3A_676, %sign3A_679 : i32
        %ne3A_681 = arith.cmpi ne, %sign3A_673, %sign3A_680 : i32
        %rem3A_682 = arith.remsi %sub3A_664, %jit3A_665 : i32
        %ne3A_683 = arith.constant 0 : i32
        %ne3A_684 = arith.cmpi ne, %rem3A_682, %ne3A_683 : i32
        %and3A_685 = arith.andi %ne3A_681, %ne3A_684 : i1
        %sub3A_686 = arith.constant 1 : i32
        %sub3A_687 = arith.subi %div3A_666, %sub3A_686 : i32
        %select_n3A_688 = arith.select %and3A_685, %sub3A_687, %div3A_666 : i32
        %mul3A_689 = arith.constant 10 : i32
        %mul3A_690 = arith.muli %select_n3A_688, %mul3A_689 : i32
        %sub3A_691 = arith.subi %sub3A_664, %mul3A_690 : i32
        %mul3A_692 = arith.constant 5 : i32
        %mul3A_693 = arith.muli %sub3A_691, %mul3A_692 : i32
        %mul3A_694 = arith.constant 4 : i32
        %mul3A_695 = arith.muli %add3A, %mul3A_694 : i32
        %add3A_696 = arith.addi %mul3A_695, %select_n3A_688 : i32
        %dma_wait3A_697 = arith.constant 0 : i32
        %dma_wait3A_698 = arith.constant 0 : i32
        %dma_wait3A_699 = arith.constant 0 : i32
        %dma_wait3A_700 = tpu.memref_slice %arg4[%mul3A_693, %dma_wait3A_697, %add3A_696, %dma_wait3A_698, %dma_wait3A_699] : memref<50x4x128x8x128xf32, #tpu.memory_space<hbm>> -> memref<5x4x1x8x128xf32, #tpu.memory_space<hbm>>
        %dma_wait3A_701 = arith.constant 0 : i32
        %dma_wait3A_702 = arith.constant 0 : i32
        %dma_wait3A_703 = arith.constant 0 : i32
        %dma_wait3A_704 = tpu.memref_slice %arg4[%mul3A_693, %dma_wait3A_701, %add3A_696, %dma_wait3A_702, %dma_wait3A_703] : memref<50x4x128x8x128xf32, #tpu.memory_space<hbm>> -> memref<5x4x1x8x128xf32, #tpu.memory_space<hbm>>
        tpu.wait_dma2 semaphore(%arg16 : memref<!tpu.dma_semaphore, #tpu.memory_space<semaphore_mem>>) src(%arg12 : memref<5x4x1x8x128xf32, #tpu.memory_space<vmem>>) dst(%dma_wait3A_704 : memref<5x4x1x8x128xf32, #tpu.memory_space<hbm>>)
      } else {
      }
      %scan3A_615 = arith.constant 0 : i32
      %scan3A_616 = arith.constant 0 : i32
      %scan3A_617 = arith.constant 40 : i32
      %scan3A_618 = arith.addi %scan3A_616, %scan3A_617 : i32
      %scan3A_619 = arith.constant 1 : i32
      %scan3A_620 = scf.for %scan3A_663 = %scan3A_616 to %scan3A_618 step %scan3A_619 iter_args(%scan3A_664 = %scan3A_615) -> (i32)  : i32 {
        %jit3A_665 = arith.constant 8 : i32
        %div3A_666 = arith.divsi %scan3A_663, %jit3A_665 : i32
        %sign3A_667 = arith.constant 0 : i32
        %sign3A_668 = arith.cmpi sgt, %scan3A_663, %sign3A_667 : i32
        %sign3A_669 = arith.extui %sign3A_668 : i1 to i32
        %sign3A_670 = arith.constant 0 : i32
        %sign3A_671 = arith.cmpi slt, %scan3A_663, %sign3A_670 : i32
        %sign3A_672 = arith.extui %sign3A_671 : i1 to i32
        %sign3A_673 = arith.subi %sign3A_669, %sign3A_672 : i32
        %sign3A_674 = arith.constant 0 : i32
        %sign3A_675 = arith.cmpi sgt, %jit3A_665, %sign3A_674 : i32
        %sign3A_676 = arith.extui %sign3A_675 : i1 to i32
        %sign3A_677 = arith.constant 0 : i32
        %sign3A_678 = arith.cmpi slt, %jit3A_665, %sign3A_677 : i32
        %sign3A_679 = arith.extui %sign3A_678 : i1 to i32
        %sign3A_680 = arith.subi %sign3A_676, %sign3A_679 : i32
        %ne3A_681 = arith.cmpi ne, %sign3A_673, %sign3A_680 : i32
        %rem3A_682 = arith.remsi %scan3A_663, %jit3A_665 : i32
        %ne3A_683 = arith.constant 0 : i32
        %ne3A_684 = arith.cmpi ne, %rem3A_682, %ne3A_683 : i32
        %and3A_685 = arith.andi %ne3A_681, %ne3A_684 : i1
        %sub3A_686 = arith.constant 1 : i32
        %sub3A_687 = arith.subi %div3A_666, %sub3A_686 : i32
        %select_n3A_688 = arith.select %and3A_685, %sub3A_687, %div3A_666 : i32
        %broadcast_in_dim3A_689 = vector.broadcast %select_n3A_688 : i32 to vector<16xi32>
        %mul3A_690 = arith.constant 8 : i32
        %mul3A_691 = arith.muli %select_n3A_688, %mul3A_690 : i32
        %sub3A_692 = arith.subi %scan3A_663, %mul3A_691 : i32
        %mul3A_693 = arith.constant 16 : i32
        %mul3A_694 = arith.muli %sub3A_692, %mul3A_693 : i32
        %add3A_695 = vector.broadcast %mul3A_694 : i32 to vector<16xi32>
        %add3A_696 = arith.addi %add3A_695, %iota3A : vector<16xi32>
        %broadcast_in_dim3A_697 = arith.constant 1.000000e-24 : f32
        %broadcast_in_dim3A_698 = vector.broadcast %broadcast_in_dim3A_697 : f32 to vector<16xf32>
        %add3A_699 = arith.constant 0 : i32
        %add3A_700 = vector.broadcast %add3A_699 : i32 to vector<16xi32>
        %add3A_701 = arith.addi %iota3A, %add3A_700 : vector<16xi32>
        %and3A_702 = arith.constant 31 : i32
        %and3A_703 = vector.broadcast %and3A_702 : i32 to vector<16xi32>
        %and3A_704 = arith.andi %add3A_701, %and3A_703 : vector<16xi32>
        %add3A_705 = arith.constant 1 : i32
        %add3A_706 = vector.broadcast %add3A_705 : i32 to vector<16xi32>
        %add3A_707 = arith.addi %iota3A, %add3A_706 : vector<16xi32>
        %and3A_708 = arith.constant 31 : i32
        %and3A_709 = vector.broadcast %and3A_708 : i32 to vector<16xi32>
        %and3A_710 = arith.andi %add3A_707, %and3A_709 : vector<16xi32>
        %add3A_711 = arith.constant 2 : i32
        %add3A_712 = vector.broadcast %add3A_711 : i32 to vector<16xi32>
        %add3A_713 = arith.addi %iota3A, %add3A_712 : vector<16xi32>
        %and3A_714 = arith.constant 31 : i32
        %and3A_715 = vector.broadcast %and3A_714 : i32 to vector<16xi32>
        %and3A_716 = arith.andi %add3A_713, %and3A_715 : vector<16xi32>
        %add3A_717 = arith.constant 3 : i32
        %add3A_718 = vector.broadcast %add3A_717 : i32 to vector<16xi32>
        %add3A_719 = arith.addi %iota3A, %add3A_718 : vector<16xi32>
        %and3A_720 = arith.constant 31 : i32
        %and3A_721 = vector.broadcast %and3A_720 : i32 to vector<16xi32>
        %and3A_722 = arith.andi %add3A_719, %and3A_721 : vector<16xi32>
        %add3A_723 = arith.constant 4 : i32
        %add3A_724 = vector.broadcast %add3A_723 : i32 to vector<16xi32>
        %add3A_725 = arith.addi %iota3A, %add3A_724 : vector<16xi32>
        %and3A_726 = arith.constant 31 : i32
        %and3A_727 = vector.broadcast %and3A_726 : i32 to vector<16xi32>
        %and3A_728 = arith.andi %add3A_725, %and3A_727 : vector<16xi32>
        %add3A_729 = arith.constant 5 : i32
        %add3A_730 = vector.broadcast %add3A_729 : i32 to vector<16xi32>
        %add3A_731 = arith.addi %iota3A, %add3A_730 : vector<16xi32>
        %and3A_732 = arith.constant 31 : i32
        %and3A_733 = vector.broadcast %and3A_732 : i32 to vector<16xi32>
        %and3A_734 = arith.andi %add3A_731, %and3A_733 : vector<16xi32>
        %add3A_735 = arith.constant 6 : i32
        %add3A_736 = vector.broadcast %add3A_735 : i32 to vector<16xi32>
        %add3A_737 = arith.addi %iota3A, %add3A_736 : vector<16xi32>
        %and3A_738 = arith.constant 31 : i32
        %and3A_739 = vector.broadcast %and3A_738 : i32 to vector<16xi32>
        %and3A_740 = arith.andi %add3A_737, %and3A_739 : vector<16xi32>
        %add3A_741 = arith.constant 7 : i32
        %add3A_742 = vector.broadcast %add3A_741 : i32 to vector<16xi32>
        %add3A_743 = arith.addi %iota3A, %add3A_742 : vector<16xi32>
        %and3A_744 = arith.constant 31 : i32
        %and3A_745 = vector.broadcast %and3A_744 : i32 to vector<16xi32>
        %and3A_746 = arith.andi %add3A_743, %and3A_745 : vector<16xi32>
        %add3A_747 = arith.constant 8 : i32
        %add3A_748 = vector.broadcast %add3A_747 : i32 to vector<16xi32>
        %add3A_749 = arith.addi %iota3A, %add3A_748 : vector<16xi32>
        %and3A_750 = arith.constant 31 : i32
        %and3A_751 = vector.broadcast %and3A_750 : i32 to vector<16xi32>
        %and3A_752 = arith.andi %add3A_749, %and3A_751 : vector<16xi32>
        %add3A_753 = arith.constant 9 : i32
        %add3A_754 = vector.broadcast %add3A_753 : i32 to vector<16xi32>
        %add3A_755 = arith.addi %iota3A, %add3A_754 : vector<16xi32>
        %and3A_756 = arith.constant 31 : i32
        %and3A_757 = vector.broadcast %and3A_756 : i32 to vector<16xi32>
        %and3A_758 = arith.andi %add3A_755, %and3A_757 : vector<16xi32>
        %add3A_759 = arith.constant 10 : i32
        %add3A_760 = vector.broadcast %add3A_759 : i32 to vector<16xi32>
        %add3A_761 = arith.addi %iota3A, %add3A_760 : vector<16xi32>
        %and3A_762 = arith.constant 31 : i32
        %and3A_763 = vector.broadcast %and3A_762 : i32 to vector<16xi32>
        %and3A_764 = arith.andi %add3A_761, %and3A_763 : vector<16xi32>
        %add3A_765 = arith.constant 11 : i32
        %add3A_766 = vector.broadcast %add3A_765 : i32 to vector<16xi32>
        %add3A_767 = arith.addi %iota3A, %add3A_766 : vector<16xi32>
        %and3A_768 = arith.constant 31 : i32
        %and3A_769 = vector.broadcast %and3A_768 : i32 to vector<16xi32>
        %and3A_770 = arith.andi %add3A_767, %and3A_769 : vector<16xi32>
        %add3A_771 = arith.constant 12 : i32
        %add3A_772 = vector.broadcast %add3A_771 : i32 to vector<16xi32>
        %add3A_773 = arith.addi %iota3A, %add3A_772 : vector<16xi32>
        %and3A_774 = arith.constant 31 : i32
        %and3A_775 = vector.broadcast %and3A_774 : i32 to vector<16xi32>
        %and3A_776 = arith.andi %add3A_773, %and3A_775 : vector<16xi32>
        %add3A_777 = arith.constant 13 : i32
        %add3A_778 = vector.broadcast %add3A_777 : i32 to vector<16xi32>
        %add3A_779 = arith.addi %iota3A, %add3A_778 : vector<16xi32>
        %and3A_780 = arith.constant 31 : i32
        %and3A_781 = vector.broadcast %and3A_780 : i32 to vector<16xi32>
        %and3A_782 = arith.andi %add3A_779, %and3A_781 : vector<16xi32>
        %add3A_783 = arith.constant 14 : i32
        %add3A_784 = vector.broadcast %add3A_783 : i32 to vector<16xi32>
        %add3A_785 = arith.addi %iota3A, %add3A_784 : vector<16xi32>
        %and3A_786 = arith.constant 31 : i32
        %and3A_787 = vector.broadcast %and3A_786 : i32 to vector<16xi32>
        %and3A_788 = arith.andi %add3A_785, %and3A_787 : vector<16xi32>
        %add3A_789 = arith.constant 15 : i32
        %add3A_790 = vector.broadcast %add3A_789 : i32 to vector<16xi32>
        %add3A_791 = arith.addi %iota3A, %add3A_790 : vector<16xi32>
        %and3A_792 = arith.constant 31 : i32
        %and3A_793 = vector.broadcast %and3A_792 : i32 to vector<16xi32>
        %and3A_794 = arith.andi %add3A_791, %and3A_793 : vector<16xi32>
        %add3A_795 = arith.constant 16 : i32
        %add3A_796 = vector.broadcast %add3A_795 : i32 to vector<16xi32>
        %add3A_797 = arith.addi %iota3A, %add3A_796 : vector<16xi32>
        %and3A_798 = arith.constant 31 : i32
        %and3A_799 = vector.broadcast %and3A_798 : i32 to vector<16xi32>
        %and3A_800 = arith.andi %add3A_797, %and3A_799 : vector<16xi32>
        %add3A_801 = arith.constant 17 : i32
        %add3A_802 = vector.broadcast %add3A_801 : i32 to vector<16xi32>
        %add3A_803 = arith.addi %iota3A, %add3A_802 : vector<16xi32>
        %and3A_804 = arith.constant 31 : i32
        %and3A_805 = vector.broadcast %and3A_804 : i32 to vector<16xi32>
        %and3A_806 = arith.andi %add3A_803, %and3A_805 : vector<16xi32>
        %add3A_807 = arith.constant 18 : i32
        %add3A_808 = vector.broadcast %add3A_807 : i32 to vector<16xi32>
        %add3A_809 = arith.addi %iota3A, %add3A_808 : vector<16xi32>
        %and3A_810 = arith.constant 31 : i32
        %and3A_811 = vector.broadcast %and3A_810 : i32 to vector<16xi32>
        %and3A_812 = arith.andi %add3A_809, %and3A_811 : vector<16xi32>
        %add3A_813 = arith.constant 19 : i32
        %add3A_814 = vector.broadcast %add3A_813 : i32 to vector<16xi32>
        %add3A_815 = arith.addi %iota3A, %add3A_814 : vector<16xi32>
        %and3A_816 = arith.constant 31 : i32
        %and3A_817 = vector.broadcast %and3A_816 : i32 to vector<16xi32>
        %and3A_818 = arith.andi %add3A_815, %and3A_817 : vector<16xi32>
        %add3A_819 = arith.constant 20 : i32
        %add3A_820 = vector.broadcast %add3A_819 : i32 to vector<16xi32>
        %add3A_821 = arith.addi %iota3A, %add3A_820 : vector<16xi32>
        %and3A_822 = arith.constant 31 : i32
        %and3A_823 = vector.broadcast %and3A_822 : i32 to vector<16xi32>
        %and3A_824 = arith.andi %add3A_821, %and3A_823 : vector<16xi32>
        %add3A_825 = arith.constant 21 : i32
        %add3A_826 = vector.broadcast %add3A_825 : i32 to vector<16xi32>
        %add3A_827 = arith.addi %iota3A, %add3A_826 : vector<16xi32>
        %and3A_828 = arith.constant 31 : i32
        %and3A_829 = vector.broadcast %and3A_828 : i32 to vector<16xi32>
        %and3A_830 = arith.andi %add3A_827, %and3A_829 : vector<16xi32>
        %add3A_831 = arith.constant 22 : i32
        %add3A_832 = vector.broadcast %add3A_831 : i32 to vector<16xi32>
        %add3A_833 = arith.addi %iota3A, %add3A_832 : vector<16xi32>
        %and3A_834 = arith.constant 31 : i32
        %and3A_835 = vector.broadcast %and3A_834 : i32 to vector<16xi32>
        %and3A_836 = arith.andi %add3A_833, %and3A_835 : vector<16xi32>
        %add3A_837 = arith.constant 23 : i32
        %add3A_838 = vector.broadcast %add3A_837 : i32 to vector<16xi32>
        %add3A_839 = arith.addi %iota3A, %add3A_838 : vector<16xi32>
        %and3A_840 = arith.constant 31 : i32
        %and3A_841 = vector.broadcast %and3A_840 : i32 to vector<16xi32>
        %and3A_842 = arith.andi %add3A_839, %and3A_841 : vector<16xi32>
        %add3A_843 = arith.constant 24 : i32
        %add3A_844 = vector.broadcast %add3A_843 : i32 to vector<16xi32>
        %add3A_845 = arith.addi %iota3A, %add3A_844 : vector<16xi32>
        %and3A_846 = arith.constant 31 : i32
        %and3A_847 = vector.broadcast %and3A_846 : i32 to vector<16xi32>
        %and3A_848 = arith.andi %add3A_845, %and3A_847 : vector<16xi32>
        %add3A_849 = arith.constant 25 : i32
        %add3A_850 = vector.broadcast %add3A_849 : i32 to vector<16xi32>
        %add3A_851 = arith.addi %iota3A, %add3A_850 : vector<16xi32>
        %and3A_852 = arith.constant 31 : i32
        %and3A_853 = vector.broadcast %and3A_852 : i32 to vector<16xi32>
        %and3A_854 = arith.andi %add3A_851, %and3A_853 : vector<16xi32>
        %add3A_855 = arith.constant 26 : i32
        %add3A_856 = vector.broadcast %add3A_855 : i32 to vector<16xi32>
        %add3A_857 = arith.addi %iota3A, %add3A_856 : vector<16xi32>
        %and3A_858 = arith.constant 31 : i32
        %and3A_859 = vector.broadcast %and3A_858 : i32 to vector<16xi32>
        %and3A_860 = arith.andi %add3A_857, %and3A_859 : vector<16xi32>
        %add3A_861 = arith.constant 27 : i32
        %add3A_862 = vector.broadcast %add3A_861 : i32 to vector<16xi32>
        %add3A_863 = arith.addi %iota3A, %add3A_862 : vector<16xi32>
        %and3A_864 = arith.constant 31 : i32
        %and3A_865 = vector.broadcast %and3A_864 : i32 to vector<16xi32>
        %and3A_866 = arith.andi %add3A_863, %and3A_865 : vector<16xi32>
        %add3A_867 = arith.constant 28 : i32
        %add3A_868 = vector.broadcast %add3A_867 : i32 to vector<16xi32>
        %add3A_869 = arith.addi %iota3A, %add3A_868 : vector<16xi32>
        %and3A_870 = arith.constant 31 : i32
        %and3A_871 = vector.broadcast %and3A_870 : i32 to vector<16xi32>
        %and3A_872 = arith.andi %add3A_869, %and3A_871 : vector<16xi32>
        %add3A_873 = arith.constant 29 : i32
        %add3A_874 = vector.broadcast %add3A_873 : i32 to vector<16xi32>
        %add3A_875 = arith.addi %iota3A, %add3A_874 : vector<16xi32>
        %and3A_876 = arith.constant 31 : i32
        %and3A_877 = vector.broadcast %and3A_876 : i32 to vector<16xi32>
        %and3A_878 = arith.andi %add3A_875, %and3A_877 : vector<16xi32>
        %add3A_879 = arith.constant 30 : i32
        %add3A_880 = vector.broadcast %add3A_879 : i32 to vector<16xi32>
        %add3A_881 = arith.addi %iota3A, %add3A_880 : vector<16xi32>
        %and3A_882 = arith.constant 31 : i32
        %and3A_883 = vector.broadcast %and3A_882 : i32 to vector<16xi32>
        %and3A_884 = arith.andi %add3A_881, %and3A_883 : vector<16xi32>
        %add3A_885 = arith.constant 31 : i32
        %add3A_886 = vector.broadcast %add3A_885 : i32 to vector<16xi32>
        %add3A_887 = arith.addi %iota3A, %add3A_886 : vector<16xi32>
        %and3A_888 = arith.constant 31 : i32
        %and3A_889 = vector.broadcast %and3A_888 : i32 to vector<16xi32>
        %and3A_890 = arith.andi %add3A_887, %and3A_889 : vector<16xi32>
        %gather3A_891 = tpu.vector_load_idx %arg10[%broadcast_in_dim3A_689, %add3A_696, %and3A_704] : memref<5x128x32xf32, #tpu.memory_space<vmem>>[vector<16xi32>, vector<16xi32>, vector<16xi32>], vector<16xf32>,
        %mul3A_892 = arith.mulf %gather3A_891, %gather3A_891 : vector<16xf32>
        %add3A_893 = arith.addf %broadcast_in_dim3A_698, %mul3A_892 : vector<16xf32>
        %gather3A_894 = tpu.vector_load_idx %arg10[%broadcast_in_dim3A_689, %add3A_696, %and3A_710] : memref<5x128x32xf32, #tpu.memory_space<vmem>>[vector<16xi32>, vector<16xi32>, vector<16xi32>], vector<16xf32>,
        %mul3A_895 = arith.mulf %gather3A_894, %gather3A_894 : vector<16xf32>
        %add3A_896 = arith.addf %add3A_893, %mul3A_895 : vector<16xf32>
        %gather3A_897 = tpu.vector_load_idx %arg10[%broadcast_in_dim3A_689, %add3A_696, %and3A_716] : memref<5x128x32xf32, #tpu.memory_space<vmem>>[vector<16xi32>, vector<16xi32>, vector<16xi32>], vector<16xf32>,
        %mul3A_898 = arith.mulf %gather3A_897, %gather3A_897 : vector<16xf32>
        %add3A_899 = arith.addf %add3A_896, %mul3A_898 : vector<16xf32>
        %gather3A_900 = tpu.vector_load_idx %arg10[%broadcast_in_dim3A_689, %add3A_696, %and3A_722] : memref<5x128x32xf32, #tpu.memory_space<vmem>>[vector<16xi32>, vector<16xi32>, vector<16xi32>], vector<16xf32>,
        %mul3A_901 = arith.mulf %gather3A_900, %gather3A_900 : vector<16xf32>
        %add3A_902 = arith.addf %add3A_899, %mul3A_901 : vector<16xf32>
        %gather3A_903 = tpu.vector_load_idx %arg10[%broadcast_in_dim3A_689, %add3A_696, %and3A_728] : memref<5x128x32xf32, #tpu.memory_space<vmem>>[vector<16xi32>, vector<16xi32>, vector<16xi32>], vector<16xf32>,
        %mul3A_904 = arith.mulf %gather3A_903, %gather3A_903 : vector<16xf32>
        %add3A_905 = arith.addf %add3A_902, %mul3A_904 : vector<16xf32>
        %gather3A_906 = tpu.vector_load_idx %arg10[%broadcast_in_dim3A_689, %add3A_696, %and3A_734] : memref<5x128x32xf32, #tpu.memory_space<vmem>>[vector<16xi32>, vector<16xi32>, vector<16xi32>], vector<16xf32>,
        %mul3A_907 = arith.mulf %gather3A_906, %gather3A_906 : vector<16xf32>
        %add3A_908 = arith.addf %add3A_905, %mul3A_907 : vector<16xf32>
        %gather3A_909 = tpu.vector_load_idx %arg10[%broadcast_in_dim3A_689, %add3A_696, %and3A_740] : memref<5x128x32xf32, #tpu.memory_space<vmem>>[vector<16xi32>, vector<16xi32>, vector<16xi32>], vector<16xf32>,
        %mul3A_910 = arith.mulf %gather3A_909, %gather3A_909 : vector<16xf32>
        %add3A_911 = arith.addf %add3A_908, %mul3A_910 : vector<16xf32>
        %gather3A_912 = tpu.vector_load_idx %arg10[%broadcast_in_dim3A_689, %add3A_696, %and3A_746] : memref<5x128x32xf32, #tpu.memory_space<vmem>>[vector<16xi32>, vector<16xi32>, vector<16xi32>], vector<16xf32>,
        %mul3A_913 = arith.mulf %gather3A_912, %gather3A_912 : vector<16xf32>
        %add3A_914 = arith.addf %add3A_911, %mul3A_913 : vector<16xf32>
        %gather3A_915 = tpu.vector_load_idx %arg10[%broadcast_in_dim3A_689, %add3A_696, %and3A_752] : memref<5x128x32xf32, #tpu.memory_space<vmem>>[vector<16xi32>, vector<16xi32>, vector<16xi32>], vector<16xf32>,
        %mul3A_916 = arith.mulf %gather3A_915, %gather3A_915 : vector<16xf32>
        %add3A_917 = arith.addf %add3A_914, %mul3A_916 : vector<16xf32>
        %gather3A_918 = tpu.vector_load_idx %arg10[%broadcast_in_dim3A_689, %add3A_696, %and3A_758] : memref<5x128x32xf32, #tpu.memory_space<vmem>>[vector<16xi32>, vector<16xi32>, vector<16xi32>], vector<16xf32>,
        %mul3A_919 = arith.mulf %gather3A_918, %gather3A_918 : vector<16xf32>
        %add3A_920 = arith.addf %add3A_917, %mul3A_919 : vector<16xf32>
        %gather3A_921 = tpu.vector_load_idx %arg10[%broadcast_in_dim3A_689, %add3A_696, %and3A_764] : memref<5x128x32xf32, #tpu.memory_space<vmem>>[vector<16xi32>, vector<16xi32>, vector<16xi32>], vector<16xf32>,
        %mul3A_922 = arith.mulf %gather3A_921, %gather3A_921 : vector<16xf32>
        %add3A_923 = arith.addf %add3A_920, %mul3A_922 : vector<16xf32>
        %gather3A_924 = tpu.vector_load_idx %arg10[%broadcast_in_dim3A_689, %add3A_696, %and3A_770] : memref<5x128x32xf32, #tpu.memory_space<vmem>>[vector<16xi32>, vector<16xi32>, vector<16xi32>], vector<16xf32>,
        %mul3A_925 = arith.mulf %gather3A_924, %gather3A_924 : vector<16xf32>
        %add3A_926 = arith.addf %add3A_923, %mul3A_925 : vector<16xf32>
        %gather3A_927 = tpu.vector_load_idx %arg10[%broadcast_in_dim3A_689, %add3A_696, %and3A_776] : memref<5x128x32xf32, #tpu.memory_space<vmem>>[vector<16xi32>, vector<16xi32>, vector<16xi32>], vector<16xf32>,
        %mul3A_928 = arith.mulf %gather3A_927, %gather3A_927 : vector<16xf32>
        %add3A_929 = arith.addf %add3A_926, %mul3A_928 : vector<16xf32>
        %gather3A_930 = tpu.vector_load_idx %arg10[%broadcast_in_dim3A_689, %add3A_696, %and3A_782] : memref<5x128x32xf32, #tpu.memory_space<vmem>>[vector<16xi32>, vector<16xi32>, vector<16xi32>], vector<16xf32>,
        %mul3A_931 = arith.mulf %gather3A_930, %gather3A_930 : vector<16xf32>
        %add3A_932 = arith.addf %add3A_929, %mul3A_931 : vector<16xf32>
        %gather3A_933 = tpu.vector_load_idx %arg10[%broadcast_in_dim3A_689, %add3A_696, %and3A_788] : memref<5x128x32xf32, #tpu.memory_space<vmem>>[vector<16xi32>, vector<16xi32>, vector<16xi32>], vector<16xf32>,
        %mul3A_934 = arith.mulf %gather3A_933, %gather3A_933 : vector<16xf32>
        %add3A_935 = arith.addf %add3A_932, %mul3A_934 : vector<16xf32>
        %gather3A_936 = tpu.vector_load_idx %arg10[%broadcast_in_dim3A_689, %add3A_696, %and3A_794] : memref<5x128x32xf32, #tpu.memory_space<vmem>>[vector<16xi32>, vector<16xi32>, vector<16xi32>], vector<16xf32>,
        %mul3A_937 = arith.mulf %gather3A_936, %gather3A_936 : vector<16xf32>
        %add3A_938 = arith.addf %add3A_935, %mul3A_937 : vector<16xf32>
        %gather3A_939 = tpu.vector_load_idx %arg10[%broadcast_in_dim3A_689, %add3A_696, %and3A_800] : memref<5x128x32xf32, #tpu.memory_space<vmem>>[vector<16xi32>, vector<16xi32>, vector<16xi32>], vector<16xf32>,
        %mul3A_940 = arith.mulf %gather3A_939, %gather3A_939 : vector<16xf32>
        %add3A_941 = arith.addf %add3A_938, %mul3A_940 : vector<16xf32>
        %gather3A_942 = tpu.vector_load_idx %arg10[%broadcast_in_dim3A_689, %add3A_696, %and3A_806] : memref<5x128x32xf32, #tpu.memory_space<vmem>>[vector<16xi32>, vector<16xi32>, vector<16xi32>], vector<16xf32>,
        %mul3A_943 = arith.mulf %gather3A_942, %gather3A_942 : vector<16xf32>
        %add3A_944 = arith.addf %add3A_941, %mul3A_943 : vector<16xf32>
        %gather3A_945 = tpu.vector_load_idx %arg10[%broadcast_in_dim3A_689, %add3A_696, %and3A_812] : memref<5x128x32xf32, #tpu.memory_space<vmem>>[vector<16xi32>, vector<16xi32>, vector<16xi32>], vector<16xf32>,
        %mul3A_946 = arith.mulf %gather3A_945, %gather3A_945 : vector<16xf32>
        %add3A_947 = arith.addf %add3A_944, %mul3A_946 : vector<16xf32>
        %gather3A_948 = tpu.vector_load_idx %arg10[%broadcast_in_dim3A_689, %add3A_696, %and3A_818] : memref<5x128x32xf32, #tpu.memory_space<vmem>>[vector<16xi32>, vector<16xi32>, vector<16xi32>], vector<16xf32>,
        %mul3A_949 = arith.mulf %gather3A_948, %gather3A_948 : vector<16xf32>
        %add3A_950 = arith.addf %add3A_947, %mul3A_949 : vector<16xf32>
        %gather3A_951 = tpu.vector_load_idx %arg10[%broadcast_in_dim3A_689, %add3A_696, %and3A_824] : memref<5x128x32xf32, #tpu.memory_space<vmem>>[vector<16xi32>, vector<16xi32>, vector<16xi32>], vector<16xf32>,
        %mul3A_952 = arith.mulf %gather3A_951, %gather3A_951 : vector<16xf32>
        %add3A_953 = arith.addf %add3A_950, %mul3A_952 : vector<16xf32>
        %gather3A_954 = tpu.vector_load_idx %arg10[%broadcast_in_dim3A_689, %add3A_696, %and3A_830] : memref<5x128x32xf32, #tpu.memory_space<vmem>>[vector<16xi32>, vector<16xi32>, vector<16xi32>], vector<16xf32>,
        %mul3A_955 = arith.mulf %gather3A_954, %gather3A_954 : vector<16xf32>
        %add3A_956 = arith.addf %add3A_953, %mul3A_955 : vector<16xf32>
        %gather3A_957 = tpu.vector_load_idx %arg10[%broadcast_in_dim3A_689, %add3A_696, %and3A_836] : memref<5x128x32xf32, #tpu.memory_space<vmem>>[vector<16xi32>, vector<16xi32>, vector<16xi32>], vector<16xf32>,
        %mul3A_958 = arith.mulf %gather3A_957, %gather3A_957 : vector<16xf32>
        %add3A_959 = arith.addf %add3A_956, %mul3A_958 : vector<16xf32>
        %gather3A_960 = tpu.vector_load_idx %arg10[%broadcast_in_dim3A_689, %add3A_696, %and3A_842] : memref<5x128x32xf32, #tpu.memory_space<vmem>>[vector<16xi32>, vector<16xi32>, vector<16xi32>], vector<16xf32>,
        %mul3A_961 = arith.mulf %gather3A_960, %gather3A_960 : vector<16xf32>
        %add3A_962 = arith.addf %add3A_959, %mul3A_961 : vector<16xf32>
        %gather3A_963 = tpu.vector_load_idx %arg10[%broadcast_in_dim3A_689, %add3A_696, %and3A_848] : memref<5x128x32xf32, #tpu.memory_space<vmem>>[vector<16xi32>, vector<16xi32>, vector<16xi32>], vector<16xf32>,
        %mul3A_964 = arith.mulf %gather3A_963, %gather3A_963 : vector<16xf32>
        %add3A_965 = arith.addf %add3A_962, %mul3A_964 : vector<16xf32>
        %gather3A_966 = tpu.vector_load_idx %arg10[%broadcast_in_dim3A_689, %add3A_696, %and3A_854] : memref<5x128x32xf32, #tpu.memory_space<vmem>>[vector<16xi32>, vector<16xi32>, vector<16xi32>], vector<16xf32>,
        %mul3A_967 = arith.mulf %gather3A_966, %gather3A_966 : vector<16xf32>
        %add3A_968 = arith.addf %add3A_965, %mul3A_967 : vector<16xf32>
        %gather3A_969 = tpu.vector_load_idx %arg10[%broadcast_in_dim3A_689, %add3A_696, %and3A_860] : memref<5x128x32xf32, #tpu.memory_space<vmem>>[vector<16xi32>, vector<16xi32>, vector<16xi32>], vector<16xf32>,
        %mul3A_970 = arith.mulf %gather3A_969, %gather3A_969 : vector<16xf32>
        %add3A_971 = arith.addf %add3A_968, %mul3A_970 : vector<16xf32>
        %gather3A_972 = tpu.vector_load_idx %arg10[%broadcast_in_dim3A_689, %add3A_696, %and3A_866] : memref<5x128x32xf32, #tpu.memory_space<vmem>>[vector<16xi32>, vector<16xi32>, vector<16xi32>], vector<16xf32>,
        %mul3A_973 = arith.mulf %gather3A_972, %gather3A_972 : vector<16xf32>
        %add3A_974 = arith.addf %add3A_971, %mul3A_973 : vector<16xf32>
        %gather3A_975 = tpu.vector_load_idx %arg10[%broadcast_in_dim3A_689, %add3A_696, %and3A_872] : memref<5x128x32xf32, #tpu.memory_space<vmem>>[vector<16xi32>, vector<16xi32>, vector<16xi32>], vector<16xf32>,
        %mul3A_976 = arith.mulf %gather3A_975, %gather3A_975 : vector<16xf32>
        %add3A_977 = arith.addf %add3A_974, %mul3A_976 : vector<16xf32>
        %gather3A_978 = tpu.vector_load_idx %arg10[%broadcast_in_dim3A_689, %add3A_696, %and3A_878] : memref<5x128x32xf32, #tpu.memory_space<vmem>>[vector<16xi32>, vector<16xi32>, vector<16xi32>], vector<16xf32>,
        %mul3A_979 = arith.mulf %gather3A_978, %gather3A_978 : vector<16xf32>
        %add3A_980 = arith.addf %add3A_977, %mul3A_979 : vector<16xf32>
        %gather3A_981 = tpu.vector_load_idx %arg10[%broadcast_in_dim3A_689, %add3A_696, %and3A_884] : memref<5x128x32xf32, #tpu.memory_space<vmem>>[vector<16xi32>, vector<16xi32>, vector<16xi32>], vector<16xf32>,
        %mul3A_982 = arith.mulf %gather3A_981, %gather3A_981 : vector<16xf32>
        %add3A_983 = arith.addf %add3A_980, %mul3A_982 : vector<16xf32>
        %gather3A_984 = tpu.vector_load_idx %arg10[%broadcast_in_dim3A_689, %add3A_696, %and3A_890] : memref<5x128x32xf32, #tpu.memory_space<vmem>>[vector<16xi32>, vector<16xi32>, vector<16xi32>], vector<16xf32>,
        %mul3A_985 = arith.mulf %gather3A_984, %gather3A_984 : vector<16xf32>
        %add3A_986 = arith.addf %add3A_983, %mul3A_985 : vector<16xf32>
        %bitcast3A = vector.bitcast %add3A_986 : vector<16xf32> to vector<16xi32>
        %shift_right_logical3A = arith.constant 1 : i32
        %shift_right_logical3A_987 = vector.broadcast %shift_right_logical3A : i32 to vector<16xi32>
        %shift_right_logical3A_988 = arith.shrui %bitcast3A, %shift_right_logical3A_987 : vector<16xi32>
        %sub3A_989 = arith.constant 1597463007 : i32
        %sub3A_990 = vector.broadcast %sub3A_989 : i32 to vector<16xi32>
        %sub3A_991 = arith.subi %sub3A_990, %shift_right_logical3A_988 : vector<16xi32>
        %bitcast3A_992 = vector.bitcast %sub3A_991 : vector<16xi32> to vector<16xf32>
        %mul3A_993 = arith.constant 5.000000e-01 : f32
        %mul3A_994 = vector.broadcast %mul3A_993 : f32 to vector<16xf32>
        %mul3A_995 = arith.mulf %mul3A_994, %add3A_986 : vector<16xf32>
        %mul3A_996 = arith.mulf %mul3A_995, %bitcast3A_992 : vector<16xf32>
        %mul3A_997 = arith.mulf %mul3A_996, %bitcast3A_992 : vector<16xf32>
        %sub3A_998 = arith.constant 1.500000e+00 : f32
        %sub3A_999 = vector.broadcast %sub3A_998 : f32 to vector<16xf32>
        %sub3A_1000 = arith.subf %sub3A_999, %mul3A_997 : vector<16xf32>
        %mul3A_1001 = arith.mulf %bitcast3A_992, %sub3A_1000 : vector<16xf32>
        %mul3A_1002 = arith.constant 5.000000e-01 : f32
        %mul3A_1003 = vector.broadcast %mul3A_1002 : f32 to vector<16xf32>
        %mul3A_1004 = arith.mulf %mul3A_1003, %add3A_986 : vector<16xf32>
        %mul3A_1005 = arith.mulf %mul3A_1004, %mul3A_1001 : vector<16xf32>
        %mul3A_1006 = arith.mulf %mul3A_1005, %mul3A_1001 : vector<16xf32>
        %sub3A_1007 = arith.constant 1.500000e+00 : f32
        %sub3A_1008 = vector.broadcast %sub3A_1007 : f32 to vector<16xf32>
        %sub3A_1009 = arith.subf %sub3A_1008, %mul3A_1006 : vector<16xf32>
        %mul3A_1010 = arith.mulf %mul3A_1001, %sub3A_1009 : vector<16xf32>
        %mul3A_1011 = arith.constant 5.000000e-01 : f32
        %mul3A_1012 = vector.broadcast %mul3A_1011 : f32 to vector<16xf32>
        %mul3A_1013 = arith.mulf %mul3A_1012, %add3A_986 : vector<16xf32>
        %mul3A_1014 = arith.mulf %mul3A_1013, %mul3A_1010 : vector<16xf32>
        %mul3A_1015 = arith.mulf %mul3A_1014, %mul3A_1010 : vector<16xf32>
        %sub3A_1016 = arith.constant 1.500000e+00 : f32
        %sub3A_1017 = vector.broadcast %sub3A_1016 : f32 to vector<16xf32>
        %sub3A_1018 = arith.subf %sub3A_1017, %mul3A_1015 : vector<16xf32>
        %mul3A_1019 = arith.mulf %mul3A_1010, %sub3A_1018 : vector<16xf32>
        %mul3A_1020 = arith.constant 5.65685415 : f32
        %mul3A_1021 = vector.broadcast %mul3A_1020 : f32 to vector<16xf32>
        %mul3A_1022 = arith.mulf %mul3A_1019, %mul3A_1021 : vector<16xf32>
        %shift_right_logical3A_1023 = arith.constant 3 : i32
        %shift_right_logical3A_1024 = vector.broadcast %shift_right_logical3A_1023 : i32 to vector<16xi32>
        %shift_right_logical3A_1025 = arith.shrui %and3A_704, %shift_right_logical3A_1024 : vector<16xi32>
        %and3A_1026 = arith.constant 7 : i32
        %and3A_1027 = vector.broadcast %and3A_1026 : i32 to vector<16xi32>
        %and3A_1028 = arith.andi %and3A_704, %and3A_1027 : vector<16xi32>
        %mul3A_1029 = arith.mulf %gather3A_891, %mul3A_1022 : vector<16xf32>
        tpu.vector_store_idx %arg12[%broadcast_in_dim3A_689, %shift_right_logical3A_1025, %broadcast_in_dim3A_1, %and3A_1028, %add3A_696], %mul3A_1029 : memref<5x4x1x8x128xf32, #tpu.memory_space<vmem>>[vector<16xi32>, vector<16xi32>, vector<16xi32>, vector<16xi32>, vector<16xi32>], vector<16xf32>,
        %shift_right_logical3A_1030 = arith.constant 3 : i32
        %shift_right_logical3A_1031 = vector.broadcast %shift_right_logical3A_1030 : i32 to vector<16xi32>
        %shift_right_logical3A_1032 = arith.shrui %and3A_710, %shift_right_logical3A_1031 : vector<16xi32>
        %and3A_1033 = arith.constant 7 : i32
        %and3A_1034 = vector.broadcast %and3A_1033 : i32 to vector<16xi32>
        %and3A_1035 = arith.andi %and3A_710, %and3A_1034 : vector<16xi32>
        %mul3A_1036 = arith.mulf %gather3A_894, %mul3A_1022 : vector<16xf32>
        tpu.vector_store_idx %arg12[%broadcast_in_dim3A_689, %shift_right_logical3A_1032, %broadcast_in_dim3A_1, %and3A_1035, %add3A_696], %mul3A_1036 : memref<5x4x1x8x128xf32, #tpu.memory_space<vmem>>[vector<16xi32>, vector<16xi32>, vector<16xi32>, vector<16xi32>, vector<16xi32>], vector<16xf32>,
        %shift_right_logical3A_1037 = arith.constant 3 : i32
        %shift_right_logical3A_1038 = vector.broadcast %shift_right_logical3A_1037 : i32 to vector<16xi32>
        %shift_right_logical3A_1039 = arith.shrui %and3A_716, %shift_right_logical3A_1038 : vector<16xi32>
        %and3A_1040 = arith.constant 7 : i32
        %and3A_1041 = vector.broadcast %and3A_1040 : i32 to vector<16xi32>
        %and3A_1042 = arith.andi %and3A_716, %and3A_1041 : vector<16xi32>
        %mul3A_1043 = arith.mulf %gather3A_897, %mul3A_1022 : vector<16xf32>
        tpu.vector_store_idx %arg12[%broadcast_in_dim3A_689, %shift_right_logical3A_1039, %broadcast_in_dim3A_1, %and3A_1042, %add3A_696], %mul3A_1043 : memref<5x4x1x8x128xf32, #tpu.memory_space<vmem>>[vector<16xi32>, vector<16xi32>, vector<16xi32>, vector<16xi32>, vector<16xi32>], vector<16xf32>,
        %shift_right_logical3A_1044 = arith.constant 3 : i32
        %shift_right_logical3A_1045 = vector.broadcast %shift_right_logical3A_1044 : i32 to vector<16xi32>
        %shift_right_logical3A_1046 = arith.shrui %and3A_722, %shift_right_logical3A_1045 : vector<16xi32>
        %and3A_1047 = arith.constant 7 : i32
        %and3A_1048 = vector.broadcast %and3A_1047 : i32 to vector<16xi32>
        %and3A_1049 = arith.andi %and3A_722, %and3A_1048 : vector<16xi32>
        %mul3A_1050 = arith.mulf %gather3A_900, %mul3A_1022 : vector<16xf32>
        tpu.vector_store_idx %arg12[%broadcast_in_dim3A_689, %shift_right_logical3A_1046, %broadcast_in_dim3A_1, %and3A_1049, %add3A_696], %mul3A_1050 : memref<5x4x1x8x128xf32, #tpu.memory_space<vmem>>[vector<16xi32>, vector<16xi32>, vector<16xi32>, vector<16xi32>, vector<16xi32>], vector<16xf32>,
        %shift_right_logical3A_1051 = arith.constant 3 : i32
        %shift_right_logical3A_1052 = vector.broadcast %shift_right_logical3A_1051 : i32 to vector<16xi32>
        %shift_right_logical3A_1053 = arith.shrui %and3A_728, %shift_right_logical3A_1052 : vector<16xi32>
        %and3A_1054 = arith.constant 7 : i32
        %and3A_1055 = vector.broadcast %and3A_1054 : i32 to vector<16xi32>
        %and3A_1056 = arith.andi %and3A_728, %and3A_1055 : vector<16xi32>
        %mul3A_1057 = arith.mulf %gather3A_903, %mul3A_1022 : vector<16xf32>
        tpu.vector_store_idx %arg12[%broadcast_in_dim3A_689, %shift_right_logical3A_1053, %broadcast_in_dim3A_1, %and3A_1056, %add3A_696], %mul3A_1057 : memref<5x4x1x8x128xf32, #tpu.memory_space<vmem>>[vector<16xi32>, vector<16xi32>, vector<16xi32>, vector<16xi32>, vector<16xi32>], vector<16xf32>,
        %shift_right_logical3A_1058 = arith.constant 3 : i32
        %shift_right_logical3A_1059 = vector.broadcast %shift_right_logical3A_1058 : i32 to vector<16xi32>
        %shift_right_logical3A_1060 = arith.shrui %and3A_734, %shift_right_logical3A_1059 : vector<16xi32>
        %and3A_1061 = arith.constant 7 : i32
        %and3A_1062 = vector.broadcast %and3A_1061 : i32 to vector<16xi32>
        %and3A_1063 = arith.andi %and3A_734, %and3A_1062 : vector<16xi32>
        %mul3A_1064 = arith.mulf %gather3A_906, %mul3A_1022 : vector<16xf32>
        tpu.vector_store_idx %arg12[%broadcast_in_dim3A_689, %shift_right_logical3A_1060, %broadcast_in_dim3A_1, %and3A_1063, %add3A_696], %mul3A_1064 : memref<5x4x1x8x128xf32, #tpu.memory_space<vmem>>[vector<16xi32>, vector<16xi32>, vector<16xi32>, vector<16xi32>, vector<16xi32>], vector<16xf32>,
        %shift_right_logical3A_1065 = arith.constant 3 : i32
        %shift_right_logical3A_1066 = vector.broadcast %shift_right_logical3A_1065 : i32 to vector<16xi32>
        %shift_right_logical3A_1067 = arith.shrui %and3A_740, %shift_right_logical3A_1066 : vector<16xi32>
        %and3A_1068 = arith.constant 7 : i32
        %and3A_1069 = vector.broadcast %and3A_1068 : i32 to vector<16xi32>
        %and3A_1070 = arith.andi %and3A_740, %and3A_1069 : vector<16xi32>
        %mul3A_1071 = arith.mulf %gather3A_909, %mul3A_1022 : vector<16xf32>
        tpu.vector_store_idx %arg12[%broadcast_in_dim3A_689, %shift_right_logical3A_1067, %broadcast_in_dim3A_1, %and3A_1070, %add3A_696], %mul3A_1071 : memref<5x4x1x8x128xf32, #tpu.memory_space<vmem>>[vector<16xi32>, vector<16xi32>, vector<16xi32>, vector<16xi32>, vector<16xi32>], vector<16xf32>,
        %shift_right_logical3A_1072 = arith.constant 3 : i32
        %shift_right_logical3A_1073 = vector.broadcast %shift_right_logical3A_1072 : i32 to vector<16xi32>
        %shift_right_logical3A_1074 = arith.shrui %and3A_746, %shift_right_logical3A_1073 : vector<16xi32>
        %and3A_1075 = arith.constant 7 : i32
        %and3A_1076 = vector.broadcast %and3A_1075 : i32 to vector<16xi32>
        %and3A_1077 = arith.andi %and3A_746, %and3A_1076 : vector<16xi32>
        %mul3A_1078 = arith.mulf %gather3A_912, %mul3A_1022 : vector<16xf32>
        tpu.vector_store_idx %arg12[%broadcast_in_dim3A_689, %shift_right_logical3A_1074, %broadcast_in_dim3A_1, %and3A_1077, %add3A_696], %mul3A_1078 : memref<5x4x1x8x128xf32, #tpu.memory_space<vmem>>[vector<16xi32>, vector<16xi32>, vector<16xi32>, vector<16xi32>, vector<16xi32>], vector<16xf32>,
        %shift_right_logical3A_1079 = arith.constant 3 : i32
        %shift_right_logical3A_1080 = vector.broadcast %shift_right_logical3A_1079 : i32 to vector<16xi32>
        %shift_right_logical3A_1081 = arith.shrui %and3A_752, %shift_right_logical3A_1080 : vector<16xi32>
        %and3A_1082 = arith.constant 7 : i32
        %and3A_1083 = vector.broadcast %and3A_1082 : i32 to vector<16xi32>
        %and3A_1084 = arith.andi %and3A_752, %and3A_1083 : vector<16xi32>
        %mul3A_1085 = arith.mulf %gather3A_915, %mul3A_1022 : vector<16xf32>
        tpu.vector_store_idx %arg12[%broadcast_in_dim3A_689, %shift_right_logical3A_1081, %broadcast_in_dim3A_1, %and3A_1084, %add3A_696], %mul3A_1085 : memref<5x4x1x8x128xf32, #tpu.memory_space<vmem>>[vector<16xi32>, vector<16xi32>, vector<16xi32>, vector<16xi32>, vector<16xi32>], vector<16xf32>,
        %shift_right_logical3A_1086 = arith.constant 3 : i32
        %shift_right_logical3A_1087 = vector.broadcast %shift_right_logical3A_1086 : i32 to vector<16xi32>
        %shift_right_logical3A_1088 = arith.shrui %and3A_758, %shift_right_logical3A_1087 : vector<16xi32>
        %and3A_1089 = arith.constant 7 : i32
        %and3A_1090 = vector.broadcast %and3A_1089 : i32 to vector<16xi32>
        %and3A_1091 = arith.andi %and3A_758, %and3A_1090 : vector<16xi32>
        %mul3A_1092 = arith.mulf %gather3A_918, %mul3A_1022 : vector<16xf32>
        tpu.vector_store_idx %arg12[%broadcast_in_dim3A_689, %shift_right_logical3A_1088, %broadcast_in_dim3A_1, %and3A_1091, %add3A_696], %mul3A_1092 : memref<5x4x1x8x128xf32, #tpu.memory_space<vmem>>[vector<16xi32>, vector<16xi32>, vector<16xi32>, vector<16xi32>, vector<16xi32>], vector<16xf32>,
        %shift_right_logical3A_1093 = arith.constant 3 : i32
        %shift_right_logical3A_1094 = vector.broadcast %shift_right_logical3A_1093 : i32 to vector<16xi32>
        %shift_right_logical3A_1095 = arith.shrui %and3A_764, %shift_right_logical3A_1094 : vector<16xi32>
        %and3A_1096 = arith.constant 7 : i32
        %and3A_1097 = vector.broadcast %and3A_1096 : i32 to vector<16xi32>
        %and3A_1098 = arith.andi %and3A_764, %and3A_1097 : vector<16xi32>
        %mul3A_1099 = arith.mulf %gather3A_921, %mul3A_1022 : vector<16xf32>
        tpu.vector_store_idx %arg12[%broadcast_in_dim3A_689, %shift_right_logical3A_1095, %broadcast_in_dim3A_1, %and3A_1098, %add3A_696], %mul3A_1099 : memref<5x4x1x8x128xf32, #tpu.memory_space<vmem>>[vector<16xi32>, vector<16xi32>, vector<16xi32>, vector<16xi32>, vector<16xi32>], vector<16xf32>,
        %shift_right_logical3A_1100 = arith.constant 3 : i32
        %shift_right_logical3A_1101 = vector.broadcast %shift_right_logical3A_1100 : i32 to vector<16xi32>
        %shift_right_logical3A_1102 = arith.shrui %and3A_770, %shift_right_logical3A_1101 : vector<16xi32>
        %and3A_1103 = arith.constant 7 : i32
        %and3A_1104 = vector.broadcast %and3A_1103 : i32 to vector<16xi32>
        %and3A_1105 = arith.andi %and3A_770, %and3A_1104 : vector<16xi32>
        %mul3A_1106 = arith.mulf %gather3A_924, %mul3A_1022 : vector<16xf32>
        tpu.vector_store_idx %arg12[%broadcast_in_dim3A_689, %shift_right_logical3A_1102, %broadcast_in_dim3A_1, %and3A_1105, %add3A_696], %mul3A_1106 : memref<5x4x1x8x128xf32, #tpu.memory_space<vmem>>[vector<16xi32>, vector<16xi32>, vector<16xi32>, vector<16xi32>, vector<16xi32>], vector<16xf32>,
        %shift_right_logical3A_1107 = arith.constant 3 : i32
        %shift_right_logical3A_1108 = vector.broadcast %shift_right_logical3A_1107 : i32 to vector<16xi32>
        %shift_right_logical3A_1109 = arith.shrui %and3A_776, %shift_right_logical3A_1108 : vector<16xi32>
        %and3A_1110 = arith.constant 7 : i32
        %and3A_1111 = vector.broadcast %and3A_1110 : i32 to vector<16xi32>
        %and3A_1112 = arith.andi %and3A_776, %and3A_1111 : vector<16xi32>
        %mul3A_1113 = arith.mulf %gather3A_927, %mul3A_1022 : vector<16xf32>
        tpu.vector_store_idx %arg12[%broadcast_in_dim3A_689, %shift_right_logical3A_1109, %broadcast_in_dim3A_1, %and3A_1112, %add3A_696], %mul3A_1113 : memref<5x4x1x8x128xf32, #tpu.memory_space<vmem>>[vector<16xi32>, vector<16xi32>, vector<16xi32>, vector<16xi32>, vector<16xi32>], vector<16xf32>,
        %shift_right_logical3A_1114 = arith.constant 3 : i32
        %shift_right_logical3A_1115 = vector.broadcast %shift_right_logical3A_1114 : i32 to vector<16xi32>
        %shift_right_logical3A_1116 = arith.shrui %and3A_782, %shift_right_logical3A_1115 : vector<16xi32>
        %and3A_1117 = arith.constant 7 : i32
        %and3A_1118 = vector.broadcast %and3A_1117 : i32 to vector<16xi32>
        %and3A_1119 = arith.andi %and3A_782, %and3A_1118 : vector<16xi32>
        %mul3A_1120 = arith.mulf %gather3A_930, %mul3A_1022 : vector<16xf32>
        tpu.vector_store_idx %arg12[%broadcast_in_dim3A_689, %shift_right_logical3A_1116, %broadcast_in_dim3A_1, %and3A_1119, %add3A_696], %mul3A_1120 : memref<5x4x1x8x128xf32, #tpu.memory_space<vmem>>[vector<16xi32>, vector<16xi32>, vector<16xi32>, vector<16xi32>, vector<16xi32>], vector<16xf32>,
        %shift_right_logical3A_1121 = arith.constant 3 : i32
        %shift_right_logical3A_1122 = vector.broadcast %shift_right_logical3A_1121 : i32 to vector<16xi32>
        %shift_right_logical3A_1123 = arith.shrui %and3A_788, %shift_right_logical3A_1122 : vector<16xi32>
        %and3A_1124 = arith.constant 7 : i32
        %and3A_1125 = vector.broadcast %and3A_1124 : i32 to vector<16xi32>
        %and3A_1126 = arith.andi %and3A_788, %and3A_1125 : vector<16xi32>
        %mul3A_1127 = arith.mulf %gather3A_933, %mul3A_1022 : vector<16xf32>
        tpu.vector_store_idx %arg12[%broadcast_in_dim3A_689, %shift_right_logical3A_1123, %broadcast_in_dim3A_1, %and3A_1126, %add3A_696], %mul3A_1127 : memref<5x4x1x8x128xf32, #tpu.memory_space<vmem>>[vector<16xi32>, vector<16xi32>, vector<16xi32>, vector<16xi32>, vector<16xi32>], vector<16xf32>,
        %shift_right_logical3A_1128 = arith.constant 3 : i32
        %shift_right_logical3A_1129 = vector.broadcast %shift_right_logical3A_1128 : i32 to vector<16xi32>
        %shift_right_logical3A_1130 = arith.shrui %and3A_794, %shift_right_logical3A_1129 : vector<16xi32>
        %and3A_1131 = arith.constant 7 : i32
        %and3A_1132 = vector.broadcast %and3A_1131 : i32 to vector<16xi32>
        %and3A_1133 = arith.andi %and3A_794, %and3A_1132 : vector<16xi32>
        %mul3A_1134 = arith.mulf %gather3A_936, %mul3A_1022 : vector<16xf32>
        tpu.vector_store_idx %arg12[%broadcast_in_dim3A_689, %shift_right_logical3A_1130, %broadcast_in_dim3A_1, %and3A_1133, %add3A_696], %mul3A_1134 : memref<5x4x1x8x128xf32, #tpu.memory_space<vmem>>[vector<16xi32>, vector<16xi32>, vector<16xi32>, vector<16xi32>, vector<16xi32>], vector<16xf32>,
        %shift_right_logical3A_1135 = arith.constant 3 : i32
        %shift_right_logical3A_1136 = vector.broadcast %shift_right_logical3A_1135 : i32 to vector<16xi32>
        %shift_right_logical3A_1137 = arith.shrui %and3A_800, %shift_right_logical3A_1136 : vector<16xi32>
        %and3A_1138 = arith.constant 7 : i32
        %and3A_1139 = vector.broadcast %and3A_1138 : i32 to vector<16xi32>
        %and3A_1140 = arith.andi %and3A_800, %and3A_1139 : vector<16xi32>
        %mul3A_1141 = arith.mulf %gather3A_939, %mul3A_1022 : vector<16xf32>
        tpu.vector_store_idx %arg12[%broadcast_in_dim3A_689, %shift_right_logical3A_1137, %broadcast_in_dim3A_1, %and3A_1140, %add3A_696], %mul3A_1141 : memref<5x4x1x8x128xf32, #tpu.memory_space<vmem>>[vector<16xi32>, vector<16xi32>, vector<16xi32>, vector<16xi32>, vector<16xi32>], vector<16xf32>,
        %shift_right_logical3A_1142 = arith.constant 3 : i32
        %shift_right_logical3A_1143 = vector.broadcast %shift_right_logical3A_1142 : i32 to vector<16xi32>
        %shift_right_logical3A_1144 = arith.shrui %and3A_806, %shift_right_logical3A_1143 : vector<16xi32>
        %and3A_1145 = arith.constant 7 : i32
        %and3A_1146 = vector.broadcast %and3A_1145 : i32 to vector<16xi32>
        %and3A_1147 = arith.andi %and3A_806, %and3A_1146 : vector<16xi32>
        %mul3A_1148 = arith.mulf %gather3A_942, %mul3A_1022 : vector<16xf32>
        tpu.vector_store_idx %arg12[%broadcast_in_dim3A_689, %shift_right_logical3A_1144, %broadcast_in_dim3A_1, %and3A_1147, %add3A_696], %mul3A_1148 : memref<5x4x1x8x128xf32, #tpu.memory_space<vmem>>[vector<16xi32>, vector<16xi32>, vector<16xi32>, vector<16xi32>, vector<16xi32>], vector<16xf32>,
        %shift_right_logical3A_1149 = arith.constant 3 : i32
        %shift_right_logical3A_1150 = vector.broadcast %shift_right_logical3A_1149 : i32 to vector<16xi32>
        %shift_right_logical3A_1151 = arith.shrui %and3A_812, %shift_right_logical3A_1150 : vector<16xi32>
        %and3A_1152 = arith.constant 7 : i32
        %and3A_1153 = vector.broadcast %and3A_1152 : i32 to vector<16xi32>
        %and3A_1154 = arith.andi %and3A_812, %and3A_1153 : vector<16xi32>
        %mul3A_1155 = arith.mulf %gather3A_945, %mul3A_1022 : vector<16xf32>
        tpu.vector_store_idx %arg12[%broadcast_in_dim3A_689, %shift_right_logical3A_1151, %broadcast_in_dim3A_1, %and3A_1154, %add3A_696], %mul3A_1155 : memref<5x4x1x8x128xf32, #tpu.memory_space<vmem>>[vector<16xi32>, vector<16xi32>, vector<16xi32>, vector<16xi32>, vector<16xi32>], vector<16xf32>,
        %shift_right_logical3A_1156 = arith.constant 3 : i32
        %shift_right_logical3A_1157 = vector.broadcast %shift_right_logical3A_1156 : i32 to vector<16xi32>
        %shift_right_logical3A_1158 = arith.shrui %and3A_818, %shift_right_logical3A_1157 : vector<16xi32>
        %and3A_1159 = arith.constant 7 : i32
        %and3A_1160 = vector.broadcast %and3A_1159 : i32 to vector<16xi32>
        %and3A_1161 = arith.andi %and3A_818, %and3A_1160 : vector<16xi32>
        %mul3A_1162 = arith.mulf %gather3A_948, %mul3A_1022 : vector<16xf32>
        tpu.vector_store_idx %arg12[%broadcast_in_dim3A_689, %shift_right_logical3A_1158, %broadcast_in_dim3A_1, %and3A_1161, %add3A_696], %mul3A_1162 : memref<5x4x1x8x128xf32, #tpu.memory_space<vmem>>[vector<16xi32>, vector<16xi32>, vector<16xi32>, vector<16xi32>, vector<16xi32>], vector<16xf32>,
        %shift_right_logical3A_1163 = arith.constant 3 : i32
        %shift_right_logical3A_1164 = vector.broadcast %shift_right_logical3A_1163 : i32 to vector<16xi32>
        %shift_right_logical3A_1165 = arith.shrui %and3A_824, %shift_right_logical3A_1164 : vector<16xi32>
        %and3A_1166 = arith.constant 7 : i32
        %and3A_1167 = vector.broadcast %and3A_1166 : i32 to vector<16xi32>
        %and3A_1168 = arith.andi %and3A_824, %and3A_1167 : vector<16xi32>
        %mul3A_1169 = arith.mulf %gather3A_951, %mul3A_1022 : vector<16xf32>
        tpu.vector_store_idx %arg12[%broadcast_in_dim3A_689, %shift_right_logical3A_1165, %broadcast_in_dim3A_1, %and3A_1168, %add3A_696], %mul3A_1169 : memref<5x4x1x8x128xf32, #tpu.memory_space<vmem>>[vector<16xi32>, vector<16xi32>, vector<16xi32>, vector<16xi32>, vector<16xi32>], vector<16xf32>,
        %shift_right_logical3A_1170 = arith.constant 3 : i32
        %shift_right_logical3A_1171 = vector.broadcast %shift_right_logical3A_1170 : i32 to vector<16xi32>
        %shift_right_logical3A_1172 = arith.shrui %and3A_830, %shift_right_logical3A_1171 : vector<16xi32>
        %and3A_1173 = arith.constant 7 : i32
        %and3A_1174 = vector.broadcast %and3A_1173 : i32 to vector<16xi32>
        %and3A_1175 = arith.andi %and3A_830, %and3A_1174 : vector<16xi32>
        %mul3A_1176 = arith.mulf %gather3A_954, %mul3A_1022 : vector<16xf32>
        tpu.vector_store_idx %arg12[%broadcast_in_dim3A_689, %shift_right_logical3A_1172, %broadcast_in_dim3A_1, %and3A_1175, %add3A_696], %mul3A_1176 : memref<5x4x1x8x128xf32, #tpu.memory_space<vmem>>[vector<16xi32>, vector<16xi32>, vector<16xi32>, vector<16xi32>, vector<16xi32>], vector<16xf32>,
        %shift_right_logical3A_1177 = arith.constant 3 : i32
        %shift_right_logical3A_1178 = vector.broadcast %shift_right_logical3A_1177 : i32 to vector<16xi32>
        %shift_right_logical3A_1179 = arith.shrui %and3A_836, %shift_right_logical3A_1178 : vector<16xi32>
        %and3A_1180 = arith.constant 7 : i32
        %and3A_1181 = vector.broadcast %and3A_1180 : i32 to vector<16xi32>
        %and3A_1182 = arith.andi %and3A_836, %and3A_1181 : vector<16xi32>
        %mul3A_1183 = arith.mulf %gather3A_957, %mul3A_1022 : vector<16xf32>
        tpu.vector_store_idx %arg12[%broadcast_in_dim3A_689, %shift_right_logical3A_1179, %broadcast_in_dim3A_1, %and3A_1182, %add3A_696], %mul3A_1183 : memref<5x4x1x8x128xf32, #tpu.memory_space<vmem>>[vector<16xi32>, vector<16xi32>, vector<16xi32>, vector<16xi32>, vector<16xi32>], vector<16xf32>,
        %shift_right_logical3A_1184 = arith.constant 3 : i32
        %shift_right_logical3A_1185 = vector.broadcast %shift_right_logical3A_1184 : i32 to vector<16xi32>
        %shift_right_logical3A_1186 = arith.shrui %and3A_842, %shift_right_logical3A_1185 : vector<16xi32>
        %and3A_1187 = arith.constant 7 : i32
        %and3A_1188 = vector.broadcast %and3A_1187 : i32 to vector<16xi32>
        %and3A_1189 = arith.andi %and3A_842, %and3A_1188 : vector<16xi32>
        %mul3A_1190 = arith.mulf %gather3A_960, %mul3A_1022 : vector<16xf32>
        tpu.vector_store_idx %arg12[%broadcast_in_dim3A_689, %shift_right_logical3A_1186, %broadcast_in_dim3A_1, %and3A_1189, %add3A_696], %mul3A_1190 : memref<5x4x1x8x128xf32, #tpu.memory_space<vmem>>[vector<16xi32>, vector<16xi32>, vector<16xi32>, vector<16xi32>, vector<16xi32>], vector<16xf32>,
        %shift_right_logical3A_1191 = arith.constant 3 : i32
        %shift_right_logical3A_1192 = vector.broadcast %shift_right_logical3A_1191 : i32 to vector<16xi32>
        %shift_right_logical3A_1193 = arith.shrui %and3A_848, %shift_right_logical3A_1192 : vector<16xi32>
        %and3A_1194 = arith.constant 7 : i32
        %and3A_1195 = vector.broadcast %and3A_1194 : i32 to vector<16xi32>
        %and3A_1196 = arith.andi %and3A_848, %and3A_1195 : vector<16xi32>
        %mul3A_1197 = arith.mulf %gather3A_963, %mul3A_1022 : vector<16xf32>
        tpu.vector_store_idx %arg12[%broadcast_in_dim3A_689, %shift_right_logical3A_1193, %broadcast_in_dim3A_1, %and3A_1196, %add3A_696], %mul3A_1197 : memref<5x4x1x8x128xf32, #tpu.memory_space<vmem>>[vector<16xi32>, vector<16xi32>, vector<16xi32>, vector<16xi32>, vector<16xi32>], vector<16xf32>,
        %shift_right_logical3A_1198 = arith.constant 3 : i32
        %shift_right_logical3A_1199 = vector.broadcast %shift_right_logical3A_1198 : i32 to vector<16xi32>
        %shift_right_logical3A_1200 = arith.shrui %and3A_854, %shift_right_logical3A_1199 : vector<16xi32>
        %and3A_1201 = arith.constant 7 : i32
        %and3A_1202 = vector.broadcast %and3A_1201 : i32 to vector<16xi32>
        %and3A_1203 = arith.andi %and3A_854, %and3A_1202 : vector<16xi32>
        %mul3A_1204 = arith.mulf %gather3A_966, %mul3A_1022 : vector<16xf32>
        tpu.vector_store_idx %arg12[%broadcast_in_dim3A_689, %shift_right_logical3A_1200, %broadcast_in_dim3A_1, %and3A_1203, %add3A_696], %mul3A_1204 : memref<5x4x1x8x128xf32, #tpu.memory_space<vmem>>[vector<16xi32>, vector<16xi32>, vector<16xi32>, vector<16xi32>, vector<16xi32>], vector<16xf32>,
        %shift_right_logical3A_1205 = arith.constant 3 : i32
        %shift_right_logical3A_1206 = vector.broadcast %shift_right_logical3A_1205 : i32 to vector<16xi32>
        %shift_right_logical3A_1207 = arith.shrui %and3A_860, %shift_right_logical3A_1206 : vector<16xi32>
        %and3A_1208 = arith.constant 7 : i32
        %and3A_1209 = vector.broadcast %and3A_1208 : i32 to vector<16xi32>
        %and3A_1210 = arith.andi %and3A_860, %and3A_1209 : vector<16xi32>
        %mul3A_1211 = arith.mulf %gather3A_969, %mul3A_1022 : vector<16xf32>
        tpu.vector_store_idx %arg12[%broadcast_in_dim3A_689, %shift_right_logical3A_1207, %broadcast_in_dim3A_1, %and3A_1210, %add3A_696], %mul3A_1211 : memref<5x4x1x8x128xf32, #tpu.memory_space<vmem>>[vector<16xi32>, vector<16xi32>, vector<16xi32>, vector<16xi32>, vector<16xi32>], vector<16xf32>,
        %shift_right_logical3A_1212 = arith.constant 3 : i32
        %shift_right_logical3A_1213 = vector.broadcast %shift_right_logical3A_1212 : i32 to vector<16xi32>
        %shift_right_logical3A_1214 = arith.shrui %and3A_866, %shift_right_logical3A_1213 : vector<16xi32>
        %and3A_1215 = arith.constant 7 : i32
        %and3A_1216 = vector.broadcast %and3A_1215 : i32 to vector<16xi32>
        %and3A_1217 = arith.andi %and3A_866, %and3A_1216 : vector<16xi32>
        %mul3A_1218 = arith.mulf %gather3A_972, %mul3A_1022 : vector<16xf32>
        tpu.vector_store_idx %arg12[%broadcast_in_dim3A_689, %shift_right_logical3A_1214, %broadcast_in_dim3A_1, %and3A_1217, %add3A_696], %mul3A_1218 : memref<5x4x1x8x128xf32, #tpu.memory_space<vmem>>[vector<16xi32>, vector<16xi32>, vector<16xi32>, vector<16xi32>, vector<16xi32>], vector<16xf32>,
        %shift_right_logical3A_1219 = arith.constant 3 : i32
        %shift_right_logical3A_1220 = vector.broadcast %shift_right_logical3A_1219 : i32 to vector<16xi32>
        %shift_right_logical3A_1221 = arith.shrui %and3A_872, %shift_right_logical3A_1220 : vector<16xi32>
        %and3A_1222 = arith.constant 7 : i32
        %and3A_1223 = vector.broadcast %and3A_1222 : i32 to vector<16xi32>
        %and3A_1224 = arith.andi %and3A_872, %and3A_1223 : vector<16xi32>
        %mul3A_1225 = arith.mulf %gather3A_975, %mul3A_1022 : vector<16xf32>
        tpu.vector_store_idx %arg12[%broadcast_in_dim3A_689, %shift_right_logical3A_1221, %broadcast_in_dim3A_1, %and3A_1224, %add3A_696], %mul3A_1225 : memref<5x4x1x8x128xf32, #tpu.memory_space<vmem>>[vector<16xi32>, vector<16xi32>, vector<16xi32>, vector<16xi32>, vector<16xi32>], vector<16xf32>,
        %shift_right_logical3A_1226 = arith.constant 3 : i32
        %shift_right_logical3A_1227 = vector.broadcast %shift_right_logical3A_1226 : i32 to vector<16xi32>
        %shift_right_logical3A_1228 = arith.shrui %and3A_878, %shift_right_logical3A_1227 : vector<16xi32>
        %and3A_1229 = arith.constant 7 : i32
        %and3A_1230 = vector.broadcast %and3A_1229 : i32 to vector<16xi32>
        %and3A_1231 = arith.andi %and3A_878, %and3A_1230 : vector<16xi32>
        %mul3A_1232 = arith.mulf %gather3A_978, %mul3A_1022 : vector<16xf32>
        tpu.vector_store_idx %arg12[%broadcast_in_dim3A_689, %shift_right_logical3A_1228, %broadcast_in_dim3A_1, %and3A_1231, %add3A_696], %mul3A_1232 : memref<5x4x1x8x128xf32, #tpu.memory_space<vmem>>[vector<16xi32>, vector<16xi32>, vector<16xi32>, vector<16xi32>, vector<16xi32>], vector<16xf32>,
        %shift_right_logical3A_1233 = arith.constant 3 : i32
        %shift_right_logical3A_1234 = vector.broadcast %shift_right_logical3A_1233 : i32 to vector<16xi32>
        %shift_right_logical3A_1235 = arith.shrui %and3A_884, %shift_right_logical3A_1234 : vector<16xi32>
        %and3A_1236 = arith.constant 7 : i32
        %and3A_1237 = vector.broadcast %and3A_1236 : i32 to vector<16xi32>
        %and3A_1238 = arith.andi %and3A_884, %and3A_1237 : vector<16xi32>
        %mul3A_1239 = arith.mulf %gather3A_981, %mul3A_1022 : vector<16xf32>
        tpu.vector_store_idx %arg12[%broadcast_in_dim3A_689, %shift_right_logical3A_1235, %broadcast_in_dim3A_1, %and3A_1238, %add3A_696], %mul3A_1239 : memref<5x4x1x8x128xf32, #tpu.memory_space<vmem>>[vector<16xi32>, vector<16xi32>, vector<16xi32>, vector<16xi32>, vector<16xi32>], vector<16xf32>,
        %shift_right_logical3A_1240 = arith.constant 3 : i32
        %shift_right_logical3A_1241 = vector.broadcast %shift_right_logical3A_1240 : i32 to vector<16xi32>
        %shift_right_logical3A_1242 = arith.shrui %and3A_890, %shift_right_logical3A_1241 : vector<16xi32>
        %and3A_1243 = arith.constant 7 : i32
        %and3A_1244 = vector.broadcast %and3A_1243 : i32 to vector<16xi32>
        %and3A_1245 = arith.andi %and3A_890, %and3A_1244 : vector<16xi32>
        %mul3A_1246 = arith.mulf %gather3A_984, %mul3A_1022 : vector<16xf32>
        tpu.vector_store_idx %arg12[%broadcast_in_dim3A_689, %shift_right_logical3A_1242, %broadcast_in_dim3A_1, %and3A_1245, %add3A_696], %mul3A_1246 : memref<5x4x1x8x128xf32, #tpu.memory_space<vmem>>[vector<16xi32>, vector<16xi32>, vector<16xi32>, vector<16xi32>, vector<16xi32>], vector<16xf32>,
        %scan3A_1247 = arith.constant 0 : i32
        scf.yield %scan3A_1247 : i32
      }
      %scan3A_621 = arith.constant 40 : i32
      %jit3A_622 = arith.constant 10 : i32
      %div3A_623 = arith.divsi %add3A_542, %jit3A_622 : i32
      %sign3A_624 = arith.constant 0 : i32
      %sign3A_625 = arith.cmpi sgt, %add3A_542, %sign3A_624 : i32
      %sign3A_626 = arith.extui %sign3A_625 : i1 to i32
      %sign3A_627 = arith.constant 0 : i32
      %sign3A_628 = arith.cmpi slt, %add3A_542, %sign3A_627 : i32
      %sign3A_629 = arith.extui %sign3A_628 : i1 to i32
      %sign3A_630 = arith.subi %sign3A_626, %sign3A_629 : i32
      %sign3A_631 = arith.constant 0 : i32
      %sign3A_632 = arith.cmpi sgt, %jit3A_622, %sign3A_631 : i32
      %sign3A_633 = arith.extui %sign3A_632 : i1 to i32
      %sign3A_634 = arith.constant 0 : i32
      %sign3A_635 = arith.cmpi slt, %jit3A_622, %sign3A_634 : i32
      %sign3A_636 = arith.extui %sign3A_635 : i1 to i32
      %sign3A_637 = arith.subi %sign3A_633, %sign3A_636 : i32
      %ne3A_638 = arith.cmpi ne, %sign3A_630, %sign3A_637 : i32
      %rem3A_639 = arith.remsi %add3A_542, %jit3A_622 : i32
      %ne3A_640 = arith.constant 0 : i32
      %ne3A_641 = arith.cmpi ne, %rem3A_639, %ne3A_640 : i32
      %and3A_642 = arith.andi %ne3A_638, %ne3A_641 : i1
      %sub3A_643 = arith.constant 1 : i32
      %sub3A_644 = arith.subi %div3A_623, %sub3A_643 : i32
      %select_n3A_645 = arith.select %and3A_642, %sub3A_644, %div3A_623 : i32
      %mul3A_646 = arith.constant 10 : i32
      %mul3A_647 = arith.muli %select_n3A_645, %mul3A_646 : i32
      %sub3A_648 = arith.subi %add3A_542, %mul3A_647 : i32
      %mul3A_649 = arith.constant 5 : i32
      %mul3A_650 = arith.muli %sub3A_648, %mul3A_649 : i32
      %mul3A_651 = arith.constant 4 : i32
      %mul3A_652 = arith.muli %add3A, %mul3A_651 : i32
      %add3A_653 = arith.addi %mul3A_652, %select_n3A_645 : i32
      %dma_start3A_654 = arith.constant 0 : i32
      %dma_start3A_655 = arith.constant 0 : i32
      %dma_start3A_656 = arith.constant 0 : i32
      %dma_start3A_657 = tpu.memref_slice %arg4[%mul3A_650, %dma_start3A_654, %add3A_653, %dma_start3A_655, %dma_start3A_656] : memref<50x4x128x8x128xf32, #tpu.memory_space<hbm>> -> memref<5x4x1x8x128xf32, #tpu.memory_space<hbm>>
      %dma_start3A_658 = arith.constant 0 : i32
      %dma_start3A_659 = arith.constant 0 : i32
      %dma_start3A_660 = arith.constant 0 : i32
      %dma_start3A_661 = tpu.memref_slice %arg4[%mul3A_650, %dma_start3A_658, %add3A_653, %dma_start3A_659, %dma_start3A_660] : memref<50x4x128x8x128xf32, #tpu.memory_space<hbm>> -> memref<5x4x1x8x128xf32, #tpu.memory_space<hbm>>
      tpu.enqueue_dma source(%arg12 : memref<5x4x1x8x128xf32, #tpu.memory_space<vmem>>) target(%dma_start3A_661 : memref<5x4x1x8x128xf32, #tpu.memory_space<hbm>>) target_semaphore(%arg16 : memref<!tpu.dma_semaphore, #tpu.memory_space<semaphore_mem>>)
      %scan3A_662 = arith.constant 0 : i32
      scf.yield %scan3A_662 : i32
    }
    %scan3A_400 = arith.constant 20 : i32
    %mul3A_401 = arith.constant 4 : i32
    %mul3A_402 = arith.muli %add3A, %mul3A_401 : i32
    %add3A_403 = arith.constant 3 : i32
    %add3A_404 = arith.addi %mul3A_402, %add3A_403 : i32
    %dma_wait3A = arith.constant 40 : i32
    %dma_wait3A_405 = arith.constant 0 : i32
    %dma_wait3A_406 = arith.constant 0 : i32
    %dma_wait3A_407 = arith.constant 0 : i32
    %dma_wait3A_408 = tpu.memref_slice %arg4[%dma_wait3A, %dma_wait3A_405, %add3A_404, %dma_wait3A_406, %dma_wait3A_407] : memref<50x4x128x8x128xf32, #tpu.memory_space<hbm>> -> memref<5x4x1x8x128xf32, #tpu.memory_space<hbm>>
    %dma_wait3A_409 = arith.constant 40 : i32
    %dma_wait3A_410 = arith.constant 0 : i32
    %dma_wait3A_411 = arith.constant 0 : i32
    %dma_wait3A_412 = arith.constant 0 : i32
    %dma_wait3A_413 = tpu.memref_slice %arg4[%dma_wait3A_409, %dma_wait3A_410, %add3A_404, %dma_wait3A_411, %dma_wait3A_412] : memref<50x4x128x8x128xf32, #tpu.memory_space<hbm>> -> memref<5x4x1x8x128xf32, #tpu.memory_space<hbm>>
    tpu.wait_dma2 semaphore(%arg15 : memref<!tpu.dma_semaphore, #tpu.memory_space<semaphore_mem>>) src(%arg11 : memref<5x4x1x8x128xf32, #tpu.memory_space<vmem>>) dst(%dma_wait3A_413 : memref<5x4x1x8x128xf32, #tpu.memory_space<hbm>>)
    %mul3A_414 = arith.constant 4 : i32
    %mul3A_415 = arith.muli %add3A, %mul3A_414 : i32
    %add3A_416 = arith.constant 3 : i32
    %add3A_417 = arith.addi %mul3A_415, %add3A_416 : i32
    %dma_wait3A_418 = arith.constant 45 : i32
    %dma_wait3A_419 = arith.constant 0 : i32
    %dma_wait3A_420 = arith.constant 0 : i32
    %dma_wait3A_421 = arith.constant 0 : i32
    %dma_wait3A_422 = tpu.memref_slice %arg4[%dma_wait3A_418, %dma_wait3A_419, %add3A_417, %dma_wait3A_420, %dma_wait3A_421] : memref<50x4x128x8x128xf32, #tpu.memory_space<hbm>> -> memref<5x4x1x8x128xf32, #tpu.memory_space<hbm>>
    %dma_wait3A_423 = arith.constant 45 : i32
    %dma_wait3A_424 = arith.constant 0 : i32
    %dma_wait3A_425 = arith.constant 0 : i32
    %dma_wait3A_426 = arith.constant 0 : i32
    %dma_wait3A_427 = tpu.memref_slice %arg4[%dma_wait3A_423, %dma_wait3A_424, %add3A_417, %dma_wait3A_425, %dma_wait3A_426] : memref<50x4x128x8x128xf32, #tpu.memory_space<hbm>> -> memref<5x4x1x8x128xf32, #tpu.memory_space<hbm>>
    tpu.wait_dma2 semaphore(%arg16 : memref<!tpu.dma_semaphore, #tpu.memory_space<semaphore_mem>>) src(%arg12 : memref<5x4x1x8x128xf32, #tpu.memory_space<vmem>>) dst(%dma_wait3A_427 : memref<5x4x1x8x128xf32, #tpu.memory_space<hbm>>)
    return
  }
}

</mosaic_0001>

<sc_bundles>
// kernel: _run.3.cloned.1.call-start
scs
__scs_entry_jumppad:
0x0: {  	(pc) =	sbr.rel $0x88, $3  }
0x1: {  	(tag) =	ssettag $0x0;
	lr =	simm.s32 $0x1  }
0x2: {  	[smem:$0x3F9F] =	sst lr;
	_ =	strace $0xD0000000  }
0x3: {  	_ = 	snop  }
0x4: {  	_ = 	snop  }
0x5: {  	_ = 	snop  }
0x6: {  	_ = 	snop  }
0x7: {  	_ = 	snop  }
__scs_overlays_trampoline_lowered:
0x8: {  	[smem:$0x3FAE] =	sst s0  }
0x9: {  	[smem:$0x3FAF] =	sst s1  }
0xa: {  	[smem:$0x3FB0] =	sst s2  }
0xb: {  	[smem:$0x3FB1] =	sst s3  }
0xc: {  	[smem:$0x3FB2] =	sst s4  }
0xd: {  	[smem:$0x3FB3] =	sst s5  }
0xe: {  	[smem:$0x3FB4] =	sst s6  }
0xf: {  	[smem:$0x3FB5] =	sst s7  }
0x10: {  	[smem:$0x3FB6] =	sst s8  }
0x11: {  	[smem:$0x3FB7] =	sst s9;
	s0 =	simm.s32 @!p0 $0x0  }
0x12: {  	s1 =	sld [smem:$0x3F9D];
	s0 =	simm.s32 @p0 $0x1  }
0x13: {  	[smem:$0x3FB8] =	sst s0;
	s0 =	simm.s32 @!p1 $0x0  }
0x14: {  	s2 =	sld [smem:$0x3F9C];
	s0 =	simm.s32 @p1 $0x1  }
0x15: {  	[smem:$0x3FB9] =	sst s0;
	s0 =	simm.s32 @!p2 $0x0  }
0x16: {  	s3 =	sld [smem:$0x3FDB];
	s0 =	simm.s32 @p2 $0x1  }
0x17: {  	s4 =	simm.s32 $0x1BF5;
	[smem:$0x3FBB] =	sst s0  }
0x18: {  	s0 =	sld [smem:$0x3F9E];
	_ =	swait.ge [sflag:s4], $0x0  }
0x19: {  	s7 =	sld [smem:$0x3F9F]  }
0x1a: {  	s8 =	sadd.s32 $0xFFFFE003, lr  }
0x1b: {  	s9 =	sadd.s32 $0xFFFFFEF7, lr;
	s5 =	simm.s32 $0xFFFFFFFF;
	p2 =	slt.u32 s8, $0xFFFFF086  }
0x1c: {  	p1 =	slt.u32 s9, $0xF7A;
	s5 =	simm.s32 @!p2 $0x0  }
0x1d: {  	s5 =	simm.s32 @p1 $0x1;
	p0 =	seq.s32 s7, s2  }
0x1e: {  	s7 =	smul.u32 @!p0 $0xF7A, s2;
	p2 =	seq.s32 @!p0 s5, $0x0  }
0x1f: {  	s9 =	smul.u32 $0xF7A, s1;
	s8 =	simm.s32 @!p0 $0x1BF5;
	p2 =	por !p2, p0  }
0x20: {  	[sflag:s8] =	ssyncset.s32 @!p0 $0xFFFFF086;
	s6 =	sadd.s32 @!p0 s3, s7;
	s7 =	simm.s32 @!p0 $0x108  }
0x21: {  	s3 =	sadd.s32 s3, s9;
	s6 =	sadd.s32 @!p0 $0x88, s6;
	s7 =	simm.s32 @p2 $0x1082  }
0x22: {  	[simem:s7], [sflag:s8] =	dma.local @!p0 [hbm:s6], $0xF7A  }
0x23: {  	s9 =	sor.u32 $0xD0000000, s2;
	s6 =	simm.s32 $0x108;
	_ =	swait.ge @!p0 [sflag:s8], $0x0  }
0x24: {  	s3 =	sadd.s32 $0x88, s3;
	s6 =	simm.s32 @!p1 $0x1082;
	[sflag:s4] =	ssyncset.s32 $0xFFFFF086  }
0x25: {  	[simem:s6], [sflag:s4] =	dma.local [hbm:s3], $0xF7A  }
0x26: {  	[smem:$0x3F9F] =	sst s1;
	(tag) =	ssettag s2;
	_ =	strace s9  }
0x27: {  	s1 =	sld [smem:$0x3FAF]  }
0x28: {  	s2 =	sld [smem:$0x3FB0]  }
0x29: {  	s4 =	sld [smem:$0x3FB2]  }
0x2a: {  	p0 =	seq.s32 s5, $0x0;
	s5 =	sld [smem:$0x3FB3]  }
0x2b: {  	s6 =	sld [smem:$0x3FB4]  }
0x2c: {  	s7 =	sld [smem:$0x3FB5]  }
0x2d: {  	s3 =	simm.s32 $0x108;
	s8 =	sld [smem:$0x3FB6]  }
0x2e: {  	s3 =	simm.s32 @!p0 $0x1082;
	s9 =	sld [smem:$0x3FB7]  }
0x2f: {  	lr =	sadd.s32 s0, s3;
	s0 =	sld [smem:$0x3FAE]  }
0x30: {  	s3 =	sld [smem:$0x3FB1]  }
0x31: {  	[smem:$0x3FBA] =	sst s10  }
0x32: {  	s10 =	sld [smem:$0x3FB8];
	_ =	sdelay $0x3  }
0x33: {  	p0 =	seq.s32 s10, $0x1;
	s10 =	sld [smem:$0x3FBA];
	_ =	sdelay $0x3  }
0x34: {  	[smem:$0x3FBA] =	sst s10  }
0x35: {  	s10 =	sld [smem:$0x3FB9];
	_ =	sdelay $0x3  }
0x36: {  	p1 =	seq.s32 s10, $0x1;
	s10 =	sld [smem:$0x3FBA];
	_ =	sdelay $0x3  }
0x37: {  	[smem:$0x3FBA] =	sst s10  }
0x38: {  	s10 =	sld [smem:$0x3FBB]  }
0x39: {  	_ = 	snop;
	(pc) =	sbr.ind lr, $3  }
0x3a: {  	_ = 	snop  }
0x3b: {  	_ = 	snop  }
0x3c: {  	p2 =	seq.s32 s10, $0x1;
	s10 =	sld [smem:$0x3FBA]  }
0x3d: {  	_ =	shalt  }
0x3e: {  	_ =	shalt  }
0x3f: {  	_ =	shalt  }
0x40: {  	_ =	shalt  }
0x41: {  	_ =	shalt  }
0x42: {  	_ =	shalt  }
0x43: {  	_ =	shalt  }
0x44: {  	_ =	shalt  }
0x45: {  	_ =	shalt  }
0x46: {  	_ =	shalt  }
0x47: {  	_ =	shalt  }
0x48: {  	_ =	shalt  }
0x49: {  	_ =	shalt  }
0x4a: {  	_ =	shalt  }
0x4b: {  	_ =	shalt  }
0x4c: {  	_ =	shalt  }
0x4d: {  	_ =	shalt  }
0x4e: {  	_ =	shalt  }
0x4f: {  	_ =	shalt  }
0x50: {  	_ =	shalt  }
0x51: {  	_ =	shalt  }
0x52: {  	_ =	shalt  }
0x53: {  	_ =	shalt  }
0x54: {  	_ =	shalt  }
0x55: {  	_ =	shalt  }
0x56: {  	_ =	shalt  }
0x57: {  	_ =	shalt  }
0x58: {  	_ =	shalt  }
0x59: {  	_ =	shalt  }
0x5a: {  	_ =	shalt  }
0x5b: {  	_ =	shalt  }
0x5c: {  	_ =	shalt  }
0x5d: {  	_ =	shalt  }
0x5e: {  	_ =	shalt  }
0x5f: {  	_ =	shalt  }
0x60: {  	_ =	shalt  }
0x61: {  	_ =	shalt  }
0x62: {  	_ =	shalt  }
0x63: {  	_ =	shalt  }
0x64: {  	_ =	shalt  }
0x65: {  	_ =	shalt  }
0x66: {  	_ =	shalt  }
0x67: {  	_ =	shalt  }
0x68: {  	_ =	shalt  }
0x69: {  	_ =	shalt  }
0x6a: {  	_ =	shalt  }
0x6b: {  	_ =	shalt  }
0x6c: {  	_ =	shalt  }
0x6d: {  	_ =	shalt  }
0x6e: {  	_ =	shalt  }
0x6f: {  	_ =	shalt  }
0x70: {  	_ =	shalt  }
0x71: {  	_ =	shalt  }
0x72: {  	_ =	shalt  }
0x73: {  	_ =	shalt  }
0x74: {  	_ =	shalt  }
0x75: {  	_ =	shalt  }
0x76: {  	_ =	shalt  }
0x77: {  	_ =	shalt  }
0x78: {  	_ =	shalt  }
0x79: {  	_ =	shalt  }
0x7a: {  	_ =	shalt  }
0x7b: {  	_ =	shalt  }
0x7c: {  	_ =	shalt  }
0x7d: {  	_ =	shalt  }
0x7e: {  	_ =	shalt  }
0x7f: {  	_ =	shalt  }
0x80: {  	_ =	shalt  }
0x81: {  	_ =	shalt  }
0x82: {  	_ =	shalt  }
0x83: {  	_ =	shalt  }
0x84: {  	_ =	shalt  }
0x85: {  	_ =	shalt  }
0x86: {  	_ =	shalt  }
0x87: {  	_ =	shalt  }
.Lfunc_end0:
.L_simem_size_0:
called_computation_lowered:
.L_overlay_start_0:
0x88: {  	s2 =	sld [smem:$0x3FD9]  }
0x89: {  	s3 =	sld [smem:$0x3FFE];
	_ =	sdelay $0x1  }
0x8a: {  	s1 =	srdreg.scid  }
0x8b: {  	s0 =	sand.u32 $0x1, s1  }
0x8c: {  	s17 =	sshll.u32 s0, $0xA;
	s2 =	sadd.s32 s3, s2  }
0x8d: {  	s2 =	sadd.s32 s2, s17  }
0x8e: {  	[smem:$0x3FC6] =	sst s2  }
0x8f: {  	_ = 	snop  }
0x90: {  	s2 =	sld [smem:$0x3FD0];
	(tm) =	ssettm $0x1  }
0x91: {  	s18 =	sld [smem:$0x3FFB];
	_ =	sdelay $0x3  }
0x92: {  	_ =	strace s18  }
0x93: {  	s3 =	sld [smem:$0x3FFC];
	_ =	sdelay $0x3  }
0x94: {  	_ =	strace s3  }
0x95: {  	s3 =	sld [smem:$0x3FFD];
	_ =	sdelay $0x3  }
0x96: {  	_ =	strace s3  }
0x97: {  	_ =	strace $0x8FFFFFFF  }
0x98: {  	s19 =	sld [smem:$0x3FDB];
	_ =	sdelay $0x1  }
0x99: {  	s4 =	simm.s32 $_scs_section_size  }
0x9a: {  	s5 =	simm.s32 $_size__tile_overlayer_lowered;
	s6 =	simm.s32 $_tile_overlayer_lowered  }
0x9b: {  	s22 =	simm.s32 $0x1BFF;
	s21 =	sshll.u32 s6, $0x1;
	s3 =	sadd.s32 s4, s19  }
0x9c: {  	s7 =	simm.s32 $0x0;
	s20 =	sshll.u32 s5, $0x1;
	s5 =	sadd.s32 s21, s3  }
0x9d: {  	[timem:s7], [sflag:s22] =	dma.local [hbm:s5], s20  }
0x9e: {  	_ =	swait.ge [sflag:s22], s20  }
0x9f: {  	s4 =	ssub.s32 $0x0, s20;
	[sflag:s22] =	ssyncset.done $0x0  }
0xa0: {  	[sflag:s22] =	ssyncadd.s32 s4;
	_ =	sdelay $0x1  }
0xa1: {  	s23 =	simm.s32 $0x1B8B  }
0xa2: {  	_ =	swait.ge [sflag:s23], $0x1  }
0xa3: {  	[sflag:s23] =	ssyncset.done $0x0  }
0xa4: {  	s25 =	simm.s32 $0x1B8E;
	s24 =	sld [smem:$0x3FFE];
	[sflag:s23] =	ssyncadd.s32 $0xFFFFFFFF  }
0xa5: {  	s26 =	simm.s32 $execute0_lowered;
	[smem:$0x3FD2] =	sst s25  }
0xa6: {  	s5 =	sshll.u32 s26, $0x1;
	_ =	strace $0x80000046;
	[dreg:$0x1] =	wrdreg $0xFFFFFFFF  }
0xa7: {  	s28 =	simm.s32 $_size_execute0_lowered;
	s3 =	sadd.s32 s3, s5;
	[dreg:$0x0] =	wrdreg $0x0  }
0xa8: {  	s5 =	sshll.u32 s28, $0x1;
	[dreg:$0x2] =	wrdreg s3  }
0xa9: {  	[dreg:$0x3] =	wrdreg s5  }
0xaa: {  	[dreg:$0x4] =	wrdreg $0xC0  }
0xab: {  	_ =	task [dreg:s7], $0x5FFFF  }
0xac: {  	[dreg:$0x1] =	wrdreg $0xFFFFFFFF  }
0xad: {  	[dreg:$0x0] =	wrdreg $0x60  }
0xae: {  	[dreg:$0x2] =	wrdreg s24  }
0xaf: {  	[dreg:$0x3] =	wrdreg s2  }
0xb0: {  	[dreg:$0x4] =	wrdreg $0x9  }
0xb1: {  	_ =	task.clear_ibuf [dreg:s7], $0x5FFFF;
	_ =	strace $0x90000046  }
0xb2: {  	s29 =	simm.s32 $0x9;
	_ =	strace $0x80000048  }
0xb3: {  	_ =	swait.ge [sflag:s29], $0x1  }
0xb4: {  	[sflag:s29] =	ssyncadd.s32 $0xFFFFFFFF  }
0xb5: {  	_ =	strace $0x90000048  }
0xb6: {  	_ =	sfence  }
0xb7: {  	s30 =	sld [smem:$0x0];
	_ =	sdelay $0x2  }
0xb8: {  	s31 =	sshll.u32 s1, $0xD;
	s1 =	sshrl.u32 s1, $0x2  }
0xb9: {  	s3 =	sand.u32 $0x4000, s31;
	s1 =	sadd.s32 s1, s30  }
0xba: {  	s0 =	sor.u32 s3, s0;
	s1 =	sshll.u32 s1, $0x11  }
0xbb: {  	s0 =	sor.u32 s1, s0  }
0xbc: {  	s0 =	sadd.s32 $0x8F2B, s0  }
0xbd: {  	[sflag:s0] =	ssyncadd.remote.s32 $0x1  }
0xbe: {  	_ =	sfence.sel $0xFFFF  }
0xbf: {  	[dreg:$0x0] =	wrdreg $0xFFFFFFFF;
	(pc) =	sbr.abs _section_cstart, $3  }
0xc0: {  	[dreg:$0x1] =	wrdreg $0xFFFFFFFF  }
0xc1: {  	_ =	task.clear_ibuf [dreg:s7], $0x2FFFF;
	_ =	strace $0x9FFFFFFF  }
0xc2: {  	(tm) =	ssettm $0x7FFFFFFF  }
0xc3: {  	_ =	shalt  }
tec
execute0_lowered:
.L_overlay_start_1:
0x0: {  	(tag) =	ssettag $0x1  }
0x1: {  	v63 =	vlaneseq.u32  }
0x2: {  	v38 =	vimm.s32 $0x14131211;
	v1 =	vimm.s32 $0x18171615;
	v2 =	vimm.s32 $0x1C1B1A19  }
0x3: {  	v39 =	vimm.s32 $0x1F1E1D;
	v40 =	vimm.s32 $0x15141312;
	v3 =	vimm.s32 $0x19181716  }
0x4: {  	vm0 =	vcmask $0x1F10;
	v42 =	vimm.s32 $0x1D1C1B1A;
	v43 =	vimm.s32 $0x16151413  }
0x5: {  	v44 =	vimm.s32 $0x3020100;
	v45 =	vimm.s32 $0x1E1D1C1B;
	v46 =	vimm.s32 $0x201001F  }
0x6: {  	v47 =	vimm.s32 $0x5040302;
	v49 =	vimm.s32 $0x87654321;
	v7 =	vimm.s32 $0x32107654  }
0x7: {  	v52 =	vimm.s32 $0xA9876543;
	vm1 =	vcmask $0x2F10;
	vm2 =	vcmask $0x3F30  }
0x8: {  	v54 =	vimm.s32 $0xC0B0A09;
	vm5 =	vcmask $0x300;
	v56 =	vimm.s32 $0x787  }
0x9: {  	vm6 =	vcmask $0x704;
	v57 =	vimm.s32 $0x807;
	vm7 =	vcmask $0xB08  }
0xa: {  	vm8 =	vcmask $0xF0C;
	vm9 =	vcmask $0x1310;
	vm10 =	vcmask $0x1714  }
0xb: {  	vm11 =	vcmask $0x1B18;
	vm12 =	vcmask $0x1F1C;
	vm13 =	vcmask $0x2320  }
0xc: {  	vm14 =	vcmask $0x2724;
	vm15 =	vcmask $0x2B28;
	vm4 =	vcmask $0x2F2C  }
0xd: {  	vm3 =	vcmask $0x3330;
	v59 =	vimm.s32 $0x887;
	v4 =	vunpack.c.0.s8.s32 v1  }
0xe: {  	v32 =	vimm.s32 $0x907;
	v33 =	vimm.s32 $0x987;
	v5 =	vunpack.c.0.s8.s32 v2  }
0xf: {  	v35 =	vimm.s32 $0xA07;
	v8 =	vmul.u32 $0x38, v63;
	v6 =	vunpack.c.0.s8.s32 v3;
	[tilespmem:$0x1F960] =	vst v4  }
0x10: {  	v1 =	vunpack.c.0.s8.s32 v39;
	v2 =	vunpack.c.0.s8.s32 v40;
	v11 =	vunpack.c.0.s8.s32 v46;
	[tilespmem:$0x1F970] =	vst v5  }
0x11: {  	v51 =	vunpack.c.l.s4.s8 v7;
	v39 =	vimm.s32 $0xB87;
	v0 =	vadd.s32 $0x380, v8;
	[tilespmem:$0x1F990] =	vst v6  }
0x12: {  	v40 =	vimm.s32 $0xC07;
	v36 =	vadd.s32 $0x700, v8;
	v37 =	vadd.s32 $0xA80, v8;
	[tilespmem:$0x1F920] =	vst v0  }
0x13: {  	v3 =	vadd.s32 $0xE00, v8;
	v41 =	vsel vm0, v6, v2;
	[tilespmem:$0x1F930] =	vst v36;
	v0 =	vunpack.c.0.s8.s32 v38  }
0x14: {  	v2 =	vunpack.c.0.s8.s32 v43;
	v6 =	vimm.s32 $0x1B1A1918;
	[tilespmem:$0x1F950] =	vst v3;
	v3 =	vsel vm0, v1, v5  }
0x15: {  	[tilespmem:$0x1F940] =	vst v37;
	v5 =	vimm.s32 $0x1001F1E;
	v0 =	vsel vm0, v4, v0;
	v4 =	vadd.s32 $0x1180, v8  }
0x16: {  	v6 =	vunpack.c.0.s8.s32 v6;
	v36 =	vimm.s32 $0xA87;
	[tilespmem:$0x1F980] =	vst v4;
	v4 =	vimm.s32 $0x1A191817  }
0x17: {  	[tilespmem:$0x1F9A0] =	vst v41;
	v37 =	vimm.s32 $0xB07;
	v41 =	vimm.s32 $0xC87;
	v4 =	vunpack.c.0.s8.s32 v4  }
0x18: {  	v9 =	vunpack.c.0.s8.s32 v5;
	v60 =	vcombine.low v0, v3;
	v0 =	vunpack.c.0.s8.s32 v42  }
0x19: {  	v5 =	vimm.s32 $0x17161514;
	[tilespmem:$0x1F9C0] =	vst v4;
	v2 =	vsel vm0, v4, v2;
	v4 =	vimm.s32 $0x1F1E1D1C  }
0x1a: {  	[tilespmem:$0x1F9B0] =	vst v0;
	v0 =	vunpack.c.0.s8.s32 v44;
	v10 =	vunpack.c.0.s8.s32 v4;
	v4 =	vunpack.c.0.s8.s32 v5  }
0x1b: {  	v44 =	vimm.s32 $0xD07;
	[tilespmem:$0x1F9D0] =	vst v2;
	v2 =	vunpack.c.0.s8.s32 v45;
	v5 =	vimm.s32 $0x4030201  }
0x1c: {  	[tilespmem:$0x1F9F0] =	vst v6;
	v5 =	vunpack.c.0.s8.s32 v5;
	v0 =	vsel vm0, v0, v10;
	v4 =	vsel vm0, v6, v4  }
0x1d: {  	[tilespmem:$0x1F9E0] =	vst v2;
	v2 =	vunpack.c.l.s4.s8 v49;
	v6 =	vimm.s32 $0x98765432;
	v49 =	vimm.s32 $0xE07  }
0x1e: {  	v61 =	vcombine.low v4, v0;
	v48 =	vsel vm0, v5, v1;
	v4 =	vimm.s32 $0x6050403  }
0x1f: {  	v0 =	vunpack.c.0.s8.s32 v47;
	v5 =	vimm.s32 $0x76543210;
	v4 =	vunpack.c.0.s8.s32 v4  }
0x20: {  	v6 =	vunpack.c.l.s4.s8 v6;
	v5 =	vunpack.c.l.s4.s8 v5;
	v2 =	vunpack.c.0.s8.s32 v2  }
0x21: {  	[tilespmem:$0x1FA00] =	vst v48;
	v48 =	vimm.s32 $0xD87;
	v0 =	vsel vm0, v0, v9;
	v50 =	vsel vm0, v4, v11  }
0x22: {  	[tilespmem:$0x1FA10] =	vst v0;
	v4 =	vunpack.c.0.s8.s32 v5;
	v2 =	vand.u32 $0xF, v2;
	v0 =	vunpack.c.0.s8.s32 v51  }
0x23: {  	v5 =	vimm.s32 $0x54329876;
	v62 =	vcombine.low v3, v2;
	v2 =	vunpack.c.l.s4.s8 v52  }
0x24: {  	v51 =	vimm.s32 $0xE87;
	v5 =	vunpack.c.l.s4.s8 v5;
	[tilespmem:$0x1FA30] =	vst v4;
	v4 =	vunpack.c.0.s8.s32 v6  }
0x25: {  	v52 =	vimm.s32 $0xF07;
	v0 =	vand.u32 $0xF, v0;
	v2 =	vunpack.c.0.s8.s32 v2  }
0x26: {  	v6 =	vimm.s32 $0x6543A987;
	v3 =	vand.u32 $0xF, v4;
	v4 =	vimm.s32 $0xB0A0908  }
0x27: {  	[tilespmem:$0x1FA40] =	vst v3;
	v3 =	vimm.s32 $0x43218765;
	v4 =	vunpack.c.0.s8.s32 v4;
	v2 =	vand.u32 $0xF, v2  }
0x28: {  	v0 =	vsel vm1, v0, v10;
	v3 =	vunpack.c.l.s4.s8 v3;
	[tilespmem:$0x1FA80] =	vst v2;
	v2 =	vsel vm5, $0x200, v33  }
0x29: {  	v17 =	vsel vm2, v4, v0;
	v4 =	vunpack.c.0.s8.s32 v5;
	v2 =	vsel vm6, $0x281, v2  }
0x2a: {  	v5 =	vimm.s32 $0xD0C0B0A;
	v3 =	vunpack.c.0.s8.s32 v3;
	v2 =	vsel vm7, $0x302, v2  }
0x2b: {  	v5 =	vunpack.c.0.s8.s32 v5;
	v4 =	vand.u32 $0xF, v4;
	v2 =	vsel vm8, $0x383, v2  }
0x2c: {  	v53 =	vand.u32 $0xF, v3;
	v3 =	vunpack.c.l.s4.s8 v6;
	v6 =	vimm.s32 $0xE0D0C0B  }
0x2d: {  	v4 =	vsel vm1, v4, v9;
	v2 =	vsel vm9, $0x404, v2;
	v0 =	vsel vm1, v53, v1  }
0x2e: {  	v1 =	vunpack.c.0.s8.s32 v54;
	v6 =	vunpack.c.0.s8.s32 v6;
	v4 =	vsel vm2, v5, v4  }
0x2f: {  	v2 =	vsel vm10, $0x485, v2;
	v53 =	vimm.s32 $0xF87;
	v3 =	vunpack.c.0.s8.s32 v3  }
0x30: {  	v2 =	vsel vm11, $0x506, v2;
	v7 =	vsel vm2, v1, v0;
	v0 =	vsel vm5, $0x0, v56  }
0x31: {  	v1 =	vsel vm5, $0x80, v57;
	v2 =	vsel vm12, $0x587, v2;
	v56 =	vimm.s32 $0x87  }
0x32: {  	v57 =	vimm.s32 $0x107;
	v3 =	vand.u32 $0xF, v3;
	v0 =	vsel vm6, $0x81, v0  }
0x33: {  	v1 =	vsel vm6, $0x101, v1;
	v2 =	vsel vm13, $0x600, v2;
	v55 =	vsel vm1, v3, v11  }
0x34: {  	v0 =	vsel vm7, $0x102, v0;
	v1 =	vsel vm7, $0x182, v1;
	vm1 =	vcmask $0x3734  }
0x35: {  	v2 =	vsel vm14, $0x681, v2;
	v47 =	vsel vm2, v6, v55;
	v0 =	vsel vm8, $0x183, v0  }
0x36: {  	v1 =	vsel vm8, $0x203, v1;
	vm2 =	vcmask $0x3B38;
	v2 =	vsel vm15, $0x702, v2  }
0x37: {  	v55 =	vimm.s32 $0x7;
	v0 =	vsel vm9, $0x204, v0;
	v1 =	vsel vm9, $0x284, v1  }
0x38: {  	v2 =	vsel vm4, $0x783, v2;
	v0 =	vsel vm10, $0x285, v0;
	v1 =	vsel vm10, $0x305, v1  }
0x39: {  	v2 =	vsel vm3, $0x804, v2;
	v0 =	vsel vm11, $0x306, v0;
	v1 =	vsel vm11, $0x386, v1  }
0x3a: {  	v34 =	vsel vm1, $0x885, v2;
	v2 =	vsel vm5, $0x380, v37;
	v0 =	vsel vm12, $0x387, v0  }
0x3b: {  	v1 =	vsel vm12, $0x407, v1;
	v3 =	vsel vm2, $0x906, v34;
	v2 =	vsel vm6, $0x401, v2  }
0x3c: {  	v34 =	vimm.s32 $0x187;
	v0 =	vsel vm13, $0x400, v0;
	v1 =	vsel vm13, $0x480, v1  }
0x3d: {  	v2 =	vsel vm7, $0x482, v2;
	v0 =	vsel vm14, $0x481, v0;
	v1 =	vsel vm14, $0x501, v1  }
0x3e: {  	v2 =	vsel vm8, $0x503, v2;
	v0 =	vsel vm15, $0x502, v0;
	v1 =	vsel vm15, $0x582, v1  }
0x3f: {  	v2 =	vsel vm9, $0x584, v2;
	v0 =	vsel vm4, $0x583, v0;
	v1 =	vsel vm4, $0x603, v1  }
0x40: {  	v2 =	vsel vm10, $0x605, v2;
	v0 =	vsel vm3, $0x604, v0;
	v1 =	vsel vm3, $0x684, v1  }
0x41: {  	v2 =	vsel vm11, $0x686, v2;
	v0 =	vsel vm1, $0x685, v0;
	v58 =	vsel vm1, $0x705, v1  }
0x42: {  	v1 =	vsel vm5, $0x180, v32;
	v2 =	vsel vm12, $0x707, v2;
	v46 =	vsel vm2, $0x706, v0  }
0x43: {  	v0 =	vsel vm2, $0x786, v58;
	v1 =	vsel vm6, $0x201, v1;
	v2 =	vsel vm13, $0x780, v2  }
0x44: {  	[tilespmem:$0x1FA90] =	vst v0;
	v0 =	vsel vm5, $0x100, v59;
	v1 =	vsel vm7, $0x282, v1;
	v2 =	vsel vm14, $0x801, v2  }
0x45: {  	v0 =	vsel vm6, $0x181, v0;
	v1 =	vsel vm8, $0x303, v1;
	v2 =	vsel vm15, $0x882, v2  }
0x46: {  	v0 =	vsel vm7, $0x202, v0;
	v1 =	vsel vm9, $0x384, v1;
	v2 =	vsel vm4, $0x903, v2  }
0x47: {  	v0 =	vsel vm8, $0x283, v0;
	v1 =	vsel vm10, $0x405, v1;
	v2 =	vsel vm3, $0x984, v2  }
0x48: {  	v0 =	vsel vm9, $0x304, v0;
	v1 =	vsel vm11, $0x486, v1;
	v38 =	vsel vm1, $0xA05, v2  }
0x49: {  	v2 =	vsel vm5, $0x500, v41;
	v41 =	vimm.s32 $0x407;
	v0 =	vsel vm10, $0x385, v0  }
0x4a: {  	v1 =	vsel vm12, $0x507, v1;
	v27 =	vsel vm2, $0xA86, v38;
	v2 =	vsel vm6, $0x581, v2  }
0x4b: {  	v38 =	vimm.s32 $0x307;
	v0 =	vsel vm11, $0x406, v0;
	v1 =	vsel vm13, $0x580, v1  }
0x4c: {  	v2 =	vsel vm7, $0x602, v2;
	v0 =	vsel vm12, $0x487, v0;
	v1 =	vsel vm14, $0x601, v1  }
0x4d: {  	v2 =	vsel vm8, $0x683, v2;
	v0 =	vsel vm13, $0x500, v0;
	v1 =	vsel vm15, $0x682, v1  }
0x4e: {  	v2 =	vsel vm9, $0x704, v2;
	v0 =	vsel vm14, $0x581, v0;
	v1 =	vsel vm4, $0x703, v1  }
0x4f: {  	v2 =	vsel vm10, $0x785, v2;
	v0 =	vsel vm15, $0x602, v0;
	v1 =	vsel vm3, $0x784, v1  }
0x50: {  	v2 =	vsel vm11, $0x806, v2;
	v0 =	vsel vm4, $0x683, v0;
	v1 =	vsel vm1, $0x805, v1  }
0x51: {  	v2 =	vsel vm12, $0x887, v2;
	v0 =	vsel vm3, $0x704, v0;
	v5 =	vsel vm2, $0x886, v1  }
0x52: {  	v1 =	vsel vm5, $0x300, v36;
	v2 =	vsel vm13, $0x900, v2;
	v36 =	vimm.s32 $0x287  }
0x53: {  	v0 =	vsel vm1, $0x785, v0;
	v1 =	vsel vm6, $0x381, v1;
	v2 =	vsel vm14, $0x981, v2  }
0x54: {  	v28 =	vsel vm2, $0x806, v0;
	v0 =	vsel vm5, $0x280, v35;
	v1 =	vsel vm7, $0x402, v1  }
0x55: {  	v2 =	vsel vm15, $0xA02, v2;
	v35 =	vimm.s32 $0x207;
	v0 =	vsel vm6, $0x301, v0  }
0x56: {  	v1 =	vsel vm8, $0x483, v1;
	v2 =	vsel vm4, $0xA83, v2;
	v0 =	vsel vm7, $0x382, v0  }
0x57: {  	v1 =	vsel vm9, $0x504, v1;
	v2 =	vsel vm3, $0xB04, v2;
	v0 =	vsel vm8, $0x403, v0  }
0x58: {  	v1 =	vsel vm10, $0x585, v1;
	v43 =	vsel vm1, $0xB85, v2;
	v2 =	vsel vm5, $0x680, v49  }
0x59: {  	v0 =	vsel vm9, $0x484, v0;
	v1 =	vsel vm11, $0x606, v1;
	v59 =	vsel vm2, $0xC06, v43  }
0x5a: {  	v2 =	vsel vm6, $0x701, v2;
	v0 =	vsel vm10, $0x505, v0;
	v1 =	vsel vm12, $0x687, v1  }
0x5b: {  	v2 =	vsel vm7, $0x782, v2;
	v0 =	vsel vm11, $0x586, v0;
	v1 =	vsel vm13, $0x700, v1  }
0x5c: {  	v2 =	vsel vm8, $0x803, v2;
	v0 =	vsel vm12, $0x607, v0;
	v1 =	vsel vm14, $0x781, v1  }
0x5d: {  	v2 =	vsel vm9, $0x884, v2;
	v0 =	vsel vm13, $0x680, v0;
	v1 =	vsel vm15, $0x802, v1  }
0x5e: {  	v2 =	vsel vm10, $0x905, v2;
	v0 =	vsel vm14, $0x701, v0;
	v1 =	vsel vm4, $0x883, v1  }
0x5f: {  	v2 =	vsel vm11, $0x986, v2;
	v0 =	vsel vm15, $0x782, v0;
	v1 =	vsel vm3, $0x904, v1  }
0x60: {  	v2 =	vsel vm12, $0xA07, v2;
	v0 =	vsel vm4, $0x803, v0;
	v1 =	vsel vm1, $0x985, v1  }
0x61: {  	v2 =	vsel vm13, $0xA80, v2;
	v0 =	vsel vm3, $0x884, v0;
	v6 =	vsel vm2, $0xA06, v1  }
0x62: {  	v1 =	vsel vm5, $0x480, v40;
	v2 =	vsel vm14, $0xB01, v2;
	v0 =	vsel vm1, $0x905, v0  }
0x63: {  	v1 =	vsel vm6, $0x501, v1;
	v2 =	vsel vm15, $0xB82, v2;
	v45 =	vsel vm2, $0x986, v0  }
0x64: {  	v0 =	vsel vm5, $0x400, v39;
	v1 =	vsel vm7, $0x582, v1;
	v2 =	vsel vm4, $0xC03, v2  }
0x65: {  	v39 =	vimm.s32 $0x387;
	v0 =	vsel vm6, $0x481, v0;
	v1 =	vsel vm8, $0x603, v1  }
0x66: {  	v2 =	vsel vm3, $0xC84, v2;
	v0 =	vsel vm7, $0x502, v0;
	v1 =	vsel vm9, $0x684, v1  }
0x67: {  	[tilespmem:$0x1FA20] =	vst v50;
	v50 =	vsel vm1, $0xD05, v2;
	v2 =	vsel vm5, $0x800, v53;
	v0 =	vsel vm8, $0x583, v0  }
0x68: {  	v1 =	vsel vm10, $0x705, v1;
	v32 =	vsel vm2, $0xD86, v50;
	v2 =	vsel vm6, $0x881, v2  }
0x69: {  	v50 =	vimm.s32 $0x587;
	v0 =	vsel vm9, $0x604, v0;
	v1 =	vsel vm11, $0x786, v1  }
0x6a: {  	v2 =	vsel vm7, $0x902, v2;
	v0 =	vsel vm10, $0x685, v0;
	v1 =	vsel vm12, $0x807, v1  }
0x6b: {  	v2 =	vsel vm8, $0x983, v2;
	v0 =	vsel vm11, $0x706, v0;
	v1 =	vsel vm13, $0x880, v1  }
0x6c: {  	v2 =	vsel vm9, $0xA04, v2;
	v0 =	vsel vm12, $0x787, v0;
	v1 =	vsel vm14, $0x901, v1  }
0x6d: {  	v2 =	vsel vm10, $0xA85, v2;
	v0 =	vsel vm13, $0x800, v0;
	v1 =	vsel vm15, $0x982, v1  }
0x6e: {  	v2 =	vsel vm11, $0xB06, v2;
	v0 =	vsel vm14, $0x881, v0;
	v1 =	vsel vm4, $0xA03, v1  }
0x6f: {  	v2 =	vsel vm12, $0xB87, v2;
	v0 =	vsel vm15, $0x902, v0;
	v1 =	vsel vm3, $0xA84, v1  }
0x70: {  	v2 =	vsel vm13, $0xC00, v2;
	v0 =	vsel vm4, $0x983, v0;
	v1 =	vsel vm1, $0xB05, v1  }
0x71: {  	v2 =	vsel vm14, $0xC81, v2;
	v0 =	vsel vm3, $0xA04, v0;
	v42 =	vsel vm2, $0xB86, v1  }
0x72: {  	v1 =	vsel vm5, $0x600, v48;
	v2 =	vsel vm15, $0xD02, v2;
	v0 =	vsel vm1, $0xA85, v0  }
0x73: {  	v1 =	vsel vm6, $0x681, v1;
	v2 =	vsel vm4, $0xD83, v2;
	v58 =	vsel vm2, $0xB06, v0  }
0x74: {  	v0 =	vsel vm5, $0x580, v44;
	v1 =	vsel vm7, $0x702, v1;
	v2 =	vsel vm3, $0xE04, v2  }
0x75: {  	v0 =	vsel vm6, $0x601, v0;
	v1 =	vsel vm8, $0x783, v1;
	v54 =	vsel vm1, $0xE85, v2  }
0x76: {  	v2 =	vsel vm5, $0x980, v57;
	v57 =	vadd.s32 $0x1880, v8;
	v0 =	vsel vm7, $0x682, v0  }
0x77: {  	v1 =	vsel vm9, $0x804, v1;
	v2 =	vsel vm6, $0xA01, v2;
	v0 =	vsel vm8, $0x703, v0  }
0x78: {  	v1 =	vsel vm10, $0x885, v1;
	v2 =	vsel vm7, $0xA82, v2;
	v0 =	vsel vm9, $0x784, v0  }
0x79: {  	v1 =	vsel vm11, $0x906, v1;
	v2 =	vsel vm8, $0xB03, v2;
	v0 =	vsel vm10, $0x805, v0  }
0x7a: {  	v1 =	vsel vm12, $0x987, v1;
	v2 =	vsel vm9, $0xB84, v2;
	v0 =	vsel vm11, $0x886, v0  }
0x7b: {  	v1 =	vsel vm13, $0xA00, v1;
	v2 =	vsel vm10, $0xC05, v2;
	v0 =	vsel vm12, $0x907, v0  }
0x7c: {  	v1 =	vsel vm14, $0xA81, v1;
	v2 =	vsel vm11, $0xC86, v2;
	v0 =	vsel vm13, $0x980, v0  }
0x7d: {  	v1 =	vsel vm15, $0xB02, v1;
	v2 =	vsel vm12, $0xD07, v2;
	v0 =	vsel vm14, $0xA01, v0  }
0x7e: {  	v1 =	vsel vm4, $0xB83, v1;
	v2 =	vsel vm13, $0xD80, v2;
	v0 =	vsel vm15, $0xA82, v0  }
0x7f: {  	v1 =	vsel vm3, $0xC04, v1;
	v2 =	vsel vm14, $0xE01, v2;
	v0 =	vsel vm4, $0xB03, v0  }
0x80: {  	v1 =	vsel vm1, $0xC85, v1;
	v2 =	vsel vm15, $0xE82, v2;
	v0 =	vsel vm3, $0xB84, v0  }
0x81: {  	v43 =	vsel vm2, $0xD06, v1;
	v1 =	vsel vm5, $0x780, v52;
	v2 =	vsel vm4, $0xF03, v2  }
0x82: {  	v0 =	vsel vm1, $0xC05, v0;
	v1 =	vsel vm6, $0x801, v1;
	v2 =	vsel vm3, $0xF84, v2  }
0x83: {  	v0 =	vsel vm2, $0xC86, v0;
	v1 =	vsel vm7, $0x882, v1;
	v33 =	vsel vm1, $0x5, v2  }
0x84: {  	v2 =	vsel vm5, $0xB00, v36;
	v36 =	vadd.s32 $0x701, v8;
	[tilespmem:$0x1FAB0] =	vst v0;
	v0 =	vsel vm5, $0x700, v51  }
0x85: {  	v1 =	vsel vm8, $0x903, v1;
	v25 =	vsel vm2, $0x86, v33;
	v2 =	vsel vm6, $0xB81, v2  }
0x86: {  	v33 =	vor.u32 $0x1, v8;
	v0 =	vsel vm6, $0x781, v0;
	v1 =	vsel vm9, $0x984, v1  }
0x87: {  	v2 =	vsel vm7, $0xC02, v2;
	v0 =	vsel vm7, $0x802, v0;
	v1 =	vsel vm10, $0xA05, v1  }
0x88: {  	v2 =	vsel vm8, $0xC83, v2;
	v0 =	vsel vm8, $0x883, v0;
	v1 =	vsel vm11, $0xA86, v1  }
0x89: {  	v2 =	vsel vm9, $0xD04, v2;
	v0 =	vsel vm9, $0x904, v0;
	v1 =	vsel vm12, $0xB07, v1  }
0x8a: {  	v2 =	vsel vm10, $0xD85, v2;
	v0 =	vsel vm10, $0x985, v0;
	v1 =	vsel vm13, $0xB80, v1  }
0x8b: {  	v2 =	vsel vm11, $0xE06, v2;
	v0 =	vsel vm11, $0xA06, v0;
	v1 =	vsel vm14, $0xC01, v1  }
0x8c: {  	v2 =	vsel vm12, $0xE87, v2;
	v0 =	vsel vm12, $0xA87, v0;
	v1 =	vsel vm15, $0xC82, v1  }
0x8d: {  	v2 =	vsel vm13, $0xF00, v2;
	v0 =	vsel vm13, $0xB00, v0;
	v1 =	vsel vm4, $0xD03, v1  }
0x8e: {  	v2 =	vsel vm14, $0xF81, v2;
	v0 =	vsel vm14, $0xB81, v0;
	v1 =	vsel vm3, $0xD84, v1  }
0x8f: {  	v2 =	vsel vm15, $0x2, v2;
	v0 =	vsel vm15, $0xC02, v0;
	v1 =	vsel vm1, $0xE05, v1  }
0x90: {  	[tilespmem:$0x1FA70] =	vst v11;
	v2 =	vsel vm4, $0x83, v2;
	v0 =	vsel vm4, $0xC83, v0;
	v11 =	vsel vm2, $0xE86, v1  }
0x91: {  	v1 =	vsel vm5, $0x900, v56;
	v2 =	vsel vm3, $0x104, v2;
	v56 =	vadd.s32 $0x1500, v8  }
0x92: {  	v0 =	vsel vm3, $0xD04, v0;
	v1 =	vsel vm6, $0x981, v1;
	v37 =	vsel vm1, $0x185, v2  }
0x93: {  	v2 =	vsel vm5, $0xC80, v41;
	v0 =	vsel vm1, $0xD85, v0;
	v1 =	vsel vm7, $0xA02, v1  }
0x94: {  	[tilespmem:$0x1FA50] =	vst v10;
	v16 =	vsel vm2, $0x206, v37;
	v10 =	vsel vm2, $0xE06, v0;
	v0 =	vsel vm2, $0xF06, v54  }
0x95: {  	v2 =	vsel vm6, $0xD01, v2;
	v37 =	vadd.s32 $0xA81, v8;
	[tilespmem:$0x1FAC0] =	vst v0;
	v0 =	vsel vm5, $0x880, v55  }
0x96: {  	v1 =	vsel vm8, $0xA83, v1;
	v2 =	vsel vm7, $0xD82, v2;
	v0 =	vsel vm6, $0x901, v0  }
0x97: {  	v1 =	vsel vm9, $0xB04, v1;
	v2 =	vsel vm8, $0xE03, v2;
	v0 =	vsel vm7, $0x982, v0  }
0x98: {  	v1 =	vsel vm10, $0xB85, v1;
	v2 =	vsel vm9, $0xE84, v2;
	v0 =	vsel vm8, $0xA03, v0  }
0x99: {  	v1 =	vsel vm11, $0xC06, v1;
	v2 =	vsel vm10, $0xF05, v2;
	v0 =	vsel vm9, $0xA84, v0  }
0x9a: {  	v1 =	vsel vm12, $0xC87, v1;
	v2 =	vsel vm11, $0xF86, v2;
	v0 =	vsel vm10, $0xB05, v0  }
0x9b: {  	v1 =	vsel vm13, $0xD00, v1;
	v2 =	vsel vm12, $0x7, v2;
	v0 =	vsel vm11, $0xB86, v0  }
0x9c: {  	v1 =	vsel vm14, $0xD81, v1;
	v2 =	vsel vm13, $0x80, v2;
	v0 =	vsel vm12, $0xC07, v0  }
0x9d: {  	v1 =	vsel vm15, $0xE02, v1;
	v2 =	vsel vm14, $0x101, v2;
	v0 =	vsel vm13, $0xC80, v0  }
0x9e: {  	v1 =	vsel vm4, $0xE83, v1;
	v2 =	vsel vm15, $0x182, v2;
	v0 =	vsel vm14, $0xD01, v0  }
0x9f: {  	v1 =	vsel vm3, $0xF04, v1;
	v2 =	vsel vm4, $0x203, v2;
	v0 =	vsel vm15, $0xD82, v0  }
0xa0: {  	v1 =	vsel vm1, $0xF85, v1;
	v2 =	vsel vm3, $0x284, v2;
	v0 =	vsel vm4, $0xE03, v0  }
0xa1: {  	v40 =	vsel vm2, $0x6, v1;
	v1 =	vsel vm5, $0xA80, v35;
	v0 =	vsel vm3, $0xE84, v0  }
0xa2: {  	[tilespmem:$0x1FAA0] =	vst v42;
	v42 =	vsel vm1, $0x305, v2;
	v1 =	vsel vm6, $0xB01, v1;
	v0 =	vsel vm1, $0xF05, v0  }
0xa3: {  	v1 =	vsel vm7, $0xB82, v1;
	v12 =	vsel vm2, $0xF86, v0;
	v0 =	vsel vm5, $0xA00, v34  }
0xa4: {  	v2 =	vsel vm5, $0xE00, v50;
	v1 =	vsel vm8, $0xC03, v1;
	v0 =	vsel vm6, $0xA81, v0  }
0xa5: {  	v2 =	vsel vm6, $0xE81, v2;
	v1 =	vsel vm9, $0xC84, v1;
	v0 =	vsel vm7, $0xB02, v0  }
0xa6: {  	v2 =	vsel vm7, $0xF02, v2;
	v1 =	vsel vm10, $0xD05, v1;
	v0 =	vsel vm8, $0xB83, v0  }
0xa7: {  	v2 =	vsel vm8, $0xF83, v2;
	v1 =	vsel vm11, $0xD86, v1;
	v0 =	vsel vm9, $0xC04, v0  }
0xa8: {  	v2 =	vsel vm9, $0x4, v2;
	v1 =	vsel vm12, $0xE07, v1;
	v0 =	vsel vm10, $0xC85, v0  }
0xa9: {  	v34 =	vadd.s32 $0x381, v8;
	v1 =	vsel vm13, $0xE80, v1;
	v0 =	vsel vm11, $0xD06, v0  }
0xaa: {  	[tilespmem:$0x1FA60] =	vst v9;
	v2 =	vsel vm10, $0x85, v2;
	v1 =	vsel vm14, $0xF01, v1;
	v0 =	vsel vm12, $0xD87, v0  }
0xab: {  	[tilespmem:$0x1FAE0] =	vst v57;
	v2 =	vsel vm11, $0x106, v2;
	v1 =	vsel vm15, $0xF82, v1;
	v0 =	vsel vm13, $0xE00, v0  }
0xac: {  	[tilespmem:$0x1FB10] =	vst v36;
	v2 =	vsel vm12, $0x187, v2;
	v1 =	vsel vm4, $0x3, v1;
	v0 =	vsel vm14, $0xE81, v0  }
0xad: {  	[tilespmem:$0x1FAF0] =	vst v33;
	v2 =	vsel vm13, $0x200, v2;
	v1 =	vsel vm3, $0x84, v1;
	v0 =	vsel vm15, $0xF02, v0  }
0xae: {  	[tilespmem:$0x1FAD0] =	vst v56;
	v2 =	vsel vm14, $0x281, v2;
	v1 =	vsel vm1, $0x105, v1;
	v0 =	vsel vm4, $0xF83, v0  }
0xaf: {  	[tilespmem:$0x1FB20] =	vst v37;
	v2 =	vsel vm15, $0x302, v2;
	v14 =	vsel vm2, $0x186, v1;
	v0 =	vsel vm3, $0x4, v0  }
0xb0: {  	[tilespmem:$0x1FB00] =	vst v34;
	v1 =	vsel vm5, $0xC00, v39;
	v39 =	vadd.s32 $0x1181, v8;
	v0 =	vsel vm1, $0x85, v0  }
0xb1: {  	s0 =	rddreg [dreg:$0x0];
	s3 =	simm.s32 $0x0;
	[tilespmem:$0x1FB40] =	vst v39;
	v24 =	vsel vm2, $0x106, v0;
	v0 =	vsel vm5, $0xB80, v38;
	v38 =	vadd.s32 $0xE01, v8  }
0xb2: {  	[smem:$0x7FF] =	sst s3;
	v41 =	vadd.s32 $0x1501, v8;
	v2 =	vsel vm4, $0x383, v2;
	[tilespmem:$0x1FB30] =	vst v38  }
0xb3: {  	s1 =	rddreg [dreg:$0x1];
	v15 =	vsel vm2, $0x386, v42;
	v42 =	vadd.s32 $0x1881, v8;
	v2 =	vsel vm3, $0x404, v2;
	_ =	strace $0x80000047;
	[tilespmem:$0x1FB50] =	vst v41  }
0xb4: {  	v50 =	vadd.s32 $0x702, v8;
	v51 =	vsel vm1, $0x485, v2;
	[tilespmem:$0x1FB60] =	vst v42  }
0xb5: {  	v54 =	vimm.s32 $0x707;
	v9 =	vsel vm2, $0x506, v51;
	v51 =	vadd.s32 $0xA82, v8;
	[tilespmem:$0x1FB90] =	vst v50  }
0xb6: {  	v2 =	vsel vm5, $0xF80, v54;
	v54 =	vadd.s32 $0x1502, v8;
	[tilespmem:$0x1FBA0] =	vst v51  }
0xb7: {  	v56 =	vor.u32 $0x3, v8;
	[tilespmem:$0x1FBD0] =	vst v54  }
0xb8: {  	v57 =	vadd.s32 $0x383, v8;
	[tilespmem:$0x1FBF0] =	vst v56  }
0xb9: {  	v33 =	vadd.s32 $0x703, v8;
	[tilespmem:$0x1FC00] =	vst v57  }
0xba: {  	v34 =	vadd.s32 $0xA83, v8;
	[tilespmem:$0x1FC10] =	vst v33  }
0xbb: {  	v36 =	vadd.s32 $0xE03, v8;
	[tilespmem:$0x1FC20] =	vst v34  }
0xbc: {  	v37 =	vadd.s32 $0x1183, v8;
	[tilespmem:$0x1FC30] =	vst v36  }
0xbd: {  	v38 =	vadd.s32 $0x1503, v8;
	[tilespmem:$0x1FC40] =	vst v37  }
0xbe: {  	v39 =	vadd.s32 $0x1883, v8;
	[tilespmem:$0x1FC50] =	vst v38  }
0xbf: {  	[tilespmem:$0x1FC60] =	vst v39  }
0xc0: {  	[tilespmem:$0x1FCE0] =	vst v8  }
0xc1: {  	[tilespmem:$0x1FD20] =	vst v17  }
0xc2: {  	[tilespmem:$0x1FD30] =	vst v7  }
0xc3: {  	[tilespmem:$0x1FD40] =	vst v4  }
0xc4: {  	[tilespmem:$0x1FD50] =	vst v58  }
0xc5: {  	[tilespmem:$0x1FD60] =	vst v59  }
0xc6: {  	[tilespmem:$0x1FD70] =	vst v32  }
0xc7: {  	[tilespmem:$0x1FD80] =	vst v10  }
0xc8: {  	[tilespmem:$0x1FD90] =	vst v14  }
0xc9: {  	[tilespmem:$0x1FDA0] =	vst v16  }
0xca: {  	[tilespmem:$0x1FDB0] =	vst v15  }
0xcb: {  	[tilespmem:$0x1FDE0] =	vst v5  }
0xcc: {  	[tilespmem:$0x1FDF0] =	vst v9  }
0xcd: {  	v19 =	vadd.s32 $0x1, v63;
	[tilespmem:$0x1FE00] =	vst v3  }
0xce: {  	v23 =	vadd.s32 $0x2, v63;
	v30 =	vadd.s32 $0x4, v63;
	v20 =	vadd.s32 $0x7, v63;
	[tilespmem:$0x1FE10] =	vst v27  }
0xcf: {  	v18 =	vadd.s32 $0xD, v63;
	v49 =	vimm.s32 $0x507;
	v1 =	vsel vm6, $0xC81, v1;
	[tilespmem:$0x1FE30] =	vst v19  }
0xd0: {  	v53 =	vimm.s32 $0x687;
	v48 =	vimm.s32 $0x487;
	v1 =	vsel vm7, $0xD02, v1;
	[tilespmem:$0x1FE40] =	vst v23  }
0xd1: {  	v52 =	vimm.s32 $0x607;
	v2 =	vsel vm6, $0x1, v2;
	v1 =	vsel vm8, $0xD83, v1;
	[tilespmem:$0x1FE60] =	vst v30  }
0xd2: {  	v2 =	vsel vm7, $0x82, v2;
	v1 =	vsel vm9, $0xE04, v1;
	v0 =	vsel vm6, $0xC01, v0;
	[tilespmem:$0x1FE80] =	vst v43  }
0xd3: {  	v2 =	vsel vm8, $0x103, v2;
	v1 =	vsel vm10, $0xE85, v1;
	v0 =	vsel vm7, $0xC82, v0;
	[tilespmem:$0x1FEA0] =	vst v20  }
0xd4: {  	v2 =	vsel vm9, $0x184, v2;
	v1 =	vsel vm11, $0xF06, v1;
	[tilespmem:$0x1FEE0] =	vst v18;
	v0 =	vsel vm8, $0xD03, v0  }
0xd5: {  	v2 =	vsel vm10, $0x205, v2;
	[tilespmem:$0x1FF30] =	vst v11;
	v1 =	vsel vm12, $0xF87, v1;
	v0 =	vsel vm9, $0xD84, v0  }
0xd6: {  	v2 =	vsel vm11, $0x286, v2;
	[tilespmem:$0x1FF40] =	vst v12;
	v1 =	vsel vm13, $0x0, v1;
	v0 =	vsel vm10, $0xE05, v0  }
0xd7: {  	v2 =	vsel vm12, $0x307, v2;
	[tilespmem:$0x1FF50] =	vst v40;
	v1 =	vsel vm14, $0x81, v1;
	v0 =	vsel vm11, $0xE86, v0  }
0xd8: {  	v41 =	vor.u32 $0x4, v8;
	[tilespmem:$0x1FF60] =	vst v25;
	v1 =	vsel vm15, $0x102, v1;
	v0 =	vsel vm12, $0xF07, v0  }
0xd9: {  	v42 =	vadd.s32 $0x384, v8;
	[tilespmem:$0x1FF70] =	vst v46;
	v1 =	vsel vm4, $0x183, v1;
	v0 =	vsel vm13, $0xF80, v0  }
0xda: {  	v50 =	vadd.s32 $0xE04, v8;
	[tilespmem:$0x1FF80] =	vst v28;
	v1 =	vsel vm3, $0x204, v1;
	v0 =	vsel vm14, $0x1, v0  }
0xdb: {  	v51 =	vadd.s32 $0x1184, v8;
	[tilespmem:$0x1FFA0] =	vst v6;
	v1 =	vsel vm1, $0x285, v1;
	v0 =	vsel vm15, $0x82, v0  }
0xdc: {  	[tilespmem:$0x1FFB0] =	vst v45;
	v44 =	vsel vm2, $0x306, v1;
	v1 =	vsel vm5, $0xD80, v49;
	v0 =	vsel vm4, $0x103, v0  }
0xdd: {  	v34 =	vadd.s32 $0x3, v63;
	[tilespmem:$0x1FFC0] =	vst v24;
	v1 =	vsel vm6, $0xE01, v1;
	v0 =	vsel vm3, $0x184, v0  }
0xde: {  	v56 =	vadd.s32 $0x6, v63;
	[tilespmem:$0x1FFF0] =	vst v47;
	v1 =	vsel vm7, $0xE82, v1;
	v0 =	vsel vm1, $0x205, v0  }
0xdf: {  	[tilespmem:$0x1FC70] =	vst v41;
	v1 =	vsel vm8, $0xF03, v1;
	v35 =	vsel vm2, $0x286, v0;
	v0 =	vsel vm5, $0xD00, v48  }
0xe0: {  	v54 =	vadd.s32 $0x8, v63;
	[tilespmem:$0x1FC80] =	vst v42;
	v1 =	vsel vm9, $0xF84, v1;
	v0 =	vsel vm6, $0xD81, v0  }
0xe1: {  	v57 =	vadd.s32 $0x9, v63;
	[tilespmem:$0x1FCB0] =	vst v50;
	v1 =	vsel vm10, $0x5, v1;
	v0 =	vsel vm7, $0xE02, v0  }
0xe2: {  	v33 =	vadd.s32 $0xA, v63;
	[tilespmem:$0x1FCC0] =	vst v51;
	v1 =	vsel vm11, $0x86, v1;
	v0 =	vsel vm8, $0xE83, v0  }
0xe3: {  	v37 =	vadd.s32 $0xB, v63;
	[tilespmem:$0x1FD00] =	vst v54;
	v1 =	vsel vm12, $0x107, v1;
	v0 =	vsel vm9, $0xF04, v0  }
0xe4: {  	v38 =	vadd.s32 $0xC, v63;
	[tilespmem:$0x1FD10] =	vst v57;
	v1 =	vsel vm13, $0x180, v1;
	v0 =	vsel vm10, $0xF85, v0  }
0xe5: {  	v39 =	vadd.s32 $0xE, v63;
	[tilespmem:$0x1FE50] =	vst v34;
	v1 =	vsel vm14, $0x201, v1;
	v0 =	vsel vm11, $0x6, v0  }
0xe6: {  	v2 =	vsel vm13, $0x380, v2;
	[tilespmem:$0x1FE90] =	vst v56;
	v1 =	vsel vm15, $0x282, v1;
	v0 =	vsel vm12, $0x87, v0  }
0xe7: {  	v41 =	vadd.s32 $0xF, v63;
	[tilespmem:$0x1FEB0] =	vst v33;
	v1 =	vsel vm4, $0x303, v1;
	v0 =	vsel vm13, $0x100, v0  }
0xe8: {  	v42 =	vor.u32 $0x10, v63;
	[tilespmem:$0x1FEC0] =	vst v37;
	v1 =	vsel vm3, $0x384, v1;
	v0 =	vsel vm14, $0x181, v0  }
0xe9: {  	[tilespmem:$0x1FED0] =	vst v38;
	v2 =	vsel vm14, $0x401, v2;
	v1 =	vsel vm1, $0x405, v1;
	v0 =	vsel vm15, $0x202, v0  }
0xea: {  	[tilespmem:$0x1FEF0] =	vst v39;
	v22 =	vsel vm2, $0x486, v1;
	v1 =	vsel vm5, $0xF00, v53;
	v0 =	vsel vm4, $0x283, v0  }
0xeb: {  	[tilespmem:$0x1FF00] =	vst v41;
	v2 =	vsel vm15, $0x482, v2;
	v1 =	vsel vm6, $0xF81, v1;
	v0 =	vsel vm3, $0x304, v0  }
0xec: {  	[tilespmem:$0x1FF10] =	vst v42;
	v49 =	vadd.s32 $0x382, v8;
	v1 =	vsel vm7, $0x2, v1;
	v0 =	vsel vm1, $0x385, v0  }
0xed: {  	[tilespmem:$0x1FB80] =	vst v49;
	v1 =	vsel vm8, $0x83, v1;
	v13 =	vsel vm2, $0x406, v0;
	v0 =	vsel vm5, $0xE80, v52  }
0xee: {  	v49 =	vadd.s32 $0xA84, v8;
	[tilespmem:$0x1FF90] =	vst v44;
	v1 =	vsel vm9, $0x104, v1;
	v0 =	vsel vm6, $0xF01, v0  }
0xef: {  	[tilespmem:$0x1FCA0] =	vst v49;
	v48 =	vor.u32 $0x2, v8;
	v1 =	vsel vm10, $0x185, v1;
	v0 =	vsel vm7, $0xF82, v0  }
0xf0: {  	v2 =	vsel vm4, $0x503, v2;
	[tilespmem:$0x1FB70] =	vst v48;
	v1 =	vsel vm11, $0x206, v1;
	v0 =	vsel vm8, $0x3, v0  }
0xf1: {  	v48 =	vadd.s32 $0x704, v8;
	[tilespmem:$0x1FF20] =	vst v35;
	v1 =	vsel vm12, $0x287, v1;
	v0 =	vsel vm9, $0x84, v0  }
0xf2: {  	s13 =	simm.s32 $0x3D00;
	[tilespmem:$0x1FC90] =	vst v48;
	v53 =	vadd.s32 $0x1182, v8;
	v1 =	vsel vm13, $0x300, v1;
	v0 =	vsel vm10, $0x105, v0  }
0xf3: {  	s2 =	srdreg.scid;
	s22 =	simm.s32 $0x1C00;
	s24 =	simm.s32 $0x8D00;
	v2 =	vsel vm3, $0x584, v2;
	[tilespmem:$0x1FBC0] =	vst v53;
	v1 =	vsel vm14, $0x381, v1;
	v0 =	vsel vm11, $0x186, v0  }
0xf4: {  	s4 =	stileid.u32;
	s29 =	simm.s32 $0xAD00;
	s30 =	simm.s32 $0x3C00;
	v53 =	vadd.s32 $0x1884, v8;
	[tilespmem:$0x1FDD0] =	vst v22;
	v1 =	vsel vm15, $0x402, v1;
	v0 =	vsel vm12, $0x207, v0  }
0xf5: {  	s10 =	simm.s32 $0x5;
	s31 =	simm.s32 $0xBD00;
	s9 =	simm.s32 $0xDD00;
	[tilespmem:$0x1FCF0] =	vst v53;
	v52 =	vadd.s32 $0xE02, v8;
	v1 =	vsel vm4, $0x483, v1;
	v0 =	vsel vm13, $0x280, v0  }
0xf6: {  	s11 =	simm.s32 $0x80;
	s12 =	simm.s32 $0x400;
	s14 =	simm.s32 $0x20000;
	v55 =	vsel vm1, $0x605, v2;
	[tilespmem:$0x1FBB0] =	vst v52;
	v1 =	vsel vm3, $0x504, v1;
	v0 =	vsel vm14, $0x301, v0  }
0xf7: {  	s15 =	simm.s32 $0x2;
	s2 =	sand.u32 $0x1, s2;
	s4 =	sshll.u32 s4, $0x1;
	v52 =	vadd.s32 $0x1504, v8;
	[tilespmem:$0x1FDC0] =	vst v13;
	v1 =	vsel vm1, $0x585, v1;
	v0 =	vsel vm15, $0x382, v0  }
0xf8: {  	s16 =	simm.s32 $0x12D00;
	s6 =	ssub.s32 $0x2, s2;
	s2 =	sor.u32 s2, s4;
	[tilespmem:$0x1FCD0] =	vst v52;
	v31 =	vsel vm2, $0x606, v1;
	v1 =	vsel vm2, $0x686, v55;
	v55 =	vadd.s32 $0x1882, v8  }
0xf9: {  	s19 =	simm.s32 $0x0;
	s7 =	sshrl.u32 s6, $0x1;
	s8 =	smul.u32 $0xE00, s2;
	v0 =	vsel vm4, $0x403, v0;
	[tilespmem:$0x1FBE0] =	vst v55  }
0xfa: {  	s5 =	sadd.s32 $0x600, s0;
	s4 =	sadd.s32 $0xF42A00, s0;
	s26 =	ssub.s32 s6, s7;
	[tilespmem:$0x1FE20] =	vst v1;
	v0 =	vsel vm3, $0x484, v0  }
0xfb: {  	s7 =	sshll.u32 s2, $0x9;
	s6 =	simm.s32 $0x1;
	s28 =	sadd.s32 s5, s8;
	v55 =	vadd.s32 $0x5, v63;
	[tilespmem:$0x1FFE0] =	vst v31;
	v0 =	vsel vm1, $0x505, v0  }
0xfc: {  	s8 =	sshll.u32 s2, $0x2;
	s0 =	smax.u32 s26, $0x1;
	[dreg:$0x3] =	wrdreg s28;
	[tilespmem:$0x1FE70] =	vst v55;
	v21 =	vsel vm2, $0x586, v0  }
0xfd: {  	s2 =	simm.s32 $0xCD00;
	[dreg:$0x4] =	wrdreg s0;
	s0 =	simm.s32 $0x3C80;
	[tilespmem:$0x1FFD0] =	vst v21  }
.LBB2_1:
0xfe: {  	[dreg:$0x5] =	wrdreg s19  }
0xff: {  	s17 =	rddreg [dreg:$0x3]  }
0x100: {  	[tilespmem:s3], [sflag:$0x5] =	stream.linear.gather [hbm4b:s17+s3], $0x1C00, $0x38;
	[tilespmem:$0x17D00] =	vst v63  }
0x101: {  	_ =	swait.ge [sflag:s10], $0x1C00  }
0x102: {  	v0 =	vld [tilespmem:$0x1FCE0];
	_ =	sdelay $0x5  }
0x103: {  	[sflag:s10] =	ssyncset.done $0x0;
	v50 =	vld [tilespmem:$0x1F920]  }
0x104: {  	[sflag:s10] =	ssyncadd.s32 $0xFFFFE400  }
0x105: {  	v0 =	vld.idx.msk [tilespmem:v0+s3+$0x0], $0xffff;
	_ =	sdelay $0x3  }
0x106: {  	v51 =	vld [tilespmem:$0x1F930]  }
0x107: {  	[tilespmem:$0x3800] =	vst v0  }
0x108: {  	v0 =	vld.idx.msk [tilespmem:v50+s3+$0x0], $0xffff;
	_ =	sdelay $0x3  }
0x109: {  	v52 =	vld [tilespmem:$0x1F940]  }
0x10a: {  	[tilespmem:$0x3810] =	vst v0  }
0x10b: {  	v0 =	vld.idx.msk [tilespmem:v51+s3+$0x0], $0xffff;
	_ =	sdelay $0x3  }
0x10c: {  	v53 =	vld [tilespmem:$0x1F950]  }
0x10d: {  	[tilespmem:$0x3820] =	vst v0  }
0x10e: {  	v0 =	vld.idx.msk [tilespmem:v52+s3+$0x0], $0xffff;
	_ =	sdelay $0x3  }
0x10f: {  	v54 =	vld [tilespmem:$0x1F980]  }
0x110: {  	[tilespmem:$0x3830] =	vst v0  }
0x111: {  	v0 =	vld.idx.msk [tilespmem:v53+s3+$0x0], $0xffff;
	_ =	sdelay $0x3  }
0x112: {  	v57 =	vld [tilespmem:$0x1FAD0]  }
0x113: {  	[tilespmem:$0x3840] =	vst v0  }
0x114: {  	v0 =	vld.idx.msk [tilespmem:v54+s3+$0x0], $0xffff;
	_ =	sdelay $0x3  }
0x115: {  	v36 =	vld [tilespmem:$0x1FAE0]  }
0x116: {  	[tilespmem:$0x3850] =	vst v0  }
0x117: {  	v0 =	vld.idx.msk [tilespmem:v57+s3+$0x0], $0xffff;
	_ =	sdelay $0x3  }
0x118: {  	v45 =	vld [tilespmem:$0x1FAF0]  }
0x119: {  	[tilespmem:$0x3860] =	vst v0  }
0x11a: {  	v0 =	vld.idx.msk [tilespmem:v36+s3+$0x0], $0xffff;
	_ =	sdelay $0x3  }
0x11b: {  	v46 =	vld [tilespmem:$0x1FB00]  }
0x11c: {  	[tilespmem:$0x3870] =	vst v0  }
0x11d: {  	v0 =	vld.idx.msk [tilespmem:v45+s3+$0x0], $0xffff;
	_ =	sdelay $0x3  }
0x11e: {  	v48 =	vld [tilespmem:$0x1FB10]  }
0x11f: {  	[tilespmem:$0x3880] =	vst v0  }
0x120: {  	v0 =	vld.idx.msk [tilespmem:v46+s3+$0x0], $0xffff;
	_ =	sdelay $0x3  }
0x121: {  	v49 =	vld [tilespmem:$0x1FB20]  }
0x122: {  	[tilespmem:$0x3890] =	vst v0  }
0x123: {  	v0 =	vld.idx.msk [tilespmem:v48+s3+$0x0], $0xffff;
	_ =	sdelay $0x3  }
0x124: {  	v50 =	vld [tilespmem:$0x1FB30]  }
0x125: {  	[tilespmem:$0x38A0] =	vst v0  }
0x126: {  	v0 =	vld.idx.msk [tilespmem:v49+s3+$0x0], $0xffff;
	_ =	sdelay $0x3  }
0x127: {  	v51 =	vld [tilespmem:$0x1FB40]  }
0x128: {  	[tilespmem:$0x38B0] =	vst v0  }
0x129: {  	v0 =	vld.idx.msk [tilespmem:v50+s3+$0x0], $0xffff;
	_ =	sdelay $0x3  }
0x12a: {  	v52 =	vld [tilespmem:$0x1FB50]  }
0x12b: {  	[tilespmem:$0x38C0] =	vst v0  }
0x12c: {  	v0 =	vld.idx.msk [tilespmem:v51+s3+$0x0], $0xffff;
	_ =	sdelay $0x3  }
0x12d: {  	v53 =	vld [tilespmem:$0x1FB60]  }
0x12e: {  	[tilespmem:$0x38D0] =	vst v0  }
0x12f: {  	v0 =	vld.idx.msk [tilespmem:v52+s3+$0x0], $0xffff;
	_ =	sdelay $0x3  }
0x130: {  	v54 =	vld [tilespmem:$0x1FB70]  }
0x131: {  	[tilespmem:$0x38E0] =	vst v0  }
0x132: {  	v0 =	vld.idx.msk [tilespmem:v53+s3+$0x0], $0xffff;
	_ =	sdelay $0x3  }
0x133: {  	v57 =	vld [tilespmem:$0x1FB80]  }
0x134: {  	[tilespmem:$0x38F0] =	vst v0  }
0x135: {  	v0 =	vld.idx.msk [tilespmem:v54+s3+$0x0], $0xffff;
	_ =	sdelay $0x3  }
0x136: {  	v36 =	vld [tilespmem:$0x1FB90]  }
0x137: {  	[tilespmem:$0x3900] =	vst v0  }
0x138: {  	v0 =	vld.idx.msk [tilespmem:v57+s3+$0x0], $0xffff;
	_ =	sdelay $0x3  }
0x139: {  	v45 =	vld [tilespmem:$0x1FBA0]  }
0x13a: {  	[tilespmem:$0x3910] =	vst v0  }
0x13b: {  	v0 =	vld.idx.msk [tilespmem:v36+s3+$0x0], $0xffff;
	_ =	sdelay $0x3  }
0x13c: {  	v46 =	vld [tilespmem:$0x1FBB0]  }
0x13d: {  	[tilespmem:$0x3920] =	vst v0  }
0x13e: {  	v0 =	vld.idx.msk [tilespmem:v45+s3+$0x0], $0xffff;
	_ =	sdelay $0x3  }
0x13f: {  	v48 =	vld [tilespmem:$0x1FBC0]  }
0x140: {  	[tilespmem:$0x3930] =	vst v0  }
0x141: {  	v0 =	vld.idx.msk [tilespmem:v46+s3+$0x0], $0xffff;
	_ =	sdelay $0x3  }
0x142: {  	v49 =	vld [tilespmem:$0x1FBD0]  }
0x143: {  	[tilespmem:$0x3940] =	vst v0  }
0x144: {  	v0 =	vld.idx.msk [tilespmem:v48+s3+$0x0], $0xffff;
	_ =	sdelay $0x3  }
0x145: {  	v50 =	vld [tilespmem:$0x1FBE0]  }
0x146: {  	[tilespmem:$0x3950] =	vst v0  }
0x147: {  	v0 =	vld.idx.msk [tilespmem:v49+s3+$0x0], $0xffff;
	_ =	sdelay $0x3  }
0x148: {  	v51 =	vld [tilespmem:$0x1FBF0]  }
0x149: {  	[tilespmem:$0x3960] =	vst v0  }
0x14a: {  	v0 =	vld.idx.msk [tilespmem:v50+s3+$0x0], $0xffff;
	_ =	sdelay $0x3  }
0x14b: {  	v52 =	vld [tilespmem:$0x1FC00]  }
0x14c: {  	[tilespmem:$0x3970] =	vst v0  }
0x14d: {  	v0 =	vld.idx.msk [tilespmem:v51+s3+$0x0], $0xffff;
	_ =	sdelay $0x3  }
0x14e: {  	v53 =	vld [tilespmem:$0x1FC10]  }
0x14f: {  	[tilespmem:$0x3980] =	vst v0  }
0x150: {  	v0 =	vld.idx.msk [tilespmem:v52+s3+$0x0], $0xffff;
	_ =	sdelay $0x3  }
0x151: {  	v54 =	vld [tilespmem:$0x1FC20]  }
0x152: {  	[tilespmem:$0x3990] =	vst v0  }
0x153: {  	v0 =	vld.idx.msk [tilespmem:v53+s3+$0x0], $0xffff;
	_ =	sdelay $0x3  }
0x154: {  	v57 =	vld [tilespmem:$0x1FC30]  }
0x155: {  	[tilespmem:$0x39A0] =	vst v0  }
0x156: {  	v0 =	vld.idx.msk [tilespmem:v54+s3+$0x0], $0xffff;
	_ =	sdelay $0x3  }
0x157: {  	v36 =	vld [tilespmem:$0x1FC40]  }
0x158: {  	[tilespmem:$0x39B0] =	vst v0  }
0x159: {  	v0 =	vld.idx.msk [tilespmem:v57+s3+$0x0], $0xffff;
	_ =	sdelay $0x3  }
0x15a: {  	v45 =	vld [tilespmem:$0x1FC50]  }
0x15b: {  	[tilespmem:$0x39C0] =	vst v0  }
0x15c: {  	v0 =	vld.idx.msk [tilespmem:v36+s3+$0x0], $0xffff;
	_ =	sdelay $0x3  }
0x15d: {  	v46 =	vld [tilespmem:$0x1FC60]  }
0x15e: {  	[tilespmem:$0x39D0] =	vst v0  }
0x15f: {  	v0 =	vld.idx.msk [tilespmem:v45+s3+$0x0], $0xffff;
	_ =	sdelay $0x3  }
0x160: {  	v48 =	vld [tilespmem:$0x1FC70]  }
0x161: {  	[tilespmem:$0x39E0] =	vst v0  }
0x162: {  	v0 =	vld.idx.msk [tilespmem:v46+s3+$0x0], $0xffff;
	_ =	sdelay $0x3  }
0x163: {  	v49 =	vld [tilespmem:$0x1FC80]  }
0x164: {  	[tilespmem:$0x39F0] =	vst v0  }
0x165: {  	v0 =	vld.idx.msk [tilespmem:v48+s3+$0x0], $0xffff;
	_ =	sdelay $0x3  }
0x166: {  	v50 =	vld [tilespmem:$0x1FC90]  }
0x167: {  	[tilespmem:$0x3A00] =	vst v0  }
0x168: {  	v0 =	vld.idx.msk [tilespmem:v49+s3+$0x0], $0xffff;
	_ =	sdelay $0x3  }
0x169: {  	v51 =	vld [tilespmem:$0x1FCA0]  }
0x16a: {  	[tilespmem:$0x3A10] =	vst v0  }
0x16b: {  	v0 =	vld.idx.msk [tilespmem:v50+s3+$0x0], $0xffff;
	_ =	sdelay $0x3  }
0x16c: {  	v52 =	vld [tilespmem:$0x1FCB0]  }
0x16d: {  	[tilespmem:$0x3A20] =	vst v0  }
0x16e: {  	v0 =	vld.idx.msk [tilespmem:v51+s3+$0x0], $0xffff;
	_ =	sdelay $0x3  }
0x16f: {  	v53 =	vld [tilespmem:$0x1FCC0]  }
0x170: {  	[tilespmem:$0x3A30] =	vst v0  }
0x171: {  	v0 =	vld.idx.msk [tilespmem:v52+s3+$0x0], $0xffff;
	_ =	sdelay $0x3  }
0x172: {  	v54 =	vld [tilespmem:$0x1FCD0]  }
0x173: {  	[tilespmem:$0x3A40] =	vst v0  }
0x174: {  	v0 =	vld.idx.msk [tilespmem:v53+s3+$0x0], $0xffff;
	_ =	sdelay $0x3  }
0x175: {  	v57 =	vld [tilespmem:$0x1FCF0]  }
0x176: {  	[tilespmem:$0x3A50] =	vst v0  }
0x177: {  	v0 =	vld.idx.msk [tilespmem:v54+s3+$0x0], $0xffff;
	_ =	sdelay $0x4  }
0x178: {  	[tilespmem:$0x3A60] =	vst v0  }
0x179: {  	v0 =	vld.idx.msk [tilespmem:v57+s3+$0x0], $0xffff;
	_ =	sdelay $0x4  }
0x17a: {  	s18 =	simm.s32 $0x3800;
	[tilespmem:$0x3A70] =	vst v0  }
0x17b: {  	[tilespmem:s13], [sflag:$0x1] =	stream.indirect.gather [hbm4b:s4+s11], $0x20, s18, s11, $0xb8;
	[tilespmem:$0x17D00] =	vst v63  }
0x17c: {  	s19 =	simm.s32 $0x3880;
	s18 =	simm.s32 $0x4D00  }
0x17d: {  	[tilespmem:s18], [sflag:$0x1] =	stream.indirect.gather [hbm4b:s4+s11], $0x20, s19, s11, $0xb8;
	[tilespmem:$0x17D00] =	vst v63  }
0x17e: {  	s20 =	simm.s32 $0x3900;
	s21 =	simm.s32 $0x5D00  }
0x17f: {  	[tilespmem:s21], [sflag:$0x1] =	stream.indirect.gather [hbm4b:s4+s11], $0x20, s20, s11, $0xb8;
	[tilespmem:$0x17D00] =	vst v63  }
0x180: {  	s23 =	simm.s32 $0x3980;
	s25 =	simm.s32 $0x6D00  }
0x181: {  	[tilespmem:s25], [sflag:$0x1] =	stream.indirect.gather [hbm4b:s4+s11], $0x20, s23, s11, $0xb8;
	[tilespmem:$0x17D00] =	vst v63  }
0x182: {  	s26 =	simm.s32 $0x3A00;
	s28 =	simm.s32 $0x7D00;
	s17 =	simm.s32 $0x0  }
0x183: {  	[tilespmem:s28], [sflag:$0x1] =	stream.indirect.gather [hbm4b:s4+s11], $0x20, s26, s11, $0xb8;
	[tilespmem:$0x17D00] =	vst v63  }
.LBB2_2:
0x184: {  	s18 =	smul.u32 $0xCD, s17;
	_ =	sdelay $0x1  }
0x185: {  	s18 =	sshrl.u32 s18, $0xA  }
0x186: {  	s20 =	sand.u32 $0x3F, s18  }
0x187: {  	s18 =	smul.u32 $0xFFFFFFF6, s20;
	s23 =	sshll.u32 s20, $0x7  }
0x188: {  	s19 =	sshll.u32 s17, $0x1;
	v2 =	vld [tilespmem:$0x1FCE0];
	s25 =	sadd.s32 s7, s23  }
0x189: {  	s21 =	sadd.s32 s19, s18;
	s25 =	smul.u32 $0x7, s25  }
0x18a: {  	s18 =	sor.u32 $0x1, s21  }
0x18b: {  	s23 =	smul.u32 $0x5, s18;
	s25 =	sadd.s32 s5, s25  }
0x18c: {  	[tilespmem:s22], [sflag:$0x5] =	stream.linear.gather [hbm4b:s25+s3], $0x1C00, $0x38;
	[tilespmem:$0x17D00] =	vst v63  }
0x18d: {  	v0 =	vadd.s32 s23, v2;
	_ =	swait.ge [sflag:s10], $0x1C00  }
0x18e: {  	v3 =	vld [tilespmem:$0x1F920];
	_ =	sdelay $0x1  }
0x18f: {  	[sflag:s10] =	ssyncset.done $0x0  }
0x190: {  	[sflag:s10] =	ssyncadd.s32 $0xFFFFE400  }
0x191: {  	v0 =	vld.idx.msk [tilespmem:v0+s22+$0x0], $0xffff  }
0x192: {  	v1 =	vadd.s32 s23, v3  }
0x193: {  	v27 =	vmov v4;
	v4 =	vld [tilespmem:$0x1F930];
	_ =	sdelay $0x2  }
0x194: {  	[tilespmem:$0x3A80] =	vst v0  }
0x195: {  	v0 =	vld.idx.msk [tilespmem:v1+s22+$0x0], $0xffff  }
0x196: {  	v1 =	vadd.s32 s23, v4  }
0x197: {  	v5 =	vld [tilespmem:$0x1F940];
	_ =	sdelay $0x2  }
0x198: {  	[tilespmem:$0x3A90] =	vst v0  }
0x199: {  	v0 =	vld.idx.msk [tilespmem:v1+s22+$0x0], $0xffff  }
0x19a: {  	v1 =	vadd.s32 s23, v5  }
0x19b: {  	v6 =	vld [tilespmem:$0x1F950];
	_ =	sdelay $0x2  }
0x19c: {  	[tilespmem:$0x3AA0] =	vst v0  }
0x19d: {  	v0 =	vld.idx.msk [tilespmem:v1+s22+$0x0], $0xffff  }
0x19e: {  	v1 =	vadd.s32 s23, v6  }
0x19f: {  	v31 =	vmov v7;
	v7 =	vld [tilespmem:$0x1F980];
	_ =	sdelay $0x2  }
0x1a0: {  	[tilespmem:$0x3AB0] =	vst v0  }
0x1a1: {  	v0 =	vld.idx.msk [tilespmem:v1+s22+$0x0], $0xffff  }
0x1a2: {  	v1 =	vadd.s32 s23, v7  }
0x1a3: {  	v8 =	vld [tilespmem:$0x1FAD0];
	_ =	sdelay $0x2  }
0x1a4: {  	[tilespmem:$0x3AC0] =	vst v0  }
0x1a5: {  	v0 =	vld.idx.msk [tilespmem:v1+s22+$0x0], $0xffff  }
0x1a6: {  	v1 =	vadd.s32 s23, v8  }
0x1a7: {  	v29 =	vld [tilespmem:$0x1FAE0];
	_ =	sdelay $0x2  }
0x1a8: {  	[tilespmem:$0x3AD0] =	vst v0  }
0x1a9: {  	v0 =	vld.idx.msk [tilespmem:v1+s22+$0x0], $0xffff  }
0x1aa: {  	v1 =	vadd.s32 s23, v29;
	_ =	sdelay $0x3  }
0x1ab: {  	[tilespmem:$0x3AE0] =	vst v0  }
0x1ac: {  	s28 =	sadd.s32 $0x1, s23;
	v0 =	vld.idx.msk [tilespmem:v1+s22+$0x0], $0xffff  }
0x1ad: {  	v1 =	vadd.s32 s28, v2;
	_ =	sdelay $0x3  }
0x1ae: {  	[tilespmem:$0x3AF0] =	vst v0  }
0x1af: {  	v0 =	vld.idx.msk [tilespmem:v1+s22+$0x0], $0xffff  }
0x1b0: {  	v1 =	vadd.s32 s28, v3;
	_ =	sdelay $0x3  }
0x1b1: {  	[tilespmem:$0x3B00] =	vst v0  }
0x1b2: {  	v0 =	vld.idx.msk [tilespmem:v1+s22+$0x0], $0xffff  }
0x1b3: {  	v1 =	vadd.s32 s28, v4;
	_ =	sdelay $0x3  }
0x1b4: {  	[tilespmem:$0x3B10] =	vst v0  }
0x1b5: {  	v0 =	vld.idx.msk [tilespmem:v1+s22+$0x0], $0xffff  }
0x1b6: {  	v1 =	vadd.s32 s28, v5;
	_ =	sdelay $0x3  }
0x1b7: {  	[tilespmem:$0x3B20] =	vst v0  }
0x1b8: {  	v0 =	vld.idx.msk [tilespmem:v1+s22+$0x0], $0xffff  }
0x1b9: {  	v1 =	vadd.s32 s28, v6;
	_ =	sdelay $0x3  }
0x1ba: {  	[tilespmem:$0x3B30] =	vst v0  }
0x1bb: {  	v0 =	vld.idx.msk [tilespmem:v1+s22+$0x0], $0xffff  }
0x1bc: {  	v1 =	vadd.s32 s28, v7;
	_ =	sdelay $0x3  }
0x1bd: {  	[tilespmem:$0x3B40] =	vst v0  }
0x1be: {  	v0 =	vld.idx.msk [tilespmem:v1+s22+$0x0], $0xffff  }
0x1bf: {  	v1 =	vadd.s32 s28, v8;
	_ =	sdelay $0x3  }
0x1c0: {  	[tilespmem:$0x3B50] =	vst v0  }
0x1c1: {  	v0 =	vld.idx.msk [tilespmem:v1+s22+$0x0], $0xffff  }
0x1c2: {  	v1 =	vadd.s32 s28, v29;
	_ =	sdelay $0x3  }
0x1c3: {  	[tilespmem:$0x3B60] =	vst v0  }
0x1c4: {  	s26 =	sadd.s32 $0x2, s23;
	v0 =	vld.idx.msk [tilespmem:v1+s22+$0x0], $0xffff  }
0x1c5: {  	v1 =	vadd.s32 s26, v2;
	_ =	sdelay $0x3  }
0x1c6: {  	[tilespmem:$0x3B70] =	vst v0  }
0x1c7: {  	v0 =	vld.idx.msk [tilespmem:v1+s22+$0x0], $0xffff  }
0x1c8: {  	v1 =	vadd.s32 s26, v3;
	_ =	sdelay $0x3  }
0x1c9: {  	[tilespmem:$0x3B80] =	vst v0  }
0x1ca: {  	v0 =	vld.idx.msk [tilespmem:v1+s22+$0x0], $0xffff  }
0x1cb: {  	v1 =	vadd.s32 s26, v4;
	_ =	sdelay $0x3  }
0x1cc: {  	[tilespmem:$0x3B90] =	vst v0  }
0x1cd: {  	v0 =	vld.idx.msk [tilespmem:v1+s22+$0x0], $0xffff  }
0x1ce: {  	v1 =	vadd.s32 s26, v5;
	_ =	sdelay $0x3  }
0x1cf: {  	[tilespmem:$0x3BA0] =	vst v0  }
0x1d0: {  	v0 =	vld.idx.msk [tilespmem:v1+s22+$0x0], $0xffff  }
0x1d1: {  	v1 =	vadd.s32 s26, v6;
	_ =	sdelay $0x3  }
0x1d2: {  	[tilespmem:$0x3BB0] =	vst v0  }
0x1d3: {  	v0 =	vld.idx.msk [tilespmem:v1+s22+$0x0], $0xffff  }
0x1d4: {  	v1 =	vadd.s32 s26, v7;
	_ =	sdelay $0x3  }
0x1d5: {  	[tilespmem:$0x3BC0] =	vst v0  }
0x1d6: {  	v0 =	vld.idx.msk [tilespmem:v1+s22+$0x0], $0xffff  }
0x1d7: {  	v1 =	vadd.s32 s26, v8;
	_ =	sdelay $0x3  }
0x1d8: {  	[tilespmem:$0x3BD0] =	vst v0  }
0x1d9: {  	v0 =	vld.idx.msk [tilespmem:v1+s22+$0x0], $0xffff  }
0x1da: {  	v1 =	vadd.s32 s26, v29;
	_ =	sdelay $0x3  }
0x1db: {  	[tilespmem:$0x3BE0] =	vst v0  }
0x1dc: {  	s28 =	sadd.s32 $0x3, s23;
	v0 =	vld.idx.msk [tilespmem:v1+s22+$0x0], $0xffff  }
0x1dd: {  	v1 =	vadd.s32 s28, v2;
	_ =	sdelay $0x3  }
0x1de: {  	[tilespmem:$0x3BF0] =	vst v0  }
0x1df: {  	v0 =	vld.idx.msk [tilespmem:v1+s22+$0x0], $0xffff  }
0x1e0: {  	v1 =	vadd.s32 s28, v3;
	_ =	sdelay $0x3  }
0x1e1: {  	[tilespmem:$0x3C00] =	vst v0  }
0x1e2: {  	v0 =	vld.idx.msk [tilespmem:v1+s22+$0x0], $0xffff  }
0x1e3: {  	v1 =	vadd.s32 s28, v4;
	_ =	sdelay $0x3  }
0x1e4: {  	[tilespmem:$0x3C10] =	vst v0  }
0x1e5: {  	v0 =	vld.idx.msk [tilespmem:v1+s22+$0x0], $0xffff  }
0x1e6: {  	v1 =	vadd.s32 s28, v5;
	_ =	sdelay $0x3  }
0x1e7: {  	[tilespmem:$0x3C20] =	vst v0  }
0x1e8: {  	v0 =	vld.idx.msk [tilespmem:v1+s22+$0x0], $0xffff  }
0x1e9: {  	v1 =	vadd.s32 s28, v6;
	_ =	sdelay $0x3  }
0x1ea: {  	[tilespmem:$0x3C30] =	vst v0  }
0x1eb: {  	v0 =	vld.idx.msk [tilespmem:v1+s22+$0x0], $0xffff  }
0x1ec: {  	v1 =	vadd.s32 s28, v7;
	_ =	sdelay $0x3  }
0x1ed: {  	[tilespmem:$0x3C40] =	vst v0  }
0x1ee: {  	v0 =	vld.idx.msk [tilespmem:v1+s22+$0x0], $0xffff  }
0x1ef: {  	v1 =	vadd.s32 s28, v8;
	_ =	sdelay $0x3  }
0x1f0: {  	[tilespmem:$0x3C50] =	vst v0  }
0x1f1: {  	v0 =	vld.idx.msk [tilespmem:v1+s22+$0x0], $0xffff  }
0x1f2: {  	v1 =	vadd.s32 s28, v29;
	_ =	sdelay $0x3  }
0x1f3: {  	[tilespmem:$0x3C60] =	vst v0  }
0x1f4: {  	s23 =	sadd.s32 $0x4, s23;
	v0 =	vld.idx.msk [tilespmem:v1+s22+$0x0], $0xffff  }
0x1f5: {  	v1 =	vadd.s32 s23, v2;
	_ =	sdelay $0x3  }
0x1f6: {  	[tilespmem:$0x3C70] =	vst v0  }
0x1f7: {  	v0 =	vld.idx.msk [tilespmem:v1+s22+$0x0], $0xffff  }
0x1f8: {  	v1 =	vadd.s32 s23, v3;
	_ =	sdelay $0x3  }
0x1f9: {  	[tilespmem:$0x3C80] =	vst v0  }
0x1fa: {  	v0 =	vld.idx.msk [tilespmem:v1+s22+$0x0], $0xffff  }
0x1fb: {  	v1 =	vadd.s32 s23, v4;
	_ =	sdelay $0x3  }
0x1fc: {  	[tilespmem:$0x3C90] =	vst v0  }
0x1fd: {  	v0 =	vld.idx.msk [tilespmem:v1+s22+$0x0], $0xffff  }
0x1fe: {  	v1 =	vadd.s32 s23, v5;
	_ =	sdelay $0x3  }
0x1ff: {  	[tilespmem:$0x3CA0] =	vst v0  }
0x200: {  	v0 =	vld.idx.msk [tilespmem:v1+s22+$0x0], $0xffff  }
0x201: {  	v1 =	vadd.s32 s23, v6;
	_ =	sdelay $0x3  }
0x202: {  	[tilespmem:$0x3CB0] =	vst v0  }
0x203: {  	v0 =	vld.idx.msk [tilespmem:v1+s22+$0x0], $0xffff  }
0x204: {  	v1 =	vadd.s32 s23, v7;
	_ =	sdelay $0x3  }
0x205: {  	[tilespmem:$0x3CC0] =	vst v0  }
0x206: {  	v0 =	vld.idx.msk [tilespmem:v1+s22+$0x0], $0xffff  }
0x207: {  	v1 =	vadd.s32 s23, v8;
	_ =	sdelay $0x3  }
0x208: {  	[tilespmem:$0x3CD0] =	vst v0  }
0x209: {  	v0 =	vld.idx.msk [tilespmem:v1+s22+$0x0], $0xffff  }
0x20a: {  	v1 =	vadd.s32 s23, v29;
	_ =	sdelay $0x3  }
0x20b: {  	[tilespmem:$0x3CE0] =	vst v0  }
0x20c: {  	v0 =	vld.idx.msk [tilespmem:v1+s22+$0x0], $0xffff;
	_ =	sdelay $0x4  }
0x20d: {  	s25 =	simm.s32 $0x3A80;
	[tilespmem:$0x3CF0] =	vst v0  }
0x20e: {  	[tilespmem:s24], [sflag:$0x2] =	stream.indirect.gather [hbm4b:s4+s11], $0x20, s25, s11, $0xb8;
	[tilespmem:$0x17D00] =	vst v63  }
0x20f: {  	s26 =	simm.s32 $0x3B00;
	s28 =	simm.s32 $0x9D00  }
0x210: {  	[tilespmem:s28], [sflag:$0x2] =	stream.indirect.gather [hbm4b:s4+s11], $0x20, s26, s11, $0xb8;
	[tilespmem:$0x17D00] =	vst v63  }
0x211: {  	s25 =	simm.s32 $0x3B80  }
0x212: {  	[tilespmem:s29], [sflag:$0x2] =	stream.indirect.gather [hbm4b:s4+s11], $0x20, s25, s11, $0xb8;
	[tilespmem:$0x17D00] =	vst v63  }
0x213: {  	_ = 	snop  }
0x214: {  	[tilespmem:s31], [sflag:$0x2] =	stream.indirect.gather [hbm4b:s4+s11], $0x20, s30, s11, $0xb8;
	[tilespmem:$0x17D00] =	vst v63  }
0x215: {  	_ = 	snop  }
0x216: {  	[tilespmem:s2], [sflag:$0x2] =	stream.indirect.gather [hbm4b:s4+s11], $0x20, s0, s11, $0xb8;
	[tilespmem:$0x17D00] =	vst v63  }
0x217: {  	_ =	swait.ge [sflag:s6], $0x1000  }
0x218: {  	[sflag:s6] =	ssyncset.done $0x0  }
0x219: {  	[sflag:s6] =	ssyncadd.s32 $0xFFFFF000  }
0x21a: {  	_ =	swait.ge [sflag:s6], $0x1000  }
0x21b: {  	[sflag:s6] =	ssyncset.done $0x0  }
0x21c: {  	[sflag:s6] =	ssyncadd.s32 $0xFFFFF000  }
0x21d: {  	_ =	swait.ge [sflag:s6], $0x1000  }
0x21e: {  	[sflag:s6] =	ssyncset.done $0x0  }
0x21f: {  	[sflag:s6] =	ssyncadd.s32 $0xFFFFF000  }
0x220: {  	s26 =	simm.s32 $0x0;
	_ =	swait.ge [sflag:s6], $0x1000  }
0x221: {  	v0 =	vor.u32 s26, v63;
	[sflag:s6] =	ssyncset.done $0x0  }
0x222: {  	s28 =	simm.s32 $0x0;
	v1 =	vshll.u32 v0, $0x5;
	[sflag:s6] =	ssyncadd.s32 $0xFFFFF000  }
0x223: {  	v45 =	vadd.s32 s28, v1;
	_ =	swait.ge [sflag:s6], $0x1000  }
0x224: {  	p0 =	seq.s32 s17, $0x0;
	v1 =	vor.u32 v63, v45;
	[sflag:s6] =	ssyncset.done $0x0  }
0x225: {  	s25 =	simm.s32 @!p0 $0x3;
	[sflag:s6] =	ssyncadd.s32 $0xFFFFF000  }
0x226: {  	v2 =	vor.u32 v19, v45;
	_ =	swait.ge @!p0 [sflag:s25], $0x5000  }
0x227: {  	v3 =	vor.u32 v23, v45;
	[sflag:s25] =	ssyncset.done @!p0 $0x0  }
0x228: {  	[sflag:s25] =	ssyncadd.s32 @!p0 $0xFFFFB000  }
0x229: {  	v28 =	vld.idx.msk [tilespmem:v1+s13+$0x0], $0xffff;
	v1 =	vor.u32 v34, v45;
	_ =	sdelay $0x1  }
0x22a: {  	v5 =	vld.idx.msk [tilespmem:v2+s13+$0x0], $0xffff;
	v2 =	vor.u32 v30, v45  }
0x22b: {  	v6 =	vld.idx.msk [tilespmem:v3+s13+$0x0], $0xffff;
	v3 =	vor.u32 v55, v45;
	_ =	sdelay $0x1  }
0x22c: {  	v7 =	vld.idx.msk [tilespmem:v1+s13+$0x0], $0xffff;
	v1 =	vor.u32 v56, v45;
	_ =	sdelay $0x1  }
0x22d: {  	v8 =	vld.idx.msk [tilespmem:v2+s13+$0x0], $0xffff  }
0x22e: {  	v4 =	vmul.f32 v28, v28;
	v29 =	vld.idx.msk [tilespmem:v3+s13+$0x0], $0xffff  }
0x22f: {  	v3 =	vld [tilespmem:$0x1FD00]  }
0x230: {  	[tilespmem:$0x1F8E0] =	vst v5;
	v5 =	vmul.f32 v5, v5;
	v4 =	vadd.f32 $1.000000020e-24, v4;
	v30 =	vld.idx.msk [tilespmem:v1+s13+$0x0], $0xffff  }
0x231: {  	v1 =	vld [tilespmem:$0x1FD10]  }
0x232: {  	[tilespmem:$0x1F8F0] =	vst v6;
	v2 =	vor.u32 v20, v45;
	v6 =	vmul.f32 v6, v6;
	v4 =	vadd.f32 v5, v4;
	_ =	sdelay $0x1  }
0x233: {  	v3 =	vor.u32 v3, v45;
	v5 =	vmul.f32 v7, v7;
	v4 =	vadd.f32 v6, v4;
	_ =	sdelay $0x1  }
0x234: {  	[tilespmem:$0x1F900] =	vst v7;
	v7 =	vmul.f32 v8, v8;
	v4 =	vadd.f32 v5, v4;
	v1 =	vor.u32 v1, v45  }
0x235: {  	v15 =	vmov v32;
	v32 =	vld.idx.msk [tilespmem:v2+s13+$0x0], $0xffff  }
0x236: {  	v2 =	vor.u32 v33, v45;
	v5 =	vmul.f32 v29, v29;
	v4 =	vadd.f32 v7, v4  }
0x237: {  	v33 =	vld.idx.msk [tilespmem:v3+s13+$0x0], $0xffff  }
0x238: {  	v3 =	vor.u32 v37, v45;
	v7 =	vmul.f32 v30, v30;
	v4 =	vadd.f32 v5, v4  }
0x239: {  	v34 =	vld.idx.msk [tilespmem:v1+s13+$0x0], $0xffff  }
0x23a: {  	v5 =	vmul.f32 v32, v32;
	v4 =	vadd.f32 v7, v4;
	v1 =	vor.u32 v38, v45  }
0x23b: {  	v22 =	vmov v35;
	v35 =	vld.idx.msk [tilespmem:v2+s13+$0x0], $0xffff  }
0x23c: {  	v2 =	vor.u32 v18, v45;
	v7 =	vmul.f32 v33, v33;
	v4 =	vadd.f32 v5, v4  }
0x23d: {  	v36 =	vld.idx.msk [tilespmem:v3+s13+$0x0], $0xffff  }
0x23e: {  	v16 =	vmovc v11;
	v11 =	vld [tilespmem:$0x1F9B0];
	v3 =	vor.u32 v39, v45;
	v4 =	vadd.f32 v7, v4;
	v5 =	vmul.f32 v34, v34  }
0x23f: {  	v14 =	vmov v10;
	v37 =	vld.idx.msk [tilespmem:v1+s13+$0x0], $0xffff  }
0x240: {  	v21 =	vmovc v12;
	v12 =	vld [tilespmem:$0x1F9E0];
	v10 =	vmul.f32 v35, v35;
	v1 =	vor.u32 v41, v45;
	v4 =	vadd.f32 v5, v4  }
0x241: {  	v38 =	vld.idx.msk [tilespmem:v2+s13+$0x0], $0xffff  }
0x242: {  	[tilespmem:$0x1F910] =	vst v8;
	v8 =	vor.u32 v42, v45;
	v2 =	vld [tilespmem:$0x1FA70];
	v7 =	vmul.f32 v36, v36;
	v4 =	vadd.f32 v10, v4  }
0x243: {  	v39 =	vld.idx.msk [tilespmem:v3+s13+$0x0], $0xffff  }
0x244: {  	v10 =	vld [tilespmem:$0x1F970];
	v51 =	vmul.f32 v37, v37;
	v4 =	vadd.f32 v7, v4  }
0x245: {  	v13 =	vmov v40;
	v40 =	vld.idx.msk [tilespmem:v1+s13+$0x0], $0xffff  }
0x246: {  	v1 =	vmul.f32 v38, v38;
	v7 =	vld [tilespmem:$0x1F960];
	v4 =	vadd.f32 v51, v4  }
0x247: {  	v41 =	vld.idx.msk [tilespmem:v8+s13+$0x0], $0xffff  }
0x248: {  	v5 =	vld [tilespmem:$0x1FA60];
	v8 =	vmul.f32 v39, v39;
	v1 =	vadd.f32 v1, v4  }
0x249: {  	v19 =	vmov v24;
	v24 =	vsel vm0, v2, v12;
	v2 =	vld [tilespmem:$0x1F9A0]  }
0x24a: {  	v48 =	vmul.f32 v40, v40;
	v8 =	vadd.f32 v8, v1  }
0x24b: {  	v52 =	vsel vm0, v10, v7;
	v7 =	vld [tilespmem:$0x1FA50]  }
0x24c: {  	v54 =	vadd.f32 v48, v8;
	v8 =	vld [tilespmem:$0x1F9F0]  }
0x24d: {  	v5 =	vsel vm0, v5, v11  }
0x24e: {  	v2 =	vcombine.low v2, v5;
	v4 =	vld [tilespmem:$0x1F990]  }
0x24f: {  	v1 =	vld [tilespmem:$0x1F9C0]  }
0x250: {  	v3 =	vld [tilespmem:$0x1F9D0];
	[tilespmem:$0x1F860] =	vst v2;
	v2 =	vor.u32 v2, v45  }
0x251: {  	v48 =	vsel vm0, v7, v8;
	v7 =	vld [tilespmem:$0x1FA20];
	_ =	sdelay $0x1  }
0x252: {  	v50 =	vor.u32 v60, v45;
	v46 =	vsel vm0, v11, v4;
	v4 =	vld [tilespmem:$0x1FA00]  }
0x253: {  	v49 =	vsel vm0, v12, v1;
	v1 =	vld [tilespmem:$0x1FA10]  }
0x254: {  	v57 =	vmovc v17;
	v17 =	vmov v25;
	v18 =	vmov v43;
	v25 =	vcombine.low v3, v24;
	v43 =	vld.idx.msk [tilespmem:v2+s13+$0x0], $0xffff  }
0x255: {  	v2 =	vcombine.low v49, v7;
	v7 =	vld [tilespmem:$0x1FA30]  }
0x256: {  	v53 =	vor.u32 v25, v45  }
0x257: {  	v42 =	vld.idx.msk [tilespmem:v50+s13+$0x0], $0xffff;
	v4 =	vcombine.low v52, v4  }
0x258: {  	v26 =	vmovc v47;
	v47 =	vor.u32 v61, v45;
	v10 =	vcombine.low v46, v1;
	v1 =	vmul.f32 v41, v41  }
0x259: {  	v50 =	vor.u32 v4, v45  }
0x25a: {  	v52 =	vadd.f32 v1, v54;
	v1 =	vcombine.low v48, v7;
	v7 =	vld [tilespmem:$0x1FA40]  }
0x25b: {  	v23 =	vmov v44;
	v44 =	vld.idx.msk [tilespmem:v53+s13+$0x0], $0xffff  }
0x25c: {  	v51 =	vmul.f32 v42, v42;
	v49 =	vor.u32 v10, v45  }
0x25d: {  	v46 =	vld.idx.msk [tilespmem:v47+s13+$0x0], $0xffff  }
0x25e: {  	v53 =	vor.u32 v2, v45;
	v51 =	vadd.f32 v51, v52;
	v47 =	vld.idx.msk [tilespmem:v50+s13+$0x0], $0xffff;
	v48 =	vmul.f32 v43, v43  }
0x25f: {  	[tilespmem:$0x1F8B0] =	vst v1;
	v50 =	vor.u32 v1, v45;
	v1 =	vcombine.low v5, v7;
	v7 =	vld [tilespmem:$0x1FA80]  }
0x260: {  	v52 =	vmul.f32 v44, v44;
	v51 =	vadd.f32 v48, v51  }
0x261: {  	v48 =	vld.idx.msk [tilespmem:v49+s13+$0x0], $0xffff  }
0x262: {  	v54 =	vmul.f32 v46, v46;
	v49 =	vor.u32 v62, v45;
	v51 =	vadd.f32 v52, v51  }
0x263: {  	[tilespmem:$0x1F880] =	vst v4;
	v4 =	vmov v55;
	v55 =	vmul.f32 v47, v47;
	v52 =	vld.idx.msk [tilespmem:v53+s13+$0x0], $0xffff  }
0x264: {  	[tilespmem:$0x1F8A0] =	vst v2;
	v51 =	vadd.f32 v54, v51;
	v53 =	vor.u32 v1, v45;
	v2 =	vcombine.low v24, v7  }
0x265: {  	v50 =	vld.idx.msk [tilespmem:v50+s13+$0x0], $0xffff  }
0x266: {  	v51 =	vadd.f32 v55, v51;
	v24 =	vmovc v56;
	v56 =	vmul.f32 v48, v48;
	v54 =	vor.u32 v2, v45  }
0x267: {  	v49 =	vld.idx.msk [tilespmem:v49+s13+$0x0], $0xffff  }
0x268: {  	v55 =	vor.u32 v57, v45;
	v57 =	vmul.f32 v52, v52;
	v51 =	vadd.f32 v56, v51  }
0x269: {  	v53 =	vld.idx.msk [tilespmem:v53+s13+$0x0], $0xffff  }
0x26a: {  	v7 =	vmovc v58;
	v56 =	vor.u32 v31, v45;
	v58 =	vmul.f32 v50, v50;
	v51 =	vadd.f32 v57, v51  }
0x26b: {  	v54 =	vld.idx.msk [tilespmem:v54+s13+$0x0], $0xffff  }
0x26c: {  	v5 =	vmovc v59;
	v59 =	vmul.f32 v49, v49;
	v57 =	vor.u32 v27, v45;
	v51 =	vadd.f32 v58, v51  }
0x26d: {  	v55 =	vld.idx.msk [tilespmem:v55+s13+$0x0], $0xffff  }
0x26e: {  	v45 =	vor.u32 v26, v45;
	v58 =	vmul.f32 v53, v53;
	v51 =	vadd.f32 v59, v51  }
0x26f: {  	v56 =	vld.idx.msk [tilespmem:v56+s13+$0x0], $0xffff  }
0x270: {  	v51 =	vadd.f32 v58, v51;
	v59 =	vmul.f32 v54, v54  }
0x271: {  	v57 =	vld.idx.msk [tilespmem:v57+s13+$0x0], $0xffff  }
0x272: {  	v58 =	vmul.f32 v55, v55;
	v51 =	vadd.f32 v59, v51  }
0x273: {  	v45 =	vld.idx.msk [tilespmem:v45+s13+$0x0], $0xffff  }
0x274: {  	v59 =	vmul.f32 v56, v56;
	v51 =	vadd.f32 v58, v51;
	_ =	sdelay $0x1  }
0x275: {  	v58 =	vmul.f32 v57, v57;
	v51 =	vadd.f32 v59, v51;
	_ =	sdelay $0x1  }
0x276: {  	v59 =	vmul.f32 v45, v45;
	v51 =	vadd.f32 v58, v51;
	_ =	sdelay $0x1  }
0x277: {  	v51 =	vadd.f32 v59, v51;
	_ =	sdelay $0x1  }
0x278: {  	v58 =	vshrl.u32 v51, $0x1;
	v51 =	vmul.f32 $5.000000000e-01, v51  }
0x279: {  	v58 =	vsub.s32 $0x5F3759DF, v58  }
0x27a: {  	v59 =	vmul.f32 v58, v51;
	_ =	sdelay $0x1  }
0x27b: {  	v59 =	vmul.f32 v58, v59;
	_ =	sdelay $0x1  }
0x27c: {  	v59 =	vsub.f32 $1.500000000e+00, v59;
	_ =	sdelay $0x1  }
0x27d: {  	v58 =	vmul.f32 v58, v59;
	_ =	sdelay $0x1  }
0x27e: {  	v59 =	vmul.f32 v58, v51;
	_ =	sdelay $0x1  }
0x27f: {  	v59 =	vmul.f32 v59, v58;
	_ =	sdelay $0x1  }
0x280: {  	v59 =	vsub.f32 $1.500000000e+00, v59;
	_ =	sdelay $0x1  }
0x281: {  	v58 =	vmul.f32 v59, v58;
	_ =	sdelay $0x1  }
0x282: {  	[tilespmem:$0x1F8D0] =	vst v2;
	v2 =	vld [tilespmem:$0x1FA90];
	v51 =	vmul.f32 v58, v51;
	_ =	sdelay $0x1  }
0x283: {  	v51 =	vmul.f32 v51, v58  }
0x284: {  	v0 =	vand.u32 $0xFFFFFFF8, v0  }
0x285: {  	v0 =	vadd.s32 s28, v0;
	v11 =	vld [tilespmem:$0x1FF70];
	v51 =	vsub.f32 $1.500000000e+00, v51  }
0x286: {  	v59 =	vadd.s32 v2, v0;
	v2 =	vld [tilespmem:$0x1F8E0]  }
0x287: {  	v51 =	vmul.f32 v51, v58;
	_ =	sdelay $0x1  }
0x288: {  	v51 =	vmul.f32 $5.656854150e+00, v51;
	_ =	sdelay $0x1  }
0x289: {  	[tilespmem:$0x1F8C0] =	vst v1;
	v1 =	vmov v20;
	v58 =	vadd.s32 v11, v0;
	v20 =	vmul.f32 v51, v2;
	v2 =	vld [tilespmem:$0x1F8F0];
	_ =	sdelay $0x2  }
0x28a: {  	[tilespmem:$0x1F890] =	vst v10;
	v10 =	vmul.f32 v51, v28  }
0x28b: {  	v8 =	vmov v26;
	v26 =	vld [tilespmem:$0x1FF80]  }
0x28c: {  	[tilespmem:v58+s9+$0x0] =	vst.idx.msk $0xffff, v10;
	v10 =	vmul.f32 v51, v2;
	v2 =	vld [tilespmem:$0x1F900];
	_ =	sdelay $0x2  }
0x28d: {  	v12 =	vld [tilespmem:$0x1FE00]  }
0x28e: {  	[tilespmem:$0x1F870] =	vst v25;
	v31 =	vld [tilespmem:$0x1FDE0]  }
0x28f: {  	v25 =	vadd.s32 v26, v0;
	[tilespmem:v59+s9+$0x0] =	vst.idx.msk $0xffff, v20;
	v20 =	vmul.f32 v51, v2;
	v2 =	vld [tilespmem:$0x1F910];
	_ =	sdelay $0x2  }
0x290: {  	v9 =	vld [tilespmem:$0x1FFB0]  }
0x291: {  	v6 =	vld [tilespmem:$0x1FFA0];
	v27 =	vadd.s32 v31, v0  }
0x292: {  	v28 =	vadd.s32 v12, v0;
	[tilespmem:v25+s9+$0x0] =	vst.idx.msk $0xffff, v10;
	v10 =	vmul.f32 v51, v2;
	v2 =	vld [tilespmem:$0x1FAA0]  }
0x293: {  	v3 =	vld [tilespmem:$0x1FE10];
	_ =	sdelay $0x2  }
0x294: {  	v58 =	vadd.s32 v9, v0;
	[tilespmem:v27+s9+$0x0] =	vst.idx.msk $0xffff, v20  }
0x295: {  	v59 =	vadd.s32 v6, v0;
	[tilespmem:v28+s9+$0x0] =	vst.idx.msk $0xffff, v10;
	v28 =	vadd.s32 v2, v0;
	v2 =	vld [tilespmem:$0x1FAB0]  }
0x296: {  	v25 =	vadd.s32 v3, v0  }
0x297: {  	v20 =	vmul.f32 v51, v29;
	v27 =	vadd.s32 v7, v0  }
0x298: {  	v10 =	vmul.f32 v51, v30  }
0x299: {  	v29 =	vadd.s32 v5, v0;
	[tilespmem:v58+s9+$0x0] =	vst.idx.msk $0xffff, v20;
	v20 =	vmul.f32 v51, v32  }
0x29a: {  	[tilespmem:v59+s9+$0x0] =	vst.idx.msk $0xffff, v10;
	v10 =	vmul.f32 v51, v33;
	v30 =	vadd.s32 v2, v0;
	v2 =	vld [tilespmem:$0x1FAC0]  }
0x29b: {  	[tilespmem:v25+s9+$0x0] =	vst.idx.msk $0xffff, v20;
	v20 =	vmul.f32 v51, v34;
	v25 =	vadd.s32 v18, v0  }
0x29c: {  	[tilespmem:v27+s9+$0x0] =	vst.idx.msk $0xffff, v10;
	v10 =	vmul.f32 v51, v35;
	v27 =	vadd.s32 v15, v0  }
0x29d: {  	[tilespmem:v28+s9+$0x0] =	vst.idx.msk $0xffff, v20;
	v20 =	vmul.f32 v51, v36;
	v28 =	vadd.s32 v14, v0  }
0x29e: {  	[tilespmem:v29+s9+$0x0] =	vst.idx.msk $0xffff, v10;
	v10 =	vmul.f32 v51, v37;
	v29 =	vadd.s32 v16, v0  }
0x29f: {  	[tilespmem:v30+s9+$0x0] =	vst.idx.msk $0xffff, v20;
	v20 =	vmul.f32 v51, v38;
	v30 =	vadd.s32 v2, v0;
	v2 =	vld [tilespmem:$0x1FD90]  }
0x2a0: {  	[tilespmem:v25+s9+$0x0] =	vst.idx.msk $0xffff, v10;
	v10 =	vmul.f32 v51, v39  }
0x2a1: {  	[tilespmem:v27+s9+$0x0] =	vst.idx.msk $0xffff, v20;
	v20 =	vmul.f32 v51, v40  }
0x2a2: {  	[tilespmem:v28+s9+$0x0] =	vst.idx.msk $0xffff, v10;
	v10 =	vmul.f32 v51, v41  }
0x2a3: {  	v25 =	vadd.s32 v21, v0;
	[tilespmem:v29+s9+$0x0] =	vst.idx.msk $0xffff, v20  }
0x2a4: {  	v27 =	vadd.s32 v13, v0;
	[tilespmem:v30+s9+$0x0] =	vst.idx.msk $0xffff, v10;
	v30 =	vadd.s32 v2, v0;
	v2 =	vld [tilespmem:$0x1FDA0];
	_ =	sdelay $0x1  }
0x2a5: {  	v20 =	vmul.f32 v51, v42  }
0x2a6: {  	v10 =	vmul.f32 v51, v43  }
0x2a7: {  	[tilespmem:v25+s9+$0x0] =	vst.idx.msk $0xffff, v20  }
0x2a8: {  	[tilespmem:v27+s9+$0x0] =	vst.idx.msk $0xffff, v10;
	v10 =	vadd.s32 v2, v0;
	v2 =	vld [tilespmem:$0x1FFD0];
	_ =	sdelay $0x2  }
0x2a9: {  	v28 =	vadd.s32 v17, v0  }
0x2aa: {  	v29 =	vadd.s32 v19, v0  }
0x2ab: {  	v25 =	vmul.f32 v51, v46;
	v46 =	vadd.s32 v2, v0;
	v2 =	vld [tilespmem:$0x1FDB0]  }
0x2ac: {  	v20 =	vmul.f32 v51, v44;
	_ =	sdelay $0x1  }
0x2ad: {  	[tilespmem:v28+s9+$0x0] =	vst.idx.msk $0xffff, v20;
	v20 =	vmul.f32 v51, v47  }
0x2ae: {  	[tilespmem:v29+s9+$0x0] =	vst.idx.msk $0xffff, v25  }
0x2af: {  	[tilespmem:v30+s9+$0x0] =	vst.idx.msk $0xffff, v20;
	v20 =	vadd.s32 v2, v0;
	v2 =	vld [tilespmem:$0x1FDC0];
	_ =	sdelay $0x4  }
0x2b0: {  	v30 =	vadd.s32 v2, v0;
	v2 =	vld [tilespmem:$0x1FDD0];
	_ =	sdelay $0x4  }
0x2b1: {  	v28 =	vmul.f32 v51, v48;
	v48 =	vadd.s32 v2, v0;
	v2 =	vld [tilespmem:$0x1FDF0];
	_ =	sdelay $0x4  }
0x2b2: {  	v47 =	vmul.f32 v51, v50;
	v50 =	vadd.s32 v2, v0;
	v2 =	vld [tilespmem:$0x1FFE0];
	_ =	sdelay $0x3  }
0x2b3: {  	v25 =	vadd.s32 v22, v0  }
0x2b4: {  	v27 =	vadd.s32 v23, v0;
	v58 =	vadd.s32 v2, v0;
	v2 =	vld [tilespmem:$0x1FE20];
	_ =	sdelay $0x1  }
0x2b5: {  	v29 =	vmul.f32 v51, v52  }
0x2b6: {  	[tilespmem:v10+s9+$0x0] =	vst.idx.msk $0xffff, v28  }
0x2b7: {  	[tilespmem:v25+s9+$0x0] =	vst.idx.msk $0xffff, v29  }
0x2b8: {  	[tilespmem:v27+s9+$0x0] =	vst.idx.msk $0xffff, v47;
	v27 =	vmul.f32 v51, v57;
	v57 =	vadd.s32 v2, v0;
	v0 =	vld [tilespmem:$0x1FE30]  }
0x2b9: {  	s26 =	simm.s32 $0x10  }
0x2ba: {  	v28 =	vmul.f32 v51, v49;
	v29 =	vor.u32 s26, v63  }
0x2bb: {  	s28 =	simm.s32 $0x0;
	v25 =	vshll.u32 v29, $0x5  }
0x2bc: {  	[tilespmem:v20+s9+$0x0] =	vst.idx.msk $0xffff, v28;
	v28 =	vadd.s32 s28, v25  }
0x2bd: {  	v18 =	vmov v0;
	v20 =	vor.u32 v0, v28;
	v0 =	vld [tilespmem:$0x1FE40];
	_ =	sdelay $0x4  }
0x2be: {  	v52 =	vmul.f32 v51, v53;
	v19 =	vmov v0;
	v25 =	vor.u32 v0, v28;
	v0 =	vld [tilespmem:$0x1FE50]  }
0x2bf: {  	v53 =	vmul.f32 v51, v54;
	v54 =	vmul.f32 v51, v55;
	v2 =	vld [tilespmem:$0x1FE60]  }
0x2c0: {  	v55 =	vmul.f32 v51, v56;
	v10 =	vmul.f32 v51, v45;
	[tilespmem:v30+s9+$0x0] =	vst.idx.msk $0xffff, v52  }
0x2c1: {  	v35 =	vor.u32 v4, v28;
	v32 =	vor.u32 v24, v28;
	[tilespmem:v48+s9+$0x0] =	vst.idx.msk $0xffff, v53  }
0x2c2: {  	v5 =	vmov v11;
	v16 =	vld [tilespmem:$0x1FD20];
	v34 =	vor.u32 v1, v28;
	v30 =	vor.u32 v63, v28;
	[tilespmem:v50+s9+$0x0] =	vst.idx.msk $0xffff, v54  }
0x2c3: {  	v21 =	vld [tilespmem:$0x1FD30];
	v13 =	vmovc v12;
	[tilespmem:v46+s9+$0x0] =	vst.idx.msk $0xffff, v55;
	v22 =	vmov v0;
	v36 =	vor.u32 v0, v28;
	v0 =	vand.u32 $0xFFFFFFF8, v29  }
0x2c4: {  	s23 =	simm.s32 $0x2;
	s25 =	simm.s32 $0x10;
	v23 =	vmovc v2;
	v29 =	vor.u32 v2, v28;
	v2 =	vmovc v6;
	v6 =	vmov v9;
	v9 =	vld [tilespmem:$0x1FD40];
	v0 =	vadd.s32 s28, v0  }
.LBB2_3:
0x2c5: {  	v7 =	vld [tilespmem:$0x1FD00];
	_ =	sdelay $0x4  }
0x2c6: {  	v37 =	vor.u32 v7, v28;
	v7 =	vld [tilespmem:$0x1FD10];
	_ =	sdelay $0x4  }
0x2c7: {  	v38 =	vor.u32 v7, v28;
	v7 =	vld [tilespmem:$0x1FEB0];
	_ =	sdelay $0x4  }
0x2c8: {  	v39 =	vor.u32 v7, v28;
	v7 =	vld [tilespmem:$0x1FEC0];
	_ =	sdelay $0x4  }
0x2c9: {  	v40 =	vor.u32 v7, v28;
	v7 =	vld [tilespmem:$0x1FEE0];
	_ =	sdelay $0x4  }
0x2ca: {  	v41 =	vor.u32 v7, v28;
	v7 =	vld [tilespmem:$0x1FEF0];
	_ =	sdelay $0x4  }
0x2cb: {  	v42 =	vor.u32 v7, v28;
	v7 =	vld [tilespmem:$0x1FF00];
	_ =	sdelay $0x4  }
0x2cc: {  	v43 =	vor.u32 v7, v28;
	v7 =	vld [tilespmem:$0x1FF10];
	_ =	sdelay $0x4  }
0x2cd: {  	v44 =	vor.u32 v7, v28;
	v7 =	vld [tilespmem:$0x1F860];
	_ =	sdelay $0x4  }
0x2ce: {  	v46 =	vor.u32 v7, v28;
	v7 =	vld [tilespmem:$0x1F870];
	_ =	sdelay $0x4  }
0x2cf: {  	v47 =	vor.u32 v7, v28;
	v7 =	vld [tilespmem:$0x1F880];
	_ =	sdelay $0x4  }
0x2d0: {  	v49 =	vor.u32 v7, v28;
	v7 =	vld [tilespmem:$0x1F890];
	_ =	sdelay $0x4  }
0x2d1: {  	v50 =	vor.u32 v7, v28;
	v7 =	vld [tilespmem:$0x1F8A0];
	_ =	sdelay $0x3  }
0x2d2: {  	[tilespmem:v58+s9+$0x0] =	vst.idx.msk $0xffff, v27  }
0x2d3: {  	[tilespmem:v57+s9+$0x0] =	vst.idx.msk $0xffff, v10;
	v51 =	vor.u32 v7, v28;
	v7 =	vld [tilespmem:$0x1F8B0]  }
0x2d4: {  	v10 =	vld.idx.msk [tilespmem:v30+s13+$0x0], $0xffff;
	_ =	sdelay $0x1  }
0x2d5: {  	v20 =	vld.idx.msk [tilespmem:v20+s13+$0x0], $0xffff  }
0x2d6: {  	v25 =	vld.idx.msk [tilespmem:v25+s13+$0x0], $0xffff  }
0x2d7: {  	v52 =	vor.u32 v7, v28;
	v7 =	vld [tilespmem:$0x1F8C0]  }
0x2d8: {  	v30 =	vmul.f32 v10, v10  }
0x2d9: {  	v27 =	vld.idx.msk [tilespmem:v36+s13+$0x0], $0xffff  }
0x2da: {  	v33 =	vmul.f32 v20, v20;
	v36 =	vadd.f32 $1.000000020e-24, v30  }
0x2db: {  	v45 =	vor.u32 v60, v28;
	v29 =	vld.idx.msk [tilespmem:v29+s13+$0x0], $0xffff  }
0x2dc: {  	v15 =	vmovc v60;
	v60 =	vmul.f32 v25, v25;
	v33 =	vadd.f32 v33, v36;
	v58 =	vor.u32 v7, v28;
	v7 =	vld [tilespmem:$0x1F8D0]  }
0x2dd: {  	v30 =	vld.idx.msk [tilespmem:v35+s13+$0x0], $0xffff  }
0x2de: {  	v35 =	vmul.f32 v27, v27;
	v36 =	vadd.f32 v60, v33  }
0x2df: {  	v32 =	vld.idx.msk [tilespmem:v32+s13+$0x0], $0xffff  }
0x2e0: {  	v60 =	vmul.f32 v29, v29;
	v33 =	vld.idx.msk [tilespmem:v34+s13+$0x0], $0xffff;
	v35 =	vadd.f32 v35, v36  }
0x2e1: {  	v59 =	vor.u32 v7, v28;
	v7 =	vld [tilespmem:$0x1FED0]  }
0x2e2: {  	v34 =	vld.idx.msk [tilespmem:v37+s13+$0x0], $0xffff;
	v36 =	vmul.f32 v30, v30;
	v37 =	vadd.f32 v60, v35  }
0x2e3: {  	v48 =	vor.u32 v61, v28;
	v53 =	vor.u32 v16, v28  }
0x2e4: {  	v54 =	vor.u32 v21, v28;
	v60 =	vmul.f32 v32, v32;
	v36 =	vadd.f32 v36, v37  }
0x2e5: {  	v55 =	vor.u32 v9, v28;
	v56 =	vor.u32 v8, v28;
	v57 =	vor.u32 v62, v28;
	v35 =	vld.idx.msk [tilespmem:v38+s13+$0x0], $0xffff  }
0x2e6: {  	v38 =	vmul.f32 v33, v33;
	v37 =	vor.u32 v7, v28;
	v28 =	vld.idx.msk [tilespmem:v39+s13+$0x0], $0xffff;
	v39 =	vadd.f32 v60, v36;
	_ =	sdelay $0x1  }
0x2e7: {  	v60 =	vmul.f32 v34, v34;
	v38 =	vadd.f32 v38, v39  }
0x2e8: {  	v36 =	vld.idx.msk [tilespmem:v40+s13+$0x0], $0xffff  }
0x2e9: {  	v39 =	vmul.f32 v35, v35;
	v40 =	vadd.f32 v60, v38  }
0x2ea: {  	v37 =	vld.idx.msk [tilespmem:v37+s13+$0x0], $0xffff  }
0x2eb: {  	v60 =	vmul.f32 v28, v28;
	v40 =	vadd.f32 v39, v40  }
0x2ec: {  	v38 =	vld.idx.msk [tilespmem:v41+s13+$0x0], $0xffff  }
0x2ed: {  	v41 =	vmul.f32 v36, v36;
	v39 =	vld.idx.msk [tilespmem:v42+s13+$0x0], $0xffff;
	v42 =	vadd.f32 v60, v40;
	_ =	sdelay $0x1  }
0x2ee: {  	v60 =	vmul.f32 v37, v37;
	v42 =	vadd.f32 v41, v42  }
0x2ef: {  	v40 =	vld.idx.msk [tilespmem:v43+s13+$0x0], $0xffff  }
0x2f0: {  	v43 =	vmul.f32 v38, v38;
	v41 =	vld.idx.msk [tilespmem:v44+s13+$0x0], $0xffff;
	v44 =	vadd.f32 v60, v42;
	_ =	sdelay $0x1  }
0x2f1: {  	v60 =	vmul.f32 v39, v39;
	v44 =	vadd.f32 v43, v44  }
0x2f2: {  	v42 =	vld.idx.msk [tilespmem:v45+s13+$0x0], $0xffff  }
0x2f3: {  	v45 =	vmul.f32 v40, v40;
	v43 =	vld.idx.msk [tilespmem:v46+s13+$0x0], $0xffff;
	v46 =	vadd.f32 v60, v44;
	_ =	sdelay $0x1  }
0x2f4: {  	v60 =	vmul.f32 v41, v41;
	v46 =	vadd.f32 v45, v46  }
0x2f5: {  	v44 =	vld.idx.msk [tilespmem:v47+s13+$0x0], $0xffff  }
0x2f6: {  	v47 =	vmul.f32 v42, v42;
	v45 =	vld.idx.msk [tilespmem:v48+s13+$0x0], $0xffff;
	v48 =	vadd.f32 v60, v46;
	_ =	sdelay $0x1  }
0x2f7: {  	v60 =	vmul.f32 v43, v43;
	v47 =	vadd.f32 v47, v48  }
0x2f8: {  	v46 =	vld.idx.msk [tilespmem:v49+s13+$0x0], $0xffff  }
0x2f9: {  	v48 =	vmul.f32 v44, v44;
	v47 =	vadd.f32 v60, v47  }
0x2fa: {  	v49 =	vld.idx.msk [tilespmem:v50+s13+$0x0], $0xffff  }
0x2fb: {  	v60 =	vmul.f32 v45, v45;
	v47 =	vadd.f32 v48, v47  }
0x2fc: {  	v50 =	vld.idx.msk [tilespmem:v51+s13+$0x0], $0xffff  }
0x2fd: {  	v51 =	vld.idx.msk [tilespmem:v52+s13+$0x0], $0xffff;
	v48 =	vmul.f32 v46, v46;
	v52 =	vadd.f32 v60, v47;
	_ =	sdelay $0x1  }
0x2fe: {  	v60 =	vmul.f32 v49, v49;
	v52 =	vadd.f32 v48, v52  }
0x2ff: {  	v47 =	vld.idx.msk [tilespmem:v57+s13+$0x0], $0xffff  }
0x300: {  	v57 =	vmul.f32 v50, v50;
	v48 =	vld.idx.msk [tilespmem:v58+s13+$0x0], $0xffff;
	v58 =	vadd.f32 v60, v52;
	_ =	sdelay $0x1  }
0x301: {  	v60 =	vmul.f32 v51, v51;
	v57 =	vadd.f32 v57, v58  }
0x302: {  	v52 =	vld.idx.msk [tilespmem:v59+s13+$0x0], $0xffff  }
0x303: {  	v58 =	vmul.f32 v47, v47;
	v57 =	vadd.f32 v60, v57  }
0x304: {  	v53 =	vld.idx.msk [tilespmem:v53+s13+$0x0], $0xffff  }
0x305: {  	v63 =	vmul.f32 v48, v48;
	v57 =	vadd.f32 v58, v57  }
0x306: {  	v54 =	vld.idx.msk [tilespmem:v54+s13+$0x0], $0xffff  }
0x307: {  	v60 =	vmul.f32 v52, v52;
	v57 =	vadd.f32 v63, v57  }
0x308: {  	v55 =	vld.idx.msk [tilespmem:v55+s13+$0x0], $0xffff  }
0x309: {  	v63 =	vmul.f32 v53, v53;
	v57 =	vadd.f32 v60, v57  }
0x30a: {  	v56 =	vld.idx.msk [tilespmem:v56+s13+$0x0], $0xffff  }
0x30b: {  	v60 =	vmul.f32 v54, v54;
	v57 =	vadd.f32 v63, v57;
	_ =	sdelay $0x1  }
0x30c: {  	v63 =	vmul.f32 v55, v55;
	v57 =	vadd.f32 v60, v57;
	_ =	sdelay $0x1  }
0x30d: {  	v60 =	vmul.f32 v56, v56;
	v57 =	vadd.f32 v63, v57;
	_ =	sdelay $0x1  }
0x30e: {  	v57 =	vadd.f32 v60, v57;
	_ =	sdelay $0x1  }
0x30f: {  	v58 =	vshrl.u32 v57, $0x1;
	v57 =	vmul.f32 $5.000000000e-01, v57  }
0x310: {  	v58 =	vsub.s32 $0x5F3759DF, v58  }
0x311: {  	v63 =	vmul.f32 v58, v57;
	_ =	sdelay $0x1  }
0x312: {  	v59 =	vmul.f32 v58, v63;
	_ =	sdelay $0x1  }
0x313: {  	v59 =	vsub.f32 $1.500000000e+00, v59;
	_ =	sdelay $0x1  }
0x314: {  	v58 =	vmul.f32 v58, v59;
	_ =	sdelay $0x1  }
0x315: {  	v59 =	vmul.f32 v58, v57  }
0x316: {  	v7 =	vld [tilespmem:$0x1FFE0]  }
0x317: {  	v59 =	vmul.f32 v59, v58;
	_ =	sdelay $0x1  }
0x318: {  	v59 =	vsub.f32 $1.500000000e+00, v59;
	_ =	sdelay $0x1  }
0x319: {  	v60 =	vmul.f32 v59, v58;
	v58 =	vadd.s32 v7, v0;
	v7 =	vld [tilespmem:$0x1FE20];
	_ =	sdelay $0x2  }
0x31a: {  	v57 =	vmul.f32 v60, v57;
	_ =	sdelay $0x1  }
0x31b: {  	v59 =	vmul.f32 v57, v60;
	v57 =	vadd.s32 v7, v0;
	v7 =	vld [tilespmem:$0x1FFD0];
	_ =	sdelay $0x4  }
0x31c: {  	v17 =	vmov v62;
	v62 =	vsub.f32 $1.500000000e+00, v59;
	v59 =	vadd.s32 v7, v0;
	v7 =	vld [tilespmem:$0x1FA90];
	_ =	sdelay $0x2  }
0x31d: {  	v60 =	vmul.f32 v62, v60  }
0x31e: {  	v14 =	vmov v61;
	v61 =	vadd.s32 v5, v0  }
0x31f: {  	v60 =	vmul.f32 $5.656854150e+00, v60;
	v62 =	vadd.s32 v7, v0  }
0x320: {  	v63 =	vadd.s32 v26, v0  }
0x321: {  	v10 =	vmul.f32 v60, v10;
	v7 =	vadd.s32 v31, v0  }
0x322: {  	v11 =	vadd.s32 v13, v0;
	v12 =	vadd.s32 v6, v0;
	v20 =	vmul.f32 v60, v20  }
0x323: {  	v25 =	vmul.f32 v60, v25;
	[tilespmem:v61+s9+$0x0] =	vst.idx.msk $0xffff, v10;
	v10 =	vmul.f32 v60, v27  }
0x324: {  	v27 =	vadd.s32 v2, v0;
	[tilespmem:v62+s9+$0x0] =	vst.idx.msk $0xffff, v20;
	v20 =	vmul.f32 v60, v29  }
0x325: {  	v29 =	vadd.s32 v3, v0;
	[tilespmem:v63+s9+$0x0] =	vst.idx.msk $0xffff, v25;
	v25 =	vmul.f32 v60, v30;
	v30 =	vld [tilespmem:$0x1FD50]  }
0x326: {  	[tilespmem:v7+s9+$0x0] =	vst.idx.msk $0xffff, v10;
	v10 =	vld [tilespmem:$0x1FAA0]  }
0x327: {  	v7 =	vmul.f32 v60, v32;
	[tilespmem:v11+s9+$0x0] =	vst.idx.msk $0xffff, v20;
	v20 =	vld [tilespmem:$0x1FD60]  }
0x328: {  	v11 =	vmul.f32 v60, v33;
	[tilespmem:v12+s9+$0x0] =	vst.idx.msk $0xffff, v25;
	v25 =	vld [tilespmem:$0x1FAB0]  }
0x329: {  	[tilespmem:v27+s9+$0x0] =	vst.idx.msk $0xffff, v7;
	v27 =	vld [tilespmem:$0x1FE80]  }
0x32a: {  	v30 =	vadd.s32 v30, v0;
	[tilespmem:v29+s9+$0x0] =	vst.idx.msk $0xffff, v11;
	v11 =	vmul.f32 v60, v28;
	v28 =	vld [tilespmem:$0x1FD70]  }
0x32b: {  	v10 =	vadd.s32 v10, v0  }
0x32c: {  	v20 =	vadd.s32 v20, v0  }
0x32d: {  	v12 =	vmul.f32 v60, v34;
	v25 =	vadd.s32 v25, v0  }
0x32e: {  	v7 =	vmul.f32 v60, v35;
	v27 =	vadd.s32 v27, v0  }
0x32f: {  	v29 =	vld [tilespmem:$0x1FD80];
	v28 =	vadd.s32 v28, v0;
	[tilespmem:v30+s9+$0x0] =	vst.idx.msk $0xffff, v12  }
0x330: {  	v12 =	vmul.f32 v60, v36;
	[tilespmem:v10+s9+$0x0] =	vst.idx.msk $0xffff, v7;
	v10 =	vld [tilespmem:$0x1FF30]  }
0x331: {  	v7 =	vmul.f32 v60, v37;
	[tilespmem:v20+s9+$0x0] =	vst.idx.msk $0xffff, v11;
	v20 =	vld [tilespmem:$0x1FAC0]  }
0x332: {  	v11 =	vmul.f32 v60, v38;
	[tilespmem:v25+s9+$0x0] =	vst.idx.msk $0xffff, v12;
	v25 =	vld [tilespmem:$0x1FF40]  }
0x333: {  	[tilespmem:v27+s9+$0x0] =	vst.idx.msk $0xffff, v7;
	v27 =	vld [tilespmem:$0x1FF50]  }
0x334: {  	v29 =	vadd.s32 v29, v0;
	[tilespmem:v28+s9+$0x0] =	vst.idx.msk $0xffff, v11;
	v28 =	vld [tilespmem:$0x1FF60]  }
0x335: {  	v10 =	vadd.s32 v10, v0  }
0x336: {  	v20 =	vadd.s32 v20, v0  }
0x337: {  	v12 =	vmul.f32 v60, v39;
	v25 =	vadd.s32 v25, v0  }
0x338: {  	v7 =	vmul.f32 v60, v40;
	v27 =	vadd.s32 v27, v0  }
0x339: {  	v11 =	vmul.f32 v60, v41;
	[tilespmem:v29+s9+$0x0] =	vst.idx.msk $0xffff, v12;
	v29 =	vld [tilespmem:$0x1FFC0];
	v28 =	vadd.s32 v28, v0  }
0x33a: {  	v12 =	vmul.f32 v60, v42;
	[tilespmem:v10+s9+$0x0] =	vst.idx.msk $0xffff, v7;
	v10 =	vld [tilespmem:$0x1FD90]  }
0x33b: {  	v7 =	vmul.f32 v60, v43;
	[tilespmem:v20+s9+$0x0] =	vst.idx.msk $0xffff, v11;
	v20 =	vld [tilespmem:$0x1FDA0]  }
0x33c: {  	v11 =	vmul.f32 v60, v44;
	[tilespmem:v25+s9+$0x0] =	vst.idx.msk $0xffff, v12  }
0x33d: {  	[tilespmem:v27+s9+$0x0] =	vst.idx.msk $0xffff, v7  }
0x33e: {  	v29 =	vadd.s32 v29, v0;
	[tilespmem:v28+s9+$0x0] =	vst.idx.msk $0xffff, v11;
	v28 =	vld [tilespmem:$0x1FDB0]  }
0x33f: {  	v10 =	vadd.s32 v10, v0  }
0x340: {  	v25 =	vld [tilespmem:$0x1FF20];
	v20 =	vadd.s32 v20, v0  }
0x341: {  	v12 =	vmul.f32 v60, v45;
	v27 =	vld [tilespmem:$0x1FF90]  }
0x342: {  	v7 =	vmul.f32 v60, v46  }
0x343: {  	v11 =	vmul.f32 v60, v49;
	[tilespmem:v29+s9+$0x0] =	vst.idx.msk $0xffff, v12;
	v30 =	vadd.s32 v28, v0;
	v28 =	vld [tilespmem:$0x1FDC0]  }
0x344: {  	[tilespmem:v10+s9+$0x0] =	vst.idx.msk $0xffff, v7;
	v10 =	vld [tilespmem:$0x1FDD0]  }
0x345: {  	v25 =	vadd.s32 v25, v0;
	[tilespmem:v20+s9+$0x0] =	vst.idx.msk $0xffff, v11;
	v11 =	vld [tilespmem:$0x1FDF0]  }
0x346: {  	s26 =	smov.u32 s23;
	v27 =	vadd.s32 v27, v0  }
0x347: {  	s26 =	sshrl.u32 s26, $0x3;
	v52 =	vmul.f32 v60, v52  }
0x348: {  	s25 =	sadd.s32 $0x10, s25;
	s28 =	sshll.u32 s26, $0x7;
	v54 =	vmul.f32 v60, v54;
	v12 =	vmul.f32 v60, v50;
	v29 =	vadd.s32 v28, v0  }
0x349: {  	s28 =	ssub.s32 s25, s28;
	v61 =	vmovc v14;
	v63 =	vlaneseq.u32;
	v7 =	vmul.f32 v60, v51;
	v51 =	vadd.s32 v10, v0  }
0x34a: {  	[tilespmem:v25+s9+$0x0] =	vst.idx.msk $0xffff, v12;
	v10 =	vmul.f32 v60, v47;
	v11 =	vadd.s32 v11, v0;
	v0 =	vor.u32 s28, v63  }
0x34b: {  	p1 =	sne.s32 s23, $0x27;
	s26 =	sshll.u32 s26, $0xC;
	v12 =	vmul.f32 v60, v48;
	[tilespmem:v27+s9+$0x0] =	vst.idx.msk $0xffff, v7;
	v7 =	vmul.f32 v60, v53;
	v20 =	vshll.u32 v0, $0x5  }
.Ltmp0:
0x34c: {  	v27 =	vmul.f32 v60, v55;
	[tilespmem:v30+s9+$0x0] =	vst.idx.msk $0xffff, v10;
	v10 =	vmul.f32 v60, v56;
	v28 =	vadd.s32 s26, v20;
	(pc) =	sbr.rel @p1 .LBB2_3-.Ltmp0, $4  }
0x34d: {  	v62 =	vmov v17;
	v30 =	vor.u32 v63, v28;
	v20 =	vor.u32 v18, v28;
	[tilespmem:v29+s9+$0x0] =	vst.idx.msk $0xffff, v12  }
0x34e: {  	v60 =	vmov v15;
	v25 =	vor.u32 v19, v28;
	v36 =	vor.u32 v22, v28;
	[tilespmem:v51+s9+$0x0] =	vst.idx.msk $0xffff, v52  }
0x34f: {  	v0 =	vand.u32 $0xFFFFFFF8, v0;
	v29 =	vor.u32 v23, v28;
	v35 =	vor.u32 v4, v28;
	[tilespmem:v11+s9+$0x0] =	vst.idx.msk $0xffff, v7  }
0x350: {  	s23 =	sadd.s32 $0x1, s23;
	v0 =	vadd.s32 s26, v0;
	v32 =	vor.u32 v24, v28;
	v34 =	vor.u32 v1, v28;
	[tilespmem:v59+s9+$0x0] =	vst.idx.msk $0xffff, v54  }
0x351: {  	_ =	sdelay $0x3  }
0x352: {  	[tilespmem:v58+s9+$0x0] =	vst.idx.msk $0xffff, v27  }
0x353: {  	[tilespmem:v57+s9+$0x0] =	vst.idx.msk $0xffff, v10  }
0x354: {  	v33 =	vld.idx.msk [tilespmem:v30+s13+$0x0], $0xffff  }
0x355: {  	v4 =	vld [tilespmem:$0x1FEB0]  }
0x356: {  	v30 =	vld.idx.msk [tilespmem:v20+s13+$0x0], $0xffff;
	_ =	sdelay $0x1  }
0x357: {  	v27 =	vld.idx.msk [tilespmem:v25+s13+$0x0], $0xffff  }
0x358: {  	v7 =	vmul.f32 v33, v33  }
0x359: {  	v1 =	vld [tilespmem:$0x1FD10]  }
0x35a: {  	v37 =	vor.u32 v4, v28;
	v4 =	vld [tilespmem:$0x1FEC0];
	v11 =	vmul.f32 v30, v30;
	v7 =	vadd.f32 $1.000000020e-24, v7;
	_ =	sdelay $0x1  }
0x35b: {  	v12 =	vmul.f32 v27, v27;
	v7 =	vadd.f32 v11, v7;
	_ =	sdelay $0x1  }
0x35c: {  	v7 =	vadd.f32 v12, v7;
	v12 =	vor.u32 v1, v28  }
0x35d: {  	v46 =	vor.u32 v4, v28;
	v4 =	vld [tilespmem:$0x1FED0];
	_ =	sdelay $0x1  }
0x35e: {  	v10 =	vld.idx.msk [tilespmem:v36+s13+$0x0], $0xffff  }
0x35f: {  	v25 =	vld.idx.msk [tilespmem:v35+s13+$0x0], $0xffff  }
0x360: {  	v35 =	vld.idx.msk [tilespmem:v12+s13+$0x0], $0xffff  }
0x361: {  	v12 =	vor.u32 v4, v28;
	v4 =	vld [tilespmem:$0x1FEE0]  }
0x362: {  	v20 =	vld.idx.msk [tilespmem:v29+s13+$0x0], $0xffff;
	_ =	sdelay $0x1  }
0x363: {  	v24 =	vld [tilespmem:$0x1FD00]  }
0x364: {  	v29 =	vld.idx.msk [tilespmem:v32+s13+$0x0], $0xffff;
	v43 =	vmul.f32 v10, v10  }
0x365: {  	v39 =	vor.u32 v4, v28;
	v4 =	vld [tilespmem:$0x1FEF0]  }
0x366: {  	v44 =	vmul.f32 v20, v20;
	v7 =	vadd.f32 v43, v7  }
0x367: {  	v32 =	vld.idx.msk [tilespmem:v34+s13+$0x0], $0xffff  }
0x368: {  	v42 =	vor.u32 v24, v28;
	v45 =	vmul.f32 v25, v25;
	v7 =	vadd.f32 v44, v7;
	_ =	sdelay $0x1  }
0x369: {  	v47 =	vmul.f32 v29, v29;
	v7 =	vadd.f32 v45, v7;
	v48 =	vor.u32 v4, v28;
	v4 =	vld [tilespmem:$0x1FF00];
	_ =	sdelay $0x1  }
0x36a: {  	v38 =	vmul.f32 v32, v32;
	v7 =	vadd.f32 v47, v7  }
0x36b: {  	v34 =	vld.idx.msk [tilespmem:v42+s13+$0x0], $0xffff  }
0x36c: {  	v7 =	vadd.f32 v38, v7;
	v38 =	vld.idx.msk [tilespmem:v12+s13+$0x0], $0xffff  }
0x36d: {  	v12 =	vor.u32 v4, v28;
	v4 =	vld [tilespmem:$0x1FF10];
	_ =	sdelay $0x4  }
0x36e: {  	v40 =	vmul.f32 v34, v34;
	v42 =	vor.u32 v4, v28;
	v4 =	vld [tilespmem:$0x1F860]  }
0x36f: {  	v36 =	vld.idx.msk [tilespmem:v37+s13+$0x0], $0xffff  }
0x370: {  	v41 =	vmul.f32 v35, v35;
	v7 =	vadd.f32 v40, v7  }
0x371: {  	v37 =	vld.idx.msk [tilespmem:v46+s13+$0x0], $0xffff  }
0x372: {  	v7 =	vadd.f32 v41, v7;
	v41 =	vld.idx.msk [tilespmem:v12+s13+$0x0], $0xffff  }
0x373: {  	v12 =	vor.u32 v4, v28;
	v4 =	vld [tilespmem:$0x1F870]  }
0x374: {  	v49 =	vmul.f32 v36, v36  }
0x375: {  	v39 =	vld.idx.msk [tilespmem:v39+s13+$0x0], $0xffff  }
0x376: {  	v50 =	vmul.f32 v37, v37;
	v7 =	vadd.f32 v49, v7;
	_ =	sdelay $0x1  }
0x377: {  	v43 =	vmul.f32 v38, v38;
	v7 =	vadd.f32 v50, v7;
	v45 =	vor.u32 v4, v28;
	v4 =	vld [tilespmem:$0x1F880];
	_ =	sdelay $0x1  }
0x378: {  	v44 =	vmul.f32 v39, v39;
	v7 =	vadd.f32 v43, v7;
	_ =	sdelay $0x1  }
0x379: {  	v7 =	vadd.f32 v44, v7;
	v44 =	vld.idx.msk [tilespmem:v12+s13+$0x0], $0xffff  }
0x37a: {  	v12 =	vor.u32 v4, v28;
	v4 =	vld [tilespmem:$0x1F890];
	_ =	sdelay $0x3  }
0x37b: {  	v51 =	vor.u32 v60, v28;
	v40 =	vld.idx.msk [tilespmem:v48+s13+$0x0], $0xffff  }
0x37c: {  	v54 =	vor.u32 v4, v28;
	v4 =	vld [tilespmem:$0x1F8A0];
	_ =	sdelay $0x2  }
0x37d: {  	v42 =	vld.idx.msk [tilespmem:v42+s13+$0x0], $0xffff  }
0x37e: {  	v43 =	vld.idx.msk [tilespmem:v51+s13+$0x0], $0xffff;
	v46 =	vmul.f32 v40, v40  }
0x37f: {  	v55 =	vor.u32 v4, v28;
	v4 =	vld [tilespmem:$0x1F8B0]  }
0x380: {  	v52 =	vor.u32 v61, v28;
	v7 =	vadd.f32 v46, v7;
	v47 =	vmul.f32 v41, v41;
	_ =	sdelay $0x1  }
0x381: {  	v7 =	vadd.f32 v47, v7;
	v53 =	vmul.f32 v42, v42  }
0x382: {  	v45 =	vld.idx.msk [tilespmem:v45+s13+$0x0], $0xffff  }
0x383: {  	v48 =	vmul.f32 v43, v43;
	v7 =	vadd.f32 v53, v7;
	v56 =	vor.u32 v4, v28;
	v4 =	vld [tilespmem:$0x1F8C0]  }
0x384: {  	v11 =	vld.idx.msk [tilespmem:v52+s13+$0x0], $0xffff  }
0x385: {  	v7 =	vadd.f32 v48, v7;
	v49 =	vmul.f32 v44, v44  }
0x386: {  	v12 =	vld.idx.msk [tilespmem:v12+s13+$0x0], $0xffff  }
0x387: {  	v7 =	vadd.f32 v49, v7;
	v50 =	vmul.f32 v45, v45;
	v47 =	vld.idx.msk [tilespmem:v54+s13+$0x0], $0xffff  }
0x388: {  	v58 =	vor.u32 v4, v28;
	v4 =	vld [tilespmem:$0x1F8D0]  }
0x389: {  	v57 =	vor.u32 v62, v28;
	v51 =	vmul.f32 v11, v11;
	v7 =	vadd.f32 v50, v7  }
0x38a: {  	v46 =	vld.idx.msk [tilespmem:v55+s13+$0x0], $0xffff  }
0x38b: {  	v7 =	vadd.f32 v51, v7;
	v52 =	vmul.f32 v12, v12  }
0x38c: {  	v48 =	vld.idx.msk [tilespmem:v56+s13+$0x0], $0xffff  }
0x38d: {  	v7 =	vadd.f32 v52, v7;
	v53 =	vmul.f32 v47, v47;
	v59 =	vor.u32 v4, v28  }
0x38e: {  	v49 =	vld.idx.msk [tilespmem:v57+s13+$0x0], $0xffff  }
0x38f: {  	v22 =	vor.u32 v16, v28;
	v7 =	vadd.f32 v53, v7;
	v54 =	vmul.f32 v46, v46  }
0x390: {  	v50 =	vld.idx.msk [tilespmem:v58+s13+$0x0], $0xffff  }
0x391: {  	v23 =	vor.u32 v21, v28;
	v7 =	vadd.f32 v54, v7;
	v55 =	vmul.f32 v48, v48  }
0x392: {  	v51 =	vld.idx.msk [tilespmem:v59+s13+$0x0], $0xffff  }
0x393: {  	v9 =	vor.u32 v9, v28;
	v56 =	vmul.f32 v49, v49;
	v7 =	vadd.f32 v55, v7  }
0x394: {  	v52 =	vld.idx.msk [tilespmem:v22+s13+$0x0], $0xffff  }
0x395: {  	v21 =	vor.u32 v8, v28;
	v7 =	vadd.f32 v56, v7;
	v22 =	vmul.f32 v50, v50  }
0x396: {  	v53 =	vld.idx.msk [tilespmem:v23+s13+$0x0], $0xffff  }
0x397: {  	v7 =	vadd.f32 v22, v7;
	v23 =	vmul.f32 v51, v51  }
0x398: {  	v54 =	vld.idx.msk [tilespmem:v9+s13+$0x0], $0xffff  }
0x399: {  	v9 =	vmul.f32 v52, v52;
	v7 =	vadd.f32 v23, v7  }
0x39a: {  	v28 =	vld.idx.msk [tilespmem:v21+s13+$0x0], $0xffff  }
0x39b: {  	v21 =	vmul.f32 v53, v53;
	v7 =	vadd.f32 v9, v7;
	_ =	sdelay $0x1  }
0x39c: {  	v22 =	vmul.f32 v54, v54;
	v7 =	vadd.f32 v21, v7;
	_ =	sdelay $0x1  }
0x39d: {  	v23 =	vmul.f32 v28, v28;
	v7 =	vadd.f32 v22, v7;
	_ =	sdelay $0x1  }
0x39e: {  	v7 =	vadd.f32 v23, v7;
	_ =	sdelay $0x1  }
0x39f: {  	v59 =	vshrl.u32 v7, $0x1;
	v7 =	vmul.f32 $5.000000000e-01, v7  }
0x3a0: {  	v55 =	vsub.s32 $0x5F3759DF, v59  }
0x3a1: {  	v9 =	vmul.f32 v55, v7;
	_ =	sdelay $0x1  }
0x3a2: {  	v56 =	vmul.f32 v55, v9;
	_ =	sdelay $0x1  }
0x3a3: {  	v56 =	vsub.f32 $1.500000000e+00, v56;
	_ =	sdelay $0x1  }
0x3a4: {  	v55 =	vmul.f32 v55, v56;
	_ =	sdelay $0x1  }
0x3a5: {  	v56 =	vmul.f32 v55, v7;
	_ =	sdelay $0x1  }
0x3a6: {  	v56 =	vmul.f32 v56, v55;
	_ =	sdelay $0x1  }
0x3a7: {  	v56 =	vsub.f32 $1.500000000e+00, v56;
	_ =	sdelay $0x1  }
0x3a8: {  	v55 =	vmul.f32 v56, v55;
	_ =	sdelay $0x1  }
0x3a9: {  	v7 =	vmul.f32 v55, v7;
	_ =	sdelay $0x1  }
0x3aa: {  	v7 =	vmul.f32 v7, v55  }
0x3ab: {  	v4 =	vld [tilespmem:$0x1FA90]  }
0x3ac: {  	v7 =	vsub.f32 $1.500000000e+00, v7;
	_ =	sdelay $0x1  }
0x3ad: {  	v7 =	vmul.f32 v7, v55  }
0x3ae: {  	v21 =	vadd.s32 v5, v0  }
0x3af: {  	v22 =	vadd.s32 v4, v0;
	v7 =	vmul.f32 $5.656854150e+00, v7  }
0x3b0: {  	v23 =	vadd.s32 v26, v0  }
0x3b1: {  	v58 =	vadd.s32 v31, v0;
	v33 =	vmul.f32 v7, v33  }
0x3b2: {  	v30 =	vmul.f32 v7, v30  }
0x3b3: {  	v27 =	vmul.f32 v7, v27;
	[tilespmem:v21+s9+$0x0] =	vst.idx.msk $0xffff, v33  }
0x3b4: {  	v59 =	vadd.s32 v13, v0;
	v10 =	vmul.f32 v7, v10;
	[tilespmem:v22+s9+$0x0] =	vst.idx.msk $0xffff, v30  }
0x3b5: {  	v55 =	vadd.s32 v6, v0;
	[tilespmem:v23+s9+$0x0] =	vst.idx.msk $0xffff, v27  }
0x3b6: {  	[tilespmem:v58+s9+$0x0] =	vst.idx.msk $0xffff, v10;
	v58 =	vld [tilespmem:$0x1FD50]  }
0x3b7: {  	v20 =	vmul.f32 v7, v20  }
0x3b8: {  	v57 =	vmul.f32 v7, v25;
	v33 =	vld [tilespmem:$0x1FD60]  }
0x3b9: {  	v23 =	vld [tilespmem:$0x1FAA0];
	[tilespmem:v59+s9+$0x0] =	vst.idx.msk $0xffff, v20  }
0x3ba: {  	v56 =	vadd.s32 v2, v0;
	[tilespmem:v55+s9+$0x0] =	vst.idx.msk $0xffff, v57;
	v55 =	vld [tilespmem:$0x1FAB0]  }
0x3bb: {  	v27 =	vadd.s32 v3, v0;
	v25 =	vadd.s32 v58, v0;
	v58 =	vld [tilespmem:$0x1FE80];
	_ =	sdelay $0x1  }
0x3bc: {  	v59 =	vmul.f32 v7, v29;
	v57 =	vmul.f32 v7, v35;
	v35 =	vld [tilespmem:$0x1FD70]  }
0x3bd: {  	v26 =	vmul.f32 v7, v32;
	v29 =	vadd.s32 v23, v0  }
0x3be: {  	v34 =	vmul.f32 v7, v34;
	v32 =	vadd.s32 v33, v0;
	[tilespmem:v56+s9+$0x0] =	vst.idx.msk $0xffff, v59  }
0x3bf: {  	[tilespmem:v27+s9+$0x0] =	vst.idx.msk $0xffff, v26;
	v56 =	vadd.s32 v55, v0;
	v59 =	vadd.s32 v58, v0  }
0x3c0: {  	[tilespmem:v25+s9+$0x0] =	vst.idx.msk $0xffff, v34;
	v34 =	vmul.f32 v7, v36;
	v36 =	vmul.f32 v7, v37;
	v37 =	vld [tilespmem:$0x1FD80]  }
0x3c1: {  	v3 =	vld [tilespmem:$0x1FF30];
	v25 =	vadd.s32 v35, v0  }
0x3c2: {  	[tilespmem:v29+s9+$0x0] =	vst.idx.msk $0xffff, v57  }
0x3c3: {  	v38 =	vmul.f32 v7, v38;
	v55 =	vld [tilespmem:$0x1FAC0];
	[tilespmem:v32+s9+$0x0] =	vst.idx.msk $0xffff, v34  }
0x3c4: {  	v39 =	vmul.f32 v7, v39;
	v58 =	vld [tilespmem:$0x1FF40];
	[tilespmem:v56+s9+$0x0] =	vst.idx.msk $0xffff, v36  }
0x3c5: {  	v36 =	vld [tilespmem:$0x1FF50];
	v29 =	vadd.s32 v37, v0;
	[tilespmem:v59+s9+$0x0] =	vst.idx.msk $0xffff, v38  }
0x3c6: {  	v32 =	vadd.s32 v3, v0;
	[tilespmem:v25+s9+$0x0] =	vst.idx.msk $0xffff, v39;
	v39 =	vld [tilespmem:$0x1FF60]  }
0x3c7: {  	v38 =	vmul.f32 v7, v42;
	v42 =	vld [tilespmem:$0x1FFC0]  }
0x3c8: {  	v57 =	vmul.f32 v7, v40;
	v56 =	vadd.s32 v55, v0;
	v55 =	vld [tilespmem:$0x1FD90]  }
0x3c9: {  	v35 =	vmul.f32 v7, v41;
	v59 =	vadd.s32 v58, v0;
	v58 =	vld [tilespmem:$0x1FDA0]  }
0x3ca: {  	v31 =	vld [tilespmem:$0x1FF20];
	v37 =	vadd.s32 v36, v0;
	[tilespmem:v29+s9+$0x0] =	vst.idx.msk $0xffff, v57  }
0x3cb: {  	v40 =	vadd.s32 v39, v0;
	[tilespmem:v32+s9+$0x0] =	vst.idx.msk $0xffff, v35;
	v35 =	vld [tilespmem:$0x1FF90]  }
0x3cc: {  	v41 =	vmul.f32 v7, v43;
	v43 =	vadd.s32 v42, v0  }
0x3cd: {  	v44 =	vmul.f32 v7, v44;
	[tilespmem:v56+s9+$0x0] =	vst.idx.msk $0xffff, v38;
	v56 =	vadd.s32 v55, v0  }
0x3ce: {  	v57 =	vmul.f32 v7, v45;
	[tilespmem:v59+s9+$0x0] =	vst.idx.msk $0xffff, v41;
	v59 =	vadd.s32 v58, v0  }
0x3cf: {  	v11 =	vmul.f32 v7, v11;
	v33 =	vadd.s32 v31, v0;
	[tilespmem:v37+s9+$0x0] =	vst.idx.msk $0xffff, v44  }
0x3d0: {  	v34 =	vmul.f32 v7, v12;
	v37 =	vld [tilespmem:$0x1FDB0];
	[tilespmem:v40+s9+$0x0] =	vst.idx.msk $0xffff, v57;
	v12 =	vadd.s32 v35, v0  }
0x3d1: {  	v36 =	vmul.f32 v7, v47;
	v40 =	vld [tilespmem:$0x1FDC0];
	[tilespmem:v43+s9+$0x0] =	vst.idx.msk $0xffff, v11  }
0x3d2: {  	v39 =	vmul.f32 v7, v46;
	v43 =	vld [tilespmem:$0x1FDD0];
	[tilespmem:v56+s9+$0x0] =	vst.idx.msk $0xffff, v34  }
0x3d3: {  	v42 =	vmul.f32 v7, v48;
	v46 =	vld [tilespmem:$0x1FDF0];
	[tilespmem:v59+s9+$0x0] =	vst.idx.msk $0xffff, v36  }
0x3d4: {  	v48 =	vld [tilespmem:$0x1FFD0];
	[tilespmem:v33+s9+$0x0] =	vst.idx.msk $0xffff, v39  }
0x3d5: {  	v38 =	vadd.s32 v37, v0;
	[tilespmem:v12+s9+$0x0] =	vst.idx.msk $0xffff, v42;
	v12 =	vmul.f32 v7, v50;
	v50 =	vld [tilespmem:$0x1FFE0]  }
0x3d6: {  	v57 =	vld [tilespmem:$0x1FE20];
	v41 =	vadd.s32 v40, v0  }
0x3d7: {  	v44 =	vadd.s32 v43, v0  }
0x3d8: {  	v45 =	vmul.f32 v7, v49;
	v47 =	vadd.s32 v46, v0  }
0x3d9: {  	v49 =	vadd.s32 v48, v0  }
0x3da: {  	v56 =	vmul.f32 v7, v51;
	[tilespmem:v38+s9+$0x0] =	vst.idx.msk $0xffff, v45;
	v55 =	vadd.s32 v50, v0  }
0x3db: {  	v58 =	vadd.s32 v57, v0;
	[tilespmem:v41+s9+$0x0] =	vst.idx.msk $0xffff, v12;
	v12 =	vmul.f32 v7, v52  }
0x3dc: {  	s21 =	smul.u32 $0x280000, s21;
	s20 =	sadd.s32 s20, s8;
	p1 =	seq.s32 s17, $0x13;
	v59 =	vmul.f32 v7, v53;
	[tilespmem:v44+s9+$0x0] =	vst.idx.msk $0xffff, v56  }
.Ltmp1:
0x3dd: {  	s20 =	sshll.u32 s20, $0xA;
	[tilespmem:v47+s9+$0x0] =	vst.idx.msk $0xffff, v12;
	v12 =	vmul.f32 v7, v54;
	(pc) =	sbr.rel @p1 .LBB2_6-.Ltmp1, $4  }
0x3de: {  	s21 =	sor.u32 s20, s21;
	v7 =	vmul.f32 v7, v28;
	[tilespmem:v49+s9+$0x0] =	vst.idx.msk $0xffff, v59  }
0x3df: {  	s21 =	sshrl.u32 s21, $0x3;
	[tilespmem:v55+s9+$0x0] =	vst.idx.msk $0xffff, v12  }
0x3e0: {  	s21 =	sadd.s32 s1, s21;
	[tilespmem:v58+s9+$0x0] =	vst.idx.msk $0xffff, v7  }
0x3e1: {  	v5 =	vmov v24;
	v4 =	vmov v1;
	[hbm4b:s21+s12] =	stream.strided.scatter [tilespmem:s9], [sflag:$0x3], $0x5000, s14, s12, $0x38;
	[tilespmem:$0x17D00] =	vst v63  }
0x3e2: {  	s19 =	sadd.s32 $0x2, s19  }
0x3e3: {  	s21 =	smulhi.u32 $0x66666667, s19;
	_ =	sdelay $0x1  }
0x3e4: {  	s21 =	sshrl.u32 s21, $0x2  }
0x3e5: {  	s23 =	smul.u32 $0xFFFFFFF6, s21  }
0x3e6: {  	s21 =	sadd.s32 s8, s21  }
0x3e7: {  	v11 =	vld [tilespmem:$0x1FCE0];
	s21 =	smul.u32 $0x380, s21;
	s19 =	sadd.s32 s19, s23  }
0x3e8: {  	s19 =	smul.u32 $0x5, s19;
	_ =	sdelay $0x1  }
0x3e9: {  	s21 =	sadd.s32 s5, s21;
	v0 =	vmov s19  }
0x3ea: {  	[tilespmem:s3], [sflag:$0x5] =	stream.linear.gather [hbm4b:s21+s3], $0x1C00, $0x38;
	v0 =	vand.u32 $0xFFFFFFFE, v0;
	[tilespmem:$0x17D00] =	vst v63  }
0x3eb: {  	_ =	swait.ge [sflag:s10], $0x1C00;
	v7 =	vadd.s32 v11, v0  }
0x3ec: {  	v12 =	vld [tilespmem:$0x1F920];
	_ =	sdelay $0x1  }
0x3ed: {  	[sflag:s10] =	ssyncset.done $0x0  }
0x3ee: {  	[sflag:s10] =	ssyncadd.s32 $0xFFFFE400  }
0x3ef: {  	v7 =	vld.idx.msk [tilespmem:v7+s3+$0x0], $0xffff  }
0x3f0: {  	v10 =	vadd.s32 v12, v0  }
0x3f1: {  	v20 =	vld [tilespmem:$0x1F930];
	_ =	sdelay $0x2  }
0x3f2: {  	[tilespmem:$0x3800] =	vst v7  }
0x3f3: {  	v7 =	vld.idx.msk [tilespmem:v10+s3+$0x0], $0xffff  }
0x3f4: {  	v55 =	vadd.s32 v20, v0  }
0x3f5: {  	v25 =	vld [tilespmem:$0x1F940];
	_ =	sdelay $0x2  }
0x3f6: {  	[tilespmem:$0x3810] =	vst v7  }
0x3f7: {  	v7 =	vld.idx.msk [tilespmem:v55+s3+$0x0], $0xffff  }
0x3f8: {  	v56 =	vadd.s32 v25, v0  }
0x3f9: {  	v27 =	vld [tilespmem:$0x1F950];
	_ =	sdelay $0x2  }
0x3fa: {  	[tilespmem:$0x3820] =	vst v7  }
0x3fb: {  	v7 =	vld.idx.msk [tilespmem:v56+s3+$0x0], $0xffff  }
0x3fc: {  	v57 =	vadd.s32 v27, v0  }
0x3fd: {  	v28 =	vld [tilespmem:$0x1F980];
	_ =	sdelay $0x2  }
0x3fe: {  	[tilespmem:$0x3830] =	vst v7  }
0x3ff: {  	v7 =	vld.idx.msk [tilespmem:v57+s3+$0x0], $0xffff  }
0x400: {  	v58 =	vadd.s32 v28, v0  }
0x401: {  	v1 =	vld [tilespmem:$0x1FAD0];
	_ =	sdelay $0x2  }
0x402: {  	[tilespmem:$0x3840] =	vst v7  }
0x403: {  	v7 =	vld.idx.msk [tilespmem:v58+s3+$0x0], $0xffff  }
0x404: {  	v59 =	vadd.s32 v1, v0  }
0x405: {  	v4 =	vld [tilespmem:$0x1FAE0];
	_ =	sdelay $0x2  }
0x406: {  	[tilespmem:$0x3850] =	vst v7  }
0x407: {  	v7 =	vld.idx.msk [tilespmem:v59+s3+$0x0], $0xffff  }
0x408: {  	v0 =	vadd.s32 v4, v0;
	_ =	sdelay $0x3  }
0x409: {  	[tilespmem:$0x3860] =	vst v7  }
0x40a: {  	s25 =	sor.u32 $0x1, s19;
	v0 =	vld.idx.msk [tilespmem:v0+s3+$0x0], $0xffff  }
0x40b: {  	v7 =	vadd.s32 s25, v11;
	_ =	sdelay $0x3  }
0x40c: {  	[tilespmem:$0x3870] =	vst v0  }
0x40d: {  	v0 =	vld.idx.msk [tilespmem:v7+s3+$0x0], $0xffff  }
0x40e: {  	v7 =	vadd.s32 s25, v12;
	_ =	sdelay $0x3  }
0x40f: {  	[tilespmem:$0x3880] =	vst v0  }
0x410: {  	v0 =	vld.idx.msk [tilespmem:v7+s3+$0x0], $0xffff  }
0x411: {  	v7 =	vadd.s32 s25, v20;
	_ =	sdelay $0x3  }
0x412: {  	[tilespmem:$0x3890] =	vst v0  }
0x413: {  	v0 =	vld.idx.msk [tilespmem:v7+s3+$0x0], $0xffff  }
0x414: {  	v7 =	vadd.s32 s25, v25;
	_ =	sdelay $0x3  }
0x415: {  	[tilespmem:$0x38A0] =	vst v0  }
0x416: {  	v0 =	vld.idx.msk [tilespmem:v7+s3+$0x0], $0xffff  }
0x417: {  	v7 =	vadd.s32 s25, v27;
	_ =	sdelay $0x3  }
0x418: {  	[tilespmem:$0x38B0] =	vst v0  }
0x419: {  	v0 =	vld.idx.msk [tilespmem:v7+s3+$0x0], $0xffff  }
0x41a: {  	v7 =	vadd.s32 s25, v28;
	_ =	sdelay $0x3  }
0x41b: {  	[tilespmem:$0x38C0] =	vst v0  }
0x41c: {  	v0 =	vld.idx.msk [tilespmem:v7+s3+$0x0], $0xffff  }
0x41d: {  	v7 =	vadd.s32 s25, v1;
	_ =	sdelay $0x3  }
0x41e: {  	[tilespmem:$0x38D0] =	vst v0  }
0x41f: {  	v0 =	vld.idx.msk [tilespmem:v7+s3+$0x0], $0xffff  }
0x420: {  	v7 =	vadd.s32 s25, v4;
	_ =	sdelay $0x3  }
0x421: {  	[tilespmem:$0x38E0] =	vst v0  }
0x422: {  	s26 =	sadd.s32 $0x2, s19;
	v0 =	vld.idx.msk [tilespmem:v7+s3+$0x0], $0xffff  }
0x423: {  	v7 =	vadd.s32 s26, v11;
	_ =	sdelay $0x3  }
0x424: {  	[tilespmem:$0x38F0] =	vst v0  }
0x425: {  	v0 =	vld.idx.msk [tilespmem:v7+s3+$0x0], $0xffff  }
0x426: {  	v7 =	vadd.s32 s26, v12;
	_ =	sdelay $0x3  }
0x427: {  	[tilespmem:$0x3900] =	vst v0  }
0x428: {  	v0 =	vld.idx.msk [tilespmem:v7+s3+$0x0], $0xffff  }
0x429: {  	v7 =	vadd.s32 s26, v20;
	_ =	sdelay $0x3  }
0x42a: {  	[tilespmem:$0x3910] =	vst v0  }
0x42b: {  	v0 =	vld.idx.msk [tilespmem:v7+s3+$0x0], $0xffff  }
0x42c: {  	v7 =	vadd.s32 s26, v25;
	_ =	sdelay $0x3  }
0x42d: {  	[tilespmem:$0x3920] =	vst v0  }
0x42e: {  	v0 =	vld.idx.msk [tilespmem:v7+s3+$0x0], $0xffff  }
0x42f: {  	v7 =	vadd.s32 s26, v27;
	_ =	sdelay $0x3  }
0x430: {  	[tilespmem:$0x3930] =	vst v0  }
0x431: {  	v0 =	vld.idx.msk [tilespmem:v7+s3+$0x0], $0xffff  }
0x432: {  	v7 =	vadd.s32 s26, v28;
	_ =	sdelay $0x3  }
0x433: {  	[tilespmem:$0x3940] =	vst v0  }
0x434: {  	v0 =	vld.idx.msk [tilespmem:v7+s3+$0x0], $0xffff  }
0x435: {  	v7 =	vadd.s32 s26, v1;
	_ =	sdelay $0x3  }
0x436: {  	[tilespmem:$0x3950] =	vst v0  }
0x437: {  	v0 =	vld.idx.msk [tilespmem:v7+s3+$0x0], $0xffff  }
0x438: {  	v7 =	vadd.s32 s26, v4;
	_ =	sdelay $0x3  }
0x439: {  	[tilespmem:$0x3960] =	vst v0  }
0x43a: {  	s28 =	sadd.s32 $0x3, s19;
	v0 =	vld.idx.msk [tilespmem:v7+s3+$0x0], $0xffff  }
0x43b: {  	v7 =	vadd.s32 s28, v11;
	_ =	sdelay $0x3  }
0x43c: {  	[tilespmem:$0x3970] =	vst v0  }
0x43d: {  	v0 =	vld.idx.msk [tilespmem:v7+s3+$0x0], $0xffff  }
0x43e: {  	v7 =	vadd.s32 s28, v12;
	_ =	sdelay $0x3  }
0x43f: {  	[tilespmem:$0x3980] =	vst v0  }
0x440: {  	v0 =	vld.idx.msk [tilespmem:v7+s3+$0x0], $0xffff  }
0x441: {  	v7 =	vadd.s32 s28, v20;
	_ =	sdelay $0x3  }
0x442: {  	[tilespmem:$0x3990] =	vst v0  }
0x443: {  	v0 =	vld.idx.msk [tilespmem:v7+s3+$0x0], $0xffff  }
0x444: {  	v7 =	vadd.s32 s28, v25;
	_ =	sdelay $0x3  }
0x445: {  	[tilespmem:$0x39A0] =	vst v0  }
0x446: {  	v0 =	vld.idx.msk [tilespmem:v7+s3+$0x0], $0xffff  }
0x447: {  	v7 =	vadd.s32 s28, v27;
	_ =	sdelay $0x3  }
0x448: {  	[tilespmem:$0x39B0] =	vst v0  }
0x449: {  	v0 =	vld.idx.msk [tilespmem:v7+s3+$0x0], $0xffff  }
0x44a: {  	v7 =	vadd.s32 s28, v28;
	_ =	sdelay $0x3  }
0x44b: {  	[tilespmem:$0x39C0] =	vst v0  }
0x44c: {  	v0 =	vld.idx.msk [tilespmem:v7+s3+$0x0], $0xffff  }
0x44d: {  	v7 =	vadd.s32 s28, v1;
	_ =	sdelay $0x3  }
0x44e: {  	[tilespmem:$0x39D0] =	vst v0  }
0x44f: {  	v0 =	vld.idx.msk [tilespmem:v7+s3+$0x0], $0xffff  }
0x450: {  	v7 =	vadd.s32 s28, v4;
	_ =	sdelay $0x3  }
0x451: {  	[tilespmem:$0x39E0] =	vst v0  }
0x452: {  	s19 =	sadd.s32 $0x4, s19;
	v0 =	vld.idx.msk [tilespmem:v7+s3+$0x0], $0xffff  }
0x453: {  	v7 =	vadd.s32 s19, v11;
	_ =	sdelay $0x3  }
0x454: {  	[tilespmem:$0x39F0] =	vst v0  }
0x455: {  	v0 =	vld.idx.msk [tilespmem:v7+s3+$0x0], $0xffff  }
0x456: {  	v7 =	vadd.s32 s19, v12;
	_ =	sdelay $0x3  }
0x457: {  	[tilespmem:$0x3A00] =	vst v0  }
0x458: {  	v0 =	vld.idx.msk [tilespmem:v7+s3+$0x0], $0xffff  }
0x459: {  	v7 =	vadd.s32 s19, v20;
	_ =	sdelay $0x3  }
0x45a: {  	[tilespmem:$0x3A10] =	vst v0  }
0x45b: {  	v0 =	vld.idx.msk [tilespmem:v7+s3+$0x0], $0xffff  }
0x45c: {  	v7 =	vadd.s32 s19, v25;
	_ =	sdelay $0x3  }
0x45d: {  	[tilespmem:$0x3A20] =	vst v0  }
0x45e: {  	v0 =	vld.idx.msk [tilespmem:v7+s3+$0x0], $0xffff  }
0x45f: {  	v7 =	vadd.s32 s19, v27;
	_ =	sdelay $0x3  }
0x460: {  	[tilespmem:$0x3A30] =	vst v0  }
0x461: {  	v0 =	vld.idx.msk [tilespmem:v7+s3+$0x0], $0xffff  }
0x462: {  	v7 =	vadd.s32 s19, v28;
	_ =	sdelay $0x3  }
0x463: {  	[tilespmem:$0x3A40] =	vst v0  }
0x464: {  	v0 =	vld.idx.msk [tilespmem:v7+s3+$0x0], $0xffff  }
0x465: {  	v7 =	vadd.s32 s19, v1;
	_ =	sdelay $0x3  }
0x466: {  	[tilespmem:$0x3A50] =	vst v0  }
0x467: {  	v0 =	vld.idx.msk [tilespmem:v7+s3+$0x0], $0xffff  }
0x468: {  	v7 =	vadd.s32 s19, v4;
	_ =	sdelay $0x3  }
0x469: {  	[tilespmem:$0x3A60] =	vst v0  }
0x46a: {  	v0 =	vld.idx.msk [tilespmem:v7+s3+$0x0], $0xffff;
	_ =	sdelay $0x4  }
0x46b: {  	s21 =	simm.s32 $0x3800;
	[tilespmem:$0x3A70] =	vst v0  }
0x46c: {  	[tilespmem:s13], [sflag:$0x1] =	stream.indirect.gather [hbm4b:s4+s11], $0x20, s21, s11, $0xb8;
	[tilespmem:$0x17D00] =	vst v63  }
0x46d: {  	s23 =	simm.s32 $0x3880;
	s25 =	simm.s32 $0x4D00  }
0x46e: {  	[tilespmem:s25], [sflag:$0x1] =	stream.indirect.gather [hbm4b:s4+s11], $0x20, s23, s11, $0xb8;
	[tilespmem:$0x17D00] =	vst v63  }
0x46f: {  	s26 =	simm.s32 $0x3900;
	s28 =	simm.s32 $0x5D00  }
0x470: {  	[tilespmem:s28], [sflag:$0x1] =	stream.indirect.gather [hbm4b:s4+s11], $0x20, s26, s11, $0xb8;
	[tilespmem:$0x17D00] =	vst v63  }
0x471: {  	s23 =	simm.s32 $0x3980;
	s25 =	simm.s32 $0x6D00  }
0x472: {  	[tilespmem:s25], [sflag:$0x1] =	stream.indirect.gather [hbm4b:s4+s11], $0x20, s23, s11, $0xb8;
	[tilespmem:$0x17D00] =	vst v63  }
0x473: {  	s26 =	simm.s32 $0x3A00;
	s28 =	simm.s32 $0x7D00  }
0x474: {  	v4 =	vld [tilespmem:$0x1FD10];
	[tilespmem:s28], [sflag:$0x1] =	stream.indirect.gather [hbm4b:s4+s11], $0x20, s26, s11, $0xb8  }
.LBB2_6:
0x475: {  	_ =	swait.ge [sflag:s15], $0x1000  }
0x476: {  	[sflag:s15] =	ssyncset.done $0x0  }
0x477: {  	[sflag:s15] =	ssyncadd.s32 $0xFFFFF000  }
0x478: {  	_ =	swait.ge [sflag:s15], $0x1000  }
0x479: {  	[sflag:s15] =	ssyncset.done $0x0  }
0x47a: {  	[sflag:s15] =	ssyncadd.s32 $0xFFFFF000  }
0x47b: {  	_ =	swait.ge [sflag:s15], $0x1000  }
0x47c: {  	[sflag:s15] =	ssyncset.done $0x0  }
0x47d: {  	[sflag:s15] =	ssyncadd.s32 $0xFFFFF000  }
0x47e: {  	_ =	swait.ge [sflag:s15], $0x1000  }
0x47f: {  	[sflag:s15] =	ssyncset.done $0x0  }
0x480: {  	[sflag:s15] =	ssyncadd.s32 $0xFFFFF000  }
0x481: {  	_ =	swait.ge [sflag:s15], $0x1000  }
0x482: {  	[sflag:s15] =	ssyncset.done $0x0  }
0x483: {  	s21 =	simm.s32 @!p0 $0x4;
	[sflag:s15] =	ssyncadd.s32 $0xFFFFF000  }
0x484: {  	_ =	swait.ge @!p0 [sflag:s21], $0x5000  }
0x485: {  	v1 =	vld [tilespmem:$0x1FE30]  }
0x486: {  	s19 =	simm.s32 $0x0  }
0x487: {  	v0 =	vor.u32 s19, v63  }
0x488: {  	s26 =	simm.s32 $0x0;
	v7 =	vshll.u32 v0, $0x5  }
0x489: {  	v7 =	vadd.s32 s26, v7  }
0x48a: {  	v11 =	vor.u32 v1, v7;
	v1 =	vld [tilespmem:$0x1FE40];
	_ =	sdelay $0x4  }
0x48b: {  	v12 =	vor.u32 v1, v7;
	v1 =	vld [tilespmem:$0x1FE50];
	_ =	sdelay $0x1  }
0x48c: {  	v10 =	vor.u32 v63, v7;
	_ =	sdelay $0x2  }
0x48d: {  	[sflag:s21] =	ssyncset.done @!p0 $0x0;
	v20 =	vor.u32 v1, v7;
	v1 =	vld [tilespmem:$0x1FE60]  }
0x48e: {  	[sflag:s21] =	ssyncadd.s32 @!p0 $0xFFFFB000  }
0x48f: {  	v25 =	vld.idx.msk [tilespmem:v10+s24+$0x0], $0xffff  }
0x490: {  	v19 =	vld [tilespmem:$0x1FE70]  }
0x491: {  	v27 =	vld.idx.msk [tilespmem:v11+s24+$0x0], $0xffff  }
0x492: {  	v2 =	vld [tilespmem:$0x1FEA0];
	v11 =	vor.u32 v1, v7  }
0x493: {  	v10 =	vld.idx.msk [tilespmem:v12+s24+$0x0], $0xffff  }
0x494: {  	v28 =	vmul.f32 v25, v25  }
0x495: {  	v20 =	vld.idx.msk [tilespmem:v20+s24+$0x0], $0xffff  }
0x496: {  	v29 =	vadd.f32 $1.000000020e-24, v28;
	v12 =	vor.u32 v19, v7;
	v32 =	vmul.f32 v27, v27  }
0x497: {  	v28 =	vld.idx.msk [tilespmem:v11+s24+$0x0], $0xffff;
	v11 =	vor.u32 v2, v7  }
0x498: {  	v32 =	vadd.f32 v32, v29;
	v33 =	vmul.f32 v10, v10;
	v2 =	vld [tilespmem:$0x1FEB0];
	_ =	sdelay $0x1  }
0x499: {  	v1 =	vld [tilespmem:$0x1FE90];
	v32 =	vadd.f32 v33, v32;
	v48 =	vmul.f32 v20, v20  }
0x49a: {  	v29 =	vld.idx.msk [tilespmem:v12+s24+$0x0], $0xffff  }
0x49b: {  	v12 =	vor.u32 v5, v7;
	v33 =	vadd.f32 v48, v32;
	v32 =	vld.idx.msk [tilespmem:v11+s24+$0x0], $0xffff  }
0x49c: {  	v11 =	vor.u32 v2, v7;
	v2 =	vld [tilespmem:$0x1FEC0];
	_ =	sdelay $0x1  }
0x49d: {  	v30 =	vor.u32 v1, v7;
	v35 =	vmul.f32 v28, v28;
	_ =	sdelay $0x1  }
0x49e: {  	v35 =	vadd.f32 v35, v33;
	v33 =	vld.idx.msk [tilespmem:v12+s24+$0x0], $0xffff  }
0x49f: {  	v12 =	vor.u32 v2, v7;
	v2 =	vld [tilespmem:$0x1FED0];
	_ =	sdelay $0x1  }
0x4a0: {  	v30 =	vld.idx.msk [tilespmem:v30+s24+$0x0], $0xffff;
	_ =	sdelay $0x2  }
0x4a1: {  	v36 =	vmul.f32 v29, v29;
	v37 =	vor.u32 v2, v7;
	v2 =	vld [tilespmem:$0x1FEE0];
	_ =	sdelay $0x1  }
0x4a2: {  	v35 =	vadd.f32 v36, v35;
	v49 =	vmul.f32 v30, v30;
	_ =	sdelay $0x1  }
0x4a3: {  	v36 =	vadd.f32 v49, v35;
	v35 =	vld.idx.msk [tilespmem:v11+s24+$0x0], $0xffff  }
0x4a4: {  	v11 =	vor.u32 v2, v7;
	v2 =	vld [tilespmem:$0x1FEF0];
	_ =	sdelay $0x1  }
0x4a5: {  	v34 =	vor.u32 v4, v7;
	v38 =	vmul.f32 v32, v32;
	_ =	sdelay $0x1  }
0x4a6: {  	v38 =	vadd.f32 v38, v36;
	v36 =	vld.idx.msk [tilespmem:v12+s24+$0x0], $0xffff  }
0x4a7: {  	v12 =	vor.u32 v2, v7;
	v2 =	vld [tilespmem:$0x1FF00];
	_ =	sdelay $0x1  }
0x4a8: {  	v34 =	vld.idx.msk [tilespmem:v34+s24+$0x0], $0xffff;
	_ =	sdelay $0x2  }
0x4a9: {  	v39 =	vmul.f32 v33, v33;
	v40 =	vor.u32 v2, v7;
	v2 =	vld [tilespmem:$0x1FF10];
	_ =	sdelay $0x1  }
0x4aa: {  	v50 =	vmul.f32 v34, v34;
	v38 =	vadd.f32 v39, v38;
	_ =	sdelay $0x1  }
0x4ab: {  	v39 =	vadd.f32 v50, v38;
	v38 =	vld.idx.msk [tilespmem:v11+s24+$0x0], $0xffff  }
0x4ac: {  	v11 =	vor.u32 v2, v7;
	v2 =	vld [tilespmem:$0x1F860];
	_ =	sdelay $0x1  }
0x4ad: {  	v37 =	vld.idx.msk [tilespmem:v37+s24+$0x0], $0xffff  }
0x4ae: {  	v41 =	vmul.f32 v35, v35;
	_ =	sdelay $0x1  }
0x4af: {  	v41 =	vadd.f32 v41, v39;
	v42 =	vmul.f32 v36, v36;
	v43 =	vor.u32 v2, v7;
	v2 =	vld [tilespmem:$0x1F870];
	_ =	sdelay $0x1  }
0x4b0: {  	v41 =	vadd.f32 v42, v41;
	v51 =	vmul.f32 v37, v37  }
0x4b1: {  	v39 =	vld.idx.msk [tilespmem:v12+s24+$0x0], $0xffff  }
0x4b2: {  	v42 =	vadd.f32 v51, v41;
	v41 =	vld.idx.msk [tilespmem:v11+s24+$0x0], $0xffff  }
0x4b3: {  	v11 =	vor.u32 v2, v7;
	v2 =	vld [tilespmem:$0x1F880];
	_ =	sdelay $0x1  }
0x4b4: {  	v40 =	vld.idx.msk [tilespmem:v40+s24+$0x0], $0xffff  }
0x4b5: {  	v12 =	vor.u32 v60, v7;
	v44 =	vmul.f32 v38, v38;
	_ =	sdelay $0x1  }
0x4b6: {  	v44 =	vadd.f32 v44, v42;
	v45 =	vmul.f32 v39, v39;
	v46 =	vor.u32 v2, v7;
	v2 =	vld [tilespmem:$0x1F890];
	_ =	sdelay $0x1  }
0x4b7: {  	v44 =	vadd.f32 v45, v44;
	v52 =	vmul.f32 v40, v40  }
0x4b8: {  	v42 =	vld.idx.msk [tilespmem:v12+s24+$0x0], $0xffff  }
0x4b9: {  	v12 =	vor.u32 v61, v7;
	v45 =	vadd.f32 v52, v44;
	v44 =	vld.idx.msk [tilespmem:v11+s24+$0x0], $0xffff  }
0x4ba: {  	v11 =	vor.u32 v2, v7;
	v2 =	vld [tilespmem:$0x1F8A0];
	_ =	sdelay $0x1  }
0x4bb: {  	v47 =	vmul.f32 v41, v41  }
0x4bc: {  	v43 =	vld.idx.msk [tilespmem:v43+s24+$0x0], $0xffff  }
0x4bd: {  	v47 =	vadd.f32 v47, v45;
	v45 =	vld.idx.msk [tilespmem:v12+s24+$0x0], $0xffff  }
0x4be: {  	v12 =	vor.u32 v2, v7;
	v2 =	vld [tilespmem:$0x1F8B0]  }
0x4bf: {  	v4 =	vld [tilespmem:$0x1FD20]  }
0x4c0: {  	v48 =	vmul.f32 v42, v42;
	_ =	sdelay $0x1  }
0x4c1: {  	v47 =	vadd.f32 v48, v47;
	v53 =	vmul.f32 v43, v43  }
0x4c2: {  	v49 =	vor.u32 v2, v7;
	v2 =	vld [tilespmem:$0x1F8C0]  }
0x4c3: {  	v47 =	vadd.f32 v53, v47;
	v53 =	vor.u32 v4, v7;
	v4 =	vld [tilespmem:$0x1FD30];
	_ =	sdelay $0x1  }
0x4c4: {  	v46 =	vld.idx.msk [tilespmem:v46+s24+$0x0], $0xffff  }
0x4c5: {  	v54 =	vmul.f32 v44, v44;
	v11 =	vld.idx.msk [tilespmem:v11+s24+$0x0], $0xffff  }
0x4c6: {  	v50 =	vor.u32 v62, v7;
	v51 =	vor.u32 v2, v7;
	v2 =	vld [tilespmem:$0x1F8D0]  }
0x4c7: {  	v55 =	vmul.f32 v45, v45;
	v47 =	vadd.f32 v54, v47;
	v54 =	vor.u32 v4, v7;
	v4 =	vld [tilespmem:$0x1FD40]  }
0x4c8: {  	v12 =	vld.idx.msk [tilespmem:v12+s24+$0x0], $0xffff  }
0x4c9: {  	v47 =	vadd.f32 v55, v47;
	v56 =	vmul.f32 v46, v46  }
0x4ca: {  	v49 =	vld.idx.msk [tilespmem:v49+s24+$0x0], $0xffff  }
0x4cb: {  	v47 =	vadd.f32 v56, v47;
	v57 =	vmul.f32 v11, v11;
	v52 =	vor.u32 v2, v7  }
0x4cc: {  	v50 =	vld.idx.msk [tilespmem:v50+s24+$0x0], $0xffff  }
0x4cd: {  	v55 =	vor.u32 v4, v7;
	v4 =	vld [tilespmem:$0x1FFF0];
	v47 =	vadd.f32 v57, v47;
	v58 =	vmul.f32 v12, v12  }
0x4ce: {  	v51 =	vld.idx.msk [tilespmem:v51+s24+$0x0], $0xffff  }
0x4cf: {  	v47 =	vadd.f32 v58, v47;
	v59 =	vmul.f32 v49, v49  }
0x4d0: {  	v52 =	vld.idx.msk [tilespmem:v52+s24+$0x0], $0xffff  }
0x4d1: {  	v57 =	vmul.f32 v50, v50;
	v47 =	vadd.f32 v59, v47  }
0x4d2: {  	v53 =	vld.idx.msk [tilespmem:v53+s24+$0x0], $0xffff  }
0x4d3: {  	v7 =	vor.u32 v4, v7;
	v47 =	vadd.f32 v57, v47;
	v58 =	vmul.f32 v51, v51  }
0x4d4: {  	v54 =	vld.idx.msk [tilespmem:v54+s24+$0x0], $0xffff  }
0x4d5: {  	v47 =	vadd.f32 v58, v47;
	v59 =	vmul.f32 v52, v52  }
0x4d6: {  	v55 =	vld.idx.msk [tilespmem:v55+s24+$0x0], $0xffff  }
0x4d7: {  	v56 =	vmul.f32 v53, v53;
	v47 =	vadd.f32 v59, v47  }
0x4d8: {  	v7 =	vld.idx.msk [tilespmem:v7+s24+$0x0], $0xffff  }
0x4d9: {  	v57 =	vmul.f32 v54, v54;
	v47 =	vadd.f32 v56, v47;
	_ =	sdelay $0x1  }
0x4da: {  	v58 =	vmul.f32 v55, v55;
	v47 =	vadd.f32 v57, v47;
	_ =	sdelay $0x1  }
0x4db: {  	v59 =	vmul.f32 v7, v7;
	v47 =	vadd.f32 v58, v47;
	_ =	sdelay $0x1  }
0x4dc: {  	v47 =	vadd.f32 v59, v47;
	_ =	sdelay $0x1  }
0x4dd: {  	v48 =	vshrl.u32 v47, $0x1;
	v47 =	vmul.f32 $5.000000000e-01, v47  }
0x4de: {  	v48 =	vsub.s32 $0x5F3759DF, v48  }
0x4df: {  	v56 =	vmul.f32 v48, v47;
	_ =	sdelay $0x1  }
0x4e0: {  	v56 =	vmul.f32 v48, v56;
	_ =	sdelay $0x1  }
0x4e1: {  	v56 =	vsub.f32 $1.500000000e+00, v56;
	_ =	sdelay $0x1  }
0x4e2: {  	v48 =	vmul.f32 v48, v56;
	_ =	sdelay $0x1  }
0x4e3: {  	v56 =	vmul.f32 v48, v47;
	_ =	sdelay $0x1  }
0x4e4: {  	v56 =	vmul.f32 v56, v48;
	_ =	sdelay $0x1  }
0x4e5: {  	v56 =	vsub.f32 $1.500000000e+00, v56;
	_ =	sdelay $0x1  }
0x4e6: {  	v48 =	vmul.f32 v56, v48;
	_ =	sdelay $0x1  }
0x4e7: {  	v47 =	vmul.f32 v48, v47  }
0x4e8: {  	v4 =	vld [tilespmem:$0x1FF70]  }
0x4e9: {  	v47 =	vmul.f32 v47, v48;
	_ =	sdelay $0x1  }
0x4ea: {  	v0 =	vand.u32 $0xFFFFFFF8, v0;
	v47 =	vsub.f32 $1.500000000e+00, v47  }
0x4eb: {  	v0 =	vadd.s32 s26, v0  }
0x4ec: {  	v47 =	vmul.f32 v47, v48;
	v48 =	vadd.s32 v4, v0;
	v4 =	vld [tilespmem:$0x1FA90];
	_ =	sdelay $0x4  }
0x4ed: {  	v2 =	vmov v4;
	v56 =	vadd.s32 v4, v0;
	v4 =	vld [tilespmem:$0x1FF80];
	_ =	sdelay $0x4  }
0x4ee: {  	v24 =	vmov v4;
	v57 =	vadd.s32 v4, v0;
	v4 =	vld [tilespmem:$0x1FDE0];
	_ =	sdelay $0x4  }
0x4ef: {  	v47 =	vmul.f32 $5.656854150e+00, v47;
	v3 =	vmov v4;
	v58 =	vadd.s32 v4, v0;
	v4 =	vld [tilespmem:$0x1FE00];
	_ =	sdelay $0x1  }
0x4f0: {  	v25 =	vmul.f32 v47, v25;
	_ =	sdelay $0x1  }
0x4f1: {  	[tilespmem:v48+s16+$0x0] =	vst.idx.msk $0xffff, v25;
	v48 =	vmov v1;
	v1 =	vld [tilespmem:$0x1FFA0]  }
0x4f2: {  	v59 =	vadd.s32 v4, v0;
	v4 =	vld [tilespmem:$0x1FFB0];
	_ =	sdelay $0x1  }
0x4f3: {  	v27 =	vmul.f32 v47, v27;
	_ =	sdelay $0x1  }
0x4f4: {  	[tilespmem:v56+s16+$0x0] =	vst.idx.msk $0xffff, v27;
	v27 =	vadd.s32 v1, v0;
	v1 =	vld [tilespmem:$0x1FE10]  }
0x4f5: {  	v6 =	vmov v4;
	v25 =	vadd.s32 v4, v0;
	v4 =	vld [tilespmem:$0x1FD50];
	_ =	sdelay $0x1  }
0x4f6: {  	v10 =	vmul.f32 v47, v10  }
0x4f7: {  	v20 =	vmul.f32 v47, v20  }
0x4f8: {  	[tilespmem:v57+s16+$0x0] =	vst.idx.msk $0xffff, v10;
	v10 =	vmul.f32 v47, v28;
	v28 =	vadd.s32 v1, v0;
	v1 =	vld [tilespmem:$0x1FD60]  }
0x4f9: {  	[tilespmem:v58+s16+$0x0] =	vst.idx.msk $0xffff, v20;
	v20 =	vmul.f32 v47, v29;
	v29 =	vadd.s32 v4, v0;
	v4 =	vld [tilespmem:$0x1FAA0];
	_ =	sdelay $0x2  }
0x4fa: {  	[tilespmem:v59+s16+$0x0] =	vst.idx.msk $0xffff, v10;
	v10 =	vmul.f32 v47, v30  }
0x4fb: {  	[tilespmem:v25+s16+$0x0] =	vst.idx.msk $0xffff, v20;
	v20 =	vmul.f32 v47, v32;
	v25 =	vadd.s32 v1, v0;
	v1 =	vld [tilespmem:$0x1FAB0]  }
0x4fc: {  	[tilespmem:v27+s16+$0x0] =	vst.idx.msk $0xffff, v10;
	v10 =	vmul.f32 v47, v33;
	v30 =	vadd.s32 v4, v0  }
0x4fd: {  	[tilespmem:v28+s16+$0x0] =	vst.idx.msk $0xffff, v20;
	v28 =	vld [tilespmem:$0x1FE80]  }
0x4fe: {  	[tilespmem:v29+s16+$0x0] =	vst.idx.msk $0xffff, v10;
	v29 =	vld [tilespmem:$0x1FD70]  }
0x4ff: {  	v20 =	vmul.f32 v47, v34  }
0x500: {  	v27 =	vadd.s32 v1, v0;
	v10 =	vmul.f32 v47, v35  }
0x501: {  	[tilespmem:v30+s16+$0x0] =	vst.idx.msk $0xffff, v20;
	v30 =	vld [tilespmem:$0x1FD80]  }
0x502: {  	v28 =	vadd.s32 v28, v0;
	[tilespmem:v25+s16+$0x0] =	vst.idx.msk $0xffff, v10;
	v25 =	vld [tilespmem:$0x1FF30]  }
0x503: {  	v29 =	vadd.s32 v29, v0;
	v20 =	vmul.f32 v47, v36;
	_ =	sdelay $0x1  }
0x504: {  	v10 =	vmul.f32 v47, v37;
	[tilespmem:v27+s16+$0x0] =	vst.idx.msk $0xffff, v20;
	v27 =	vld [tilespmem:$0x1FAC0]  }
0x505: {  	v20 =	vmul.f32 v47, v38;
	v30 =	vadd.s32 v30, v0  }
0x506: {  	[tilespmem:v28+s16+$0x0] =	vst.idx.msk $0xffff, v10;
	v28 =	vld [tilespmem:$0x1FF40];
	v22 =	vmov v25;
	v25 =	vadd.s32 v25, v0  }
0x507: {  	[tilespmem:v29+s16+$0x0] =	vst.idx.msk $0xffff, v20;
	v29 =	vld [tilespmem:$0x1FF50]  }
0x508: {  	v10 =	vmul.f32 v47, v39  }
0x509: {  	v20 =	vmul.f32 v47, v40;
	v27 =	vadd.s32 v27, v0  }
0x50a: {  	[tilespmem:v30+s16+$0x0] =	vst.idx.msk $0xffff, v10;
	v30 =	vld [tilespmem:$0x1FF60]  }
0x50b: {  	v23 =	vmov v28;
	v28 =	vadd.s32 v28, v0;
	[tilespmem:v25+s16+$0x0] =	vst.idx.msk $0xffff, v20;
	v25 =	vld [tilespmem:$0x1FFC0]  }
0x50c: {  	v26 =	vmov v29;
	v29 =	vadd.s32 v29, v0;
	v10 =	vmul.f32 v47, v41;
	_ =	sdelay $0x1  }
0x50d: {  	v20 =	vmul.f32 v47, v42;
	[tilespmem:v27+s16+$0x0] =	vst.idx.msk $0xffff, v10;
	v27 =	vld [tilespmem:$0x1FD90]  }
0x50e: {  	v10 =	vmul.f32 v47, v43;
	v31 =	vmov v30;
	v30 =	vadd.s32 v30, v0  }
0x50f: {  	[tilespmem:v28+s16+$0x0] =	vst.idx.msk $0xffff, v20;
	v25 =	vadd.s32 v25, v0  }
0x510: {  	[tilespmem:v29+s16+$0x0] =	vst.idx.msk $0xffff, v10;
	v10 =	vld [tilespmem:$0x1FDA0]  }
0x511: {  	v20 =	vmul.f32 v47, v44  }
0x512: {  	v28 =	vmul.f32 v47, v45;
	v27 =	vadd.s32 v27, v0  }
0x513: {  	[tilespmem:v30+s16+$0x0] =	vst.idx.msk $0xffff, v20;
	v20 =	vld [tilespmem:$0x1FF20]  }
0x514: {  	[tilespmem:v25+s16+$0x0] =	vst.idx.msk $0xffff, v28;
	v25 =	vld [tilespmem:$0x1FF90]  }
0x515: {  	v29 =	vmul.f32 v47, v46;
	v5 =	vmov v10;
	v10 =	vadd.s32 v10, v0;
	_ =	sdelay $0x1  }
0x516: {  	[tilespmem:v27+s16+$0x0] =	vst.idx.msk $0xffff, v29;
	v27 =	vld [tilespmem:$0x1FFE0]  }
0x517: {  	v11 =	vmul.f32 v47, v11;
	v8 =	vmov v20;
	v20 =	vadd.s32 v20, v0  }
0x518: {  	v29 =	vld [tilespmem:$0x1FDF0];
	v16 =	vmov v25;
	v25 =	vadd.s32 v25, v0  }
0x519: {  	[tilespmem:v10+s16+$0x0] =	vst.idx.msk $0xffff, v11;
	v10 =	vld [tilespmem:$0x1FFD0]  }
0x51a: {  	v12 =	vmul.f32 v47, v12;
	v11 =	vld [tilespmem:$0x1FDC0]  }
0x51b: {  	v28 =	vmul.f32 v47, v49;
	v30 =	vadd.s32 v27, v0;
	v27 =	vld [tilespmem:$0x1FDB0]  }
0x51c: {  	[tilespmem:v20+s16+$0x0] =	vst.idx.msk $0xffff, v12;
	v12 =	vld [tilespmem:$0x1FDD0]  }
0x51d: {  	[tilespmem:v25+s16+$0x0] =	vst.idx.msk $0xffff, v28;
	v28 =	vld [tilespmem:$0x1FE20];
	_ =	sdelay $0x2  }
0x51e: {  	v9 =	vmov v27;
	v27 =	vadd.s32 v27, v0  }
0x51f: {  	v21 =	vmovc v29;
	v29 =	vadd.s32 v29, v0;
	v10 =	vadd.s32 v10, v0;
	v13 =	vmov v11  }
0x520: {  	v11 =	vadd.s32 v11, v0;
	v18 =	vmovc v12;
	v12 =	vadd.s32 v12, v0;
	v57 =	vadd.s32 v28, v0;
	v0 =	vld [tilespmem:$0x1FE30]  }
0x521: {  	s28 =	simm.s32 $0x10;
	v20 =	vmul.f32 v47, v50  }
0x522: {  	v50 =	vmul.f32 v47, v51;
	v51 =	vor.u32 s28, v63  }
0x523: {  	s23 =	simm.s32 $0x0;
	v25 =	vmul.f32 v47, v7;
	[tilespmem:v27+s16+$0x0] =	vst.idx.msk $0xffff, v20;
	v20 =	vshll.u32 v51, $0x5  }
0x524: {  	v7 =	vmul.f32 v47, v52;
	v52 =	vmul.f32 v47, v55;
	v55 =	vmovc v19;
	v19 =	vmovc v28;
	v28 =	vadd.s32 s23, v20  }
0x525: {  	[tilespmem:v11+s16+$0x0] =	vst.idx.msk $0xffff, v50;
	v32 =	vor.u32 v0, v28;
	v0 =	vld [tilespmem:$0x1FE40]  }
0x526: {  	[tilespmem:v12+s16+$0x0] =	vst.idx.msk $0xffff, v7;
	v7 =	vld [tilespmem:$0x1FE60];
	_ =	sdelay $0x1  }
0x527: {  	v27 =	vmul.f32 v47, v53;
	_ =	sdelay $0x1  }
0x528: {  	[tilespmem:v29+s16+$0x0] =	vst.idx.msk $0xffff, v27;
	v27 =	vor.u32 v0, v28;
	v0 =	vld [tilespmem:$0x1FE50]  }
0x529: {  	v35 =	vor.u32 v7, v28;
	v7 =	vld [tilespmem:$0x1FEA0];
	_ =	sdelay $0x1  }
0x52a: {  	v11 =	vmul.f32 v47, v54  }
0x52b: {  	v34 =	vor.u32 v63, v28  }
0x52c: {  	v29 =	vor.u32 v55, v28;
	[tilespmem:v10+s16+$0x0] =	vst.idx.msk $0xffff, v11;
	v36 =	vor.u32 v0, v28;
	v0 =	vand.u32 $0xFFFFFFF8, v51  }
0x52d: {  	s19 =	simm.s32 $0x2;
	s21 =	simm.s32 $0x10;
	[tilespmem:v30+s16+$0x0] =	vst.idx.msk $0xffff, v52;
	v30 =	vor.u32 v48, v28;
	v33 =	vor.u32 v7, v28;
	v0 =	vadd.s32 s23, v0  }
.LBB2_7:
0x52e: {  	[tilespmem:v57+s16+$0x0] =	vst.idx.msk $0xffff, v25;
	v25 =	vld [tilespmem:$0x1FF10];
	_ =	sdelay $0x4  }
0x52f: {  	v42 =	vor.u32 v25, v28;
	v25 =	vld [tilespmem:$0x1F860];
	_ =	sdelay $0x4  }
0x530: {  	v44 =	vor.u32 v25, v28;
	v25 =	vld [tilespmem:$0x1F870];
	_ =	sdelay $0x4  }
0x531: {  	v45 =	vor.u32 v25, v28;
	v25 =	vld [tilespmem:$0x1F880];
	_ =	sdelay $0x3  }
0x532: {  	v20 =	vld [tilespmem:$0x1FEC0]  }
0x533: {  	v47 =	vor.u32 v25, v28;
	v25 =	vld.idx.msk [tilespmem:v27+s24+$0x0], $0xffff  }
0x534: {  	v27 =	vld [tilespmem:$0x1F890];
	_ =	sdelay $0x3  }
0x535: {  	v37 =	vor.u32 v20, v28;
	v20 =	vld [tilespmem:$0x1FED0]  }
0x536: {  	v49 =	vor.u32 v27, v28;
	v27 =	vld [tilespmem:$0x1F8A0];
	_ =	sdelay $0x3  }
0x537: {  	v38 =	vor.u32 v20, v28;
	v20 =	vld [tilespmem:$0x1FEE0]  }
0x538: {  	v50 =	vor.u32 v27, v28;
	v27 =	vld [tilespmem:$0x1F8B0];
	_ =	sdelay $0x2  }
0x539: {  	v7 =	vld [tilespmem:$0x1FD00]  }
0x53a: {  	v39 =	vor.u32 v20, v28;
	v20 =	vld [tilespmem:$0x1FEF0]  }
0x53b: {  	v53 =	vor.u32 v27, v28;
	v27 =	vld [tilespmem:$0x1F8C0]  }
0x53c: {  	v10 =	vld [tilespmem:$0x1FD10]  }
0x53d: {  	v12 =	vld [tilespmem:$0x1FEB0]  }
0x53e: {  	v46 =	vor.u32 v61, v28;
	v61 =	vld [tilespmem:$0x1FD20]  }
0x53f: {  	v40 =	vor.u32 v20, v28;
	v20 =	vld [tilespmem:$0x1FF00]  }
0x540: {  	v58 =	vor.u32 v27, v28;
	v27 =	vld [tilespmem:$0x1F8D0]  }
0x541: {  	v57 =	vor.u32 v62, v28;
	v62 =	vld [tilespmem:$0x1FD30]  }
0x542: {  	v48 =	vld [tilespmem:$0x1FFF0]  }
0x543: {  	v11 =	vor.u32 v10, v28;
	v10 =	vld.idx.msk [tilespmem:v34+s24+$0x0], $0xffff  }
0x544: {  	v41 =	vor.u32 v20, v28;
	v20 =	vld.idx.msk [tilespmem:v32+s24+$0x0], $0xffff  }
0x545: {  	v59 =	vor.u32 v27, v28;
	v27 =	vld.idx.msk [tilespmem:v36+s24+$0x0], $0xffff  }
0x546: {  	v36 =	vld [tilespmem:$0x1FD40];
	_ =	sdelay $0x1  }
0x547: {  	v51 =	vmul.f32 v10, v10  }
0x548: {  	v43 =	vor.u32 v60, v28;
	v7 =	vor.u32 v7, v28;
	v12 =	vor.u32 v12, v28  }
0x549: {  	v60 =	vor.u32 v61, v28;
	v32 =	vadd.f32 $1.000000020e-24, v51;
	v51 =	vmul.f32 v20, v20  }
0x54a: {  	v54 =	vor.u32 v62, v28;
	v56 =	vor.u32 v48, v28;
	v55 =	vor.u32 v36, v28;
	v28 =	vld.idx.msk [tilespmem:v35+s24+$0x0], $0xffff  }
0x54b: {  	v52 =	vmul.f32 v25, v25;
	v32 =	vadd.f32 v51, v32  }
0x54c: {  	v29 =	vld.idx.msk [tilespmem:v29+s24+$0x0], $0xffff  }
0x54d: {  	v32 =	vadd.f32 v52, v32;
	v61 =	vmul.f32 v27, v27  }
0x54e: {  	v30 =	vld.idx.msk [tilespmem:v30+s24+$0x0], $0xffff  }
0x54f: {  	v34 =	vadd.f32 v61, v32;
	v35 =	vmul.f32 v28, v28  }
0x550: {  	v32 =	vld.idx.msk [tilespmem:v33+s24+$0x0], $0xffff  }
0x551: {  	v62 =	vmul.f32 v29, v29;
	v34 =	vadd.f32 v35, v34  }
0x552: {  	v33 =	vld.idx.msk [tilespmem:v7+s24+$0x0], $0xffff  }
0x553: {  	v36 =	vmul.f32 v30, v30;
	v7 =	vadd.f32 v62, v34  }
0x554: {  	v34 =	vld.idx.msk [tilespmem:v11+s24+$0x0], $0xffff  }
0x555: {  	v11 =	vmul.f32 v32, v32;
	v7 =	vadd.f32 v36, v7  }
0x556: {  	v35 =	vld.idx.msk [tilespmem:v12+s24+$0x0], $0xffff  }
0x557: {  	v7 =	vadd.f32 v11, v7;
	v11 =	vmul.f32 v33, v33  }
0x558: {  	v36 =	vld.idx.msk [tilespmem:v37+s24+$0x0], $0xffff  }
0x559: {  	v7 =	vadd.f32 v11, v7;
	v11 =	vmul.f32 v34, v34  }
0x55a: {  	v37 =	vld.idx.msk [tilespmem:v38+s24+$0x0], $0xffff  }
0x55b: {  	v7 =	vadd.f32 v11, v7;
	v11 =	vmul.f32 v35, v35  }
0x55c: {  	v38 =	vld.idx.msk [tilespmem:v39+s24+$0x0], $0xffff  }
0x55d: {  	v7 =	vadd.f32 v11, v7;
	v11 =	vmul.f32 v36, v36  }
0x55e: {  	v39 =	vld.idx.msk [tilespmem:v40+s24+$0x0], $0xffff  }
0x55f: {  	v7 =	vadd.f32 v11, v7;
	v11 =	vmul.f32 v37, v37  }
0x560: {  	v40 =	vld.idx.msk [tilespmem:v41+s24+$0x0], $0xffff  }
0x561: {  	v7 =	vadd.f32 v11, v7;
	v11 =	vmul.f32 v38, v38  }
0x562: {  	v41 =	vld.idx.msk [tilespmem:v42+s24+$0x0], $0xffff  }
0x563: {  	v7 =	vadd.f32 v11, v7;
	v11 =	vmul.f32 v39, v39  }
0x564: {  	v42 =	vld.idx.msk [tilespmem:v43+s24+$0x0], $0xffff  }
0x565: {  	v7 =	vadd.f32 v11, v7;
	v11 =	vmul.f32 v40, v40  }
0x566: {  	v43 =	vld.idx.msk [tilespmem:v44+s24+$0x0], $0xffff  }
0x567: {  	v7 =	vadd.f32 v11, v7;
	v11 =	vmul.f32 v41, v41  }
0x568: {  	v44 =	vld.idx.msk [tilespmem:v45+s24+$0x0], $0xffff  }
0x569: {  	v7 =	vadd.f32 v11, v7;
	v11 =	vmul.f32 v42, v42  }
0x56a: {  	v45 =	vld.idx.msk [tilespmem:v46+s24+$0x0], $0xffff  }
0x56b: {  	v7 =	vadd.f32 v11, v7;
	v11 =	vmul.f32 v43, v43  }
0x56c: {  	v48 =	vld.idx.msk [tilespmem:v47+s24+$0x0], $0xffff  }
0x56d: {  	v7 =	vadd.f32 v11, v7;
	v11 =	vmul.f32 v44, v44  }
0x56e: {  	v51 =	vld.idx.msk [tilespmem:v49+s24+$0x0], $0xffff  }
0x56f: {  	v7 =	vadd.f32 v11, v7;
	v11 =	vmul.f32 v45, v45  }
0x570: {  	v52 =	vld.idx.msk [tilespmem:v50+s24+$0x0], $0xffff  }
0x571: {  	v7 =	vadd.f32 v11, v7;
	v11 =	vmul.f32 v48, v48  }
0x572: {  	v53 =	vld.idx.msk [tilespmem:v53+s24+$0x0], $0xffff  }
0x573: {  	v7 =	vadd.f32 v11, v7;
	v11 =	vmul.f32 v51, v51  }
0x574: {  	v49 =	vld.idx.msk [tilespmem:v57+s24+$0x0], $0xffff  }
0x575: {  	v7 =	vadd.f32 v11, v7;
	v11 =	vmul.f32 v52, v52  }
0x576: {  	v50 =	vld.idx.msk [tilespmem:v58+s24+$0x0], $0xffff  }
0x577: {  	v7 =	vadd.f32 v11, v7;
	v11 =	vmul.f32 v53, v53  }
0x578: {  	v46 =	vld.idx.msk [tilespmem:v59+s24+$0x0], $0xffff  }
0x579: {  	v7 =	vadd.f32 v11, v7;
	v11 =	vmul.f32 v49, v49  }
0x57a: {  	v47 =	vld.idx.msk [tilespmem:v60+s24+$0x0], $0xffff  }
0x57b: {  	v7 =	vadd.f32 v11, v7;
	v11 =	vmul.f32 v50, v50  }
0x57c: {  	v54 =	vld.idx.msk [tilespmem:v54+s24+$0x0], $0xffff  }
0x57d: {  	v7 =	vadd.f32 v11, v7;
	v11 =	vmul.f32 v46, v46  }
0x57e: {  	v55 =	vld.idx.msk [tilespmem:v55+s24+$0x0], $0xffff  }
0x57f: {  	v7 =	vadd.f32 v11, v7;
	v11 =	vmul.f32 v47, v47  }
0x580: {  	v56 =	vld.idx.msk [tilespmem:v56+s24+$0x0], $0xffff  }
0x581: {  	v7 =	vadd.f32 v11, v7;
	v11 =	vmul.f32 v54, v54;
	_ =	sdelay $0x1  }
0x582: {  	v7 =	vadd.f32 v11, v7;
	v11 =	vmul.f32 v55, v55;
	_ =	sdelay $0x1  }
0x583: {  	v7 =	vadd.f32 v11, v7;
	v11 =	vmul.f32 v56, v56;
	_ =	sdelay $0x1  }
0x584: {  	v7 =	vadd.f32 v11, v7;
	_ =	sdelay $0x1  }
0x585: {  	v11 =	vshrl.u32 v7, $0x1;
	v7 =	vmul.f32 $5.000000000e-01, v7  }
0x586: {  	v11 =	vsub.s32 $0x5F3759DF, v11  }
0x587: {  	v12 =	vmul.f32 v11, v7;
	_ =	sdelay $0x1  }
0x588: {  	v12 =	vmul.f32 v11, v12;
	_ =	sdelay $0x1  }
0x589: {  	v12 =	vsub.f32 $1.500000000e+00, v12;
	_ =	sdelay $0x1  }
0x58a: {  	v11 =	vmul.f32 v11, v12;
	_ =	sdelay $0x1  }
0x58b: {  	v12 =	vmul.f32 v11, v7;
	_ =	sdelay $0x1  }
0x58c: {  	v12 =	vmul.f32 v12, v11;
	_ =	sdelay $0x1  }
0x58d: {  	v12 =	vsub.f32 $1.500000000e+00, v12;
	_ =	sdelay $0x1  }
0x58e: {  	v11 =	vmul.f32 v12, v11;
	_ =	sdelay $0x1  }
0x58f: {  	v7 =	vmul.f32 v11, v7;
	_ =	sdelay $0x1  }
0x590: {  	v7 =	vmul.f32 v7, v11;
	_ =	sdelay $0x1  }
0x591: {  	v7 =	vsub.f32 $1.500000000e+00, v7;
	_ =	sdelay $0x1  }
0x592: {  	v7 =	vmul.f32 v7, v11;
	v11 =	vld [tilespmem:$0x1FF70];
	_ =	sdelay $0x4  }
0x593: {  	v11 =	vadd.s32 v11, v0  }
0x594: {  	v12 =	vadd.s32 v2, v0;
	v7 =	vmul.f32 $5.656854150e+00, v7  }
0x595: {  	v58 =	vadd.s32 v24, v0  }
0x596: {  	v59 =	vmul.f32 v7, v10  }
0x597: {  	v61 =	vmul.f32 v7, v20;
	v20 =	vld [tilespmem:$0x1FE00]  }
0x598: {  	[tilespmem:v11+s16+$0x0] =	vst.idx.msk $0xffff, v59;
	v11 =	vmul.f32 v7, v25  }
0x599: {  	[tilespmem:v12+s16+$0x0] =	vst.idx.msk $0xffff, v61;
	v12 =	vmul.f32 v7, v27;
	v27 =	vld [tilespmem:$0x1FFA0]  }
0x59a: {  	[tilespmem:v58+s16+$0x0] =	vst.idx.msk $0xffff, v11;
	v11 =	vmul.f32 v7, v28;
	v28 =	vld [tilespmem:$0x1FE10]  }
0x59b: {  	v60 =	vadd.s32 v3, v0;
	v58 =	vld [tilespmem:$0x1FD50]  }
0x59c: {  	v62 =	vadd.s32 v20, v0  }
0x59d: {  	v59 =	vld [tilespmem:$0x1FD60];
	v25 =	vadd.s32 v6, v0  }
0x59e: {  	v27 =	vadd.s32 v27, v0  }
0x59f: {  	v28 =	vadd.s32 v28, v0  }
0x5a0: {  	[tilespmem:v60+s16+$0x0] =	vst.idx.msk $0xffff, v12;
	v12 =	vmul.f32 v7, v29;
	v29 =	vadd.s32 v58, v0  }
0x5a1: {  	[tilespmem:v62+s16+$0x0] =	vst.idx.msk $0xffff, v11;
	v11 =	vmul.f32 v7, v30;
	v30 =	vadd.s32 v4, v0  }
0x5a2: {  	[tilespmem:v25+s16+$0x0] =	vst.idx.msk $0xffff, v12;
	v12 =	vmul.f32 v7, v32;
	v25 =	vadd.s32 v59, v0  }
0x5a3: {  	[tilespmem:v27+s16+$0x0] =	vst.idx.msk $0xffff, v11;
	v11 =	vmul.f32 v7, v33;
	v27 =	vadd.s32 v1, v0  }
0x5a4: {  	[tilespmem:v28+s16+$0x0] =	vst.idx.msk $0xffff, v12;
	v12 =	vmul.f32 v7, v34;
	v28 =	vld [tilespmem:$0x1FE80]  }
0x5a5: {  	[tilespmem:v29+s16+$0x0] =	vst.idx.msk $0xffff, v11;
	v11 =	vmul.f32 v7, v35;
	v29 =	vld [tilespmem:$0x1FD70]  }
0x5a6: {  	[tilespmem:v30+s16+$0x0] =	vst.idx.msk $0xffff, v12;
	v12 =	vmul.f32 v7, v36;
	v30 =	vld [tilespmem:$0x1FD80]  }
0x5a7: {  	[tilespmem:v25+s16+$0x0] =	vst.idx.msk $0xffff, v11  }
0x5a8: {  	[tilespmem:v27+s16+$0x0] =	vst.idx.msk $0xffff, v12;
	v27 =	vld [tilespmem:$0x1FAC0]  }
0x5a9: {  	v28 =	vadd.s32 v28, v0  }
0x5aa: {  	v29 =	vadd.s32 v29, v0  }
0x5ab: {  	v30 =	vadd.s32 v30, v0  }
0x5ac: {  	v11 =	vmul.f32 v7, v37;
	v25 =	vadd.s32 v22, v0  }
0x5ad: {  	v12 =	vmul.f32 v7, v38;
	v27 =	vadd.s32 v27, v0  }
0x5ae: {  	[tilespmem:v28+s16+$0x0] =	vst.idx.msk $0xffff, v11;
	v11 =	vmul.f32 v7, v39  }
0x5af: {  	[tilespmem:v29+s16+$0x0] =	vst.idx.msk $0xffff, v12;
	v12 =	vmul.f32 v7, v40  }
0x5b0: {  	[tilespmem:v30+s16+$0x0] =	vst.idx.msk $0xffff, v11;
	v11 =	vmul.f32 v7, v41  }
0x5b1: {  	[tilespmem:v25+s16+$0x0] =	vst.idx.msk $0xffff, v12;
	v25 =	vld [tilespmem:$0x1FFC0]  }
0x5b2: {  	[tilespmem:v27+s16+$0x0] =	vst.idx.msk $0xffff, v11;
	v27 =	vld [tilespmem:$0x1FD90]  }
0x5b3: {  	v28 =	vadd.s32 v23, v0  }
0x5b4: {  	v29 =	vadd.s32 v26, v0  }
0x5b5: {  	v30 =	vadd.s32 v31, v0  }
0x5b6: {  	v12 =	vmul.f32 v7, v42;
	v25 =	vadd.s32 v25, v0  }
0x5b7: {  	v11 =	vmul.f32 v7, v43;
	v27 =	vadd.s32 v27, v0  }
0x5b8: {  	[tilespmem:v28+s16+$0x0] =	vst.idx.msk $0xffff, v12;
	v12 =	vmul.f32 v7, v44;
	v28 =	vadd.s32 v5, v0  }
0x5b9: {  	[tilespmem:v29+s16+$0x0] =	vst.idx.msk $0xffff, v11;
	v11 =	vmul.f32 v7, v45;
	v29 =	vadd.s32 v8, v0  }
0x5ba: {  	[tilespmem:v30+s16+$0x0] =	vst.idx.msk $0xffff, v12;
	v12 =	vmul.f32 v7, v48;
	v30 =	vadd.s32 v16, v0  }
0x5bb: {  	v45 =	vadd.s32 v9, v0;
	[tilespmem:v25+s16+$0x0] =	vst.idx.msk $0xffff, v11;
	v11 =	vmul.f32 v7, v51  }
0x5bc: {  	v20 =	vld [tilespmem:$0x1FFD0];
	[tilespmem:v27+s16+$0x0] =	vst.idx.msk $0xffff, v12;
	v12 =	vmul.f32 v7, v52;
	v27 =	vadd.s32 v13, v0  }
0x5bd: {  	v48 =	vadd.s32 v18, v0;
	[tilespmem:v28+s16+$0x0] =	vst.idx.msk $0xffff, v11;
	v11 =	vmul.f32 v7, v53  }
0x5be: {  	v10 =	vld [tilespmem:$0x1FFE0];
	[tilespmem:v29+s16+$0x0] =	vst.idx.msk $0xffff, v12;
	v12 =	vmul.f32 v7, v49  }
0x5bf: {  	[tilespmem:v30+s16+$0x0] =	vst.idx.msk $0xffff, v11;
	v11 =	vmul.f32 v7, v50  }
0x5c0: {  	s23 =	smov.u32 s19;
	v29 =	vadd.s32 v21, v0;
	[tilespmem:v45+s16+$0x0] =	vst.idx.msk $0xffff, v12;
	v12 =	vmul.f32 v7, v46  }
0x5c1: {  	s23 =	sshrl.u32 s23, $0x3;
	v20 =	vadd.s32 v20, v0;
	[tilespmem:v27+s16+$0x0] =	vst.idx.msk $0xffff, v11;
	v27 =	vld [tilespmem:$0x1FE30]  }
0x5c2: {  	s21 =	sadd.s32 $0x10, s21;
	s25 =	sshll.u32 s23, $0x7;
	v57 =	vadd.s32 v19, v0;
	[tilespmem:v48+s16+$0x0] =	vst.idx.msk $0xffff, v12;
	v12 =	vld [tilespmem:$0x1FE40]  }
0x5c3: {  	s25 =	ssub.s32 s21, s25;
	v10 =	vadd.s32 v10, v0;
	v25 =	vmul.f32 v7, v56;
	v56 =	vld [tilespmem:$0x1FE90];
	v11 =	vmul.f32 v7, v47  }
0x5c4: {  	v51 =	vmul.f32 v7, v55;
	v55 =	vld [tilespmem:$0x1FE70];
	v0 =	vor.u32 s25, v63;
	v7 =	vmul.f32 v7, v54  }
0x5c5: {  	s23 =	sshll.u32 s23, $0xC;
	v28 =	vshll.u32 v0, $0x5;
	[tilespmem:v29+s16+$0x0] =	vst.idx.msk $0xffff, v11;
	v11 =	vld [tilespmem:$0x1FE60]  }
0x5c6: {  	v28 =	vadd.s32 s23, v28;
	[tilespmem:v20+s16+$0x0] =	vst.idx.msk $0xffff, v7;
	v7 =	vld [tilespmem:$0x1FEA0]  }
0x5c7: {  	p0 =	sne.s32 s19, $0x27;
	v32 =	vor.u32 v27, v28;
	v27 =	vor.u32 v12, v28;
	v12 =	vld [tilespmem:$0x1FE50]  }
.Ltmp2:
0x5c8: {  	_ = 	snop;
	(pc) =	sbr.rel @p0 .LBB2_7-.Ltmp2, $4  }
0x5c9: {  	_ = 	snop  }
0x5ca: {  	v61 =	vmovc v14;
	v60 =	vmov v15;
	v0 =	vand.u32 $0xFFFFFFF8, v0;
	v34 =	vor.u32 v63, v28  }
0x5cb: {  	v0 =	vadd.s32 s23, v0;
	v30 =	vor.u32 v56, v28;
	v29 =	vor.u32 v55, v28;
	[tilespmem:v10+s16+$0x0] =	vst.idx.msk $0xffff, v51  }
0x5cc: {  	s19 =	sadd.s32 $0x1, s19;
	v62 =	vmovc v17;
	v35 =	vor.u32 v11, v28;
	v33 =	vor.u32 v7, v28;
	v36 =	vor.u32 v12, v28  }
0x5cd: {  	v14 =	vld [tilespmem:$0x1FD10];
	_ =	sdelay $0x2  }
0x5ce: {  	v12 =	vld [tilespmem:$0x1FD00];
	_ =	sdelay $0x1  }
0x5cf: {  	[tilespmem:v57+s16+$0x0] =	vst.idx.msk $0xffff, v25;
	v49 =	vor.u32 v14, v28;
	v14 =	vld [tilespmem:$0x1FEB0]  }
0x5d0: {  	v34 =	vld.idx.msk [tilespmem:v34+s24+$0x0], $0xffff  }
0x5d1: {  	v32 =	vld.idx.msk [tilespmem:v32+s24+$0x0], $0xffff  }
0x5d2: {  	v27 =	vld.idx.msk [tilespmem:v27+s24+$0x0], $0xffff;
	v12 =	vor.u32 v12, v28  }
0x5d3: {  	v10 =	vld.idx.msk [tilespmem:v36+s24+$0x0], $0xffff  }
0x5d4: {  	v50 =	vor.u32 v14, v28;
	v14 =	vld [tilespmem:$0x1FED0]  }
0x5d5: {  	v25 =	vld.idx.msk [tilespmem:v29+s24+$0x0], $0xffff  }
0x5d6: {  	v29 =	vld.idx.msk [tilespmem:v30+s24+$0x0], $0xffff  }
0x5d7: {  	v7 =	vmul.f32 v34, v34;
	v30 =	vld.idx.msk [tilespmem:v12+s24+$0x0], $0xffff  }
0x5d8: {  	v12 =	vld [tilespmem:$0x1FEC0]  }
0x5d9: {  	v11 =	vmul.f32 v32, v32;
	v7 =	vadd.f32 $1.000000020e-24, v7;
	v38 =	vor.u32 v14, v28;
	v14 =	vld [tilespmem:$0x1FEE0]  }
0x5da: {  	v20 =	vld.idx.msk [tilespmem:v35+s24+$0x0], $0xffff  }
0x5db: {  	v7 =	vadd.f32 v11, v7;
	v11 =	vmul.f32 v27, v27;
	_ =	sdelay $0x1  }
0x5dc: {  	v7 =	vadd.f32 v11, v7;
	v11 =	vmul.f32 v10, v10;
	v12 =	vor.u32 v12, v28  }
0x5dd: {  	v39 =	vor.u32 v14, v28;
	v14 =	vld [tilespmem:$0x1FF00]  }
0x5de: {  	v7 =	vadd.f32 v11, v7;
	v11 =	vmul.f32 v20, v20  }
0x5df: {  	v15 =	vld.idx.msk [tilespmem:v33+s24+$0x0], $0xffff  }
0x5e0: {  	v17 =	vld.idx.msk [tilespmem:v49+s24+$0x0], $0xffff;
	v7 =	vadd.f32 v11, v7;
	v11 =	vmul.f32 v25, v25  }
0x5e1: {  	v51 =	vld.idx.msk [tilespmem:v12+s24+$0x0], $0xffff  }
0x5e2: {  	v7 =	vadd.f32 v11, v7;
	v11 =	vmul.f32 v29, v29;
	v41 =	vor.u32 v14, v28;
	v14 =	vld [tilespmem:$0x1FF10]  }
0x5e3: {  	v12 =	vld [tilespmem:$0x1FEF0]  }
0x5e4: {  	v7 =	vadd.f32 v11, v7;
	v11 =	vmul.f32 v15, v15  }
0x5e5: {  	[tilespmem:$0x1F820] =	vst v15;
	v15 =	vld.idx.msk [tilespmem:v50+s24+$0x0], $0xffff  }
0x5e6: {  	v7 =	vadd.f32 v11, v7;
	v11 =	vmul.f32 v30, v30  }
0x5e7: {  	v42 =	vor.u32 v14, v28;
	v14 =	vld [tilespmem:$0x1F860]  }
0x5e8: {  	v7 =	vadd.f32 v11, v7;
	v11 =	vmul.f32 v17, v17;
	v12 =	vor.u32 v12, v28  }
0x5e9: {  	v57 =	vld.idx.msk [tilespmem:v38+s24+$0x0], $0xffff  }
0x5ea: {  	v7 =	vadd.f32 v11, v7;
	v11 =	vmul.f32 v15, v15  }
0x5eb: {  	v39 =	vld.idx.msk [tilespmem:v39+s24+$0x0], $0xffff  }
0x5ec: {  	v7 =	vadd.f32 v11, v7;
	v11 =	vmul.f32 v51, v51;
	v43 =	vor.u32 v14, v28;
	v14 =	vld [tilespmem:$0x1F870]  }
0x5ed: {  	v40 =	vld.idx.msk [tilespmem:v12+s24+$0x0], $0xffff  }
0x5ee: {  	v53 =	vld [tilespmem:$0x1F890];
	v12 =	vor.u32 v60, v28;
	v7 =	vadd.f32 v11, v7;
	v11 =	vmul.f32 v57, v57  }
0x5ef: {  	v41 =	vld.idx.msk [tilespmem:v41+s24+$0x0], $0xffff  }
0x5f0: {  	v7 =	vadd.f32 v11, v7;
	v11 =	vmul.f32 v39, v39;
	v37 =	vld.idx.msk [tilespmem:v42+s24+$0x0], $0xffff  }
0x5f1: {  	v44 =	vor.u32 v14, v28;
	v14 =	vld [tilespmem:$0x1F880]  }
0x5f2: {  	v54 =	vld [tilespmem:$0x1F8B0];
	v7 =	vadd.f32 v11, v7;
	v11 =	vmul.f32 v40, v40  }
0x5f3: {  	[tilespmem:$0x1F840] =	vst v15;
	v15 =	vld.idx.msk [tilespmem:v12+s24+$0x0], $0xffff  }
0x5f4: {  	[tilespmem:$0x1F830] =	vst v17;
	v17 =	vld [tilespmem:$0x1F8A0];
	v12 =	vor.u32 v61, v28;
	v7 =	vadd.f32 v11, v7;
	v11 =	vmul.f32 v41, v41  }
0x5f5: {  	v42 =	vld.idx.msk [tilespmem:v43+s24+$0x0], $0xffff  }
0x5f6: {  	v47 =	vld [tilespmem:$0x1F8C0];
	v7 =	vadd.f32 v11, v7;
	v11 =	vmul.f32 v37, v37;
	v52 =	vor.u32 v14, v28  }
0x5f7: {  	v36 =	vld.idx.msk [tilespmem:v44+s24+$0x0], $0xffff  }
0x5f8: {  	v48 =	vld [tilespmem:$0x1F8D0];
	v7 =	vadd.f32 v11, v7;
	v11 =	vmul.f32 v15, v15;
	v14 =	vmovc v1;
	v1 =	vor.u32 v53, v28  }
0x5f9: {  	v12 =	vld.idx.msk [tilespmem:v12+s24+$0x0], $0xffff  }
0x5fa: {  	v49 =	vld [tilespmem:$0x1FD20];
	v17 =	vor.u32 v17, v28;
	v7 =	vadd.f32 v11, v7;
	v11 =	vmul.f32 v42, v42  }
0x5fb: {  	v43 =	vld.idx.msk [tilespmem:v52+s24+$0x0], $0xffff  }
0x5fc: {  	v45 =	vor.u32 v54, v28;
	v7 =	vadd.f32 v11, v7;
	v11 =	vmul.f32 v36, v36  }
0x5fd: {  	v46 =	vor.u32 v47, v28;
	v47 =	vor.u32 v48, v28;
	v1 =	vld.idx.msk [tilespmem:v1+s24+$0x0], $0xffff  }
0x5fe: {  	v48 =	vld [tilespmem:$0x1FD40];
	v38 =	vor.u32 v62, v28;
	v7 =	vadd.f32 v11, v7;
	v11 =	vmul.f32 v12, v12  }
0x5ff: {  	v50 =	vor.u32 v49, v28;
	v17 =	vld.idx.msk [tilespmem:v17+s24+$0x0], $0xffff  }
0x600: {  	v53 =	vld [tilespmem:$0x1FD30];
	v7 =	vadd.f32 v11, v7;
	v11 =	vmul.f32 v43, v43  }
0x601: {  	v52 =	vld.idx.msk [tilespmem:v45+s24+$0x0], $0xffff  }
0x602: {  	v54 =	vld.idx.msk [tilespmem:v46+s24+$0x0], $0xffff;
	v7 =	vadd.f32 v11, v7;
	v11 =	vmul.f32 v1, v1  }
0x603: {  	v44 =	vld.idx.msk [tilespmem:v38+s24+$0x0], $0xffff  }
0x604: {  	v45 =	vld.idx.msk [tilespmem:v50+s24+$0x0], $0xffff;
	v7 =	vadd.f32 v11, v7;
	v11 =	vmul.f32 v17, v17  }
0x605: {  	v50 =	vld [tilespmem:$0x1FFF0]  }
0x606: {  	v38 =	vor.u32 v53, v28;
	v7 =	vadd.f32 v11, v7;
	v11 =	vmul.f32 v52, v52  }
0x607: {  	v53 =	vld.idx.msk [tilespmem:v47+s24+$0x0], $0xffff  }
0x608: {  	v49 =	vor.u32 v48, v28;
	v7 =	vadd.f32 v11, v7;
	v11 =	vmul.f32 v44, v44;
	_ =	sdelay $0x1  }
0x609: {  	v28 =	vor.u32 v50, v28;
	v7 =	vadd.f32 v11, v7;
	v11 =	vmul.f32 v54, v54  }
0x60a: {  	v46 =	vld.idx.msk [tilespmem:v38+s24+$0x0], $0xffff  }
0x60b: {  	v7 =	vadd.f32 v11, v7;
	v11 =	vmul.f32 v53, v53  }
0x60c: {  	v47 =	vld.idx.msk [tilespmem:v49+s24+$0x0], $0xffff  }
0x60d: {  	v7 =	vadd.f32 v11, v7;
	v11 =	vmul.f32 v45, v45  }
0x60e: {  	v38 =	vld.idx.msk [tilespmem:v28+s24+$0x0], $0xffff  }
0x60f: {  	v7 =	vadd.f32 v11, v7;
	v11 =	vmul.f32 v46, v46;
	_ =	sdelay $0x1  }
0x610: {  	v7 =	vadd.f32 v11, v7;
	v11 =	vmul.f32 v47, v47;
	_ =	sdelay $0x1  }
0x611: {  	v7 =	vadd.f32 v11, v7;
	v11 =	vmul.f32 v38, v38;
	_ =	sdelay $0x1  }
0x612: {  	v7 =	vadd.f32 v11, v7;
	_ =	sdelay $0x1  }
0x613: {  	v11 =	vshrl.u32 v7, $0x1;
	v7 =	vmul.f32 $5.000000000e-01, v7  }
0x614: {  	v11 =	vsub.s32 $0x5F3759DF, v11  }
0x615: {  	v48 =	vmul.f32 v11, v7;
	_ =	sdelay $0x1  }
0x616: {  	v48 =	vmul.f32 v11, v48;
	_ =	sdelay $0x1  }
0x617: {  	v48 =	vsub.f32 $1.500000000e+00, v48;
	_ =	sdelay $0x1  }
0x618: {  	v11 =	vmul.f32 v11, v48;
	_ =	sdelay $0x1  }
0x619: {  	v48 =	vmul.f32 v11, v7;
	_ =	sdelay $0x1  }
0x61a: {  	v48 =	vmul.f32 v48, v11;
	_ =	sdelay $0x1  }
0x61b: {  	v48 =	vsub.f32 $1.500000000e+00, v48;
	_ =	sdelay $0x1  }
0x61c: {  	v11 =	vmul.f32 v48, v11;
	_ =	sdelay $0x1  }
0x61d: {  	v7 =	vmul.f32 v11, v7;
	_ =	sdelay $0x1  }
0x61e: {  	[tilespmem:$0x1F850] =	vst v51;
	v51 =	vld [tilespmem:$0x1FF70];
	v7 =	vmul.f32 v7, v11;
	_ =	sdelay $0x1  }
0x61f: {  	v7 =	vsub.f32 $1.500000000e+00, v7;
	_ =	sdelay $0x1  }
0x620: {  	v7 =	vmul.f32 v7, v11  }
0x621: {  	v11 =	vadd.s32 v51, v0  }
0x622: {  	v7 =	vmul.f32 $5.656854150e+00, v7;
	_ =	sdelay $0x1  }
0x623: {  	v50 =	vadd.s32 v3, v0;
	v3 =	vld [tilespmem:$0x1FE00];
	v34 =	vmul.f32 v7, v34  }
0x624: {  	v48 =	vadd.s32 v2, v0  }
0x625: {  	[tilespmem:v11+s16+$0x0] =	vst.idx.msk $0xffff, v34;
	v11 =	vmul.f32 v7, v27;
	v27 =	vadd.s32 v6, v0;
	v6 =	vld [tilespmem:$0x1FFA0]  }
0x626: {  	v49 =	vadd.s32 v24, v0;
	_ =	sdelay $0x1  }
0x627: {  	v51 =	vadd.s32 v3, v0;
	v32 =	vmul.f32 v7, v32  }
0x628: {  	v35 =	vld [tilespmem:$0x1FE10]  }
0x629: {  	v10 =	vmul.f32 v7, v10;
	[tilespmem:v48+s16+$0x0] =	vst.idx.msk $0xffff, v32;
	v32 =	vadd.s32 v6, v0  }
0x62a: {  	[tilespmem:v49+s16+$0x0] =	vst.idx.msk $0xffff, v11;
	v11 =	vmul.f32 v7, v20  }
0x62b: {  	[tilespmem:v50+s16+$0x0] =	vst.idx.msk $0xffff, v10;
	v10 =	vmul.f32 v7, v25;
	v50 =	vld [tilespmem:$0x1F820]  }
0x62c: {  	[tilespmem:v51+s16+$0x0] =	vst.idx.msk $0xffff, v11;
	v11 =	vmul.f32 v7, v29  }
0x62d: {  	v20 =	vadd.s32 v35, v0;
	[tilespmem:v27+s16+$0x0] =	vst.idx.msk $0xffff, v10  }
0x62e: {  	v25 =	vadd.s32 v58, v0;
	[tilespmem:v32+s16+$0x0] =	vst.idx.msk $0xffff, v11;
	v32 =	vld [tilespmem:$0x1F840]  }
0x62f: {  	v51 =	vld [tilespmem:$0x1F830]  }
0x630: {  	v10 =	vmul.f32 v7, v50  }
0x631: {  	v33 =	vld [tilespmem:$0x1F850];
	v29 =	vadd.s32 v4, v0;
	v11 =	vmul.f32 v7, v30  }
0x632: {  	v27 =	vadd.s32 v59, v0;
	v50 =	vld [tilespmem:$0x1FE80];
	[tilespmem:v20+s16+$0x0] =	vst.idx.msk $0xffff, v10  }
0x633: {  	v30 =	vadd.s32 v14, v0;
	[tilespmem:v25+s16+$0x0] =	vst.idx.msk $0xffff, v11;
	v11 =	vmul.f32 v7, v32;
	v32 =	vld [tilespmem:$0x1FD70]  }
0x634: {  	v10 =	vmul.f32 v7, v51;
	_ =	sdelay $0x1  }
0x635: {  	v34 =	vld [tilespmem:$0x1FD80];
	[tilespmem:v29+s16+$0x0] =	vst.idx.msk $0xffff, v10;
	v10 =	vmul.f32 v7, v33  }
0x636: {  	v20 =	vadd.s32 v50, v0;
	[tilespmem:v27+s16+$0x0] =	vst.idx.msk $0xffff, v11  }
0x637: {  	[tilespmem:v30+s16+$0x0] =	vst.idx.msk $0xffff, v10;
	v10 =	vmul.f32 v7, v39;
	v39 =	vld [tilespmem:$0x1FAC0];
	v25 =	vadd.s32 v32, v0;
	_ =	sdelay $0x1  }
0x638: {  	v11 =	vmul.f32 v7, v57  }
0x639: {  	v29 =	vadd.s32 v34, v0  }
0x63a: {  	v24 =	vld [tilespmem:$0x1FFC0];
	v27 =	vadd.s32 v22, v0;
	[tilespmem:v20+s16+$0x0] =	vst.idx.msk $0xffff, v11;
	v11 =	vmul.f32 v7, v40  }
0x63b: {  	v40 =	vmov v26;
	v30 =	vadd.s32 v39, v0;
	[tilespmem:v25+s16+$0x0] =	vst.idx.msk $0xffff, v10;
	v25 =	vadd.s32 v26, v0;
	v26 =	vld [tilespmem:$0x1FD90]  }
0x63c: {  	v15 =	vmul.f32 v7, v15;
	v20 =	vadd.s32 v23, v0  }
0x63d: {  	v1 =	vmul.f32 v7, v1;
	v10 =	vmul.f32 v7, v41  }
0x63e: {  	v14 =	vmul.f32 v7, v37;
	[tilespmem:v29+s16+$0x0] =	vst.idx.msk $0xffff, v11;
	v11 =	vadd.s32 v31, v0  }
0x63f: {  	v48 =	vmul.f32 v7, v52;
	v49 =	vld [tilespmem:$0x1FFD0];
	[tilespmem:v27+s16+$0x0] =	vst.idx.msk $0xffff, v10;
	v10 =	vadd.s32 v24, v0  }
0x640: {  	v37 =	vld [tilespmem:$0x1FEC0];
	[tilespmem:v30+s16+$0x0] =	vst.idx.msk $0xffff, v14;
	v14 =	vmul.f32 v7, v42;
	v27 =	vadd.s32 v26, v0  }
0x641: {  	v4 =	vadd.s32 v5, v0;
	v33 =	vld [tilespmem:$0x1FEB0];
	[tilespmem:v20+s16+$0x0] =	vst.idx.msk $0xffff, v15;
	v15 =	vmul.f32 v7, v36  }
0x642: {  	v39 =	vld [tilespmem:$0x1FEF0];
	[tilespmem:v25+s16+$0x0] =	vst.idx.msk $0xffff, v14;
	v14 =	vmul.f32 v7, v12;
	v12 =	vadd.s32 v8, v0  }
0x643: {  	v41 =	vld [tilespmem:$0x1FF00];
	[tilespmem:v11+s16+$0x0] =	vst.idx.msk $0xffff, v15;
	v15 =	vmul.f32 v7, v43;
	v11 =	vadd.s32 v16, v0  }
0x644: {  	v35 =	vmov v22;
	v22 =	vmov v31;
	v31 =	vld [tilespmem:$0x1FFE0];
	[tilespmem:v10+s16+$0x0] =	vst.idx.msk $0xffff, v14;
	v10 =	vadd.s32 v9, v0  }
0x645: {  	v30 =	vld [tilespmem:$0x1FE60];
	v14 =	vmul.f32 v7, v17;
	[tilespmem:v27+s16+$0x0] =	vst.idx.msk $0xffff, v15;
	v15 =	vadd.s32 v13, v0  }
0x646: {  	v52 =	vadd.s32 v49, v0;
	v42 =	vld [tilespmem:$0x1FF10];
	[tilespmem:v4+s16+$0x0] =	vst.idx.msk $0xffff, v1;
	v4 =	vadd.s32 v18, v0  }
0x647: {  	v20 =	vld [tilespmem:$0x1FEA0];
	[tilespmem:v12+s16+$0x0] =	vst.idx.msk $0xffff, v14;
	v12 =	vmul.f32 v7, v44;
	v14 =	vadd.s32 v21, v0  }
0x648: {  	v17 =	vmul.f32 v7, v54;
	v54 =	vmul.f32 v7, v38;
	v38 =	vld [tilespmem:$0x1FED0];
	[tilespmem:v11+s16+$0x0] =	vst.idx.msk $0xffff, v48  }
0x649: {  	v18 =	vld [tilespmem:$0x1FEE0];
	v11 =	vmul.f32 v7, v53;
	[tilespmem:v10+s16+$0x0] =	vst.idx.msk $0xffff, v12;
	v10 =	vadd.s32 v31, v0  }
0x64a: {  	s17 =	sadd.s32 $0x1, s17;
	v53 =	vadd.s32 v19, v0;
	v19 =	vld [tilespmem:$0x1FE30];
	v12 =	vmul.f32 v7, v45;
	[tilespmem:v15+s16+$0x0] =	vst.idx.msk $0xffff, v17  }
0x64b: {  	s18 =	smul.u32 $0x280000, s18;
	p0 =	sne.s32 s17, $0x14;
	v17 =	vld [tilespmem:$0x1FD20];
	[tilespmem:v4+s16+$0x0] =	vst.idx.msk $0xffff, v11;
	v11 =	vmul.f32 v7, v46  }
.Ltmp3:
0x64c: {  	v4 =	vmul.f32 v7, v47;
	v7 =	vld [tilespmem:$0x1FD30];
	[tilespmem:v14+s16+$0x0] =	vst.idx.msk $0xffff, v12;
	(pc) =	sbr.rel @p0 .LBB2_2-.Ltmp3, $4  }
0x64d: {  	s18 =	sor.u32 s20, s18;
	v47 =	vld [tilespmem:$0x1FFF0];
	[tilespmem:v52+s16+$0x0] =	vst.idx.msk $0xffff, v11  }
0x64e: {  	s18 =	sshrl.u32 s18, $0x3;
	v12 =	vmov v23;
	v23 =	vld [tilespmem:$0x1FE40];
	[tilespmem:v10+s16+$0x0] =	vst.idx.msk $0xffff, v4  }
0x64f: {  	s18 =	sadd.s32 s1, s18;
	v25 =	vmov v22;
	v4 =	vld [tilespmem:$0x1FD40];
	[tilespmem:v53+s16+$0x0] =	vst.idx.msk $0xffff, v54  }
0x650: {  	v43 =	vmovc v50;
	v44 =	vmovc v16;
	v10 =	vmov v34;
	v34 =	vld [tilespmem:$0x1FE50];
	v11 =	vmov v35;
	v35 =	vmov v8;
	[hbm4b:s18+s12] =	stream.strided.scatter [tilespmem:s16], [sflag:$0x4], $0x5000, s14, s12, $0x38  }
0x651: {  	s17 =	simm.s32 $0x3  }
0x652: {  	_ =	swait.ge [sflag:s17], $0x5000  }
0x653: {  	[sflag:s17] =	ssyncset.done $0x0  }
0x654: {  	s18 =	simm.s32 $0x4;
	[sflag:s17] =	ssyncadd.s32 $0xFFFFB000  }
0x655: {  	_ =	swait.ge [sflag:s18], $0x5000  }
0x656: {  	s19 =	rddreg [dreg:$0x5]  }
0x657: {  	s28 =	rddreg [dreg:$0x4];
	s19 =	sadd.s32 $0x1, s19  }
0x658: {  	p0 =	sne.s32 s19, s28  }
.Ltmp4:
0x659: {  	_ = 	snop;
	(pc) =	sbr.rel @p0 .LBB2_1-.Ltmp4, $3  }
0x65a: {  	_ =	sdelay $0x1  }
0x65b: {  	[sflag:s18] =	ssyncset.done $0x0  }
0x65c: {  	[sflag:s18] =	ssyncadd.s32 $0xFFFFB000  }
0x65d: {  	_ =	sfence.sel $0x180000  }
0x65e: {  	[bflag:$0x0] =	sbarrier.arrive $0xFFFF  }
0x65f: {  	_ =	strace $0x90000047  }
0x660: {  	s0 =	stileid.u32;
	[bflag:$0x2] =	sbarrier.arrive $0xFFFF  }
0x661: {  	p0 =	sne.s32 s0, $0x0;
	s0 =	rddreg [dreg:$0x2]  }
0x662: {  	s0 =	sadd.s32 @!p0 $0x100000, s0  }
0x663: {  	[sflag:s0] =	ssyncadd.tile.s32 @!p0 $0x1;
	_ =	shalt  }
.Lfunc_end2:
_tile_overlayer_lowered:
.L_overlay_start_2:
0x664: {  	(tag) =	ssettag $0x2  }
0x665: {  	s0 =	rddreg [dreg:$0x0];
	s2 =	stileid.u32  }
0x666: {  	s1 =	rddreg [dreg:$0x1];
	p0 =	sne.s32 s2, $0x0  }
0x667: {  	s3 =	rddreg [dreg:$0x2];
	[bflag:$0x3] =	sbarrier.arrive $0xFFFF;
	s2 =	simm.s32 @!p0 $0x1C05  }
0x668: {  	[timem:s3], [sflag:s2] =	dma.local @!p0 [hbm:s0], s1  }
0x669: {  	s0 =	simm.s32 @!p0 $0x5  }
0x66a: {  	_ =	swait.ge @!p0 [sflag:s0], s1  }
0x66b: {  	s1 =	ssub.s32 @!p0 $0x0, s1;
	[sflag:s0] =	ssyncset.done @!p0 $0x0  }
0x66c: {  	[sflag:s0] =	ssyncadd.s32 @!p0 s1  }
0x66d: {  	[bflag:$0x3] =	sbarrier.arrive $0xFFFF  }
0x66e: {  	_ =	shalt  }

</sc_bundles>
